<compile_context>
chip_gen: v7x
topology: tpu7x:2x2x1
jax: 0.10.2.dev20260603
libtpu: 0.0.44.dev20260713+nightly
codegen_flags: <defaults>
</compile_context>

<pallas_src>
import jax
import jax.numpy as jnp
from jax import lax
from jax.experimental import pallas as pl
from jax.experimental.pallas import tpu as pltpu
from jax.experimental.pallas import tpu_sc as plsc

BATCH = 2048
IN_FEATURES = 1024
WINDOW = 128
NK = 56
NUM_WINDOWS = 14
LANES = 16
CHUNKS = WINDOW // LANES

NUM_CORES = 2
NUM_SUBCORES = 16
NUM_WORKERS = NUM_CORES * NUM_SUBCORES

SC_ROWS = 1024
TC_ROWS = BATCH - SC_ROWS
SC_WROWS = SC_ROWS // 2
WROWS_PER_WORKER = SC_WROWS // NUM_WORKERS
WROW_GROUPS = WROWS_PER_WORKER // LANES
ROWS_PER_WORKER = SC_ROWS // NUM_WORKERS

CAST_BLOCK = 128
MM_BLOCK = 256

_ILV = plsc.PackFormat.INTERLEAVED
_STARTS = tuple(64 * j for j in range(13)) + (896,)


def _rne_bf16_bits(u):
    lsb = lax.shift_right_logical(u, jnp.uint32(16)) & jnp.uint32(1)
    return (u + jnp.uint32(0x7FFF) + lsb) & jnp.uint32(0xFFFF0000)


def _pack_body(x_ref, w_ref, xo_ref, wo_ref):
    xu = lax.bitcast_convert_type(x_ref[...], jnp.uint32)
    lo = _rne_bf16_bits(xu[:CAST_BLOCK, :])
    hi = _rne_bf16_bits(xu[CAST_BLOCK:, :])
    word = lax.shift_right_logical(lo, jnp.uint32(16)) | hi
    xo_ref[...] = lax.bitcast_convert_type(word, jnp.int32)
    wu = _rne_bf16_bits(lax.bitcast_convert_type(w_ref[...], jnp.uint32))
    wd = lax.shift_right_logical(wu, jnp.uint32(16)) | wu
    wo_ref[...] = lax.bitcast_convert_type(wd, jnp.int32)


def _pack(x, weight):
    return pl.pallas_call(
        _pack_body,
        grid=(SC_ROWS // (2 * CAST_BLOCK),),
        in_specs=[
            pl.BlockSpec((2 * CAST_BLOCK, IN_FEATURES), lambda i: (i, 0)),
            pl.BlockSpec((NK, WINDOW), lambda i: (0, 0)),
        ],
        out_specs=[
            pl.BlockSpec((CAST_BLOCK, IN_FEATURES), lambda i: (i, 0)),
            pl.BlockSpec((NK, WINDOW), lambda i: (0, 0)),
        ],
        out_shape=[
            jax.ShapeDtypeStruct((SC_WROWS, IN_FEATURES), jnp.int32),
            jax.ShapeDtypeStruct((NK, WINDOW), jnp.int32),
        ],
    )(x, weight)


def _mm_body(x_ref, w_ref, o_ref):
    xb = x_ref[...]
    w = w_ref[...]
    outs = []
    for j in range(NUM_WINDOWS):
        s = _STARTS[j]
        outs.append(
            lax.dot_general(
                xb[:, s : s + WINDOW],
                w[4 * j : 4 * j + 4, :],
                (((1,), (1,)), ((), ())),
                preferred_element_type=jnp.float32,
            )
        )
    o_ref[...] = jnp.concatenate(outs, axis=1)


def _mm(x, weight):
    off = SC_ROWS // MM_BLOCK
    return pl.pallas_call(
        _mm_body,
        grid=(TC_ROWS // MM_BLOCK,),
        in_specs=[
            pl.BlockSpec((MM_BLOCK, IN_FEATURES), lambda i: (i + off, 0)),
            pl.BlockSpec((NK, WINDOW), lambda i: (0, 0)),
        ],
        out_specs=pl.BlockSpec((MM_BLOCK, NK), lambda i: (i, 0)),
        out_shape=jax.ShapeDtypeStruct((TC_ROWS, NK), jnp.float32),
    )(x, weight)


def _fbl_body(xw_hbm, wd_hbm, out_hbm, xw_v, wd_v, out_v, st0, st1, st2, st3):
    wid = lax.axis_index("s") * NUM_CORES + lax.axis_index("c")
    wbase = wid * WROWS_PER_WORKER

    pltpu.sync_copy(xw_hbm.at[pl.ds(wbase, WROWS_PER_WORKER)], xw_v)
    pltpu.sync_copy(wd_hbm, wd_v)

    lanes = lax.iota(jnp.int32, LANES)
    gidx = lanes * LANES
    sidx = lanes * NK
    stage = [st0, st1, st2, st3]

    def load_row(r, start):
        return [
            plsc.bitcast(
                xw_v[r, pl.ds(start + LANES * k, LANES)], jnp.bfloat16
            )
            for k in range(CHUNKS)
        ]

    def step(j, _):
        start = lax.select(
            j == NUM_WINDOWS - 1,
            jnp.int32(IN_FEATURES - WINDOW),
            jnp.int32(64) * j,
        )
        wv = [
            [
                plsc.bitcast(
                    wd_v[4 * j + c, pl.ds(LANES * k, LANES)], jnp.bfloat16
                )
                for k in range(CHUNKS)
            ]
            for c in range(4)
        ]
        xcur = load_row(0, start)
        for wl in range(LANES):
            xnxt = load_row(wl + 1, start) if wl < LANES - 1 else None
            for c in range(4):
                w8 = wv[c]
                acc = (
                    (xcur[0] * w8[0] + xcur[1] * w8[1])
                    + (xcur[2] * w8[2] + xcur[3] * w8[3])
                ) + (
                    (xcur[4] * w8[4] + xcur[5] * w8[5])
                    + (xcur[6] * w8[6] + xcur[7] * w8[7])
                )
                stage[c][pl.ds(wl * LANES, LANES)] = plsc.bitcast(
                    acc, jnp.int32
                )
            xcur = xnxt
        for c in range(4):
            cols = [
                plsc.bitcast(
                    plsc.load_gather(stage[c], [gidx + l]), jnp.bfloat16
                )
                for l in range(LANES)
            ]
            while len(cols) > 1:
                cols = [
                    cols[2 * i] + cols[2 * i + 1]
                    for i in range(len(cols) // 2)
                ]
            even, odd = plsc.unpack(cols[0], format=_ILV)
            off = 4 * j + c
            plsc.store_scatter(out_v, [sidx + off], even)
            plsc.store_scatter(out_v, [sidx + (LANES * NK + off)], odd)
        return _

    lax.fori_loop(0, NUM_WINDOWS, step, None)

    blk = wid // 8
    rowa = blk * 256 + (wid % 8) * LANES
    pltpu.sync_copy(
        out_v.at[pl.ds(0, LANES * NK)],
        out_hbm.at[pl.ds(rowa * NK, LANES * NK)],
    )
    pltpu.sync_copy(
        out_v.at[pl.ds(LANES * NK, LANES * NK)],
        out_hbm.at[pl.ds((rowa + 128) * NK, LANES * NK)],
    )


@jax.jit
def _fbl(x, weight):
    xw, wd = _pack(x, weight)
    tc_out = _mm(x, weight)
    mesh = plsc.VectorSubcoreMesh(
        core_axis_name="c",
        subcore_axis_name="s",
        num_cores=NUM_CORES,
        num_subcores=NUM_SUBCORES,
    )
    run = pl.kernel(
        _fbl_body,
        out_type=jax.ShapeDtypeStruct((SC_ROWS * NK,), jnp.float32),
        mesh=mesh,
        scratch_types=[
            pltpu.VMEM((WROWS_PER_WORKER, IN_FEATURES), jnp.int32),
            pltpu.VMEM((NK, WINDOW), jnp.int32),
            pltpu.VMEM((ROWS_PER_WORKER * NK,), jnp.float32),
            pltpu.VMEM((LANES * LANES,), jnp.int32),
            pltpu.VMEM((LANES * LANES,), jnp.int32),
            pltpu.VMEM((LANES * LANES,), jnp.int32),
            pltpu.VMEM((LANES * LANES,), jnp.int32),
        ],
        compiler_params=pltpu.CompilerParams(needs_layout_passes=False),
    )
    sc_out = run(xw, wd).reshape(SC_ROWS, NK)
    return jnp.concatenate([sc_out, tc_out], axis=0)


def kernel(x, weight, fbank):
    del fbank
    return _fbl(x, weight)

# --- scband reference (transcript-rebuilt; emitter-appended) ---
"""Pipeline reference for scband-filterbank-linear-26645977104526 (READ-ONLY COPY).

The authoritative reference and input builder live on the scoring server;
editing this copy changes nothing except your own understanding.
"""

import jax, jax.numpy as jnp
import numpy as np
import math

EPS = 1e-07

IN_FEATURES = 1024
IN_CHANNELS = 1
WINDOW_SIZE = 128
STRIDES = 64
OUT_CHANNELS = 4
BATCH = 2048


def build_fbank(in_features, in_channels, window_size, strides, out_channels):
    n_last = int((in_features - window_size) / strides - EPS)
    Nk = out_channels * (n_last + 1)
    filters = np.zeros((Nk, in_channels, window_size, in_channels, in_features), dtype=np.float32)
    ar = np.arange(window_size)
    cursor = 0
    for j in range(n_last):
        for k in range(in_channels):
            filters[out_channels * j:out_channels * (j + 1), k, ar, k, cursor + ar] = 1.0
        cursor += strides
    for k in range(in_channels):
        filters[out_channels * n_last:, k, ar, k, in_features - window_size + ar] = 1.0
    filters = filters.reshape(Nk, in_channels * window_size, in_channels * in_features)
    return Nk, filters


def setup_inputs(seed: int = 0) -> dict:
    key = jax.random.key(seed)
    k1, k2 = jax.random.split(key)
    Nk, fbank = build_fbank(IN_FEATURES, IN_CHANNELS, WINDOW_SIZE, STRIDES, OUT_CHANNELS)
    x = jax.random.normal(k1, (BATCH, IN_CHANNELS * IN_FEATURES), dtype=jnp.float32)
    weight = 2.0 * (jax.random.uniform(k2, (Nk, WINDOW_SIZE * IN_CHANNELS), dtype=jnp.float32) - 0.5) / math.sqrt(WINDOW_SIZE * IN_CHANNELS)
    return {"x": x, "weight": weight, "fbank": jnp.asarray(fbank)}


def reference(x, weight, fbank):
    batch_size = x.shape[0]
    Nk = fbank.shape[0]
    # fbank is a 0/1 selection matrix; original uses torch.sparse.mm with the
    # same values, so a dense matmul here is mathematically identical.
    fb2 = fbank.reshape(Nk * fbank.shape[1], fbank.shape[2])
    xt = x.reshape(batch_size, -1).T
    fx = (fb2 @ xt).T.reshape(batch_size, Nk, -1)
    h = fx * weight[None]
    return h.sum(-1)

if __name__ == "__main__":
    import jax
    _d = setup_inputs()
    print(jax.jit(kernel)(*tuple(_d.values())))

</pallas_src>

<mosaic_0001>
#map = affine_map<(d0, d1) -> (0, 0)>
#map1 = affine_map<(d0, d1) -> (0)>
module attributes {stable_mosaic.version = 14 : i64} {
  func.func @_fbl_body(%arg0: i32, %arg1: i32, %arg2: memref<512x1024xi32, #tpu.memory_space<hbm>>, %arg3: memref<56x128xi32, #tpu.memory_space<hbm>>, %arg4: memref<57344xf32, #tpu.memory_space<hbm>>, %arg5: memref<16x1024xi32, #tpu.memory_space<vmem>>, %arg6: memref<56x128xi32, #tpu.memory_space<vmem>>, %arg7: memref<1792xf32, #tpu.memory_space<vmem>>, %arg8: memref<256xi32, #tpu.memory_space<vmem>>, %arg9: memref<256xi32, #tpu.memory_space<vmem>>, %arg10: memref<256xi32, #tpu.memory_space<vmem>>, %arg11: memref<256xi32, #tpu.memory_space<vmem>>) attributes {dimension_semantics = [#tpu.dimension_semantics<core_parallel>, #tpu.dimension_semantics<subcore_parallel>], iteration_bounds = array<i64: 2, 16>, scalar_prefetch = 0 : i64, scratch_operands = 7 : i64, tpu.core_type = #tpu.core_type<sc_vector_subcore>, window_params = [{transform_indices = #map}, {transform_indices = #map}, {transform_indices = #map1}]} {
    %mul3A = arith.constant 2 : i32
    %mul3A_0 = arith.muli %arg1, %mul3A : i32
    %add3A = arith.addi %mul3A_0, %arg0 : i32
    %mul3A_1 = arith.constant 16 : i32
    %mul3A_2 = arith.muli %add3A, %mul3A_1 : i32
    "tpu.region"() ({
      %run_scoped3A = tpu.sem_alloc : memref<!tpu.dma_semaphore, #tpu.memory_space<semaphore_mem>>
      %dma_start3A = arith.constant 0 : i32
      %dma_start3A_54 = tpu.memref_slice %arg2[%mul3A_2, %dma_start3A] : memref<512x1024xi32, #tpu.memory_space<hbm>> -> memref<16x1024xi32, #tpu.memory_space<hbm>>
      %dma_start3A_55 = arith.constant 0 : i32
      %dma_start3A_56 = tpu.memref_slice %arg2[%mul3A_2, %dma_start3A_55] : memref<512x1024xi32, #tpu.memory_space<hbm>> -> memref<16x1024xi32, #tpu.memory_space<hbm>>
      tpu.enqueue_dma source(%dma_start3A_56 : memref<16x1024xi32, #tpu.memory_space<hbm>>) target(%arg5 : memref<16x1024xi32, #tpu.memory_space<vmem>>) target_semaphore(%run_scoped3A : memref<!tpu.dma_semaphore, #tpu.memory_space<semaphore_mem>>)
      %dma_wait3A = arith.constant 0 : i32
      %dma_wait3A_57 = tpu.memref_slice %arg2[%mul3A_2, %dma_wait3A] : memref<512x1024xi32, #tpu.memory_space<hbm>> -> memref<16x1024xi32, #tpu.memory_space<hbm>>
      %dma_wait3A_58 = arith.constant 0 : i32
      %dma_wait3A_59 = tpu.memref_slice %arg2[%mul3A_2, %dma_wait3A_58] : memref<512x1024xi32, #tpu.memory_space<hbm>> -> memref<16x1024xi32, #tpu.memory_space<hbm>>
      tpu.wait_dma2 semaphore(%run_scoped3A : memref<!tpu.dma_semaphore, #tpu.memory_space<semaphore_mem>>) src(%dma_wait3A_59 : memref<16x1024xi32, #tpu.memory_space<hbm>>) dst(%arg5 : memref<16x1024xi32, #tpu.memory_space<vmem>>)
      tpu.yield
    }) : () -> ()
    "tpu.region"() ({
      %run_scoped3A = tpu.sem_alloc : memref<!tpu.dma_semaphore, #tpu.memory_space<semaphore_mem>>
      tpu.enqueue_dma source(%arg3 : memref<56x128xi32, #tpu.memory_space<hbm>>) target(%arg6 : memref<56x128xi32, #tpu.memory_space<vmem>>) target_semaphore(%run_scoped3A : memref<!tpu.dma_semaphore, #tpu.memory_space<semaphore_mem>>)
      tpu.wait_dma2 semaphore(%run_scoped3A : memref<!tpu.dma_semaphore, #tpu.memory_space<semaphore_mem>>) src(%arg3 : memref<56x128xi32, #tpu.memory_space<hbm>>) dst(%arg6 : memref<56x128xi32, #tpu.memory_space<vmem>>)
      tpu.yield
    }) : () -> ()
    %iota3A = tpu.iota {dimensions = array<i32: 0>} : vector<16xi32>
    %mul3A_3 = arith.constant 16 : i32
    %mul3A_4 = vector.broadcast %mul3A_3 : i32 to vector<16xi32>
    %mul3A_5 = arith.muli %iota3A, %mul3A_4 : vector<16xi32>
    %mul3A_6 = arith.constant 56 : i32
    %mul3A_7 = vector.broadcast %mul3A_6 : i32 to vector<16xi32>
    %mul3A_8 = arith.muli %iota3A, %mul3A_7 : vector<16xi32>
    %scan3A = arith.constant 0 : i32
    %scan3A_9 = arith.constant 14 : i32
    %scan3A_10 = arith.addi %scan3A, %scan3A_9 : i32
    %scan3A_11 = arith.constant 1 : i32
    scf.for %scan3A_54 = %scan3A to %scan3A_10 step %scan3A_11  : i32 {
      %eq3A_55 = arith.constant 13 : i32
      %eq3A_56 = arith.cmpi eq, %scan3A_54, %eq3A_55 : i32
      %mul3A_57 = arith.constant 64 : i32
      %mul3A_58 = arith.muli %mul3A_57, %scan3A_54 : i32
      %select_n3A_59 = arith.constant 896 : i32
      %select_n3A_60 = arith.select %eq3A_56, %select_n3A_59, %mul3A_58 : i32
      %mul3A_61 = arith.constant 4 : i32
      %mul3A_62 = arith.muli %mul3A_61, %scan3A_54 : i32
      %add3A_63 = arith.constant 0 : i32
      %add3A_64 = arith.addi %mul3A_62, %add3A_63 : i32
      %get3A = arith.index_cast %add3A_64 : i32 to index
      %get3A_65 = arith.constant 0 : index
      %get3A_66 = tpu.vector_load %arg6[%get3A, %get3A_65] {strides = array<i32>} : memref<56x128xi32, #tpu.memory_space<vmem>>, vector<16xi32>,
      %bitcast3A = vector.bitcast %get3A_66 : vector<16xi32> to vector<32xbf16>
      %mul3A_67 = arith.constant 4 : i32
      %mul3A_68 = arith.muli %mul3A_67, %scan3A_54 : i32
      %add3A_69 = arith.constant 0 : i32
      %add3A_70 = arith.addi %mul3A_68, %add3A_69 : i32
      %get3A_71 = arith.index_cast %add3A_70 : i32 to index
      %get3A_72 = arith.constant 16 : index
      %get3A_73 = tpu.vector_load %arg6[%get3A_71, %get3A_72] {strides = array<i32>} : memref<56x128xi32, #tpu.memory_space<vmem>>, vector<16xi32>,
      %bitcast3A_74 = vector.bitcast %get3A_73 : vector<16xi32> to vector<32xbf16>
      %mul3A_75 = arith.constant 4 : i32
      %mul3A_76 = arith.muli %mul3A_75, %scan3A_54 : i32
      %add3A_77 = arith.constant 0 : i32
      %add3A_78 = arith.addi %mul3A_76, %add3A_77 : i32
      %get3A_79 = arith.index_cast %add3A_78 : i32 to index
      %get3A_80 = arith.constant 32 : index
      %get3A_81 = tpu.vector_load %arg6[%get3A_79, %get3A_80] {strides = array<i32>} : memref<56x128xi32, #tpu.memory_space<vmem>>, vector<16xi32>,
      %bitcast3A_82 = vector.bitcast %get3A_81 : vector<16xi32> to vector<32xbf16>
      %mul3A_83 = arith.constant 4 : i32
      %mul3A_84 = arith.muli %mul3A_83, %scan3A_54 : i32
      %add3A_85 = arith.constant 0 : i32
      %add3A_86 = arith.addi %mul3A_84, %add3A_85 : i32
      %get3A_87 = arith.index_cast %add3A_86 : i32 to index
      %get3A_88 = arith.constant 48 : index
      %get3A_89 = tpu.vector_load %arg6[%get3A_87, %get3A_88] {strides = array<i32>} : memref<56x128xi32, #tpu.memory_space<vmem>>, vector<16xi32>,
      %bitcast3A_90 = vector.bitcast %get3A_89 : vector<16xi32> to vector<32xbf16>
      %mul3A_91 = arith.constant 4 : i32
      %mul3A_92 = arith.muli %mul3A_91, %scan3A_54 : i32
      %add3A_93 = arith.constant 0 : i32
      %add3A_94 = arith.addi %mul3A_92, %add3A_93 : i32
      %get3A_95 = arith.index_cast %add3A_94 : i32 to index
      %get3A_96 = arith.constant 64 : index
      %get3A_97 = tpu.vector_load %arg6[%get3A_95, %get3A_96] {strides = array<i32>} : memref<56x128xi32, #tpu.memory_space<vmem>>, vector<16xi32>,
      %bitcast3A_98 = vector.bitcast %get3A_97 : vector<16xi32> to vector<32xbf16>
      %mul3A_99 = arith.constant 4 : i32
      %mul3A_100 = arith.muli %mul3A_99, %scan3A_54 : i32
      %add3A_101 = arith.constant 0 : i32
      %add3A_102 = arith.addi %mul3A_100, %add3A_101 : i32
      %get3A_103 = arith.index_cast %add3A_102 : i32 to index
      %get3A_104 = arith.constant 80 : index
      %get3A_105 = tpu.vector_load %arg6[%get3A_103, %get3A_104] {strides = array<i32>} : memref<56x128xi32, #tpu.memory_space<vmem>>, vector<16xi32>,
      %bitcast3A_106 = vector.bitcast %get3A_105 : vector<16xi32> to vector<32xbf16>
      %mul3A_107 = arith.constant 4 : i32
      %mul3A_108 = arith.muli %mul3A_107, %scan3A_54 : i32
      %add3A_109 = arith.constant 0 : i32
      %add3A_110 = arith.addi %mul3A_108, %add3A_109 : i32
      %get3A_111 = arith.index_cast %add3A_110 : i32 to index
      %get3A_112 = arith.constant 96 : index
      %get3A_113 = tpu.vector_load %arg6[%get3A_111, %get3A_112] {strides = array<i32>} : memref<56x128xi32, #tpu.memory_space<vmem>>, vector<16xi32>,
      %bitcast3A_114 = vector.bitcast %get3A_113 : vector<16xi32> to vector<32xbf16>
      %mul3A_115 = arith.constant 4 : i32
      %mul3A_116 = arith.muli %mul3A_115, %scan3A_54 : i32
      %add3A_117 = arith.constant 0 : i32
      %add3A_118 = arith.addi %mul3A_116, %add3A_117 : i32
      %get3A_119 = arith.index_cast %add3A_118 : i32 to index
      %get3A_120 = arith.constant 112 : index
      %get3A_121 = tpu.vector_load %arg6[%get3A_119, %get3A_120] {strides = array<i32>} : memref<56x128xi32, #tpu.memory_space<vmem>>, vector<16xi32>,
      %bitcast3A_122 = vector.bitcast %get3A_121 : vector<16xi32> to vector<32xbf16>
      %mul3A_123 = arith.constant 4 : i32
      %mul3A_124 = arith.muli %mul3A_123, %scan3A_54 : i32
      %add3A_125 = arith.constant 1 : i32
      %add3A_126 = arith.addi %mul3A_124, %add3A_125 : i32
      %get3A_127 = arith.index_cast %add3A_126 : i32 to index
      %get3A_128 = arith.constant 0 : index
      %get3A_129 = tpu.vector_load %arg6[%get3A_127, %get3A_128] {strides = array<i32>} : memref<56x128xi32, #tpu.memory_space<vmem>>, vector<16xi32>,
      %bitcast3A_130 = vector.bitcast %get3A_129 : vector<16xi32> to vector<32xbf16>
      %mul3A_131 = arith.constant 4 : i32
      %mul3A_132 = arith.muli %mul3A_131, %scan3A_54 : i32
      %add3A_133 = arith.constant 1 : i32
      %add3A_134 = arith.addi %mul3A_132, %add3A_133 : i32
      %get3A_135 = arith.index_cast %add3A_134 : i32 to index
      %get3A_136 = arith.constant 16 : index
      %get3A_137 = tpu.vector_load %arg6[%get3A_135, %get3A_136] {strides = array<i32>} : memref<56x128xi32, #tpu.memory_space<vmem>>, vector<16xi32>,
      %bitcast3A_138 = vector.bitcast %get3A_137 : vector<16xi32> to vector<32xbf16>
      %mul3A_139 = arith.constant 4 : i32
      %mul3A_140 = arith.muli %mul3A_139, %scan3A_54 : i32
      %add3A_141 = arith.constant 1 : i32
      %add3A_142 = arith.addi %mul3A_140, %add3A_141 : i32
      %get3A_143 = arith.index_cast %add3A_142 : i32 to index
      %get3A_144 = arith.constant 32 : index
      %get3A_145 = tpu.vector_load %arg6[%get3A_143, %get3A_144] {strides = array<i32>} : memref<56x128xi32, #tpu.memory_space<vmem>>, vector<16xi32>,
      %bitcast3A_146 = vector.bitcast %get3A_145 : vector<16xi32> to vector<32xbf16>
      %mul3A_147 = arith.constant 4 : i32
      %mul3A_148 = arith.muli %mul3A_147, %scan3A_54 : i32
      %add3A_149 = arith.constant 1 : i32
      %add3A_150 = arith.addi %mul3A_148, %add3A_149 : i32
      %get3A_151 = arith.index_cast %add3A_150 : i32 to index
      %get3A_152 = arith.constant 48 : index
      %get3A_153 = tpu.vector_load %arg6[%get3A_151, %get3A_152] {strides = array<i32>} : memref<56x128xi32, #tpu.memory_space<vmem>>, vector<16xi32>,
      %bitcast3A_154 = vector.bitcast %get3A_153 : vector<16xi32> to vector<32xbf16>
      %mul3A_155 = arith.constant 4 : i32
      %mul3A_156 = arith.muli %mul3A_155, %scan3A_54 : i32
      %add3A_157 = arith.constant 1 : i32
      %add3A_158 = arith.addi %mul3A_156, %add3A_157 : i32
      %get3A_159 = arith.index_cast %add3A_158 : i32 to index
      %get3A_160 = arith.constant 64 : index
      %get3A_161 = tpu.vector_load %arg6[%get3A_159, %get3A_160] {strides = array<i32>} : memref<56x128xi32, #tpu.memory_space<vmem>>, vector<16xi32>,
      %bitcast3A_162 = vector.bitcast %get3A_161 : vector<16xi32> to vector<32xbf16>
      %mul3A_163 = arith.constant 4 : i32
      %mul3A_164 = arith.muli %mul3A_163, %scan3A_54 : i32
      %add3A_165 = arith.constant 1 : i32
      %add3A_166 = arith.addi %mul3A_164, %add3A_165 : i32
      %get3A_167 = arith.index_cast %add3A_166 : i32 to index
      %get3A_168 = arith.constant 80 : index
      %get3A_169 = tpu.vector_load %arg6[%get3A_167, %get3A_168] {strides = array<i32>} : memref<56x128xi32, #tpu.memory_space<vmem>>, vector<16xi32>,
      %bitcast3A_170 = vector.bitcast %get3A_169 : vector<16xi32> to vector<32xbf16>
      %mul3A_171 = arith.constant 4 : i32
      %mul3A_172 = arith.muli %mul3A_171, %scan3A_54 : i32
      %add3A_173 = arith.constant 1 : i32
      %add3A_174 = arith.addi %mul3A_172, %add3A_173 : i32
      %get3A_175 = arith.index_cast %add3A_174 : i32 to index
      %get3A_176 = arith.constant 96 : index
      %get3A_177 = tpu.vector_load %arg6[%get3A_175, %get3A_176] {strides = array<i32>} : memref<56x128xi32, #tpu.memory_space<vmem>>, vector<16xi32>,
      %bitcast3A_178 = vector.bitcast %get3A_177 : vector<16xi32> to vector<32xbf16>
      %mul3A_179 = arith.constant 4 : i32
      %mul3A_180 = arith.muli %mul3A_179, %scan3A_54 : i32
      %add3A_181 = arith.constant 1 : i32
      %add3A_182 = arith.addi %mul3A_180, %add3A_181 : i32
      %get3A_183 = arith.index_cast %add3A_182 : i32 to index
      %get3A_184 = arith.constant 112 : index
      %get3A_185 = tpu.vector_load %arg6[%get3A_183, %get3A_184] {strides = array<i32>} : memref<56x128xi32, #tpu.memory_space<vmem>>, vector<16xi32>,
      %bitcast3A_186 = vector.bitcast %get3A_185 : vector<16xi32> to vector<32xbf16>
      %mul3A_187 = arith.constant 4 : i32
      %mul3A_188 = arith.muli %mul3A_187, %scan3A_54 : i32
      %add3A_189 = arith.constant 2 : i32
      %add3A_190 = arith.addi %mul3A_188, %add3A_189 : i32
      %get3A_191 = arith.index_cast %add3A_190 : i32 to index
      %get3A_192 = arith.constant 0 : index
      %get3A_193 = tpu.vector_load %arg6[%get3A_191, %get3A_192] {strides = array<i32>} : memref<56x128xi32, #tpu.memory_space<vmem>>, vector<16xi32>,
      %bitcast3A_194 = vector.bitcast %get3A_193 : vector<16xi32> to vector<32xbf16>
      %mul3A_195 = arith.constant 4 : i32
      %mul3A_196 = arith.muli %mul3A_195, %scan3A_54 : i32
      %add3A_197 = arith.constant 2 : i32
      %add3A_198 = arith.addi %mul3A_196, %add3A_197 : i32
      %get3A_199 = arith.index_cast %add3A_198 : i32 to index
      %get3A_200 = arith.constant 16 : index
      %get3A_201 = tpu.vector_load %arg6[%get3A_199, %get3A_200] {strides = array<i32>} : memref<56x128xi32, #tpu.memory_space<vmem>>, vector<16xi32>,
      %bitcast3A_202 = vector.bitcast %get3A_201 : vector<16xi32> to vector<32xbf16>
      %mul3A_203 = arith.constant 4 : i32
      %mul3A_204 = arith.muli %mul3A_203, %scan3A_54 : i32
      %add3A_205 = arith.constant 2 : i32
      %add3A_206 = arith.addi %mul3A_204, %add3A_205 : i32
      %get3A_207 = arith.index_cast %add3A_206 : i32 to index
      %get3A_208 = arith.constant 32 : index
      %get3A_209 = tpu.vector_load %arg6[%get3A_207, %get3A_208] {strides = array<i32>} : memref<56x128xi32, #tpu.memory_space<vmem>>, vector<16xi32>,
      %bitcast3A_210 = vector.bitcast %get3A_209 : vector<16xi32> to vector<32xbf16>
      %mul3A_211 = arith.constant 4 : i32
      %mul3A_212 = arith.muli %mul3A_211, %scan3A_54 : i32
      %add3A_213 = arith.constant 2 : i32
      %add3A_214 = arith.addi %mul3A_212, %add3A_213 : i32
      %get3A_215 = arith.index_cast %add3A_214 : i32 to index
      %get3A_216 = arith.constant 48 : index
      %get3A_217 = tpu.vector_load %arg6[%get3A_215, %get3A_216] {strides = array<i32>} : memref<56x128xi32, #tpu.memory_space<vmem>>, vector<16xi32>,
      %bitcast3A_218 = vector.bitcast %get3A_217 : vector<16xi32> to vector<32xbf16>
      %mul3A_219 = arith.constant 4 : i32
      %mul3A_220 = arith.muli %mul3A_219, %scan3A_54 : i32
      %add3A_221 = arith.constant 2 : i32
      %add3A_222 = arith.addi %mul3A_220, %add3A_221 : i32
      %get3A_223 = arith.index_cast %add3A_222 : i32 to index
      %get3A_224 = arith.constant 64 : index
      %get3A_225 = tpu.vector_load %arg6[%get3A_223, %get3A_224] {strides = array<i32>} : memref<56x128xi32, #tpu.memory_space<vmem>>, vector<16xi32>,
      %bitcast3A_226 = vector.bitcast %get3A_225 : vector<16xi32> to vector<32xbf16>
      %mul3A_227 = arith.constant 4 : i32
      %mul3A_228 = arith.muli %mul3A_227, %scan3A_54 : i32
      %add3A_229 = arith.constant 2 : i32
      %add3A_230 = arith.addi %mul3A_228, %add3A_229 : i32
      %get3A_231 = arith.index_cast %add3A_230 : i32 to index
      %get3A_232 = arith.constant 80 : index
      %get3A_233 = tpu.vector_load %arg6[%get3A_231, %get3A_232] {strides = array<i32>} : memref<56x128xi32, #tpu.memory_space<vmem>>, vector<16xi32>,
      %bitcast3A_234 = vector.bitcast %get3A_233 : vector<16xi32> to vector<32xbf16>
      %mul3A_235 = arith.constant 4 : i32
      %mul3A_236 = arith.muli %mul3A_235, %scan3A_54 : i32
      %add3A_237 = arith.constant 2 : i32
      %add3A_238 = arith.addi %mul3A_236, %add3A_237 : i32
      %get3A_239 = arith.index_cast %add3A_238 : i32 to index
      %get3A_240 = arith.constant 96 : index
      %get3A_241 = tpu.vector_load %arg6[%get3A_239, %get3A_240] {strides = array<i32>} : memref<56x128xi32, #tpu.memory_space<vmem>>, vector<16xi32>,
      %bitcast3A_242 = vector.bitcast %get3A_241 : vector<16xi32> to vector<32xbf16>
      %mul3A_243 = arith.constant 4 : i32
      %mul3A_244 = arith.muli %mul3A_243, %scan3A_54 : i32
      %add3A_245 = arith.constant 2 : i32
      %add3A_246 = arith.addi %mul3A_244, %add3A_245 : i32
      %get3A_247 = arith.index_cast %add3A_246 : i32 to index
      %get3A_248 = arith.constant 112 : index
      %get3A_249 = tpu.vector_load %arg6[%get3A_247, %get3A_248] {strides = array<i32>} : memref<56x128xi32, #tpu.memory_space<vmem>>, vector<16xi32>,
      %bitcast3A_250 = vector.bitcast %get3A_249 : vector<16xi32> to vector<32xbf16>
      %mul3A_251 = arith.constant 4 : i32
      %mul3A_252 = arith.muli %mul3A_251, %scan3A_54 : i32
      %add3A_253 = arith.constant 3 : i32
      %add3A_254 = arith.addi %mul3A_252, %add3A_253 : i32
      %get3A_255 = arith.index_cast %add3A_254 : i32 to index
      %get3A_256 = arith.constant 0 : index
      %get3A_257 = tpu.vector_load %arg6[%get3A_255, %get3A_256] {strides = array<i32>} : memref<56x128xi32, #tpu.memory_space<vmem>>, vector<16xi32>,
      %bitcast3A_258 = vector.bitcast %get3A_257 : vector<16xi32> to vector<32xbf16>
      %mul3A_259 = arith.constant 4 : i32
      %mul3A_260 = arith.muli %mul3A_259, %scan3A_54 : i32
      %add3A_261 = arith.constant 3 : i32
      %add3A_262 = arith.addi %mul3A_260, %add3A_261 : i32
      %get3A_263 = arith.index_cast %add3A_262 : i32 to index
      %get3A_264 = arith.constant 16 : index
      %get3A_265 = tpu.vector_load %arg6[%get3A_263, %get3A_264] {strides = array<i32>} : memref<56x128xi32, #tpu.memory_space<vmem>>, vector<16xi32>,
      %bitcast3A_266 = vector.bitcast %get3A_265 : vector<16xi32> to vector<32xbf16>
      %mul3A_267 = arith.constant 4 : i32
      %mul3A_268 = arith.muli %mul3A_267, %scan3A_54 : i32
      %add3A_269 = arith.constant 3 : i32
      %add3A_270 = arith.addi %mul3A_268, %add3A_269 : i32
      %get3A_271 = arith.index_cast %add3A_270 : i32 to index
      %get3A_272 = arith.constant 32 : index
      %get3A_273 = tpu.vector_load %arg6[%get3A_271, %get3A_272] {strides = array<i32>} : memref<56x128xi32, #tpu.memory_space<vmem>>, vector<16xi32>,
      %bitcast3A_274 = vector.bitcast %get3A_273 : vector<16xi32> to vector<32xbf16>
      %mul3A_275 = arith.constant 4 : i32
      %mul3A_276 = arith.muli %mul3A_275, %scan3A_54 : i32
      %add3A_277 = arith.constant 3 : i32
      %add3A_278 = arith.addi %mul3A_276, %add3A_277 : i32
      %get3A_279 = arith.index_cast %add3A_278 : i32 to index
      %get3A_280 = arith.constant 48 : index
      %get3A_281 = tpu.vector_load %arg6[%get3A_279, %get3A_280] {strides = array<i32>} : memref<56x128xi32, #tpu.memory_space<vmem>>, vector<16xi32>,
      %bitcast3A_282 = vector.bitcast %get3A_281 : vector<16xi32> to vector<32xbf16>
      %mul3A_283 = arith.constant 4 : i32
      %mul3A_284 = arith.muli %mul3A_283, %scan3A_54 : i32
      %add3A_285 = arith.constant 3 : i32
      %add3A_286 = arith.addi %mul3A_284, %add3A_285 : i32
      %get3A_287 = arith.index_cast %add3A_286 : i32 to index
      %get3A_288 = arith.constant 64 : index
      %get3A_289 = tpu.vector_load %arg6[%get3A_287, %get3A_288] {strides = array<i32>} : memref<56x128xi32, #tpu.memory_space<vmem>>, vector<16xi32>,
      %bitcast3A_290 = vector.bitcast %get3A_289 : vector<16xi32> to vector<32xbf16>
      %mul3A_291 = arith.constant 4 : i32
      %mul3A_292 = arith.muli %mul3A_291, %scan3A_54 : i32
      %add3A_293 = arith.constant 3 : i32
      %add3A_294 = arith.addi %mul3A_292, %add3A_293 : i32
      %get3A_295 = arith.index_cast %add3A_294 : i32 to index
      %get3A_296 = arith.constant 80 : index
      %get3A_297 = tpu.vector_load %arg6[%get3A_295, %get3A_296] {strides = array<i32>} : memref<56x128xi32, #tpu.memory_space<vmem>>, vector<16xi32>,
      %bitcast3A_298 = vector.bitcast %get3A_297 : vector<16xi32> to vector<32xbf16>
      %mul3A_299 = arith.constant 4 : i32
      %mul3A_300 = arith.muli %mul3A_299, %scan3A_54 : i32
      %add3A_301 = arith.constant 3 : i32
      %add3A_302 = arith.addi %mul3A_300, %add3A_301 : i32
      %get3A_303 = arith.index_cast %add3A_302 : i32 to index
      %get3A_304 = arith.constant 96 : index
      %get3A_305 = tpu.vector_load %arg6[%get3A_303, %get3A_304] {strides = array<i32>} : memref<56x128xi32, #tpu.memory_space<vmem>>, vector<16xi32>,
      %bitcast3A_306 = vector.bitcast %get3A_305 : vector<16xi32> to vector<32xbf16>
      %mul3A_307 = arith.constant 4 : i32
      %mul3A_308 = arith.muli %mul3A_307, %scan3A_54 : i32
      %add3A_309 = arith.constant 3 : i32
      %add3A_310 = arith.addi %mul3A_308, %add3A_309 : i32
      %get3A_311 = arith.index_cast %add3A_310 : i32 to index
      %get3A_312 = arith.constant 112 : index
      %get3A_313 = tpu.vector_load %arg6[%get3A_311, %get3A_312] {strides = array<i32>} : memref<56x128xi32, #tpu.memory_space<vmem>>, vector<16xi32>,
      %bitcast3A_314 = vector.bitcast %get3A_313 : vector<16xi32> to vector<32xbf16>
      %add3A_315 = arith.constant 0 : i32
      %add3A_316 = arith.addi %select_n3A_60, %add3A_315 : i32
      %get3A_317 = arith.constant 0 : i32
      %get3A_318 = arith.index_cast %get3A_317 : i32 to index
      %get3A_319 = arith.index_cast %add3A_316 : i32 to index
      %get3A_320 = tpu.vector_load %arg5[%get3A_318, %get3A_319] {strides = array<i32>} : memref<16x1024xi32, #tpu.memory_space<vmem>>, vector<16xi32>,
      %bitcast3A_321 = vector.bitcast %get3A_320 : vector<16xi32> to vector<32xbf16>
      %add3A_322 = arith.constant 16 : i32
      %add3A_323 = arith.addi %select_n3A_60, %add3A_322 : i32
      %get3A_324 = arith.constant 0 : i32
      %get3A_325 = arith.index_cast %get3A_324 : i32 to index
      %get3A_326 = arith.index_cast %add3A_323 : i32 to index
      %get3A_327 = tpu.vector_load %arg5[%get3A_325, %get3A_326] {strides = array<i32>} : memref<16x1024xi32, #tpu.memory_space<vmem>>, vector<16xi32>,
      %bitcast3A_328 = vector.bitcast %get3A_327 : vector<16xi32> to vector<32xbf16>
      %add3A_329 = arith.constant 32 : i32
      %add3A_330 = arith.addi %select_n3A_60, %add3A_329 : i32
      %get3A_331 = arith.constant 0 : i32
      %get3A_332 = arith.index_cast %get3A_331 : i32 to index
      %get3A_333 = arith.index_cast %add3A_330 : i32 to index
      %get3A_334 = tpu.vector_load %arg5[%get3A_332, %get3A_333] {strides = array<i32>} : memref<16x1024xi32, #tpu.memory_space<vmem>>, vector<16xi32>,
      %bitcast3A_335 = vector.bitcast %get3A_334 : vector<16xi32> to vector<32xbf16>
      %add3A_336 = arith.constant 48 : i32
      %add3A_337 = arith.addi %select_n3A_60, %add3A_336 : i32
      %get3A_338 = arith.constant 0 : i32
      %get3A_339 = arith.index_cast %get3A_338 : i32 to index
      %get3A_340 = arith.index_cast %add3A_337 : i32 to index
      %get3A_341 = tpu.vector_load %arg5[%get3A_339, %get3A_340] {strides = array<i32>} : memref<16x1024xi32, #tpu.memory_space<vmem>>, vector<16xi32>,
      %bitcast3A_342 = vector.bitcast %get3A_341 : vector<16xi32> to vector<32xbf16>
      %add3A_343 = arith.constant 64 : i32
      %add3A_344 = arith.addi %select_n3A_60, %add3A_343 : i32
      %get3A_345 = arith.constant 0 : i32
      %get3A_346 = arith.index_cast %get3A_345 : i32 to index
      %get3A_347 = arith.index_cast %add3A_344 : i32 to index
      %get3A_348 = tpu.vector_load %arg5[%get3A_346, %get3A_347] {strides = array<i32>} : memref<16x1024xi32, #tpu.memory_space<vmem>>, vector<16xi32>,
      %bitcast3A_349 = vector.bitcast %get3A_348 : vector<16xi32> to vector<32xbf16>
      %add3A_350 = arith.constant 80 : i32
      %add3A_351 = arith.addi %select_n3A_60, %add3A_350 : i32
      %get3A_352 = arith.constant 0 : i32
      %get3A_353 = arith.index_cast %get3A_352 : i32 to index
      %get3A_354 = arith.index_cast %add3A_351 : i32 to index
      %get3A_355 = tpu.vector_load %arg5[%get3A_353, %get3A_354] {strides = array<i32>} : memref<16x1024xi32, #tpu.memory_space<vmem>>, vector<16xi32>,
      %bitcast3A_356 = vector.bitcast %get3A_355 : vector<16xi32> to vector<32xbf16>
      %add3A_357 = arith.constant 96 : i32
      %add3A_358 = arith.addi %select_n3A_60, %add3A_357 : i32
      %get3A_359 = arith.constant 0 : i32
      %get3A_360 = arith.index_cast %get3A_359 : i32 to index
      %get3A_361 = arith.index_cast %add3A_358 : i32 to index
      %get3A_362 = tpu.vector_load %arg5[%get3A_360, %get3A_361] {strides = array<i32>} : memref<16x1024xi32, #tpu.memory_space<vmem>>, vector<16xi32>,
      %bitcast3A_363 = vector.bitcast %get3A_362 : vector<16xi32> to vector<32xbf16>
      %add3A_364 = arith.constant 112 : i32
      %add3A_365 = arith.addi %select_n3A_60, %add3A_364 : i32
      %get3A_366 = arith.constant 0 : i32
      %get3A_367 = arith.index_cast %get3A_366 : i32 to index
      %get3A_368 = arith.index_cast %add3A_365 : i32 to index
      %get3A_369 = tpu.vector_load %arg5[%get3A_367, %get3A_368] {strides = array<i32>} : memref<16x1024xi32, #tpu.memory_space<vmem>>, vector<16xi32>,
      %bitcast3A_370 = vector.bitcast %get3A_369 : vector<16xi32> to vector<32xbf16>
      %add3A_371 = arith.constant 0 : i32
      %add3A_372 = arith.addi %select_n3A_60, %add3A_371 : i32
      %get3A_373 = arith.constant 1 : i32
      %get3A_374 = arith.index_cast %get3A_373 : i32 to index
      %get3A_375 = arith.index_cast %add3A_372 : i32 to index
      %get3A_376 = tpu.vector_load %arg5[%get3A_374, %get3A_375] {strides = array<i32>} : memref<16x1024xi32, #tpu.memory_space<vmem>>, vector<16xi32>,
      %bitcast3A_377 = vector.bitcast %get3A_376 : vector<16xi32> to vector<32xbf16>
      %add3A_378 = arith.constant 16 : i32
      %add3A_379 = arith.addi %select_n3A_60, %add3A_378 : i32
      %get3A_380 = arith.constant 1 : i32
      %get3A_381 = arith.index_cast %get3A_380 : i32 to index
      %get3A_382 = arith.index_cast %add3A_379 : i32 to index
      %get3A_383 = tpu.vector_load %arg5[%get3A_381, %get3A_382] {strides = array<i32>} : memref<16x1024xi32, #tpu.memory_space<vmem>>, vector<16xi32>,
      %bitcast3A_384 = vector.bitcast %get3A_383 : vector<16xi32> to vector<32xbf16>
      %add3A_385 = arith.constant 32 : i32
      %add3A_386 = arith.addi %select_n3A_60, %add3A_385 : i32
      %get3A_387 = arith.constant 1 : i32
      %get3A_388 = arith.index_cast %get3A_387 : i32 to index
      %get3A_389 = arith.index_cast %add3A_386 : i32 to index
      %get3A_390 = tpu.vector_load %arg5[%get3A_388, %get3A_389] {strides = array<i32>} : memref<16x1024xi32, #tpu.memory_space<vmem>>, vector<16xi32>,
      %bitcast3A_391 = vector.bitcast %get3A_390 : vector<16xi32> to vector<32xbf16>
      %add3A_392 = arith.constant 48 : i32
      %add3A_393 = arith.addi %select_n3A_60, %add3A_392 : i32
      %get3A_394 = arith.constant 1 : i32
      %get3A_395 = arith.index_cast %get3A_394 : i32 to index
      %get3A_396 = arith.index_cast %add3A_393 : i32 to index
      %get3A_397 = tpu.vector_load %arg5[%get3A_395, %get3A_396] {strides = array<i32>} : memref<16x1024xi32, #tpu.memory_space<vmem>>, vector<16xi32>,
      %bitcast3A_398 = vector.bitcast %get3A_397 : vector<16xi32> to vector<32xbf16>
      %add3A_399 = arith.constant 64 : i32
      %add3A_400 = arith.addi %select_n3A_60, %add3A_399 : i32
      %get3A_401 = arith.constant 1 : i32
      %get3A_402 = arith.index_cast %get3A_401 : i32 to index
      %get3A_403 = arith.index_cast %add3A_400 : i32 to index
      %get3A_404 = tpu.vector_load %arg5[%get3A_402, %get3A_403] {strides = array<i32>} : memref<16x1024xi32, #tpu.memory_space<vmem>>, vector<16xi32>,
      %bitcast3A_405 = vector.bitcast %get3A_404 : vector<16xi32> to vector<32xbf16>
      %add3A_406 = arith.constant 80 : i32
      %add3A_407 = arith.addi %select_n3A_60, %add3A_406 : i32
      %get3A_408 = arith.constant 1 : i32
      %get3A_409 = arith.index_cast %get3A_408 : i32 to index
      %get3A_410 = arith.index_cast %add3A_407 : i32 to index
      %get3A_411 = tpu.vector_load %arg5[%get3A_409, %get3A_410] {strides = array<i32>} : memref<16x1024xi32, #tpu.memory_space<vmem>>, vector<16xi32>,
      %bitcast3A_412 = vector.bitcast %get3A_411 : vector<16xi32> to vector<32xbf16>
      %add3A_413 = arith.constant 96 : i32
      %add3A_414 = arith.addi %select_n3A_60, %add3A_413 : i32
      %get3A_415 = arith.constant 1 : i32
      %get3A_416 = arith.index_cast %get3A_415 : i32 to index
      %get3A_417 = arith.index_cast %add3A_414 : i32 to index
      %get3A_418 = tpu.vector_load %arg5[%get3A_416, %get3A_417] {strides = array<i32>} : memref<16x1024xi32, #tpu.memory_space<vmem>>, vector<16xi32>,
      %bitcast3A_419 = vector.bitcast %get3A_418 : vector<16xi32> to vector<32xbf16>
      %add3A_420 = arith.constant 112 : i32
      %add3A_421 = arith.addi %select_n3A_60, %add3A_420 : i32
      %get3A_422 = arith.constant 1 : i32
      %get3A_423 = arith.index_cast %get3A_422 : i32 to index
      %get3A_424 = arith.index_cast %add3A_421 : i32 to index
      %get3A_425 = tpu.vector_load %arg5[%get3A_423, %get3A_424] {strides = array<i32>} : memref<16x1024xi32, #tpu.memory_space<vmem>>, vector<16xi32>,
      %bitcast3A_426 = vector.bitcast %get3A_425 : vector<16xi32> to vector<32xbf16>
      %mul3A_427 = arith.mulf %bitcast3A_321, %bitcast3A : vector<32xbf16>
      %mul3A_428 = arith.mulf %bitcast3A_328, %bitcast3A_74 : vector<32xbf16>
      %add3A_429 = arith.addf %mul3A_427, %mul3A_428 : vector<32xbf16>
      %mul3A_430 = arith.mulf %bitcast3A_335, %bitcast3A_82 : vector<32xbf16>
      %mul3A_431 = arith.mulf %bitcast3A_342, %bitcast3A_90 : vector<32xbf16>
      %add3A_432 = arith.addf %mul3A_430, %mul3A_431 : vector<32xbf16>
      %add3A_433 = arith.addf %add3A_429, %add3A_432 : vector<32xbf16>
      %mul3A_434 = arith.mulf %bitcast3A_349, %bitcast3A_98 : vector<32xbf16>
      %mul3A_435 = arith.mulf %bitcast3A_356, %bitcast3A_106 : vector<32xbf16>
      %add3A_436 = arith.addf %mul3A_434, %mul3A_435 : vector<32xbf16>
      %mul3A_437 = arith.mulf %bitcast3A_363, %bitcast3A_114 : vector<32xbf16>
      %mul3A_438 = arith.mulf %bitcast3A_370, %bitcast3A_122 : vector<32xbf16>
      %add3A_439 = arith.addf %mul3A_437, %mul3A_438 : vector<32xbf16>
      %add3A_440 = arith.addf %add3A_436, %add3A_439 : vector<32xbf16>
      %add3A_441 = arith.addf %add3A_433, %add3A_440 : vector<32xbf16>
      %bitcast3A_442 = vector.bitcast %add3A_441 : vector<32xbf16> to vector<16xi32>
      %swap3A = arith.constant 0 : index
      %swap3A_443 = tpu.vector_load %arg8[%swap3A] {strides = array<i32>} : memref<256xi32, #tpu.memory_space<vmem>>, vector<16xi32>,
      tpu.vector_store %arg8[%swap3A], %bitcast3A_442 {strides = array<i32>} : memref<256xi32, #tpu.memory_space<vmem>>, vector<16xi32>,
      %mul3A_444 = arith.mulf %bitcast3A_321, %bitcast3A_130 : vector<32xbf16>
      %mul3A_445 = arith.mulf %bitcast3A_328, %bitcast3A_138 : vector<32xbf16>
      %add3A_446 = arith.addf %mul3A_444, %mul3A_445 : vector<32xbf16>
      %mul3A_447 = arith.mulf %bitcast3A_335, %bitcast3A_146 : vector<32xbf16>
      %mul3A_448 = arith.mulf %bitcast3A_342, %bitcast3A_154 : vector<32xbf16>
      %add3A_449 = arith.addf %mul3A_447, %mul3A_448 : vector<32xbf16>
      %add3A_450 = arith.addf %add3A_446, %add3A_449 : vector<32xbf16>
      %mul3A_451 = arith.mulf %bitcast3A_349, %bitcast3A_162 : vector<32xbf16>
      %mul3A_452 = arith.mulf %bitcast3A_356, %bitcast3A_170 : vector<32xbf16>
      %add3A_453 = arith.addf %mul3A_451, %mul3A_452 : vector<32xbf16>
      %mul3A_454 = arith.mulf %bitcast3A_363, %bitcast3A_178 : vector<32xbf16>
      %mul3A_455 = arith.mulf %bitcast3A_370, %bitcast3A_186 : vector<32xbf16>
      %add3A_456 = arith.addf %mul3A_454, %mul3A_455 : vector<32xbf16>
      %add3A_457 = arith.addf %add3A_453, %add3A_456 : vector<32xbf16>
      %add3A_458 = arith.addf %add3A_450, %add3A_457 : vector<32xbf16>
      %bitcast3A_459 = vector.bitcast %add3A_458 : vector<32xbf16> to vector<16xi32>
      %swap3A_460 = arith.constant 0 : index
      %swap3A_461 = tpu.vector_load %arg9[%swap3A_460] {strides = array<i32>} : memref<256xi32, #tpu.memory_space<vmem>>, vector<16xi32>,
      tpu.vector_store %arg9[%swap3A_460], %bitcast3A_459 {strides = array<i32>} : memref<256xi32, #tpu.memory_space<vmem>>, vector<16xi32>,
      %mul3A_462 = arith.mulf %bitcast3A_321, %bitcast3A_194 : vector<32xbf16>
      %mul3A_463 = arith.mulf %bitcast3A_328, %bitcast3A_202 : vector<32xbf16>
      %add3A_464 = arith.addf %mul3A_462, %mul3A_463 : vector<32xbf16>
      %mul3A_465 = arith.mulf %bitcast3A_335, %bitcast3A_210 : vector<32xbf16>
      %mul3A_466 = arith.mulf %bitcast3A_342, %bitcast3A_218 : vector<32xbf16>
      %add3A_467 = arith.addf %mul3A_465, %mul3A_466 : vector<32xbf16>
      %add3A_468 = arith.addf %add3A_464, %add3A_467 : vector<32xbf16>
      %mul3A_469 = arith.mulf %bitcast3A_349, %bitcast3A_226 : vector<32xbf16>
      %mul3A_470 = arith.mulf %bitcast3A_356, %bitcast3A_234 : vector<32xbf16>
      %add3A_471 = arith.addf %mul3A_469, %mul3A_470 : vector<32xbf16>
      %mul3A_472 = arith.mulf %bitcast3A_363, %bitcast3A_242 : vector<32xbf16>
      %mul3A_473 = arith.mulf %bitcast3A_370, %bitcast3A_250 : vector<32xbf16>
      %add3A_474 = arith.addf %mul3A_472, %mul3A_473 : vector<32xbf16>
      %add3A_475 = arith.addf %add3A_471, %add3A_474 : vector<32xbf16>
      %add3A_476 = arith.addf %add3A_468, %add3A_475 : vector<32xbf16>
      %bitcast3A_477 = vector.bitcast %add3A_476 : vector<32xbf16> to vector<16xi32>
      %swap3A_478 = arith.constant 0 : index
      %swap3A_479 = tpu.vector_load %arg10[%swap3A_478] {strides = array<i32>} : memref<256xi32, #tpu.memory_space<vmem>>, vector<16xi32>,
      tpu.vector_store %arg10[%swap3A_478], %bitcast3A_477 {strides = array<i32>} : memref<256xi32, #tpu.memory_space<vmem>>, vector<16xi32>,
      %mul3A_480 = arith.mulf %bitcast3A_321, %bitcast3A_258 : vector<32xbf16>
      %mul3A_481 = arith.mulf %bitcast3A_328, %bitcast3A_266 : vector<32xbf16>
      %add3A_482 = arith.addf %mul3A_480, %mul3A_481 : vector<32xbf16>
      %mul3A_483 = arith.mulf %bitcast3A_335, %bitcast3A_274 : vector<32xbf16>
      %mul3A_484 = arith.mulf %bitcast3A_342, %bitcast3A_282 : vector<32xbf16>
      %add3A_485 = arith.addf %mul3A_483, %mul3A_484 : vector<32xbf16>
      %add3A_486 = arith.addf %add3A_482, %add3A_485 : vector<32xbf16>
      %mul3A_487 = arith.mulf %bitcast3A_349, %bitcast3A_290 : vector<32xbf16>
      %mul3A_488 = arith.mulf %bitcast3A_356, %bitcast3A_298 : vector<32xbf16>
      %add3A_489 = arith.addf %mul3A_487, %mul3A_488 : vector<32xbf16>
      %mul3A_490 = arith.mulf %bitcast3A_363, %bitcast3A_306 : vector<32xbf16>
      %mul3A_491 = arith.mulf %bitcast3A_370, %bitcast3A_314 : vector<32xbf16>
      %add3A_492 = arith.addf %mul3A_490, %mul3A_491 : vector<32xbf16>
      %add3A_493 = arith.addf %add3A_489, %add3A_492 : vector<32xbf16>
      %add3A_494 = arith.addf %add3A_486, %add3A_493 : vector<32xbf16>
      %bitcast3A_495 = vector.bitcast %add3A_494 : vector<32xbf16> to vector<16xi32>
      %swap3A_496 = arith.constant 0 : index
      %swap3A_497 = tpu.vector_load %arg11[%swap3A_496] {strides = array<i32>} : memref<256xi32, #tpu.memory_space<vmem>>, vector<16xi32>,
      tpu.vector_store %arg11[%swap3A_496], %bitcast3A_495 {strides = array<i32>} : memref<256xi32, #tpu.memory_space<vmem>>, vector<16xi32>,
      %add3A_498 = arith.constant 0 : i32
      %add3A_499 = arith.addi %select_n3A_60, %add3A_498 : i32
      %get3A_500 = arith.constant 2 : i32
      %get3A_501 = arith.index_cast %get3A_500 : i32 to index
      %get3A_502 = arith.index_cast %add3A_499 : i32 to index
      %get3A_503 = tpu.vector_load %arg5[%get3A_501, %get3A_502] {strides = array<i32>} : memref<16x1024xi32, #tpu.memory_space<vmem>>, vector<16xi32>,
      %bitcast3A_504 = vector.bitcast %get3A_503 : vector<16xi32> to vector<32xbf16>
      %add3A_505 = arith.constant 16 : i32
      %add3A_506 = arith.addi %select_n3A_60, %add3A_505 : i32
      %get3A_507 = arith.constant 2 : i32
      %get3A_508 = arith.index_cast %get3A_507 : i32 to index
      %get3A_509 = arith.index_cast %add3A_506 : i32 to index
      %get3A_510 = tpu.vector_load %arg5[%get3A_508, %get3A_509] {strides = array<i32>} : memref<16x1024xi32, #tpu.memory_space<vmem>>, vector<16xi32>,
      %bitcast3A_511 = vector.bitcast %get3A_510 : vector<16xi32> to vector<32xbf16>
      %add3A_512 = arith.constant 32 : i32
      %add3A_513 = arith.addi %select_n3A_60, %add3A_512 : i32
      %get3A_514 = arith.constant 2 : i32
      %get3A_515 = arith.index_cast %get3A_514 : i32 to index
      %get3A_516 = arith.index_cast %add3A_513 : i32 to index
      %get3A_517 = tpu.vector_load %arg5[%get3A_515, %get3A_516] {strides = array<i32>} : memref<16x1024xi32, #tpu.memory_space<vmem>>, vector<16xi32>,
      %bitcast3A_518 = vector.bitcast %get3A_517 : vector<16xi32> to vector<32xbf16>
      %add3A_519 = arith.constant 48 : i32
      %add3A_520 = arith.addi %select_n3A_60, %add3A_519 : i32
      %get3A_521 = arith.constant 2 : i32
      %get3A_522 = arith.index_cast %get3A_521 : i32 to index
      %get3A_523 = arith.index_cast %add3A_520 : i32 to index
      %get3A_524 = tpu.vector_load %arg5[%get3A_522, %get3A_523] {strides = array<i32>} : memref<16x1024xi32, #tpu.memory_space<vmem>>, vector<16xi32>,
      %bitcast3A_525 = vector.bitcast %get3A_524 : vector<16xi32> to vector<32xbf16>
      %add3A_526 = arith.constant 64 : i32
      %add3A_527 = arith.addi %select_n3A_60, %add3A_526 : i32
      %get3A_528 = arith.constant 2 : i32
      %get3A_529 = arith.index_cast %get3A_528 : i32 to index
      %get3A_530 = arith.index_cast %add3A_527 : i32 to index
      %get3A_531 = tpu.vector_load %arg5[%get3A_529, %get3A_530] {strides = array<i32>} : memref<16x1024xi32, #tpu.memory_space<vmem>>, vector<16xi32>,
      %bitcast3A_532 = vector.bitcast %get3A_531 : vector<16xi32> to vector<32xbf16>
      %add3A_533 = arith.constant 80 : i32
      %add3A_534 = arith.addi %select_n3A_60, %add3A_533 : i32
      %get3A_535 = arith.constant 2 : i32
      %get3A_536 = arith.index_cast %get3A_535 : i32 to index
      %get3A_537 = arith.index_cast %add3A_534 : i32 to index
      %get3A_538 = tpu.vector_load %arg5[%get3A_536, %get3A_537] {strides = array<i32>} : memref<16x1024xi32, #tpu.memory_space<vmem>>, vector<16xi32>,
      %bitcast3A_539 = vector.bitcast %get3A_538 : vector<16xi32> to vector<32xbf16>
      %add3A_540 = arith.constant 96 : i32
      %add3A_541 = arith.addi %select_n3A_60, %add3A_540 : i32
      %get3A_542 = arith.constant 2 : i32
      %get3A_543 = arith.index_cast %get3A_542 : i32 to index
      %get3A_544 = arith.index_cast %add3A_541 : i32 to index
      %get3A_545 = tpu.vector_load %arg5[%get3A_543, %get3A_544] {strides = array<i32>} : memref<16x1024xi32, #tpu.memory_space<vmem>>, vector<16xi32>,
      %bitcast3A_546 = vector.bitcast %get3A_545 : vector<16xi32> to vector<32xbf16>
      %add3A_547 = arith.constant 112 : i32
      %add3A_548 = arith.addi %select_n3A_60, %add3A_547 : i32
      %get3A_549 = arith.constant 2 : i32
      %get3A_550 = arith.index_cast %get3A_549 : i32 to index
      %get3A_551 = arith.index_cast %add3A_548 : i32 to index
      %get3A_552 = tpu.vector_load %arg5[%get3A_550, %get3A_551] {strides = array<i32>} : memref<16x1024xi32, #tpu.memory_space<vmem>>, vector<16xi32>,
      %bitcast3A_553 = vector.bitcast %get3A_552 : vector<16xi32> to vector<32xbf16>
      %mul3A_554 = arith.mulf %bitcast3A_377, %bitcast3A : vector<32xbf16>
      %mul3A_555 = arith.mulf %bitcast3A_384, %bitcast3A_74 : vector<32xbf16>
      %add3A_556 = arith.addf %mul3A_554, %mul3A_555 : vector<32xbf16>
      %mul3A_557 = arith.mulf %bitcast3A_391, %bitcast3A_82 : vector<32xbf16>
      %mul3A_558 = arith.mulf %bitcast3A_398, %bitcast3A_90 : vector<32xbf16>
      %add3A_559 = arith.addf %mul3A_557, %mul3A_558 : vector<32xbf16>
      %add3A_560 = arith.addf %add3A_556, %add3A_559 : vector<32xbf16>
      %mul3A_561 = arith.mulf %bitcast3A_405, %bitcast3A_98 : vector<32xbf16>
      %mul3A_562 = arith.mulf %bitcast3A_412, %bitcast3A_106 : vector<32xbf16>
      %add3A_563 = arith.addf %mul3A_561, %mul3A_562 : vector<32xbf16>
      %mul3A_564 = arith.mulf %bitcast3A_419, %bitcast3A_114 : vector<32xbf16>
      %mul3A_565 = arith.mulf %bitcast3A_426, %bitcast3A_122 : vector<32xbf16>
      %add3A_566 = arith.addf %mul3A_564, %mul3A_565 : vector<32xbf16>
      %add3A_567 = arith.addf %add3A_563, %add3A_566 : vector<32xbf16>
      %add3A_568 = arith.addf %add3A_560, %add3A_567 : vector<32xbf16>
      %bitcast3A_569 = vector.bitcast %add3A_568 : vector<32xbf16> to vector<16xi32>
      %swap3A_570 = arith.constant 16 : index
      %swap3A_571 = tpu.vector_load %arg8[%swap3A_570] {strides = array<i32>} : memref<256xi32, #tpu.memory_space<vmem>>, vector<16xi32>,
      tpu.vector_store %arg8[%swap3A_570], %bitcast3A_569 {strides = array<i32>} : memref<256xi32, #tpu.memory_space<vmem>>, vector<16xi32>,
      %mul3A_572 = arith.mulf %bitcast3A_377, %bitcast3A_130 : vector<32xbf16>
      %mul3A_573 = arith.mulf %bitcast3A_384, %bitcast3A_138 : vector<32xbf16>
      %add3A_574 = arith.addf %mul3A_572, %mul3A_573 : vector<32xbf16>
      %mul3A_575 = arith.mulf %bitcast3A_391, %bitcast3A_146 : vector<32xbf16>
      %mul3A_576 = arith.mulf %bitcast3A_398, %bitcast3A_154 : vector<32xbf16>
      %add3A_577 = arith.addf %mul3A_575, %mul3A_576 : vector<32xbf16>
      %add3A_578 = arith.addf %add3A_574, %add3A_577 : vector<32xbf16>
      %mul3A_579 = arith.mulf %bitcast3A_405, %bitcast3A_162 : vector<32xbf16>
      %mul3A_580 = arith.mulf %bitcast3A_412, %bitcast3A_170 : vector<32xbf16>
      %add3A_581 = arith.addf %mul3A_579, %mul3A_580 : vector<32xbf16>
      %mul3A_582 = arith.mulf %bitcast3A_419, %bitcast3A_178 : vector<32xbf16>
      %mul3A_583 = arith.mulf %bitcast3A_426, %bitcast3A_186 : vector<32xbf16>
      %add3A_584 = arith.addf %mul3A_582, %mul3A_583 : vector<32xbf16>
      %add3A_585 = arith.addf %add3A_581, %add3A_584 : vector<32xbf16>
      %add3A_586 = arith.addf %add3A_578, %add3A_585 : vector<32xbf16>
      %bitcast3A_587 = vector.bitcast %add3A_586 : vector<32xbf16> to vector<16xi32>
      %swap3A_588 = arith.constant 16 : index
      %swap3A_589 = tpu.vector_load %arg9[%swap3A_588] {strides = array<i32>} : memref<256xi32, #tpu.memory_space<vmem>>, vector<16xi32>,
      tpu.vector_store %arg9[%swap3A_588], %bitcast3A_587 {strides = array<i32>} : memref<256xi32, #tpu.memory_space<vmem>>, vector<16xi32>,
      %mul3A_590 = arith.mulf %bitcast3A_377, %bitcast3A_194 : vector<32xbf16>
      %mul3A_591 = arith.mulf %bitcast3A_384, %bitcast3A_202 : vector<32xbf16>
      %add3A_592 = arith.addf %mul3A_590, %mul3A_591 : vector<32xbf16>
      %mul3A_593 = arith.mulf %bitcast3A_391, %bitcast3A_210 : vector<32xbf16>
      %mul3A_594 = arith.mulf %bitcast3A_398, %bitcast3A_218 : vector<32xbf16>
      %add3A_595 = arith.addf %mul3A_593, %mul3A_594 : vector<32xbf16>
      %add3A_596 = arith.addf %add3A_592, %add3A_595 : vector<32xbf16>
      %mul3A_597 = arith.mulf %bitcast3A_405, %bitcast3A_226 : vector<32xbf16>
      %mul3A_598 = arith.mulf %bitcast3A_412, %bitcast3A_234 : vector<32xbf16>
      %add3A_599 = arith.addf %mul3A_597, %mul3A_598 : vector<32xbf16>
      %mul3A_600 = arith.mulf %bitcast3A_419, %bitcast3A_242 : vector<32xbf16>
      %mul3A_601 = arith.mulf %bitcast3A_426, %bitcast3A_250 : vector<32xbf16>
      %add3A_602 = arith.addf %mul3A_600, %mul3A_601 : vector<32xbf16>
      %add3A_603 = arith.addf %add3A_599, %add3A_602 : vector<32xbf16>
      %add3A_604 = arith.addf %add3A_596, %add3A_603 : vector<32xbf16>
      %bitcast3A_605 = vector.bitcast %add3A_604 : vector<32xbf16> to vector<16xi32>
      %swap3A_606 = arith.constant 16 : index
      %swap3A_607 = tpu.vector_load %arg10[%swap3A_606] {strides = array<i32>} : memref<256xi32, #tpu.memory_space<vmem>>, vector<16xi32>,
      tpu.vector_store %arg10[%swap3A_606], %bitcast3A_605 {strides = array<i32>} : memref<256xi32, #tpu.memory_space<vmem>>, vector<16xi32>,
      %mul3A_608 = arith.mulf %bitcast3A_377, %bitcast3A_258 : vector<32xbf16>
      %mul3A_609 = arith.mulf %bitcast3A_384, %bitcast3A_266 : vector<32xbf16>
      %add3A_610 = arith.addf %mul3A_608, %mul3A_609 : vector<32xbf16>
      %mul3A_611 = arith.mulf %bitcast3A_391, %bitcast3A_274 : vector<32xbf16>
      %mul3A_612 = arith.mulf %bitcast3A_398, %bitcast3A_282 : vector<32xbf16>
      %add3A_613 = arith.addf %mul3A_611, %mul3A_612 : vector<32xbf16>
      %add3A_614 = arith.addf %add3A_610, %add3A_613 : vector<32xbf16>
      %mul3A_615 = arith.mulf %bitcast3A_405, %bitcast3A_290 : vector<32xbf16>
      %mul3A_616 = arith.mulf %bitcast3A_412, %bitcast3A_298 : vector<32xbf16>
      %add3A_617 = arith.addf %mul3A_615, %mul3A_616 : vector<32xbf16>
      %mul3A_618 = arith.mulf %bitcast3A_419, %bitcast3A_306 : vector<32xbf16>
      %mul3A_619 = arith.mulf %bitcast3A_426, %bitcast3A_314 : vector<32xbf16>
      %add3A_620 = arith.addf %mul3A_618, %mul3A_619 : vector<32xbf16>
      %add3A_621 = arith.addf %add3A_617, %add3A_620 : vector<32xbf16>
      %add3A_622 = arith.addf %add3A_614, %add3A_621 : vector<32xbf16>
      %bitcast3A_623 = vector.bitcast %add3A_622 : vector<32xbf16> to vector<16xi32>
      %swap3A_624 = arith.constant 16 : index
      %swap3A_625 = tpu.vector_load %arg11[%swap3A_624] {strides = array<i32>} : memref<256xi32, #tpu.memory_space<vmem>>, vector<16xi32>,
      tpu.vector_store %arg11[%swap3A_624], %bitcast3A_623 {strides = array<i32>} : memref<256xi32, #tpu.memory_space<vmem>>, vector<16xi32>,
      %add3A_626 = arith.constant 0 : i32
      %add3A_627 = arith.addi %select_n3A_60, %add3A_626 : i32
      %get3A_628 = arith.constant 3 : i32
      %get3A_629 = arith.index_cast %get3A_628 : i32 to index
      %get3A_630 = arith.index_cast %add3A_627 : i32 to index
      %get3A_631 = tpu.vector_load %arg5[%get3A_629, %get3A_630] {strides = array<i32>} : memref<16x1024xi32, #tpu.memory_space<vmem>>, vector<16xi32>,
      %bitcast3A_632 = vector.bitcast %get3A_631 : vector<16xi32> to vector<32xbf16>
      %add3A_633 = arith.constant 16 : i32
      %add3A_634 = arith.addi %select_n3A_60, %add3A_633 : i32
      %get3A_635 = arith.constant 3 : i32
      %get3A_636 = arith.index_cast %get3A_635 : i32 to index
      %get3A_637 = arith.index_cast %add3A_634 : i32 to index
      %get3A_638 = tpu.vector_load %arg5[%get3A_636, %get3A_637] {strides = array<i32>} : memref<16x1024xi32, #tpu.memory_space<vmem>>, vector<16xi32>,
      %bitcast3A_639 = vector.bitcast %get3A_638 : vector<16xi32> to vector<32xbf16>
      %add3A_640 = arith.constant 32 : i32
      %add3A_641 = arith.addi %select_n3A_60, %add3A_640 : i32
      %get3A_642 = arith.constant 3 : i32
      %get3A_643 = arith.index_cast %get3A_642 : i32 to index
      %get3A_644 = arith.index_cast %add3A_641 : i32 to index
      %get3A_645 = tpu.vector_load %arg5[%get3A_643, %get3A_644] {strides = array<i32>} : memref<16x1024xi32, #tpu.memory_space<vmem>>, vector<16xi32>,
      %bitcast3A_646 = vector.bitcast %get3A_645 : vector<16xi32> to vector<32xbf16>
      %add3A_647 = arith.constant 48 : i32
      %add3A_648 = arith.addi %select_n3A_60, %add3A_647 : i32
      %get3A_649 = arith.constant 3 : i32
      %get3A_650 = arith.index_cast %get3A_649 : i32 to index
      %get3A_651 = arith.index_cast %add3A_648 : i32 to index
      %get3A_652 = tpu.vector_load %arg5[%get3A_650, %get3A_651] {strides = array<i32>} : memref<16x1024xi32, #tpu.memory_space<vmem>>, vector<16xi32>,
      %bitcast3A_653 = vector.bitcast %get3A_652 : vector<16xi32> to vector<32xbf16>
      %add3A_654 = arith.constant 64 : i32
      %add3A_655 = arith.addi %select_n3A_60, %add3A_654 : i32
      %get3A_656 = arith.constant 3 : i32
      %get3A_657 = arith.index_cast %get3A_656 : i32 to index
      %get3A_658 = arith.index_cast %add3A_655 : i32 to index
      %get3A_659 = tpu.vector_load %arg5[%get3A_657, %get3A_658] {strides = array<i32>} : memref<16x1024xi32, #tpu.memory_space<vmem>>, vector<16xi32>,
      %bitcast3A_660 = vector.bitcast %get3A_659 : vector<16xi32> to vector<32xbf16>
      %add3A_661 = arith.constant 80 : i32
      %add3A_662 = arith.addi %select_n3A_60, %add3A_661 : i32
      %get3A_663 = arith.constant 3 : i32
      %get3A_664 = arith.index_cast %get3A_663 : i32 to index
      %get3A_665 = arith.index_cast %add3A_662 : i32 to index
      %get3A_666 = tpu.vector_load %arg5[%get3A_664, %get3A_665] {strides = array<i32>} : memref<16x1024xi32, #tpu.memory_space<vmem>>, vector<16xi32>,
      %bitcast3A_667 = vector.bitcast %get3A_666 : vector<16xi32> to vector<32xbf16>
      %add3A_668 = arith.constant 96 : i32
      %add3A_669 = arith.addi %select_n3A_60, %add3A_668 : i32
      %get3A_670 = arith.constant 3 : i32
      %get3A_671 = arith.index_cast %get3A_670 : i32 to index
      %get3A_672 = arith.index_cast %add3A_669 : i32 to index
      %get3A_673 = tpu.vector_load %arg5[%get3A_671, %get3A_672] {strides = array<i32>} : memref<16x1024xi32, #tpu.memory_space<vmem>>, vector<16xi32>,
      %bitcast3A_674 = vector.bitcast %get3A_673 : vector<16xi32> to vector<32xbf16>
      %add3A_675 = arith.constant 112 : i32
      %add3A_676 = arith.addi %select_n3A_60, %add3A_675 : i32
      %get3A_677 = arith.constant 3 : i32
      %get3A_678 = arith.index_cast %get3A_677 : i32 to index
      %get3A_679 = arith.index_cast %add3A_676 : i32 to index
      %get3A_680 = tpu.vector_load %arg5[%get3A_678, %get3A_679] {strides = array<i32>} : memref<16x1024xi32, #tpu.memory_space<vmem>>, vector<16xi32>,
      %bitcast3A_681 = vector.bitcast %get3A_680 : vector<16xi32> to vector<32xbf16>
      %mul3A_682 = arith.mulf %bitcast3A_504, %bitcast3A : vector<32xbf16>
      %mul3A_683 = arith.mulf %bitcast3A_511, %bitcast3A_74 : vector<32xbf16>
      %add3A_684 = arith.addf %mul3A_682, %mul3A_683 : vector<32xbf16>
      %mul3A_685 = arith.mulf %bitcast3A_518, %bitcast3A_82 : vector<32xbf16>
      %mul3A_686 = arith.mulf %bitcast3A_525, %bitcast3A_90 : vector<32xbf16>
      %add3A_687 = arith.addf %mul3A_685, %mul3A_686 : vector<32xbf16>
      %add3A_688 = arith.addf %add3A_684, %add3A_687 : vector<32xbf16>
      %mul3A_689 = arith.mulf %bitcast3A_532, %bitcast3A_98 : vector<32xbf16>
      %mul3A_690 = arith.mulf %bitcast3A_539, %bitcast3A_106 : vector<32xbf16>
      %add3A_691 = arith.addf %mul3A_689, %mul3A_690 : vector<32xbf16>
      %mul3A_692 = arith.mulf %bitcast3A_546, %bitcast3A_114 : vector<32xbf16>
      %mul3A_693 = arith.mulf %bitcast3A_553, %bitcast3A_122 : vector<32xbf16>
      %add3A_694 = arith.addf %mul3A_692, %mul3A_693 : vector<32xbf16>
      %add3A_695 = arith.addf %add3A_691, %add3A_694 : vector<32xbf16>
      %add3A_696 = arith.addf %add3A_688, %add3A_695 : vector<32xbf16>
      %bitcast3A_697 = vector.bitcast %add3A_696 : vector<32xbf16> to vector<16xi32>
      %swap3A_698 = arith.constant 32 : index
      %swap3A_699 = tpu.vector_load %arg8[%swap3A_698] {strides = array<i32>} : memref<256xi32, #tpu.memory_space<vmem>>, vector<16xi32>,
      tpu.vector_store %arg8[%swap3A_698], %bitcast3A_697 {strides = array<i32>} : memref<256xi32, #tpu.memory_space<vmem>>, vector<16xi32>,
      %mul3A_700 = arith.mulf %bitcast3A_504, %bitcast3A_130 : vector<32xbf16>
      %mul3A_701 = arith.mulf %bitcast3A_511, %bitcast3A_138 : vector<32xbf16>
      %add3A_702 = arith.addf %mul3A_700, %mul3A_701 : vector<32xbf16>
      %mul3A_703 = arith.mulf %bitcast3A_518, %bitcast3A_146 : vector<32xbf16>
      %mul3A_704 = arith.mulf %bitcast3A_525, %bitcast3A_154 : vector<32xbf16>
      %add3A_705 = arith.addf %mul3A_703, %mul3A_704 : vector<32xbf16>
      %add3A_706 = arith.addf %add3A_702, %add3A_705 : vector<32xbf16>
      %mul3A_707 = arith.mulf %bitcast3A_532, %bitcast3A_162 : vector<32xbf16>
      %mul3A_708 = arith.mulf %bitcast3A_539, %bitcast3A_170 : vector<32xbf16>
      %add3A_709 = arith.addf %mul3A_707, %mul3A_708 : vector<32xbf16>
      %mul3A_710 = arith.mulf %bitcast3A_546, %bitcast3A_178 : vector<32xbf16>
      %mul3A_711 = arith.mulf %bitcast3A_553, %bitcast3A_186 : vector<32xbf16>
      %add3A_712 = arith.addf %mul3A_710, %mul3A_711 : vector<32xbf16>
      %add3A_713 = arith.addf %add3A_709, %add3A_712 : vector<32xbf16>
      %add3A_714 = arith.addf %add3A_706, %add3A_713 : vector<32xbf16>
      %bitcast3A_715 = vector.bitcast %add3A_714 : vector<32xbf16> to vector<16xi32>
      %swap3A_716 = arith.constant 32 : index
      %swap3A_717 = tpu.vector_load %arg9[%swap3A_716] {strides = array<i32>} : memref<256xi32, #tpu.memory_space<vmem>>, vector<16xi32>,
      tpu.vector_store %arg9[%swap3A_716], %bitcast3A_715 {strides = array<i32>} : memref<256xi32, #tpu.memory_space<vmem>>, vector<16xi32>,
      %mul3A_718 = arith.mulf %bitcast3A_504, %bitcast3A_194 : vector<32xbf16>
      %mul3A_719 = arith.mulf %bitcast3A_511, %bitcast3A_202 : vector<32xbf16>
      %add3A_720 = arith.addf %mul3A_718, %mul3A_719 : vector<32xbf16>
      %mul3A_721 = arith.mulf %bitcast3A_518, %bitcast3A_210 : vector<32xbf16>
      %mul3A_722 = arith.mulf %bitcast3A_525, %bitcast3A_218 : vector<32xbf16>
      %add3A_723 = arith.addf %mul3A_721, %mul3A_722 : vector<32xbf16>
      %add3A_724 = arith.addf %add3A_720, %add3A_723 : vector<32xbf16>
      %mul3A_725 = arith.mulf %bitcast3A_532, %bitcast3A_226 : vector<32xbf16>
      %mul3A_726 = arith.mulf %bitcast3A_539, %bitcast3A_234 : vector<32xbf16>
      %add3A_727 = arith.addf %mul3A_725, %mul3A_726 : vector<32xbf16>
      %mul3A_728 = arith.mulf %bitcast3A_546, %bitcast3A_242 : vector<32xbf16>
      %mul3A_729 = arith.mulf %bitcast3A_553, %bitcast3A_250 : vector<32xbf16>
      %add3A_730 = arith.addf %mul3A_728, %mul3A_729 : vector<32xbf16>
      %add3A_731 = arith.addf %add3A_727, %add3A_730 : vector<32xbf16>
      %add3A_732 = arith.addf %add3A_724, %add3A_731 : vector<32xbf16>
      %bitcast3A_733 = vector.bitcast %add3A_732 : vector<32xbf16> to vector<16xi32>
      %swap3A_734 = arith.constant 32 : index
      %swap3A_735 = tpu.vector_load %arg10[%swap3A_734] {strides = array<i32>} : memref<256xi32, #tpu.memory_space<vmem>>, vector<16xi32>,
      tpu.vector_store %arg10[%swap3A_734], %bitcast3A_733 {strides = array<i32>} : memref<256xi32, #tpu.memory_space<vmem>>, vector<16xi32>,
      %mul3A_736 = arith.mulf %bitcast3A_504, %bitcast3A_258 : vector<32xbf16>
      %mul3A_737 = arith.mulf %bitcast3A_511, %bitcast3A_266 : vector<32xbf16>
      %add3A_738 = arith.addf %mul3A_736, %mul3A_737 : vector<32xbf16>
      %mul3A_739 = arith.mulf %bitcast3A_518, %bitcast3A_274 : vector<32xbf16>
      %mul3A_740 = arith.mulf %bitcast3A_525, %bitcast3A_282 : vector<32xbf16>
      %add3A_741 = arith.addf %mul3A_739, %mul3A_740 : vector<32xbf16>
      %add3A_742 = arith.addf %add3A_738, %add3A_741 : vector<32xbf16>
      %mul3A_743 = arith.mulf %bitcast3A_532, %bitcast3A_290 : vector<32xbf16>
      %mul3A_744 = arith.mulf %bitcast3A_539, %bitcast3A_298 : vector<32xbf16>
      %add3A_745 = arith.addf %mul3A_743, %mul3A_744 : vector<32xbf16>
      %mul3A_746 = arith.mulf %bitcast3A_546, %bitcast3A_306 : vector<32xbf16>
      %mul3A_747 = arith.mulf %bitcast3A_553, %bitcast3A_314 : vector<32xbf16>
      %add3A_748 = arith.addf %mul3A_746, %mul3A_747 : vector<32xbf16>
      %add3A_749 = arith.addf %add3A_745, %add3A_748 : vector<32xbf16>
      %add3A_750 = arith.addf %add3A_742, %add3A_749 : vector<32xbf16>
      %bitcast3A_751 = vector.bitcast %add3A_750 : vector<32xbf16> to vector<16xi32>
      %swap3A_752 = arith.constant 32 : index
      %swap3A_753 = tpu.vector_load %arg11[%swap3A_752] {strides = array<i32>} : memref<256xi32, #tpu.memory_space<vmem>>, vector<16xi32>,
      tpu.vector_store %arg11[%swap3A_752], %bitcast3A_751 {strides = array<i32>} : memref<256xi32, #tpu.memory_space<vmem>>, vector<16xi32>,
      %add3A_754 = arith.constant 0 : i32
      %add3A_755 = arith.addi %select_n3A_60, %add3A_754 : i32
      %get3A_756 = arith.constant 4 : i32
      %get3A_757 = arith.index_cast %get3A_756 : i32 to index
      %get3A_758 = arith.index_cast %add3A_755 : i32 to index
      %get3A_759 = tpu.vector_load %arg5[%get3A_757, %get3A_758] {strides = array<i32>} : memref<16x1024xi32, #tpu.memory_space<vmem>>, vector<16xi32>,
      %bitcast3A_760 = vector.bitcast %get3A_759 : vector<16xi32> to vector<32xbf16>
      %add3A_761 = arith.constant 16 : i32
      %add3A_762 = arith.addi %select_n3A_60, %add3A_761 : i32
      %get3A_763 = arith.constant 4 : i32
      %get3A_764 = arith.index_cast %get3A_763 : i32 to index
      %get3A_765 = arith.index_cast %add3A_762 : i32 to index
      %get3A_766 = tpu.vector_load %arg5[%get3A_764, %get3A_765] {strides = array<i32>} : memref<16x1024xi32, #tpu.memory_space<vmem>>, vector<16xi32>,
      %bitcast3A_767 = vector.bitcast %get3A_766 : vector<16xi32> to vector<32xbf16>
      %add3A_768 = arith.constant 32 : i32
      %add3A_769 = arith.addi %select_n3A_60, %add3A_768 : i32
      %get3A_770 = arith.constant 4 : i32
      %get3A_771 = arith.index_cast %get3A_770 : i32 to index
      %get3A_772 = arith.index_cast %add3A_769 : i32 to index
      %get3A_773 = tpu.vector_load %arg5[%get3A_771, %get3A_772] {strides = array<i32>} : memref<16x1024xi32, #tpu.memory_space<vmem>>, vector<16xi32>,
      %bitcast3A_774 = vector.bitcast %get3A_773 : vector<16xi32> to vector<32xbf16>
      %add3A_775 = arith.constant 48 : i32
      %add3A_776 = arith.addi %select_n3A_60, %add3A_775 : i32
      %get3A_777 = arith.constant 4 : i32
      %get3A_778 = arith.index_cast %get3A_777 : i32 to index
      %get3A_779 = arith.index_cast %add3A_776 : i32 to index
      %get3A_780 = tpu.vector_load %arg5[%get3A_778, %get3A_779] {strides = array<i32>} : memref<16x1024xi32, #tpu.memory_space<vmem>>, vector<16xi32>,
      %bitcast3A_781 = vector.bitcast %get3A_780 : vector<16xi32> to vector<32xbf16>
      %add3A_782 = arith.constant 64 : i32
      %add3A_783 = arith.addi %select_n3A_60, %add3A_782 : i32
      %get3A_784 = arith.constant 4 : i32
      %get3A_785 = arith.index_cast %get3A_784 : i32 to index
      %get3A_786 = arith.index_cast %add3A_783 : i32 to index
      %get3A_787 = tpu.vector_load %arg5[%get3A_785, %get3A_786] {strides = array<i32>} : memref<16x1024xi32, #tpu.memory_space<vmem>>, vector<16xi32>,
      %bitcast3A_788 = vector.bitcast %get3A_787 : vector<16xi32> to vector<32xbf16>
      %add3A_789 = arith.constant 80 : i32
      %add3A_790 = arith.addi %select_n3A_60, %add3A_789 : i32
      %get3A_791 = arith.constant 4 : i32
      %get3A_792 = arith.index_cast %get3A_791 : i32 to index
      %get3A_793 = arith.index_cast %add3A_790 : i32 to index
      %get3A_794 = tpu.vector_load %arg5[%get3A_792, %get3A_793] {strides = array<i32>} : memref<16x1024xi32, #tpu.memory_space<vmem>>, vector<16xi32>,
      %bitcast3A_795 = vector.bitcast %get3A_794 : vector<16xi32> to vector<32xbf16>
      %add3A_796 = arith.constant 96 : i32
      %add3A_797 = arith.addi %select_n3A_60, %add3A_796 : i32
      %get3A_798 = arith.constant 4 : i32
      %get3A_799 = arith.index_cast %get3A_798 : i32 to index
      %get3A_800 = arith.index_cast %add3A_797 : i32 to index
      %get3A_801 = tpu.vector_load %arg5[%get3A_799, %get3A_800] {strides = array<i32>} : memref<16x1024xi32, #tpu.memory_space<vmem>>, vector<16xi32>,
      %bitcast3A_802 = vector.bitcast %get3A_801 : vector<16xi32> to vector<32xbf16>
      %add3A_803 = arith.constant 112 : i32
      %add3A_804 = arith.addi %select_n3A_60, %add3A_803 : i32
      %get3A_805 = arith.constant 4 : i32
      %get3A_806 = arith.index_cast %get3A_805 : i32 to index
      %get3A_807 = arith.index_cast %add3A_804 : i32 to index
      %get3A_808 = tpu.vector_load %arg5[%get3A_806, %get3A_807] {strides = array<i32>} : memref<16x1024xi32, #tpu.memory_space<vmem>>, vector<16xi32>,
      %bitcast3A_809 = vector.bitcast %get3A_808 : vector<16xi32> to vector<32xbf16>
      %mul3A_810 = arith.mulf %bitcast3A_632, %bitcast3A : vector<32xbf16>
      %mul3A_811 = arith.mulf %bitcast3A_639, %bitcast3A_74 : vector<32xbf16>
      %add3A_812 = arith.addf %mul3A_810, %mul3A_811 : vector<32xbf16>
      %mul3A_813 = arith.mulf %bitcast3A_646, %bitcast3A_82 : vector<32xbf16>
      %mul3A_814 = arith.mulf %bitcast3A_653, %bitcast3A_90 : vector<32xbf16>
      %add3A_815 = arith.addf %mul3A_813, %mul3A_814 : vector<32xbf16>
      %add3A_816 = arith.addf %add3A_812, %add3A_815 : vector<32xbf16>
      %mul3A_817 = arith.mulf %bitcast3A_660, %bitcast3A_98 : vector<32xbf16>
      %mul3A_818 = arith.mulf %bitcast3A_667, %bitcast3A_106 : vector<32xbf16>
      %add3A_819 = arith.addf %mul3A_817, %mul3A_818 : vector<32xbf16>
      %mul3A_820 = arith.mulf %bitcast3A_674, %bitcast3A_114 : vector<32xbf16>
      %mul3A_821 = arith.mulf %bitcast3A_681, %bitcast3A_122 : vector<32xbf16>
      %add3A_822 = arith.addf %mul3A_820, %mul3A_821 : vector<32xbf16>
      %add3A_823 = arith.addf %add3A_819, %add3A_822 : vector<32xbf16>
      %add3A_824 = arith.addf %add3A_816, %add3A_823 : vector<32xbf16>
      %bitcast3A_825 = vector.bitcast %add3A_824 : vector<32xbf16> to vector<16xi32>
      %swap3A_826 = arith.constant 48 : index
      %swap3A_827 = tpu.vector_load %arg8[%swap3A_826] {strides = array<i32>} : memref<256xi32, #tpu.memory_space<vmem>>, vector<16xi32>,
      tpu.vector_store %arg8[%swap3A_826], %bitcast3A_825 {strides = array<i32>} : memref<256xi32, #tpu.memory_space<vmem>>, vector<16xi32>,
      %mul3A_828 = arith.mulf %bitcast3A_632, %bitcast3A_130 : vector<32xbf16>
      %mul3A_829 = arith.mulf %bitcast3A_639, %bitcast3A_138 : vector<32xbf16>
      %add3A_830 = arith.addf %mul3A_828, %mul3A_829 : vector<32xbf16>
      %mul3A_831 = arith.mulf %bitcast3A_646, %bitcast3A_146 : vector<32xbf16>
      %mul3A_832 = arith.mulf %bitcast3A_653, %bitcast3A_154 : vector<32xbf16>
      %add3A_833 = arith.addf %mul3A_831, %mul3A_832 : vector<32xbf16>
      %add3A_834 = arith.addf %add3A_830, %add3A_833 : vector<32xbf16>
      %mul3A_835 = arith.mulf %bitcast3A_660, %bitcast3A_162 : vector<32xbf16>
      %mul3A_836 = arith.mulf %bitcast3A_667, %bitcast3A_170 : vector<32xbf16>
      %add3A_837 = arith.addf %mul3A_835, %mul3A_836 : vector<32xbf16>
      %mul3A_838 = arith.mulf %bitcast3A_674, %bitcast3A_178 : vector<32xbf16>
      %mul3A_839 = arith.mulf %bitcast3A_681, %bitcast3A_186 : vector<32xbf16>
      %add3A_840 = arith.addf %mul3A_838, %mul3A_839 : vector<32xbf16>
      %add3A_841 = arith.addf %add3A_837, %add3A_840 : vector<32xbf16>
      %add3A_842 = arith.addf %add3A_834, %add3A_841 : vector<32xbf16>
      %bitcast3A_843 = vector.bitcast %add3A_842 : vector<32xbf16> to vector<16xi32>
      %swap3A_844 = arith.constant 48 : index
      %swap3A_845 = tpu.vector_load %arg9[%swap3A_844] {strides = array<i32>} : memref<256xi32, #tpu.memory_space<vmem>>, vector<16xi32>,
      tpu.vector_store %arg9[%swap3A_844], %bitcast3A_843 {strides = array<i32>} : memref<256xi32, #tpu.memory_space<vmem>>, vector<16xi32>,
      %mul3A_846 = arith.mulf %bitcast3A_632, %bitcast3A_194 : vector<32xbf16>
      %mul3A_847 = arith.mulf %bitcast3A_639, %bitcast3A_202 : vector<32xbf16>
      %add3A_848 = arith.addf %mul3A_846, %mul3A_847 : vector<32xbf16>
      %mul3A_849 = arith.mulf %bitcast3A_646, %bitcast3A_210 : vector<32xbf16>
      %mul3A_850 = arith.mulf %bitcast3A_653, %bitcast3A_218 : vector<32xbf16>
      %add3A_851 = arith.addf %mul3A_849, %mul3A_850 : vector<32xbf16>
      %add3A_852 = arith.addf %add3A_848, %add3A_851 : vector<32xbf16>
      %mul3A_853 = arith.mulf %bitcast3A_660, %bitcast3A_226 : vector<32xbf16>
      %mul3A_854 = arith.mulf %bitcast3A_667, %bitcast3A_234 : vector<32xbf16>
      %add3A_855 = arith.addf %mul3A_853, %mul3A_854 : vector<32xbf16>
      %mul3A_856 = arith.mulf %bitcast3A_674, %bitcast3A_242 : vector<32xbf16>
      %mul3A_857 = arith.mulf %bitcast3A_681, %bitcast3A_250 : vector<32xbf16>
      %add3A_858 = arith.addf %mul3A_856, %mul3A_857 : vector<32xbf16>
      %add3A_859 = arith.addf %add3A_855, %add3A_858 : vector<32xbf16>
      %add3A_860 = arith.addf %add3A_852, %add3A_859 : vector<32xbf16>
      %bitcast3A_861 = vector.bitcast %add3A_860 : vector<32xbf16> to vector<16xi32>
      %swap3A_862 = arith.constant 48 : index
      %swap3A_863 = tpu.vector_load %arg10[%swap3A_862] {strides = array<i32>} : memref<256xi32, #tpu.memory_space<vmem>>, vector<16xi32>,
      tpu.vector_store %arg10[%swap3A_862], %bitcast3A_861 {strides = array<i32>} : memref<256xi32, #tpu.memory_space<vmem>>, vector<16xi32>,
      %mul3A_864 = arith.mulf %bitcast3A_632, %bitcast3A_258 : vector<32xbf16>
      %mul3A_865 = arith.mulf %bitcast3A_639, %bitcast3A_266 : vector<32xbf16>
      %add3A_866 = arith.addf %mul3A_864, %mul3A_865 : vector<32xbf16>
      %mul3A_867 = arith.mulf %bitcast3A_646, %bitcast3A_274 : vector<32xbf16>
      %mul3A_868 = arith.mulf %bitcast3A_653, %bitcast3A_282 : vector<32xbf16>
      %add3A_869 = arith.addf %mul3A_867, %mul3A_868 : vector<32xbf16>
      %add3A_870 = arith.addf %add3A_866, %add3A_869 : vector<32xbf16>
      %mul3A_871 = arith.mulf %bitcast3A_660, %bitcast3A_290 : vector<32xbf16>
      %mul3A_872 = arith.mulf %bitcast3A_667, %bitcast3A_298 : vector<32xbf16>
      %add3A_873 = arith.addf %mul3A_871, %mul3A_872 : vector<32xbf16>
      %mul3A_874 = arith.mulf %bitcast3A_674, %bitcast3A_306 : vector<32xbf16>
      %mul3A_875 = arith.mulf %bitcast3A_681, %bitcast3A_314 : vector<32xbf16>
      %add3A_876 = arith.addf %mul3A_874, %mul3A_875 : vector<32xbf16>
      %add3A_877 = arith.addf %add3A_873, %add3A_876 : vector<32xbf16>
      %add3A_878 = arith.addf %add3A_870, %add3A_877 : vector<32xbf16>
      %bitcast3A_879 = vector.bitcast %add3A_878 : vector<32xbf16> to vector<16xi32>
      %swap3A_880 = arith.constant 48 : index
      %swap3A_881 = tpu.vector_load %arg11[%swap3A_880] {strides = array<i32>} : memref<256xi32, #tpu.memory_space<vmem>>, vector<16xi32>,
      tpu.vector_store %arg11[%swap3A_880], %bitcast3A_879 {strides = array<i32>} : memref<256xi32, #tpu.memory_space<vmem>>, vector<16xi32>,
      %add3A_882 = arith.constant 0 : i32
      %add3A_883 = arith.addi %select_n3A_60, %add3A_882 : i32
      %get3A_884 = arith.constant 5 : i32
      %get3A_885 = arith.index_cast %get3A_884 : i32 to index
      %get3A_886 = arith.index_cast %add3A_883 : i32 to index
      %get3A_887 = tpu.vector_load %arg5[%get3A_885, %get3A_886] {strides = array<i32>} : memref<16x1024xi32, #tpu.memory_space<vmem>>, vector<16xi32>,
      %bitcast3A_888 = vector.bitcast %get3A_887 : vector<16xi32> to vector<32xbf16>
      %add3A_889 = arith.constant 16 : i32
      %add3A_890 = arith.addi %select_n3A_60, %add3A_889 : i32
      %get3A_891 = arith.constant 5 : i32
      %get3A_892 = arith.index_cast %get3A_891 : i32 to index
      %get3A_893 = arith.index_cast %add3A_890 : i32 to index
      %get3A_894 = tpu.vector_load %arg5[%get3A_892, %get3A_893] {strides = array<i32>} : memref<16x1024xi32, #tpu.memory_space<vmem>>, vector<16xi32>,
      %bitcast3A_895 = vector.bitcast %get3A_894 : vector<16xi32> to vector<32xbf16>
      %add3A_896 = arith.constant 32 : i32
      %add3A_897 = arith.addi %select_n3A_60, %add3A_896 : i32
      %get3A_898 = arith.constant 5 : i32
      %get3A_899 = arith.index_cast %get3A_898 : i32 to index
      %get3A_900 = arith.index_cast %add3A_897 : i32 to index
      %get3A_901 = tpu.vector_load %arg5[%get3A_899, %get3A_900] {strides = array<i32>} : memref<16x1024xi32, #tpu.memory_space<vmem>>, vector<16xi32>,
      %bitcast3A_902 = vector.bitcast %get3A_901 : vector<16xi32> to vector<32xbf16>
      %add3A_903 = arith.constant 48 : i32
      %add3A_904 = arith.addi %select_n3A_60, %add3A_903 : i32
      %get3A_905 = arith.constant 5 : i32
      %get3A_906 = arith.index_cast %get3A_905 : i32 to index
      %get3A_907 = arith.index_cast %add3A_904 : i32 to index
      %get3A_908 = tpu.vector_load %arg5[%get3A_906, %get3A_907] {strides = array<i32>} : memref<16x1024xi32, #tpu.memory_space<vmem>>, vector<16xi32>,
      %bitcast3A_909 = vector.bitcast %get3A_908 : vector<16xi32> to vector<32xbf16>
      %add3A_910 = arith.constant 64 : i32
      %add3A_911 = arith.addi %select_n3A_60, %add3A_910 : i32
      %get3A_912 = arith.constant 5 : i32
      %get3A_913 = arith.index_cast %get3A_912 : i32 to index
      %get3A_914 = arith.index_cast %add3A_911 : i32 to index
      %get3A_915 = tpu.vector_load %arg5[%get3A_913, %get3A_914] {strides = array<i32>} : memref<16x1024xi32, #tpu.memory_space<vmem>>, vector<16xi32>,
      %bitcast3A_916 = vector.bitcast %get3A_915 : vector<16xi32> to vector<32xbf16>
      %add3A_917 = arith.constant 80 : i32
      %add3A_918 = arith.addi %select_n3A_60, %add3A_917 : i32
      %get3A_919 = arith.constant 5 : i32
      %get3A_920 = arith.index_cast %get3A_919 : i32 to index
      %get3A_921 = arith.index_cast %add3A_918 : i32 to index
      %get3A_922 = tpu.vector_load %arg5[%get3A_920, %get3A_921] {strides = array<i32>} : memref<16x1024xi32, #tpu.memory_space<vmem>>, vector<16xi32>,
      %bitcast3A_923 = vector.bitcast %get3A_922 : vector<16xi32> to vector<32xbf16>
      %add3A_924 = arith.constant 96 : i32
      %add3A_925 = arith.addi %select_n3A_60, %add3A_924 : i32
      %get3A_926 = arith.constant 5 : i32
      %get3A_927 = arith.index_cast %get3A_926 : i32 to index
      %get3A_928 = arith.index_cast %add3A_925 : i32 to index
      %get3A_929 = tpu.vector_load %arg5[%get3A_927, %get3A_928] {strides = array<i32>} : memref<16x1024xi32, #tpu.memory_space<vmem>>, vector<16xi32>,
      %bitcast3A_930 = vector.bitcast %get3A_929 : vector<16xi32> to vector<32xbf16>
      %add3A_931 = arith.constant 112 : i32
      %add3A_932 = arith.addi %select_n3A_60, %add3A_931 : i32
      %get3A_933 = arith.constant 5 : i32
      %get3A_934 = arith.index_cast %get3A_933 : i32 to index
      %get3A_935 = arith.index_cast %add3A_932 : i32 to index
      %get3A_936 = tpu.vector_load %arg5[%get3A_934, %get3A_935] {strides = array<i32>} : memref<16x1024xi32, #tpu.memory_space<vmem>>, vector<16xi32>,
      %bitcast3A_937 = vector.bitcast %get3A_936 : vector<16xi32> to vector<32xbf16>
      %mul3A_938 = arith.mulf %bitcast3A_760, %bitcast3A : vector<32xbf16>
      %mul3A_939 = arith.mulf %bitcast3A_767, %bitcast3A_74 : vector<32xbf16>
      %add3A_940 = arith.addf %mul3A_938, %mul3A_939 : vector<32xbf16>
      %mul3A_941 = arith.mulf %bitcast3A_774, %bitcast3A_82 : vector<32xbf16>
      %mul3A_942 = arith.mulf %bitcast3A_781, %bitcast3A_90 : vector<32xbf16>
      %add3A_943 = arith.addf %mul3A_941, %mul3A_942 : vector<32xbf16>
      %add3A_944 = arith.addf %add3A_940, %add3A_943 : vector<32xbf16>
      %mul3A_945 = arith.mulf %bitcast3A_788, %bitcast3A_98 : vector<32xbf16>
      %mul3A_946 = arith.mulf %bitcast3A_795, %bitcast3A_106 : vector<32xbf16>
      %add3A_947 = arith.addf %mul3A_945, %mul3A_946 : vector<32xbf16>
      %mul3A_948 = arith.mulf %bitcast3A_802, %bitcast3A_114 : vector<32xbf16>
      %mul3A_949 = arith.mulf %bitcast3A_809, %bitcast3A_122 : vector<32xbf16>
      %add3A_950 = arith.addf %mul3A_948, %mul3A_949 : vector<32xbf16>
      %add3A_951 = arith.addf %add3A_947, %add3A_950 : vector<32xbf16>
      %add3A_952 = arith.addf %add3A_944, %add3A_951 : vector<32xbf16>
      %bitcast3A_953 = vector.bitcast %add3A_952 : vector<32xbf16> to vector<16xi32>
      %swap3A_954 = arith.constant 64 : index
      %swap3A_955 = tpu.vector_load %arg8[%swap3A_954] {strides = array<i32>} : memref<256xi32, #tpu.memory_space<vmem>>, vector<16xi32>,
      tpu.vector_store %arg8[%swap3A_954], %bitcast3A_953 {strides = array<i32>} : memref<256xi32, #tpu.memory_space<vmem>>, vector<16xi32>,
      %mul3A_956 = arith.mulf %bitcast3A_760, %bitcast3A_130 : vector<32xbf16>
      %mul3A_957 = arith.mulf %bitcast3A_767, %bitcast3A_138 : vector<32xbf16>
      %add3A_958 = arith.addf %mul3A_956, %mul3A_957 : vector<32xbf16>
      %mul3A_959 = arith.mulf %bitcast3A_774, %bitcast3A_146 : vector<32xbf16>
      %mul3A_960 = arith.mulf %bitcast3A_781, %bitcast3A_154 : vector<32xbf16>
      %add3A_961 = arith.addf %mul3A_959, %mul3A_960 : vector<32xbf16>
      %add3A_962 = arith.addf %add3A_958, %add3A_961 : vector<32xbf16>
      %mul3A_963 = arith.mulf %bitcast3A_788, %bitcast3A_162 : vector<32xbf16>
      %mul3A_964 = arith.mulf %bitcast3A_795, %bitcast3A_170 : vector<32xbf16>
      %add3A_965 = arith.addf %mul3A_963, %mul3A_964 : vector<32xbf16>
      %mul3A_966 = arith.mulf %bitcast3A_802, %bitcast3A_178 : vector<32xbf16>
      %mul3A_967 = arith.mulf %bitcast3A_809, %bitcast3A_186 : vector<32xbf16>
      %add3A_968 = arith.addf %mul3A_966, %mul3A_967 : vector<32xbf16>
      %add3A_969 = arith.addf %add3A_965, %add3A_968 : vector<32xbf16>
      %add3A_970 = arith.addf %add3A_962, %add3A_969 : vector<32xbf16>
      %bitcast3A_971 = vector.bitcast %add3A_970 : vector<32xbf16> to vector<16xi32>
      %swap3A_972 = arith.constant 64 : index
      %swap3A_973 = tpu.vector_load %arg9[%swap3A_972] {strides = array<i32>} : memref<256xi32, #tpu.memory_space<vmem>>, vector<16xi32>,
      tpu.vector_store %arg9[%swap3A_972], %bitcast3A_971 {strides = array<i32>} : memref<256xi32, #tpu.memory_space<vmem>>, vector<16xi32>,
      %mul3A_974 = arith.mulf %bitcast3A_760, %bitcast3A_194 : vector<32xbf16>
      %mul3A_975 = arith.mulf %bitcast3A_767, %bitcast3A_202 : vector<32xbf16>
      %add3A_976 = arith.addf %mul3A_974, %mul3A_975 : vector<32xbf16>
      %mul3A_977 = arith.mulf %bitcast3A_774, %bitcast3A_210 : vector<32xbf16>
      %mul3A_978 = arith.mulf %bitcast3A_781, %bitcast3A_218 : vector<32xbf16>
      %add3A_979 = arith.addf %mul3A_977, %mul3A_978 : vector<32xbf16>
      %add3A_980 = arith.addf %add3A_976, %add3A_979 : vector<32xbf16>
      %mul3A_981 = arith.mulf %bitcast3A_788, %bitcast3A_226 : vector<32xbf16>
      %mul3A_982 = arith.mulf %bitcast3A_795, %bitcast3A_234 : vector<32xbf16>
      %add3A_983 = arith.addf %mul3A_981, %mul3A_982 : vector<32xbf16>
      %mul3A_984 = arith.mulf %bitcast3A_802, %bitcast3A_242 : vector<32xbf16>
      %mul3A_985 = arith.mulf %bitcast3A_809, %bitcast3A_250 : vector<32xbf16>
      %add3A_986 = arith.addf %mul3A_984, %mul3A_985 : vector<32xbf16>
      %add3A_987 = arith.addf %add3A_983, %add3A_986 : vector<32xbf16>
      %add3A_988 = arith.addf %add3A_980, %add3A_987 : vector<32xbf16>
      %bitcast3A_989 = vector.bitcast %add3A_988 : vector<32xbf16> to vector<16xi32>
      %swap3A_990 = arith.constant 64 : index
      %swap3A_991 = tpu.vector_load %arg10[%swap3A_990] {strides = array<i32>} : memref<256xi32, #tpu.memory_space<vmem>>, vector<16xi32>,
      tpu.vector_store %arg10[%swap3A_990], %bitcast3A_989 {strides = array<i32>} : memref<256xi32, #tpu.memory_space<vmem>>, vector<16xi32>,
      %mul3A_992 = arith.mulf %bitcast3A_760, %bitcast3A_258 : vector<32xbf16>
      %mul3A_993 = arith.mulf %bitcast3A_767, %bitcast3A_266 : vector<32xbf16>
      %add3A_994 = arith.addf %mul3A_992, %mul3A_993 : vector<32xbf16>
      %mul3A_995 = arith.mulf %bitcast3A_774, %bitcast3A_274 : vector<32xbf16>
      %mul3A_996 = arith.mulf %bitcast3A_781, %bitcast3A_282 : vector<32xbf16>
      %add3A_997 = arith.addf %mul3A_995, %mul3A_996 : vector<32xbf16>
      %add3A_998 = arith.addf %add3A_994, %add3A_997 : vector<32xbf16>
      %mul3A_999 = arith.mulf %bitcast3A_788, %bitcast3A_290 : vector<32xbf16>
      %mul3A_1000 = arith.mulf %bitcast3A_795, %bitcast3A_298 : vector<32xbf16>
      %add3A_1001 = arith.addf %mul3A_999, %mul3A_1000 : vector<32xbf16>
      %mul3A_1002 = arith.mulf %bitcast3A_802, %bitcast3A_306 : vector<32xbf16>
      %mul3A_1003 = arith.mulf %bitcast3A_809, %bitcast3A_314 : vector<32xbf16>
      %add3A_1004 = arith.addf %mul3A_1002, %mul3A_1003 : vector<32xbf16>
      %add3A_1005 = arith.addf %add3A_1001, %add3A_1004 : vector<32xbf16>
      %add3A_1006 = arith.addf %add3A_998, %add3A_1005 : vector<32xbf16>
      %bitcast3A_1007 = vector.bitcast %add3A_1006 : vector<32xbf16> to vector<16xi32>
      %swap3A_1008 = arith.constant 64 : index
      %swap3A_1009 = tpu.vector_load %arg11[%swap3A_1008] {strides = array<i32>} : memref<256xi32, #tpu.memory_space<vmem>>, vector<16xi32>,
      tpu.vector_store %arg11[%swap3A_1008], %bitcast3A_1007 {strides = array<i32>} : memref<256xi32, #tpu.memory_space<vmem>>, vector<16xi32>,
      %add3A_1010 = arith.constant 0 : i32
      %add3A_1011 = arith.addi %select_n3A_60, %add3A_1010 : i32
      %get3A_1012 = arith.constant 6 : i32
      %get3A_1013 = arith.index_cast %get3A_1012 : i32 to index
      %get3A_1014 = arith.index_cast %add3A_1011 : i32 to index
      %get3A_1015 = tpu.vector_load %arg5[%get3A_1013, %get3A_1014] {strides = array<i32>} : memref<16x1024xi32, #tpu.memory_space<vmem>>, vector<16xi32>,
      %bitcast3A_1016 = vector.bitcast %get3A_1015 : vector<16xi32> to vector<32xbf16>
      %add3A_1017 = arith.constant 16 : i32
      %add3A_1018 = arith.addi %select_n3A_60, %add3A_1017 : i32
      %get3A_1019 = arith.constant 6 : i32
      %get3A_1020 = arith.index_cast %get3A_1019 : i32 to index
      %get3A_1021 = arith.index_cast %add3A_1018 : i32 to index
      %get3A_1022 = tpu.vector_load %arg5[%get3A_1020, %get3A_1021] {strides = array<i32>} : memref<16x1024xi32, #tpu.memory_space<vmem>>, vector<16xi32>,
      %bitcast3A_1023 = vector.bitcast %get3A_1022 : vector<16xi32> to vector<32xbf16>
      %add3A_1024 = arith.constant 32 : i32
      %add3A_1025 = arith.addi %select_n3A_60, %add3A_1024 : i32
      %get3A_1026 = arith.constant 6 : i32
      %get3A_1027 = arith.index_cast %get3A_1026 : i32 to index
      %get3A_1028 = arith.index_cast %add3A_1025 : i32 to index
      %get3A_1029 = tpu.vector_load %arg5[%get3A_1027, %get3A_1028] {strides = array<i32>} : memref<16x1024xi32, #tpu.memory_space<vmem>>, vector<16xi32>,
      %bitcast3A_1030 = vector.bitcast %get3A_1029 : vector<16xi32> to vector<32xbf16>
      %add3A_1031 = arith.constant 48 : i32
      %add3A_1032 = arith.addi %select_n3A_60, %add3A_1031 : i32
      %get3A_1033 = arith.constant 6 : i32
      %get3A_1034 = arith.index_cast %get3A_1033 : i32 to index
      %get3A_1035 = arith.index_cast %add3A_1032 : i32 to index
      %get3A_1036 = tpu.vector_load %arg5[%get3A_1034, %get3A_1035] {strides = array<i32>} : memref<16x1024xi32, #tpu.memory_space<vmem>>, vector<16xi32>,
      %bitcast3A_1037 = vector.bitcast %get3A_1036 : vector<16xi32> to vector<32xbf16>
      %add3A_1038 = arith.constant 64 : i32
      %add3A_1039 = arith.addi %select_n3A_60, %add3A_1038 : i32
      %get3A_1040 = arith.constant 6 : i32
      %get3A_1041 = arith.index_cast %get3A_1040 : i32 to index
      %get3A_1042 = arith.index_cast %add3A_1039 : i32 to index
      %get3A_1043 = tpu.vector_load %arg5[%get3A_1041, %get3A_1042] {strides = array<i32>} : memref<16x1024xi32, #tpu.memory_space<vmem>>, vector<16xi32>,
      %bitcast3A_1044 = vector.bitcast %get3A_1043 : vector<16xi32> to vector<32xbf16>
      %add3A_1045 = arith.constant 80 : i32
      %add3A_1046 = arith.addi %select_n3A_60, %add3A_1045 : i32
      %get3A_1047 = arith.constant 6 : i32
      %get3A_1048 = arith.index_cast %get3A_1047 : i32 to index
      %get3A_1049 = arith.index_cast %add3A_1046 : i32 to index
      %get3A_1050 = tpu.vector_load %arg5[%get3A_1048, %get3A_1049] {strides = array<i32>} : memref<16x1024xi32, #tpu.memory_space<vmem>>, vector<16xi32>,
      %bitcast3A_1051 = vector.bitcast %get3A_1050 : vector<16xi32> to vector<32xbf16>
      %add3A_1052 = arith.constant 96 : i32
      %add3A_1053 = arith.addi %select_n3A_60, %add3A_1052 : i32
      %get3A_1054 = arith.constant 6 : i32
      %get3A_1055 = arith.index_cast %get3A_1054 : i32 to index
      %get3A_1056 = arith.index_cast %add3A_1053 : i32 to index
      %get3A_1057 = tpu.vector_load %arg5[%get3A_1055, %get3A_1056] {strides = array<i32>} : memref<16x1024xi32, #tpu.memory_space<vmem>>, vector<16xi32>,
      %bitcast3A_1058 = vector.bitcast %get3A_1057 : vector<16xi32> to vector<32xbf16>
      %add3A_1059 = arith.constant 112 : i32
      %add3A_1060 = arith.addi %select_n3A_60, %add3A_1059 : i32
      %get3A_1061 = arith.constant 6 : i32
      %get3A_1062 = arith.index_cast %get3A_1061 : i32 to index
      %get3A_1063 = arith.index_cast %add3A_1060 : i32 to index
      %get3A_1064 = tpu.vector_load %arg5[%get3A_1062, %get3A_1063] {strides = array<i32>} : memref<16x1024xi32, #tpu.memory_space<vmem>>, vector<16xi32>,
      %bitcast3A_1065 = vector.bitcast %get3A_1064 : vector<16xi32> to vector<32xbf16>
      %mul3A_1066 = arith.mulf %bitcast3A_888, %bitcast3A : vector<32xbf16>
      %mul3A_1067 = arith.mulf %bitcast3A_895, %bitcast3A_74 : vector<32xbf16>
      %add3A_1068 = arith.addf %mul3A_1066, %mul3A_1067 : vector<32xbf16>
      %mul3A_1069 = arith.mulf %bitcast3A_902, %bitcast3A_82 : vector<32xbf16>
      %mul3A_1070 = arith.mulf %bitcast3A_909, %bitcast3A_90 : vector<32xbf16>
      %add3A_1071 = arith.addf %mul3A_1069, %mul3A_1070 : vector<32xbf16>
      %add3A_1072 = arith.addf %add3A_1068, %add3A_1071 : vector<32xbf16>
      %mul3A_1073 = arith.mulf %bitcast3A_916, %bitcast3A_98 : vector<32xbf16>
      %mul3A_1074 = arith.mulf %bitcast3A_923, %bitcast3A_106 : vector<32xbf16>
      %add3A_1075 = arith.addf %mul3A_1073, %mul3A_1074 : vector<32xbf16>
      %mul3A_1076 = arith.mulf %bitcast3A_930, %bitcast3A_114 : vector<32xbf16>
      %mul3A_1077 = arith.mulf %bitcast3A_937, %bitcast3A_122 : vector<32xbf16>
      %add3A_1078 = arith.addf %mul3A_1076, %mul3A_1077 : vector<32xbf16>
      %add3A_1079 = arith.addf %add3A_1075, %add3A_1078 : vector<32xbf16>
      %add3A_1080 = arith.addf %add3A_1072, %add3A_1079 : vector<32xbf16>
      %bitcast3A_1081 = vector.bitcast %add3A_1080 : vector<32xbf16> to vector<16xi32>
      %swap3A_1082 = arith.constant 80 : index
      %swap3A_1083 = tpu.vector_load %arg8[%swap3A_1082] {strides = array<i32>} : memref<256xi32, #tpu.memory_space<vmem>>, vector<16xi32>,
      tpu.vector_store %arg8[%swap3A_1082], %bitcast3A_1081 {strides = array<i32>} : memref<256xi32, #tpu.memory_space<vmem>>, vector<16xi32>,
      %mul3A_1084 = arith.mulf %bitcast3A_888, %bitcast3A_130 : vector<32xbf16>
      %mul3A_1085 = arith.mulf %bitcast3A_895, %bitcast3A_138 : vector<32xbf16>
      %add3A_1086 = arith.addf %mul3A_1084, %mul3A_1085 : vector<32xbf16>
      %mul3A_1087 = arith.mulf %bitcast3A_902, %bitcast3A_146 : vector<32xbf16>
      %mul3A_1088 = arith.mulf %bitcast3A_909, %bitcast3A_154 : vector<32xbf16>
      %add3A_1089 = arith.addf %mul3A_1087, %mul3A_1088 : vector<32xbf16>
      %add3A_1090 = arith.addf %add3A_1086, %add3A_1089 : vector<32xbf16>
      %mul3A_1091 = arith.mulf %bitcast3A_916, %bitcast3A_162 : vector<32xbf16>
      %mul3A_1092 = arith.mulf %bitcast3A_923, %bitcast3A_170 : vector<32xbf16>
      %add3A_1093 = arith.addf %mul3A_1091, %mul3A_1092 : vector<32xbf16>
      %mul3A_1094 = arith.mulf %bitcast3A_930, %bitcast3A_178 : vector<32xbf16>
      %mul3A_1095 = arith.mulf %bitcast3A_937, %bitcast3A_186 : vector<32xbf16>
      %add3A_1096 = arith.addf %mul3A_1094, %mul3A_1095 : vector<32xbf16>
      %add3A_1097 = arith.addf %add3A_1093, %add3A_1096 : vector<32xbf16>
      %add3A_1098 = arith.addf %add3A_1090, %add3A_1097 : vector<32xbf16>
      %bitcast3A_1099 = vector.bitcast %add3A_1098 : vector<32xbf16> to vector<16xi32>
      %swap3A_1100 = arith.constant 80 : index
      %swap3A_1101 = tpu.vector_load %arg9[%swap3A_1100] {strides = array<i32>} : memref<256xi32, #tpu.memory_space<vmem>>, vector<16xi32>,
      tpu.vector_store %arg9[%swap3A_1100], %bitcast3A_1099 {strides = array<i32>} : memref<256xi32, #tpu.memory_space<vmem>>, vector<16xi32>,
      %mul3A_1102 = arith.mulf %bitcast3A_888, %bitcast3A_194 : vector<32xbf16>
      %mul3A_1103 = arith.mulf %bitcast3A_895, %bitcast3A_202 : vector<32xbf16>
      %add3A_1104 = arith.addf %mul3A_1102, %mul3A_1103 : vector<32xbf16>
      %mul3A_1105 = arith.mulf %bitcast3A_902, %bitcast3A_210 : vector<32xbf16>
      %mul3A_1106 = arith.mulf %bitcast3A_909, %bitcast3A_218 : vector<32xbf16>
      %add3A_1107 = arith.addf %mul3A_1105, %mul3A_1106 : vector<32xbf16>
      %add3A_1108 = arith.addf %add3A_1104, %add3A_1107 : vector<32xbf16>
      %mul3A_1109 = arith.mulf %bitcast3A_916, %bitcast3A_226 : vector<32xbf16>
      %mul3A_1110 = arith.mulf %bitcast3A_923, %bitcast3A_234 : vector<32xbf16>
      %add3A_1111 = arith.addf %mul3A_1109, %mul3A_1110 : vector<32xbf16>
      %mul3A_1112 = arith.mulf %bitcast3A_930, %bitcast3A_242 : vector<32xbf16>
      %mul3A_1113 = arith.mulf %bitcast3A_937, %bitcast3A_250 : vector<32xbf16>
      %add3A_1114 = arith.addf %mul3A_1112, %mul3A_1113 : vector<32xbf16>
      %add3A_1115 = arith.addf %add3A_1111, %add3A_1114 : vector<32xbf16>
      %add3A_1116 = arith.addf %add3A_1108, %add3A_1115 : vector<32xbf16>
      %bitcast3A_1117 = vector.bitcast %add3A_1116 : vector<32xbf16> to vector<16xi32>
      %swap3A_1118 = arith.constant 80 : index
      %swap3A_1119 = tpu.vector_load %arg10[%swap3A_1118] {strides = array<i32>} : memref<256xi32, #tpu.memory_space<vmem>>, vector<16xi32>,
      tpu.vector_store %arg10[%swap3A_1118], %bitcast3A_1117 {strides = array<i32>} : memref<256xi32, #tpu.memory_space<vmem>>, vector<16xi32>,
      %mul3A_1120 = arith.mulf %bitcast3A_888, %bitcast3A_258 : vector<32xbf16>
      %mul3A_1121 = arith.mulf %bitcast3A_895, %bitcast3A_266 : vector<32xbf16>
      %add3A_1122 = arith.addf %mul3A_1120, %mul3A_1121 : vector<32xbf16>
      %mul3A_1123 = arith.mulf %bitcast3A_902, %bitcast3A_274 : vector<32xbf16>
      %mul3A_1124 = arith.mulf %bitcast3A_909, %bitcast3A_282 : vector<32xbf16>
      %add3A_1125 = arith.addf %mul3A_1123, %mul3A_1124 : vector<32xbf16>
      %add3A_1126 = arith.addf %add3A_1122, %add3A_1125 : vector<32xbf16>
      %mul3A_1127 = arith.mulf %bitcast3A_916, %bitcast3A_290 : vector<32xbf16>
      %mul3A_1128 = arith.mulf %bitcast3A_923, %bitcast3A_298 : vector<32xbf16>
      %add3A_1129 = arith.addf %mul3A_1127, %mul3A_1128 : vector<32xbf16>
      %mul3A_1130 = arith.mulf %bitcast3A_930, %bitcast3A_306 : vector<32xbf16>
      %mul3A_1131 = arith.mulf %bitcast3A_937, %bitcast3A_314 : vector<32xbf16>
      %add3A_1132 = arith.addf %mul3A_1130, %mul3A_1131 : vector<32xbf16>
      %add3A_1133 = arith.addf %add3A_1129, %add3A_1132 : vector<32xbf16>
      %add3A_1134 = arith.addf %add3A_1126, %add3A_1133 : vector<32xbf16>
      %bitcast3A_1135 = vector.bitcast %add3A_1134 : vector<32xbf16> to vector<16xi32>
      %swap3A_1136 = arith.constant 80 : index
      %swap3A_1137 = tpu.vector_load %arg11[%swap3A_1136] {strides = array<i32>} : memref<256xi32, #tpu.memory_space<vmem>>, vector<16xi32>,
      tpu.vector_store %arg11[%swap3A_1136], %bitcast3A_1135 {strides = array<i32>} : memref<256xi32, #tpu.memory_space<vmem>>, vector<16xi32>,
      %add3A_1138 = arith.constant 0 : i32
      %add3A_1139 = arith.addi %select_n3A_60, %add3A_1138 : i32
      %get3A_1140 = arith.constant 7 : i32
      %get3A_1141 = arith.index_cast %get3A_1140 : i32 to index
      %get3A_1142 = arith.index_cast %add3A_1139 : i32 to index
      %get3A_1143 = tpu.vector_load %arg5[%get3A_1141, %get3A_1142] {strides = array<i32>} : memref<16x1024xi32, #tpu.memory_space<vmem>>, vector<16xi32>,
      %bitcast3A_1144 = vector.bitcast %get3A_1143 : vector<16xi32> to vector<32xbf16>
      %add3A_1145 = arith.constant 16 : i32
      %add3A_1146 = arith.addi %select_n3A_60, %add3A_1145 : i32
      %get3A_1147 = arith.constant 7 : i32
      %get3A_1148 = arith.index_cast %get3A_1147 : i32 to index
      %get3A_1149 = arith.index_cast %add3A_1146 : i32 to index
      %get3A_1150 = tpu.vector_load %arg5[%get3A_1148, %get3A_1149] {strides = array<i32>} : memref<16x1024xi32, #tpu.memory_space<vmem>>, vector<16xi32>,
      %bitcast3A_1151 = vector.bitcast %get3A_1150 : vector<16xi32> to vector<32xbf16>
      %add3A_1152 = arith.constant 32 : i32
      %add3A_1153 = arith.addi %select_n3A_60, %add3A_1152 : i32
      %get3A_1154 = arith.constant 7 : i32
      %get3A_1155 = arith.index_cast %get3A_1154 : i32 to index
      %get3A_1156 = arith.index_cast %add3A_1153 : i32 to index
      %get3A_1157 = tpu.vector_load %arg5[%get3A_1155, %get3A_1156] {strides = array<i32>} : memref<16x1024xi32, #tpu.memory_space<vmem>>, vector<16xi32>,
      %bitcast3A_1158 = vector.bitcast %get3A_1157 : vector<16xi32> to vector<32xbf16>
      %add3A_1159 = arith.constant 48 : i32
      %add3A_1160 = arith.addi %select_n3A_60, %add3A_1159 : i32
      %get3A_1161 = arith.constant 7 : i32
      %get3A_1162 = arith.index_cast %get3A_1161 : i32 to index
      %get3A_1163 = arith.index_cast %add3A_1160 : i32 to index
      %get3A_1164 = tpu.vector_load %arg5[%get3A_1162, %get3A_1163] {strides = array<i32>} : memref<16x1024xi32, #tpu.memory_space<vmem>>, vector<16xi32>,
      %bitcast3A_1165 = vector.bitcast %get3A_1164 : vector<16xi32> to vector<32xbf16>
      %add3A_1166 = arith.constant 64 : i32
      %add3A_1167 = arith.addi %select_n3A_60, %add3A_1166 : i32
      %get3A_1168 = arith.constant 7 : i32
      %get3A_1169 = arith.index_cast %get3A_1168 : i32 to index
      %get3A_1170 = arith.index_cast %add3A_1167 : i32 to index
      %get3A_1171 = tpu.vector_load %arg5[%get3A_1169, %get3A_1170] {strides = array<i32>} : memref<16x1024xi32, #tpu.memory_space<vmem>>, vector<16xi32>,
      %bitcast3A_1172 = vector.bitcast %get3A_1171 : vector<16xi32> to vector<32xbf16>
      %add3A_1173 = arith.constant 80 : i32
      %add3A_1174 = arith.addi %select_n3A_60, %add3A_1173 : i32
      %get3A_1175 = arith.constant 7 : i32
      %get3A_1176 = arith.index_cast %get3A_1175 : i32 to index
      %get3A_1177 = arith.index_cast %add3A_1174 : i32 to index
      %get3A_1178 = tpu.vector_load %arg5[%get3A_1176, %get3A_1177] {strides = array<i32>} : memref<16x1024xi32, #tpu.memory_space<vmem>>, vector<16xi32>,
      %bitcast3A_1179 = vector.bitcast %get3A_1178 : vector<16xi32> to vector<32xbf16>
      %add3A_1180 = arith.constant 96 : i32
      %add3A_1181 = arith.addi %select_n3A_60, %add3A_1180 : i32
      %get3A_1182 = arith.constant 7 : i32
      %get3A_1183 = arith.index_cast %get3A_1182 : i32 to index
      %get3A_1184 = arith.index_cast %add3A_1181 : i32 to index
      %get3A_1185 = tpu.vector_load %arg5[%get3A_1183, %get3A_1184] {strides = array<i32>} : memref<16x1024xi32, #tpu.memory_space<vmem>>, vector<16xi32>,
      %bitcast3A_1186 = vector.bitcast %get3A_1185 : vector<16xi32> to vector<32xbf16>
      %add3A_1187 = arith.constant 112 : i32
      %add3A_1188 = arith.addi %select_n3A_60, %add3A_1187 : i32
      %get3A_1189 = arith.constant 7 : i32
      %get3A_1190 = arith.index_cast %get3A_1189 : i32 to index
      %get3A_1191 = arith.index_cast %add3A_1188 : i32 to index
      %get3A_1192 = tpu.vector_load %arg5[%get3A_1190, %get3A_1191] {strides = array<i32>} : memref<16x1024xi32, #tpu.memory_space<vmem>>, vector<16xi32>,
      %bitcast3A_1193 = vector.bitcast %get3A_1192 : vector<16xi32> to vector<32xbf16>
      %mul3A_1194 = arith.mulf %bitcast3A_1016, %bitcast3A : vector<32xbf16>
      %mul3A_1195 = arith.mulf %bitcast3A_1023, %bitcast3A_74 : vector<32xbf16>
      %add3A_1196 = arith.addf %mul3A_1194, %mul3A_1195 : vector<32xbf16>
      %mul3A_1197 = arith.mulf %bitcast3A_1030, %bitcast3A_82 : vector<32xbf16>
      %mul3A_1198 = arith.mulf %bitcast3A_1037, %bitcast3A_90 : vector<32xbf16>
      %add3A_1199 = arith.addf %mul3A_1197, %mul3A_1198 : vector<32xbf16>
      %add3A_1200 = arith.addf %add3A_1196, %add3A_1199 : vector<32xbf16>
      %mul3A_1201 = arith.mulf %bitcast3A_1044, %bitcast3A_98 : vector<32xbf16>
      %mul3A_1202 = arith.mulf %bitcast3A_1051, %bitcast3A_106 : vector<32xbf16>
      %add3A_1203 = arith.addf %mul3A_1201, %mul3A_1202 : vector<32xbf16>
      %mul3A_1204 = arith.mulf %bitcast3A_1058, %bitcast3A_114 : vector<32xbf16>
      %mul3A_1205 = arith.mulf %bitcast3A_1065, %bitcast3A_122 : vector<32xbf16>
      %add3A_1206 = arith.addf %mul3A_1204, %mul3A_1205 : vector<32xbf16>
      %add3A_1207 = arith.addf %add3A_1203, %add3A_1206 : vector<32xbf16>
      %add3A_1208 = arith.addf %add3A_1200, %add3A_1207 : vector<32xbf16>
      %bitcast3A_1209 = vector.bitcast %add3A_1208 : vector<32xbf16> to vector<16xi32>
      %swap3A_1210 = arith.constant 96 : index
      %swap3A_1211 = tpu.vector_load %arg8[%swap3A_1210] {strides = array<i32>} : memref<256xi32, #tpu.memory_space<vmem>>, vector<16xi32>,
      tpu.vector_store %arg8[%swap3A_1210], %bitcast3A_1209 {strides = array<i32>} : memref<256xi32, #tpu.memory_space<vmem>>, vector<16xi32>,
      %mul3A_1212 = arith.mulf %bitcast3A_1016, %bitcast3A_130 : vector<32xbf16>
      %mul3A_1213 = arith.mulf %bitcast3A_1023, %bitcast3A_138 : vector<32xbf16>
      %add3A_1214 = arith.addf %mul3A_1212, %mul3A_1213 : vector<32xbf16>
      %mul3A_1215 = arith.mulf %bitcast3A_1030, %bitcast3A_146 : vector<32xbf16>
      %mul3A_1216 = arith.mulf %bitcast3A_1037, %bitcast3A_154 : vector<32xbf16>
      %add3A_1217 = arith.addf %mul3A_1215, %mul3A_1216 : vector<32xbf16>
      %add3A_1218 = arith.addf %add3A_1214, %add3A_1217 : vector<32xbf16>
      %mul3A_1219 = arith.mulf %bitcast3A_1044, %bitcast3A_162 : vector<32xbf16>
      %mul3A_1220 = arith.mulf %bitcast3A_1051, %bitcast3A_170 : vector<32xbf16>
      %add3A_1221 = arith.addf %mul3A_1219, %mul3A_1220 : vector<32xbf16>
      %mul3A_1222 = arith.mulf %bitcast3A_1058, %bitcast3A_178 : vector<32xbf16>
      %mul3A_1223 = arith.mulf %bitcast3A_1065, %bitcast3A_186 : vector<32xbf16>
      %add3A_1224 = arith.addf %mul3A_1222, %mul3A_1223 : vector<32xbf16>
      %add3A_1225 = arith.addf %add3A_1221, %add3A_1224 : vector<32xbf16>
      %add3A_1226 = arith.addf %add3A_1218, %add3A_1225 : vector<32xbf16>
      %bitcast3A_1227 = vector.bitcast %add3A_1226 : vector<32xbf16> to vector<16xi32>
      %swap3A_1228 = arith.constant 96 : index
      %swap3A_1229 = tpu.vector_load %arg9[%swap3A_1228] {strides = array<i32>} : memref<256xi32, #tpu.memory_space<vmem>>, vector<16xi32>,
      tpu.vector_store %arg9[%swap3A_1228], %bitcast3A_1227 {strides = array<i32>} : memref<256xi32, #tpu.memory_space<vmem>>, vector<16xi32>,
      %mul3A_1230 = arith.mulf %bitcast3A_1016, %bitcast3A_194 : vector<32xbf16>
      %mul3A_1231 = arith.mulf %bitcast3A_1023, %bitcast3A_202 : vector<32xbf16>
      %add3A_1232 = arith.addf %mul3A_1230, %mul3A_1231 : vector<32xbf16>
      %mul3A_1233 = arith.mulf %bitcast3A_1030, %bitcast3A_210 : vector<32xbf16>
      %mul3A_1234 = arith.mulf %bitcast3A_1037, %bitcast3A_218 : vector<32xbf16>
      %add3A_1235 = arith.addf %mul3A_1233, %mul3A_1234 : vector<32xbf16>
      %add3A_1236 = arith.addf %add3A_1232, %add3A_1235 : vector<32xbf16>
      %mul3A_1237 = arith.mulf %bitcast3A_1044, %bitcast3A_226 : vector<32xbf16>
      %mul3A_1238 = arith.mulf %bitcast3A_1051, %bitcast3A_234 : vector<32xbf16>
      %add3A_1239 = arith.addf %mul3A_1237, %mul3A_1238 : vector<32xbf16>
      %mul3A_1240 = arith.mulf %bitcast3A_1058, %bitcast3A_242 : vector<32xbf16>
      %mul3A_1241 = arith.mulf %bitcast3A_1065, %bitcast3A_250 : vector<32xbf16>
      %add3A_1242 = arith.addf %mul3A_1240, %mul3A_1241 : vector<32xbf16>
      %add3A_1243 = arith.addf %add3A_1239, %add3A_1242 : vector<32xbf16>
      %add3A_1244 = arith.addf %add3A_1236, %add3A_1243 : vector<32xbf16>
      %bitcast3A_1245 = vector.bitcast %add3A_1244 : vector<32xbf16> to vector<16xi32>
      %swap3A_1246 = arith.constant 96 : index
      %swap3A_1247 = tpu.vector_load %arg10[%swap3A_1246] {strides = array<i32>} : memref<256xi32, #tpu.memory_space<vmem>>, vector<16xi32>,
      tpu.vector_store %arg10[%swap3A_1246], %bitcast3A_1245 {strides = array<i32>} : memref<256xi32, #tpu.memory_space<vmem>>, vector<16xi32>,
      %mul3A_1248 = arith.mulf %bitcast3A_1016, %bitcast3A_258 : vector<32xbf16>
      %mul3A_1249 = arith.mulf %bitcast3A_1023, %bitcast3A_266 : vector<32xbf16>
      %add3A_1250 = arith.addf %mul3A_1248, %mul3A_1249 : vector<32xbf16>
      %mul3A_1251 = arith.mulf %bitcast3A_1030, %bitcast3A_274 : vector<32xbf16>
      %mul3A_1252 = arith.mulf %bitcast3A_1037, %bitcast3A_282 : vector<32xbf16>
      %add3A_1253 = arith.addf %mul3A_1251, %mul3A_1252 : vector<32xbf16>
      %add3A_1254 = arith.addf %add3A_1250, %add3A_1253 : vector<32xbf16>
      %mul3A_1255 = arith.mulf %bitcast3A_1044, %bitcast3A_290 : vector<32xbf16>
      %mul3A_1256 = arith.mulf %bitcast3A_1051, %bitcast3A_298 : vector<32xbf16>
      %add3A_1257 = arith.addf %mul3A_1255, %mul3A_1256 : vector<32xbf16>
      %mul3A_1258 = arith.mulf %bitcast3A_1058, %bitcast3A_306 : vector<32xbf16>
      %mul3A_1259 = arith.mulf %bitcast3A_1065, %bitcast3A_314 : vector<32xbf16>
      %add3A_1260 = arith.addf %mul3A_1258, %mul3A_1259 : vector<32xbf16>
      %add3A_1261 = arith.addf %add3A_1257, %add3A_1260 : vector<32xbf16>
      %add3A_1262 = arith.addf %add3A_1254, %add3A_1261 : vector<32xbf16>
      %bitcast3A_1263 = vector.bitcast %add3A_1262 : vector<32xbf16> to vector<16xi32>
      %swap3A_1264 = arith.constant 96 : index
      %swap3A_1265 = tpu.vector_load %arg11[%swap3A_1264] {strides = array<i32>} : memref<256xi32, #tpu.memory_space<vmem>>, vector<16xi32>,
      tpu.vector_store %arg11[%swap3A_1264], %bitcast3A_1263 {strides = array<i32>} : memref<256xi32, #tpu.memory_space<vmem>>, vector<16xi32>,
      %add3A_1266 = arith.constant 0 : i32
      %add3A_1267 = arith.addi %select_n3A_60, %add3A_1266 : i32
      %get3A_1268 = arith.constant 8 : i32
      %get3A_1269 = arith.index_cast %get3A_1268 : i32 to index
      %get3A_1270 = arith.index_cast %add3A_1267 : i32 to index
      %get3A_1271 = tpu.vector_load %arg5[%get3A_1269, %get3A_1270] {strides = array<i32>} : memref<16x1024xi32, #tpu.memory_space<vmem>>, vector<16xi32>,
      %bitcast3A_1272 = vector.bitcast %get3A_1271 : vector<16xi32> to vector<32xbf16>
      %add3A_1273 = arith.constant 16 : i32
      %add3A_1274 = arith.addi %select_n3A_60, %add3A_1273 : i32
      %get3A_1275 = arith.constant 8 : i32
      %get3A_1276 = arith.index_cast %get3A_1275 : i32 to index
      %get3A_1277 = arith.index_cast %add3A_1274 : i32 to index
      %get3A_1278 = tpu.vector_load %arg5[%get3A_1276, %get3A_1277] {strides = array<i32>} : memref<16x1024xi32, #tpu.memory_space<vmem>>, vector<16xi32>,
      %bitcast3A_1279 = vector.bitcast %get3A_1278 : vector<16xi32> to vector<32xbf16>
      %add3A_1280 = arith.constant 32 : i32
      %add3A_1281 = arith.addi %select_n3A_60, %add3A_1280 : i32
      %get3A_1282 = arith.constant 8 : i32
      %get3A_1283 = arith.index_cast %get3A_1282 : i32 to index
      %get3A_1284 = arith.index_cast %add3A_1281 : i32 to index
      %get3A_1285 = tpu.vector_load %arg5[%get3A_1283, %get3A_1284] {strides = array<i32>} : memref<16x1024xi32, #tpu.memory_space<vmem>>, vector<16xi32>,
      %bitcast3A_1286 = vector.bitcast %get3A_1285 : vector<16xi32> to vector<32xbf16>
      %add3A_1287 = arith.constant 48 : i32
      %add3A_1288 = arith.addi %select_n3A_60, %add3A_1287 : i32
      %get3A_1289 = arith.constant 8 : i32
      %get3A_1290 = arith.index_cast %get3A_1289 : i32 to index
      %get3A_1291 = arith.index_cast %add3A_1288 : i32 to index
      %get3A_1292 = tpu.vector_load %arg5[%get3A_1290, %get3A_1291] {strides = array<i32>} : memref<16x1024xi32, #tpu.memory_space<vmem>>, vector<16xi32>,
      %bitcast3A_1293 = vector.bitcast %get3A_1292 : vector<16xi32> to vector<32xbf16>
      %add3A_1294 = arith.constant 64 : i32
      %add3A_1295 = arith.addi %select_n3A_60, %add3A_1294 : i32
      %get3A_1296 = arith.constant 8 : i32
      %get3A_1297 = arith.index_cast %get3A_1296 : i32 to index
      %get3A_1298 = arith.index_cast %add3A_1295 : i32 to index
      %get3A_1299 = tpu.vector_load %arg5[%get3A_1297, %get3A_1298] {strides = array<i32>} : memref<16x1024xi32, #tpu.memory_space<vmem>>, vector<16xi32>,
      %bitcast3A_1300 = vector.bitcast %get3A_1299 : vector<16xi32> to vector<32xbf16>
      %add3A_1301 = arith.constant 80 : i32
      %add3A_1302 = arith.addi %select_n3A_60, %add3A_1301 : i32
      %get3A_1303 = arith.constant 8 : i32
      %get3A_1304 = arith.index_cast %get3A_1303 : i32 to index
      %get3A_1305 = arith.index_cast %add3A_1302 : i32 to index
      %get3A_1306 = tpu.vector_load %arg5[%get3A_1304, %get3A_1305] {strides = array<i32>} : memref<16x1024xi32, #tpu.memory_space<vmem>>, vector<16xi32>,
      %bitcast3A_1307 = vector.bitcast %get3A_1306 : vector<16xi32> to vector<32xbf16>
      %add3A_1308 = arith.constant 96 : i32
      %add3A_1309 = arith.addi %select_n3A_60, %add3A_1308 : i32
      %get3A_1310 = arith.constant 8 : i32
      %get3A_1311 = arith.index_cast %get3A_1310 : i32 to index
      %get3A_1312 = arith.index_cast %add3A_1309 : i32 to index
      %get3A_1313 = tpu.vector_load %arg5[%get3A_1311, %get3A_1312] {strides = array<i32>} : memref<16x1024xi32, #tpu.memory_space<vmem>>, vector<16xi32>,
      %bitcast3A_1314 = vector.bitcast %get3A_1313 : vector<16xi32> to vector<32xbf16>
      %add3A_1315 = arith.constant 112 : i32
      %add3A_1316 = arith.addi %select_n3A_60, %add3A_1315 : i32
      %get3A_1317 = arith.constant 8 : i32
      %get3A_1318 = arith.index_cast %get3A_1317 : i32 to index
      %get3A_1319 = arith.index_cast %add3A_1316 : i32 to index
      %get3A_1320 = tpu.vector_load %arg5[%get3A_1318, %get3A_1319] {strides = array<i32>} : memref<16x1024xi32, #tpu.memory_space<vmem>>, vector<16xi32>,
      %bitcast3A_1321 = vector.bitcast %get3A_1320 : vector<16xi32> to vector<32xbf16>
      %mul3A_1322 = arith.mulf %bitcast3A_1144, %bitcast3A : vector<32xbf16>
      %mul3A_1323 = arith.mulf %bitcast3A_1151, %bitcast3A_74 : vector<32xbf16>
      %add3A_1324 = arith.addf %mul3A_1322, %mul3A_1323 : vector<32xbf16>
      %mul3A_1325 = arith.mulf %bitcast3A_1158, %bitcast3A_82 : vector<32xbf16>
      %mul3A_1326 = arith.mulf %bitcast3A_1165, %bitcast3A_90 : vector<32xbf16>
      %add3A_1327 = arith.addf %mul3A_1325, %mul3A_1326 : vector<32xbf16>
      %add3A_1328 = arith.addf %add3A_1324, %add3A_1327 : vector<32xbf16>
      %mul3A_1329 = arith.mulf %bitcast3A_1172, %bitcast3A_98 : vector<32xbf16>
      %mul3A_1330 = arith.mulf %bitcast3A_1179, %bitcast3A_106 : vector<32xbf16>
      %add3A_1331 = arith.addf %mul3A_1329, %mul3A_1330 : vector<32xbf16>
      %mul3A_1332 = arith.mulf %bitcast3A_1186, %bitcast3A_114 : vector<32xbf16>
      %mul3A_1333 = arith.mulf %bitcast3A_1193, %bitcast3A_122 : vector<32xbf16>
      %add3A_1334 = arith.addf %mul3A_1332, %mul3A_1333 : vector<32xbf16>
      %add3A_1335 = arith.addf %add3A_1331, %add3A_1334 : vector<32xbf16>
      %add3A_1336 = arith.addf %add3A_1328, %add3A_1335 : vector<32xbf16>
      %bitcast3A_1337 = vector.bitcast %add3A_1336 : vector<32xbf16> to vector<16xi32>
      %swap3A_1338 = arith.constant 112 : index
      %swap3A_1339 = tpu.vector_load %arg8[%swap3A_1338] {strides = array<i32>} : memref<256xi32, #tpu.memory_space<vmem>>, vector<16xi32>,
      tpu.vector_store %arg8[%swap3A_1338], %bitcast3A_1337 {strides = array<i32>} : memref<256xi32, #tpu.memory_space<vmem>>, vector<16xi32>,
      %mul3A_1340 = arith.mulf %bitcast3A_1144, %bitcast3A_130 : vector<32xbf16>
      %mul3A_1341 = arith.mulf %bitcast3A_1151, %bitcast3A_138 : vector<32xbf16>
      %add3A_1342 = arith.addf %mul3A_1340, %mul3A_1341 : vector<32xbf16>
      %mul3A_1343 = arith.mulf %bitcast3A_1158, %bitcast3A_146 : vector<32xbf16>
      %mul3A_1344 = arith.mulf %bitcast3A_1165, %bitcast3A_154 : vector<32xbf16>
      %add3A_1345 = arith.addf %mul3A_1343, %mul3A_1344 : vector<32xbf16>
      %add3A_1346 = arith.addf %add3A_1342, %add3A_1345 : vector<32xbf16>
      %mul3A_1347 = arith.mulf %bitcast3A_1172, %bitcast3A_162 : vector<32xbf16>
      %mul3A_1348 = arith.mulf %bitcast3A_1179, %bitcast3A_170 : vector<32xbf16>
      %add3A_1349 = arith.addf %mul3A_1347, %mul3A_1348 : vector<32xbf16>
      %mul3A_1350 = arith.mulf %bitcast3A_1186, %bitcast3A_178 : vector<32xbf16>
      %mul3A_1351 = arith.mulf %bitcast3A_1193, %bitcast3A_186 : vector<32xbf16>
      %add3A_1352 = arith.addf %mul3A_1350, %mul3A_1351 : vector<32xbf16>
      %add3A_1353 = arith.addf %add3A_1349, %add3A_1352 : vector<32xbf16>
      %add3A_1354 = arith.addf %add3A_1346, %add3A_1353 : vector<32xbf16>
      %bitcast3A_1355 = vector.bitcast %add3A_1354 : vector<32xbf16> to vector<16xi32>
      %swap3A_1356 = arith.constant 112 : index
      %swap3A_1357 = tpu.vector_load %arg9[%swap3A_1356] {strides = array<i32>} : memref<256xi32, #tpu.memory_space<vmem>>, vector<16xi32>,
      tpu.vector_store %arg9[%swap3A_1356], %bitcast3A_1355 {strides = array<i32>} : memref<256xi32, #tpu.memory_space<vmem>>, vector<16xi32>,
      %mul3A_1358 = arith.mulf %bitcast3A_1144, %bitcast3A_194 : vector<32xbf16>
      %mul3A_1359 = arith.mulf %bitcast3A_1151, %bitcast3A_202 : vector<32xbf16>
      %add3A_1360 = arith.addf %mul3A_1358, %mul3A_1359 : vector<32xbf16>
      %mul3A_1361 = arith.mulf %bitcast3A_1158, %bitcast3A_210 : vector<32xbf16>
      %mul3A_1362 = arith.mulf %bitcast3A_1165, %bitcast3A_218 : vector<32xbf16>
      %add3A_1363 = arith.addf %mul3A_1361, %mul3A_1362 : vector<32xbf16>
      %add3A_1364 = arith.addf %add3A_1360, %add3A_1363 : vector<32xbf16>
      %mul3A_1365 = arith.mulf %bitcast3A_1172, %bitcast3A_226 : vector<32xbf16>
      %mul3A_1366 = arith.mulf %bitcast3A_1179, %bitcast3A_234 : vector<32xbf16>
      %add3A_1367 = arith.addf %mul3A_1365, %mul3A_1366 : vector<32xbf16>
      %mul3A_1368 = arith.mulf %bitcast3A_1186, %bitcast3A_242 : vector<32xbf16>
      %mul3A_1369 = arith.mulf %bitcast3A_1193, %bitcast3A_250 : vector<32xbf16>
      %add3A_1370 = arith.addf %mul3A_1368, %mul3A_1369 : vector<32xbf16>
      %add3A_1371 = arith.addf %add3A_1367, %add3A_1370 : vector<32xbf16>
      %add3A_1372 = arith.addf %add3A_1364, %add3A_1371 : vector<32xbf16>
      %bitcast3A_1373 = vector.bitcast %add3A_1372 : vector<32xbf16> to vector<16xi32>
      %swap3A_1374 = arith.constant 112 : index
      %swap3A_1375 = tpu.vector_load %arg10[%swap3A_1374] {strides = array<i32>} : memref<256xi32, #tpu.memory_space<vmem>>, vector<16xi32>,
      tpu.vector_store %arg10[%swap3A_1374], %bitcast3A_1373 {strides = array<i32>} : memref<256xi32, #tpu.memory_space<vmem>>, vector<16xi32>,
      %mul3A_1376 = arith.mulf %bitcast3A_1144, %bitcast3A_258 : vector<32xbf16>
      %mul3A_1377 = arith.mulf %bitcast3A_1151, %bitcast3A_266 : vector<32xbf16>
      %add3A_1378 = arith.addf %mul3A_1376, %mul3A_1377 : vector<32xbf16>
      %mul3A_1379 = arith.mulf %bitcast3A_1158, %bitcast3A_274 : vector<32xbf16>
      %mul3A_1380 = arith.mulf %bitcast3A_1165, %bitcast3A_282 : vector<32xbf16>
      %add3A_1381 = arith.addf %mul3A_1379, %mul3A_1380 : vector<32xbf16>
      %add3A_1382 = arith.addf %add3A_1378, %add3A_1381 : vector<32xbf16>
      %mul3A_1383 = arith.mulf %bitcast3A_1172, %bitcast3A_290 : vector<32xbf16>
      %mul3A_1384 = arith.mulf %bitcast3A_1179, %bitcast3A_298 : vector<32xbf16>
      %add3A_1385 = arith.addf %mul3A_1383, %mul3A_1384 : vector<32xbf16>
      %mul3A_1386 = arith.mulf %bitcast3A_1186, %bitcast3A_306 : vector<32xbf16>
      %mul3A_1387 = arith.mulf %bitcast3A_1193, %bitcast3A_314 : vector<32xbf16>
      %add3A_1388 = arith.addf %mul3A_1386, %mul3A_1387 : vector<32xbf16>
      %add3A_1389 = arith.addf %add3A_1385, %add3A_1388 : vector<32xbf16>
      %add3A_1390 = arith.addf %add3A_1382, %add3A_1389 : vector<32xbf16>
      %bitcast3A_1391 = vector.bitcast %add3A_1390 : vector<32xbf16> to vector<16xi32>
      %swap3A_1392 = arith.constant 112 : index
      %swap3A_1393 = tpu.vector_load %arg11[%swap3A_1392] {strides = array<i32>} : memref<256xi32, #tpu.memory_space<vmem>>, vector<16xi32>,
      tpu.vector_store %arg11[%swap3A_1392], %bitcast3A_1391 {strides = array<i32>} : memref<256xi32, #tpu.memory_space<vmem>>, vector<16xi32>,
      %add3A_1394 = arith.constant 0 : i32
      %add3A_1395 = arith.addi %select_n3A_60, %add3A_1394 : i32
      %get3A_1396 = arith.constant 9 : i32
      %get3A_1397 = arith.index_cast %get3A_1396 : i32 to index
      %get3A_1398 = arith.index_cast %add3A_1395 : i32 to index
      %get3A_1399 = tpu.vector_load %arg5[%get3A_1397, %get3A_1398] {strides = array<i32>} : memref<16x1024xi32, #tpu.memory_space<vmem>>, vector<16xi32>,
      %bitcast3A_1400 = vector.bitcast %get3A_1399 : vector<16xi32> to vector<32xbf16>
      %add3A_1401 = arith.constant 16 : i32
      %add3A_1402 = arith.addi %select_n3A_60, %add3A_1401 : i32
      %get3A_1403 = arith.constant 9 : i32
      %get3A_1404 = arith.index_cast %get3A_1403 : i32 to index
      %get3A_1405 = arith.index_cast %add3A_1402 : i32 to index
      %get3A_1406 = tpu.vector_load %arg5[%get3A_1404, %get3A_1405] {strides = array<i32>} : memref<16x1024xi32, #tpu.memory_space<vmem>>, vector<16xi32>,
      %bitcast3A_1407 = vector.bitcast %get3A_1406 : vector<16xi32> to vector<32xbf16>
      %add3A_1408 = arith.constant 32 : i32
      %add3A_1409 = arith.addi %select_n3A_60, %add3A_1408 : i32
      %get3A_1410 = arith.constant 9 : i32
      %get3A_1411 = arith.index_cast %get3A_1410 : i32 to index
      %get3A_1412 = arith.index_cast %add3A_1409 : i32 to index
      %get3A_1413 = tpu.vector_load %arg5[%get3A_1411, %get3A_1412] {strides = array<i32>} : memref<16x1024xi32, #tpu.memory_space<vmem>>, vector<16xi32>,
      %bitcast3A_1414 = vector.bitcast %get3A_1413 : vector<16xi32> to vector<32xbf16>
      %add3A_1415 = arith.constant 48 : i32
      %add3A_1416 = arith.addi %select_n3A_60, %add3A_1415 : i32
      %get3A_1417 = arith.constant 9 : i32
      %get3A_1418 = arith.index_cast %get3A_1417 : i32 to index
      %get3A_1419 = arith.index_cast %add3A_1416 : i32 to index
      %get3A_1420 = tpu.vector_load %arg5[%get3A_1418, %get3A_1419] {strides = array<i32>} : memref<16x1024xi32, #tpu.memory_space<vmem>>, vector<16xi32>,
      %bitcast3A_1421 = vector.bitcast %get3A_1420 : vector<16xi32> to vector<32xbf16>
      %add3A_1422 = arith.constant 64 : i32
      %add3A_1423 = arith.addi %select_n3A_60, %add3A_1422 : i32
      %get3A_1424 = arith.constant 9 : i32
      %get3A_1425 = arith.index_cast %get3A_1424 : i32 to index
      %get3A_1426 = arith.index_cast %add3A_1423 : i32 to index
      %get3A_1427 = tpu.vector_load %arg5[%get3A_1425, %get3A_1426] {strides = array<i32>} : memref<16x1024xi32, #tpu.memory_space<vmem>>, vector<16xi32>,
      %bitcast3A_1428 = vector.bitcast %get3A_1427 : vector<16xi32> to vector<32xbf16>
      %add3A_1429 = arith.constant 80 : i32
      %add3A_1430 = arith.addi %select_n3A_60, %add3A_1429 : i32
      %get3A_1431 = arith.constant 9 : i32
      %get3A_1432 = arith.index_cast %get3A_1431 : i32 to index
      %get3A_1433 = arith.index_cast %add3A_1430 : i32 to index
      %get3A_1434 = tpu.vector_load %arg5[%get3A_1432, %get3A_1433] {strides = array<i32>} : memref<16x1024xi32, #tpu.memory_space<vmem>>, vector<16xi32>,
      %bitcast3A_1435 = vector.bitcast %get3A_1434 : vector<16xi32> to vector<32xbf16>
      %add3A_1436 = arith.constant 96 : i32
      %add3A_1437 = arith.addi %select_n3A_60, %add3A_1436 : i32
      %get3A_1438 = arith.constant 9 : i32
      %get3A_1439 = arith.index_cast %get3A_1438 : i32 to index
      %get3A_1440 = arith.index_cast %add3A_1437 : i32 to index
      %get3A_1441 = tpu.vector_load %arg5[%get3A_1439, %get3A_1440] {strides = array<i32>} : memref<16x1024xi32, #tpu.memory_space<vmem>>, vector<16xi32>,
      %bitcast3A_1442 = vector.bitcast %get3A_1441 : vector<16xi32> to vector<32xbf16>
      %add3A_1443 = arith.constant 112 : i32
      %add3A_1444 = arith.addi %select_n3A_60, %add3A_1443 : i32
      %get3A_1445 = arith.constant 9 : i32
      %get3A_1446 = arith.index_cast %get3A_1445 : i32 to index
      %get3A_1447 = arith.index_cast %add3A_1444 : i32 to index
      %get3A_1448 = tpu.vector_load %arg5[%get3A_1446, %get3A_1447] {strides = array<i32>} : memref<16x1024xi32, #tpu.memory_space<vmem>>, vector<16xi32>,
      %bitcast3A_1449 = vector.bitcast %get3A_1448 : vector<16xi32> to vector<32xbf16>
      %mul3A_1450 = arith.mulf %bitcast3A_1272, %bitcast3A : vector<32xbf16>
      %mul3A_1451 = arith.mulf %bitcast3A_1279, %bitcast3A_74 : vector<32xbf16>
      %add3A_1452 = arith.addf %mul3A_1450, %mul3A_1451 : vector<32xbf16>
      %mul3A_1453 = arith.mulf %bitcast3A_1286, %bitcast3A_82 : vector<32xbf16>
      %mul3A_1454 = arith.mulf %bitcast3A_1293, %bitcast3A_90 : vector<32xbf16>
      %add3A_1455 = arith.addf %mul3A_1453, %mul3A_1454 : vector<32xbf16>
      %add3A_1456 = arith.addf %add3A_1452, %add3A_1455 : vector<32xbf16>
      %mul3A_1457 = arith.mulf %bitcast3A_1300, %bitcast3A_98 : vector<32xbf16>
      %mul3A_1458 = arith.mulf %bitcast3A_1307, %bitcast3A_106 : vector<32xbf16>
      %add3A_1459 = arith.addf %mul3A_1457, %mul3A_1458 : vector<32xbf16>
      %mul3A_1460 = arith.mulf %bitcast3A_1314, %bitcast3A_114 : vector<32xbf16>
      %mul3A_1461 = arith.mulf %bitcast3A_1321, %bitcast3A_122 : vector<32xbf16>
      %add3A_1462 = arith.addf %mul3A_1460, %mul3A_1461 : vector<32xbf16>
      %add3A_1463 = arith.addf %add3A_1459, %add3A_1462 : vector<32xbf16>
      %add3A_1464 = arith.addf %add3A_1456, %add3A_1463 : vector<32xbf16>
      %bitcast3A_1465 = vector.bitcast %add3A_1464 : vector<32xbf16> to vector<16xi32>
      %swap3A_1466 = arith.constant 128 : index
      %swap3A_1467 = tpu.vector_load %arg8[%swap3A_1466] {strides = array<i32>} : memref<256xi32, #tpu.memory_space<vmem>>, vector<16xi32>,
      tpu.vector_store %arg8[%swap3A_1466], %bitcast3A_1465 {strides = array<i32>} : memref<256xi32, #tpu.memory_space<vmem>>, vector<16xi32>,
      %mul3A_1468 = arith.mulf %bitcast3A_1272, %bitcast3A_130 : vector<32xbf16>
      %mul3A_1469 = arith.mulf %bitcast3A_1279, %bitcast3A_138 : vector<32xbf16>
      %add3A_1470 = arith.addf %mul3A_1468, %mul3A_1469 : vector<32xbf16>
      %mul3A_1471 = arith.mulf %bitcast3A_1286, %bitcast3A_146 : vector<32xbf16>
      %mul3A_1472 = arith.mulf %bitcast3A_1293, %bitcast3A_154 : vector<32xbf16>
      %add3A_1473 = arith.addf %mul3A_1471, %mul3A_1472 : vector<32xbf16>
      %add3A_1474 = arith.addf %add3A_1470, %add3A_1473 : vector<32xbf16>
      %mul3A_1475 = arith.mulf %bitcast3A_1300, %bitcast3A_162 : vector<32xbf16>
      %mul3A_1476 = arith.mulf %bitcast3A_1307, %bitcast3A_170 : vector<32xbf16>
      %add3A_1477 = arith.addf %mul3A_1475, %mul3A_1476 : vector<32xbf16>
      %mul3A_1478 = arith.mulf %bitcast3A_1314, %bitcast3A_178 : vector<32xbf16>
      %mul3A_1479 = arith.mulf %bitcast3A_1321, %bitcast3A_186 : vector<32xbf16>
      %add3A_1480 = arith.addf %mul3A_1478, %mul3A_1479 : vector<32xbf16>
      %add3A_1481 = arith.addf %add3A_1477, %add3A_1480 : vector<32xbf16>
      %add3A_1482 = arith.addf %add3A_1474, %add3A_1481 : vector<32xbf16>
      %bitcast3A_1483 = vector.bitcast %add3A_1482 : vector<32xbf16> to vector<16xi32>
      %swap3A_1484 = arith.constant 128 : index
      %swap3A_1485 = tpu.vector_load %arg9[%swap3A_1484] {strides = array<i32>} : memref<256xi32, #tpu.memory_space<vmem>>, vector<16xi32>,
      tpu.vector_store %arg9[%swap3A_1484], %bitcast3A_1483 {strides = array<i32>} : memref<256xi32, #tpu.memory_space<vmem>>, vector<16xi32>,
      %mul3A_1486 = arith.mulf %bitcast3A_1272, %bitcast3A_194 : vector<32xbf16>
      %mul3A_1487 = arith.mulf %bitcast3A_1279, %bitcast3A_202 : vector<32xbf16>
      %add3A_1488 = arith.addf %mul3A_1486, %mul3A_1487 : vector<32xbf16>
      %mul3A_1489 = arith.mulf %bitcast3A_1286, %bitcast3A_210 : vector<32xbf16>
      %mul3A_1490 = arith.mulf %bitcast3A_1293, %bitcast3A_218 : vector<32xbf16>
      %add3A_1491 = arith.addf %mul3A_1489, %mul3A_1490 : vector<32xbf16>
      %add3A_1492 = arith.addf %add3A_1488, %add3A_1491 : vector<32xbf16>
      %mul3A_1493 = arith.mulf %bitcast3A_1300, %bitcast3A_226 : vector<32xbf16>
      %mul3A_1494 = arith.mulf %bitcast3A_1307, %bitcast3A_234 : vector<32xbf16>
      %add3A_1495 = arith.addf %mul3A_1493, %mul3A_1494 : vector<32xbf16>
      %mul3A_1496 = arith.mulf %bitcast3A_1314, %bitcast3A_242 : vector<32xbf16>
      %mul3A_1497 = arith.mulf %bitcast3A_1321, %bitcast3A_250 : vector<32xbf16>
      %add3A_1498 = arith.addf %mul3A_1496, %mul3A_1497 : vector<32xbf16>
      %add3A_1499 = arith.addf %add3A_1495, %add3A_1498 : vector<32xbf16>
      %add3A_1500 = arith.addf %add3A_1492, %add3A_1499 : vector<32xbf16>
      %bitcast3A_1501 = vector.bitcast %add3A_1500 : vector<32xbf16> to vector<16xi32>
      %swap3A_1502 = arith.constant 128 : index
      %swap3A_1503 = tpu.vector_load %arg10[%swap3A_1502] {strides = array<i32>} : memref<256xi32, #tpu.memory_space<vmem>>, vector<16xi32>,
      tpu.vector_store %arg10[%swap3A_1502], %bitcast3A_1501 {strides = array<i32>} : memref<256xi32, #tpu.memory_space<vmem>>, vector<16xi32>,
      %mul3A_1504 = arith.mulf %bitcast3A_1272, %bitcast3A_258 : vector<32xbf16>
      %mul3A_1505 = arith.mulf %bitcast3A_1279, %bitcast3A_266 : vector<32xbf16>
      %add3A_1506 = arith.addf %mul3A_1504, %mul3A_1505 : vector<32xbf16>
      %mul3A_1507 = arith.mulf %bitcast3A_1286, %bitcast3A_274 : vector<32xbf16>
      %mul3A_1508 = arith.mulf %bitcast3A_1293, %bitcast3A_282 : vector<32xbf16>
      %add3A_1509 = arith.addf %mul3A_1507, %mul3A_1508 : vector<32xbf16>
      %add3A_1510 = arith.addf %add3A_1506, %add3A_1509 : vector<32xbf16>
      %mul3A_1511 = arith.mulf %bitcast3A_1300, %bitcast3A_290 : vector<32xbf16>
      %mul3A_1512 = arith.mulf %bitcast3A_1307, %bitcast3A_298 : vector<32xbf16>
      %add3A_1513 = arith.addf %mul3A_1511, %mul3A_1512 : vector<32xbf16>
      %mul3A_1514 = arith.mulf %bitcast3A_1314, %bitcast3A_306 : vector<32xbf16>
      %mul3A_1515 = arith.mulf %bitcast3A_1321, %bitcast3A_314 : vector<32xbf16>
      %add3A_1516 = arith.addf %mul3A_1514, %mul3A_1515 : vector<32xbf16>
      %add3A_1517 = arith.addf %add3A_1513, %add3A_1516 : vector<32xbf16>
      %add3A_1518 = arith.addf %add3A_1510, %add3A_1517 : vector<32xbf16>
      %bitcast3A_1519 = vector.bitcast %add3A_1518 : vector<32xbf16> to vector<16xi32>
      %swap3A_1520 = arith.constant 128 : index
      %swap3A_1521 = tpu.vector_load %arg11[%swap3A_1520] {strides = array<i32>} : memref<256xi32, #tpu.memory_space<vmem>>, vector<16xi32>,
      tpu.vector_store %arg11[%swap3A_1520], %bitcast3A_1519 {strides = array<i32>} : memref<256xi32, #tpu.memory_space<vmem>>, vector<16xi32>,
      %add3A_1522 = arith.constant 0 : i32
      %add3A_1523 = arith.addi %select_n3A_60, %add3A_1522 : i32
      %get3A_1524 = arith.constant 10 : i32
      %get3A_1525 = arith.index_cast %get3A_1524 : i32 to index
      %get3A_1526 = arith.index_cast %add3A_1523 : i32 to index
      %get3A_1527 = tpu.vector_load %arg5[%get3A_1525, %get3A_1526] {strides = array<i32>} : memref<16x1024xi32, #tpu.memory_space<vmem>>, vector<16xi32>,
      %bitcast3A_1528 = vector.bitcast %get3A_1527 : vector<16xi32> to vector<32xbf16>
      %add3A_1529 = arith.constant 16 : i32
      %add3A_1530 = arith.addi %select_n3A_60, %add3A_1529 : i32
      %get3A_1531 = arith.constant 10 : i32
      %get3A_1532 = arith.index_cast %get3A_1531 : i32 to index
      %get3A_1533 = arith.index_cast %add3A_1530 : i32 to index
      %get3A_1534 = tpu.vector_load %arg5[%get3A_1532, %get3A_1533] {strides = array<i32>} : memref<16x1024xi32, #tpu.memory_space<vmem>>, vector<16xi32>,
      %bitcast3A_1535 = vector.bitcast %get3A_1534 : vector<16xi32> to vector<32xbf16>
      %add3A_1536 = arith.constant 32 : i32
      %add3A_1537 = arith.addi %select_n3A_60, %add3A_1536 : i32
      %get3A_1538 = arith.constant 10 : i32
      %get3A_1539 = arith.index_cast %get3A_1538 : i32 to index
      %get3A_1540 = arith.index_cast %add3A_1537 : i32 to index
      %get3A_1541 = tpu.vector_load %arg5[%get3A_1539, %get3A_1540] {strides = array<i32>} : memref<16x1024xi32, #tpu.memory_space<vmem>>, vector<16xi32>,
      %bitcast3A_1542 = vector.bitcast %get3A_1541 : vector<16xi32> to vector<32xbf16>
      %add3A_1543 = arith.constant 48 : i32
      %add3A_1544 = arith.addi %select_n3A_60, %add3A_1543 : i32
      %get3A_1545 = arith.constant 10 : i32
      %get3A_1546 = arith.index_cast %get3A_1545 : i32 to index
      %get3A_1547 = arith.index_cast %add3A_1544 : i32 to index
      %get3A_1548 = tpu.vector_load %arg5[%get3A_1546, %get3A_1547] {strides = array<i32>} : memref<16x1024xi32, #tpu.memory_space<vmem>>, vector<16xi32>,
      %bitcast3A_1549 = vector.bitcast %get3A_1548 : vector<16xi32> to vector<32xbf16>
      %add3A_1550 = arith.constant 64 : i32
      %add3A_1551 = arith.addi %select_n3A_60, %add3A_1550 : i32
      %get3A_1552 = arith.constant 10 : i32
      %get3A_1553 = arith.index_cast %get3A_1552 : i32 to index
      %get3A_1554 = arith.index_cast %add3A_1551 : i32 to index
      %get3A_1555 = tpu.vector_load %arg5[%get3A_1553, %get3A_1554] {strides = array<i32>} : memref<16x1024xi32, #tpu.memory_space<vmem>>, vector<16xi32>,
      %bitcast3A_1556 = vector.bitcast %get3A_1555 : vector<16xi32> to vector<32xbf16>
      %add3A_1557 = arith.constant 80 : i32
      %add3A_1558 = arith.addi %select_n3A_60, %add3A_1557 : i32
      %get3A_1559 = arith.constant 10 : i32
      %get3A_1560 = arith.index_cast %get3A_1559 : i32 to index
      %get3A_1561 = arith.index_cast %add3A_1558 : i32 to index
      %get3A_1562 = tpu.vector_load %arg5[%get3A_1560, %get3A_1561] {strides = array<i32>} : memref<16x1024xi32, #tpu.memory_space<vmem>>, vector<16xi32>,
      %bitcast3A_1563 = vector.bitcast %get3A_1562 : vector<16xi32> to vector<32xbf16>
      %add3A_1564 = arith.constant 96 : i32
      %add3A_1565 = arith.addi %select_n3A_60, %add3A_1564 : i32
      %get3A_1566 = arith.constant 10 : i32
      %get3A_1567 = arith.index_cast %get3A_1566 : i32 to index
      %get3A_1568 = arith.index_cast %add3A_1565 : i32 to index
      %get3A_1569 = tpu.vector_load %arg5[%get3A_1567, %get3A_1568] {strides = array<i32>} : memref<16x1024xi32, #tpu.memory_space<vmem>>, vector<16xi32>,
      %bitcast3A_1570 = vector.bitcast %get3A_1569 : vector<16xi32> to vector<32xbf16>
      %add3A_1571 = arith.constant 112 : i32
      %add3A_1572 = arith.addi %select_n3A_60, %add3A_1571 : i32
      %get3A_1573 = arith.constant 10 : i32
      %get3A_1574 = arith.index_cast %get3A_1573 : i32 to index
      %get3A_1575 = arith.index_cast %add3A_1572 : i32 to index
      %get3A_1576 = tpu.vector_load %arg5[%get3A_1574, %get3A_1575] {strides = array<i32>} : memref<16x1024xi32, #tpu.memory_space<vmem>>, vector<16xi32>,
      %bitcast3A_1577 = vector.bitcast %get3A_1576 : vector<16xi32> to vector<32xbf16>
      %mul3A_1578 = arith.mulf %bitcast3A_1400, %bitcast3A : vector<32xbf16>
      %mul3A_1579 = arith.mulf %bitcast3A_1407, %bitcast3A_74 : vector<32xbf16>
      %add3A_1580 = arith.addf %mul3A_1578, %mul3A_1579 : vector<32xbf16>
      %mul3A_1581 = arith.mulf %bitcast3A_1414, %bitcast3A_82 : vector<32xbf16>
      %mul3A_1582 = arith.mulf %bitcast3A_1421, %bitcast3A_90 : vector<32xbf16>
      %add3A_1583 = arith.addf %mul3A_1581, %mul3A_1582 : vector<32xbf16>
      %add3A_1584 = arith.addf %add3A_1580, %add3A_1583 : vector<32xbf16>
      %mul3A_1585 = arith.mulf %bitcast3A_1428, %bitcast3A_98 : vector<32xbf16>
      %mul3A_1586 = arith.mulf %bitcast3A_1435, %bitcast3A_106 : vector<32xbf16>
      %add3A_1587 = arith.addf %mul3A_1585, %mul3A_1586 : vector<32xbf16>
      %mul3A_1588 = arith.mulf %bitcast3A_1442, %bitcast3A_114 : vector<32xbf16>
      %mul3A_1589 = arith.mulf %bitcast3A_1449, %bitcast3A_122 : vector<32xbf16>
      %add3A_1590 = arith.addf %mul3A_1588, %mul3A_1589 : vector<32xbf16>
      %add3A_1591 = arith.addf %add3A_1587, %add3A_1590 : vector<32xbf16>
      %add3A_1592 = arith.addf %add3A_1584, %add3A_1591 : vector<32xbf16>
      %bitcast3A_1593 = vector.bitcast %add3A_1592 : vector<32xbf16> to vector<16xi32>
      %swap3A_1594 = arith.constant 144 : index
      %swap3A_1595 = tpu.vector_load %arg8[%swap3A_1594] {strides = array<i32>} : memref<256xi32, #tpu.memory_space<vmem>>, vector<16xi32>,
      tpu.vector_store %arg8[%swap3A_1594], %bitcast3A_1593 {strides = array<i32>} : memref<256xi32, #tpu.memory_space<vmem>>, vector<16xi32>,
      %mul3A_1596 = arith.mulf %bitcast3A_1400, %bitcast3A_130 : vector<32xbf16>
      %mul3A_1597 = arith.mulf %bitcast3A_1407, %bitcast3A_138 : vector<32xbf16>
      %add3A_1598 = arith.addf %mul3A_1596, %mul3A_1597 : vector<32xbf16>
      %mul3A_1599 = arith.mulf %bitcast3A_1414, %bitcast3A_146 : vector<32xbf16>
      %mul3A_1600 = arith.mulf %bitcast3A_1421, %bitcast3A_154 : vector<32xbf16>
      %add3A_1601 = arith.addf %mul3A_1599, %mul3A_1600 : vector<32xbf16>
      %add3A_1602 = arith.addf %add3A_1598, %add3A_1601 : vector<32xbf16>
      %mul3A_1603 = arith.mulf %bitcast3A_1428, %bitcast3A_162 : vector<32xbf16>
      %mul3A_1604 = arith.mulf %bitcast3A_1435, %bitcast3A_170 : vector<32xbf16>
      %add3A_1605 = arith.addf %mul3A_1603, %mul3A_1604 : vector<32xbf16>
      %mul3A_1606 = arith.mulf %bitcast3A_1442, %bitcast3A_178 : vector<32xbf16>
      %mul3A_1607 = arith.mulf %bitcast3A_1449, %bitcast3A_186 : vector<32xbf16>
      %add3A_1608 = arith.addf %mul3A_1606, %mul3A_1607 : vector<32xbf16>
      %add3A_1609 = arith.addf %add3A_1605, %add3A_1608 : vector<32xbf16>
      %add3A_1610 = arith.addf %add3A_1602, %add3A_1609 : vector<32xbf16>
      %bitcast3A_1611 = vector.bitcast %add3A_1610 : vector<32xbf16> to vector<16xi32>
      %swap3A_1612 = arith.constant 144 : index
      %swap3A_1613 = tpu.vector_load %arg9[%swap3A_1612] {strides = array<i32>} : memref<256xi32, #tpu.memory_space<vmem>>, vector<16xi32>,
      tpu.vector_store %arg9[%swap3A_1612], %bitcast3A_1611 {strides = array<i32>} : memref<256xi32, #tpu.memory_space<vmem>>, vector<16xi32>,
      %mul3A_1614 = arith.mulf %bitcast3A_1400, %bitcast3A_194 : vector<32xbf16>
      %mul3A_1615 = arith.mulf %bitcast3A_1407, %bitcast3A_202 : vector<32xbf16>
      %add3A_1616 = arith.addf %mul3A_1614, %mul3A_1615 : vector<32xbf16>
      %mul3A_1617 = arith.mulf %bitcast3A_1414, %bitcast3A_210 : vector<32xbf16>
      %mul3A_1618 = arith.mulf %bitcast3A_1421, %bitcast3A_218 : vector<32xbf16>
      %add3A_1619 = arith.addf %mul3A_1617, %mul3A_1618 : vector<32xbf16>
      %add3A_1620 = arith.addf %add3A_1616, %add3A_1619 : vector<32xbf16>
      %mul3A_1621 = arith.mulf %bitcast3A_1428, %bitcast3A_226 : vector<32xbf16>
      %mul3A_1622 = arith.mulf %bitcast3A_1435, %bitcast3A_234 : vector<32xbf16>
      %add3A_1623 = arith.addf %mul3A_1621, %mul3A_1622 : vector<32xbf16>
      %mul3A_1624 = arith.mulf %bitcast3A_1442, %bitcast3A_242 : vector<32xbf16>
      %mul3A_1625 = arith.mulf %bitcast3A_1449, %bitcast3A_250 : vector<32xbf16>
      %add3A_1626 = arith.addf %mul3A_1624, %mul3A_1625 : vector<32xbf16>
      %add3A_1627 = arith.addf %add3A_1623, %add3A_1626 : vector<32xbf16>
      %add3A_1628 = arith.addf %add3A_1620, %add3A_1627 : vector<32xbf16>
      %bitcast3A_1629 = vector.bitcast %add3A_1628 : vector<32xbf16> to vector<16xi32>
      %swap3A_1630 = arith.constant 144 : index
      %swap3A_1631 = tpu.vector_load %arg10[%swap3A_1630] {strides = array<i32>} : memref<256xi32, #tpu.memory_space<vmem>>, vector<16xi32>,
      tpu.vector_store %arg10[%swap3A_1630], %bitcast3A_1629 {strides = array<i32>} : memref<256xi32, #tpu.memory_space<vmem>>, vector<16xi32>,
      %mul3A_1632 = arith.mulf %bitcast3A_1400, %bitcast3A_258 : vector<32xbf16>
      %mul3A_1633 = arith.mulf %bitcast3A_1407, %bitcast3A_266 : vector<32xbf16>
      %add3A_1634 = arith.addf %mul3A_1632, %mul3A_1633 : vector<32xbf16>
      %mul3A_1635 = arith.mulf %bitcast3A_1414, %bitcast3A_274 : vector<32xbf16>
      %mul3A_1636 = arith.mulf %bitcast3A_1421, %bitcast3A_282 : vector<32xbf16>
      %add3A_1637 = arith.addf %mul3A_1635, %mul3A_1636 : vector<32xbf16>
      %add3A_1638 = arith.addf %add3A_1634, %add3A_1637 : vector<32xbf16>
      %mul3A_1639 = arith.mulf %bitcast3A_1428, %bitcast3A_290 : vector<32xbf16>
      %mul3A_1640 = arith.mulf %bitcast3A_1435, %bitcast3A_298 : vector<32xbf16>
      %add3A_1641 = arith.addf %mul3A_1639, %mul3A_1640 : vector<32xbf16>
      %mul3A_1642 = arith.mulf %bitcast3A_1442, %bitcast3A_306 : vector<32xbf16>
      %mul3A_1643 = arith.mulf %bitcast3A_1449, %bitcast3A_314 : vector<32xbf16>
      %add3A_1644 = arith.addf %mul3A_1642, %mul3A_1643 : vector<32xbf16>
      %add3A_1645 = arith.addf %add3A_1641, %add3A_1644 : vector<32xbf16>
      %add3A_1646 = arith.addf %add3A_1638, %add3A_1645 : vector<32xbf16>
      %bitcast3A_1647 = vector.bitcast %add3A_1646 : vector<32xbf16> to vector<16xi32>
      %swap3A_1648 = arith.constant 144 : index
      %swap3A_1649 = tpu.vector_load %arg11[%swap3A_1648] {strides = array<i32>} : memref<256xi32, #tpu.memory_space<vmem>>, vector<16xi32>,
      tpu.vector_store %arg11[%swap3A_1648], %bitcast3A_1647 {strides = array<i32>} : memref<256xi32, #tpu.memory_space<vmem>>, vector<16xi32>,
      %add3A_1650 = arith.constant 0 : i32
      %add3A_1651 = arith.addi %select_n3A_60, %add3A_1650 : i32
      %get3A_1652 = arith.constant 11 : i32
      %get3A_1653 = arith.index_cast %get3A_1652 : i32 to index
      %get3A_1654 = arith.index_cast %add3A_1651 : i32 to index
      %get3A_1655 = tpu.vector_load %arg5[%get3A_1653, %get3A_1654] {strides = array<i32>} : memref<16x1024xi32, #tpu.memory_space<vmem>>, vector<16xi32>,
      %bitcast3A_1656 = vector.bitcast %get3A_1655 : vector<16xi32> to vector<32xbf16>
      %add3A_1657 = arith.constant 16 : i32
      %add3A_1658 = arith.addi %select_n3A_60, %add3A_1657 : i32
      %get3A_1659 = arith.constant 11 : i32
      %get3A_1660 = arith.index_cast %get3A_1659 : i32 to index
      %get3A_1661 = arith.index_cast %add3A_1658 : i32 to index
      %get3A_1662 = tpu.vector_load %arg5[%get3A_1660, %get3A_1661] {strides = array<i32>} : memref<16x1024xi32, #tpu.memory_space<vmem>>, vector<16xi32>,
      %bitcast3A_1663 = vector.bitcast %get3A_1662 : vector<16xi32> to vector<32xbf16>
      %add3A_1664 = arith.constant 32 : i32
      %add3A_1665 = arith.addi %select_n3A_60, %add3A_1664 : i32
      %get3A_1666 = arith.constant 11 : i32
      %get3A_1667 = arith.index_cast %get3A_1666 : i32 to index
      %get3A_1668 = arith.index_cast %add3A_1665 : i32 to index
      %get3A_1669 = tpu.vector_load %arg5[%get3A_1667, %get3A_1668] {strides = array<i32>} : memref<16x1024xi32, #tpu.memory_space<vmem>>, vector<16xi32>,
      %bitcast3A_1670 = vector.bitcast %get3A_1669 : vector<16xi32> to vector<32xbf16>
      %add3A_1671 = arith.constant 48 : i32
      %add3A_1672 = arith.addi %select_n3A_60, %add3A_1671 : i32
      %get3A_1673 = arith.constant 11 : i32
      %get3A_1674 = arith.index_cast %get3A_1673 : i32 to index
      %get3A_1675 = arith.index_cast %add3A_1672 : i32 to index
      %get3A_1676 = tpu.vector_load %arg5[%get3A_1674, %get3A_1675] {strides = array<i32>} : memref<16x1024xi32, #tpu.memory_space<vmem>>, vector<16xi32>,
      %bitcast3A_1677 = vector.bitcast %get3A_1676 : vector<16xi32> to vector<32xbf16>
      %add3A_1678 = arith.constant 64 : i32
      %add3A_1679 = arith.addi %select_n3A_60, %add3A_1678 : i32
      %get3A_1680 = arith.constant 11 : i32
      %get3A_1681 = arith.index_cast %get3A_1680 : i32 to index
      %get3A_1682 = arith.index_cast %add3A_1679 : i32 to index
      %get3A_1683 = tpu.vector_load %arg5[%get3A_1681, %get3A_1682] {strides = array<i32>} : memref<16x1024xi32, #tpu.memory_space<vmem>>, vector<16xi32>,
      %bitcast3A_1684 = vector.bitcast %get3A_1683 : vector<16xi32> to vector<32xbf16>
      %add3A_1685 = arith.constant 80 : i32
      %add3A_1686 = arith.addi %select_n3A_60, %add3A_1685 : i32
      %get3A_1687 = arith.constant 11 : i32
      %get3A_1688 = arith.index_cast %get3A_1687 : i32 to index
      %get3A_1689 = arith.index_cast %add3A_1686 : i32 to index
      %get3A_1690 = tpu.vector_load %arg5[%get3A_1688, %get3A_1689] {strides = array<i32>} : memref<16x1024xi32, #tpu.memory_space<vmem>>, vector<16xi32>,
      %bitcast3A_1691 = vector.bitcast %get3A_1690 : vector<16xi32> to vector<32xbf16>
      %add3A_1692 = arith.constant 96 : i32
      %add3A_1693 = arith.addi %select_n3A_60, %add3A_1692 : i32
      %get3A_1694 = arith.constant 11 : i32
      %get3A_1695 = arith.index_cast %get3A_1694 : i32 to index
      %get3A_1696 = arith.index_cast %add3A_1693 : i32 to index
      %get3A_1697 = tpu.vector_load %arg5[%get3A_1695, %get3A_1696] {strides = array<i32>} : memref<16x1024xi32, #tpu.memory_space<vmem>>, vector<16xi32>,
      %bitcast3A_1698 = vector.bitcast %get3A_1697 : vector<16xi32> to vector<32xbf16>
      %add3A_1699 = arith.constant 112 : i32
      %add3A_1700 = arith.addi %select_n3A_60, %add3A_1699 : i32
      %get3A_1701 = arith.constant 11 : i32
      %get3A_1702 = arith.index_cast %get3A_1701 : i32 to index
      %get3A_1703 = arith.index_cast %add3A_1700 : i32 to index
      %get3A_1704 = tpu.vector_load %arg5[%get3A_1702, %get3A_1703] {strides = array<i32>} : memref<16x1024xi32, #tpu.memory_space<vmem>>, vector<16xi32>,
      %bitcast3A_1705 = vector.bitcast %get3A_1704 : vector<16xi32> to vector<32xbf16>
      %mul3A_1706 = arith.mulf %bitcast3A_1528, %bitcast3A : vector<32xbf16>
      %mul3A_1707 = arith.mulf %bitcast3A_1535, %bitcast3A_74 : vector<32xbf16>
      %add3A_1708 = arith.addf %mul3A_1706, %mul3A_1707 : vector<32xbf16>
      %mul3A_1709 = arith.mulf %bitcast3A_1542, %bitcast3A_82 : vector<32xbf16>
      %mul3A_1710 = arith.mulf %bitcast3A_1549, %bitcast3A_90 : vector<32xbf16>
      %add3A_1711 = arith.addf %mul3A_1709, %mul3A_1710 : vector<32xbf16>
      %add3A_1712 = arith.addf %add3A_1708, %add3A_1711 : vector<32xbf16>
      %mul3A_1713 = arith.mulf %bitcast3A_1556, %bitcast3A_98 : vector<32xbf16>
      %mul3A_1714 = arith.mulf %bitcast3A_1563, %bitcast3A_106 : vector<32xbf16>
      %add3A_1715 = arith.addf %mul3A_1713, %mul3A_1714 : vector<32xbf16>
      %mul3A_1716 = arith.mulf %bitcast3A_1570, %bitcast3A_114 : vector<32xbf16>
      %mul3A_1717 = arith.mulf %bitcast3A_1577, %bitcast3A_122 : vector<32xbf16>
      %add3A_1718 = arith.addf %mul3A_1716, %mul3A_1717 : vector<32xbf16>
      %add3A_1719 = arith.addf %add3A_1715, %add3A_1718 : vector<32xbf16>
      %add3A_1720 = arith.addf %add3A_1712, %add3A_1719 : vector<32xbf16>
      %bitcast3A_1721 = vector.bitcast %add3A_1720 : vector<32xbf16> to vector<16xi32>
      %swap3A_1722 = arith.constant 160 : index
      %swap3A_1723 = tpu.vector_load %arg8[%swap3A_1722] {strides = array<i32>} : memref<256xi32, #tpu.memory_space<vmem>>, vector<16xi32>,
      tpu.vector_store %arg8[%swap3A_1722], %bitcast3A_1721 {strides = array<i32>} : memref<256xi32, #tpu.memory_space<vmem>>, vector<16xi32>,
      %mul3A_1724 = arith.mulf %bitcast3A_1528, %bitcast3A_130 : vector<32xbf16>
      %mul3A_1725 = arith.mulf %bitcast3A_1535, %bitcast3A_138 : vector<32xbf16>
      %add3A_1726 = arith.addf %mul3A_1724, %mul3A_1725 : vector<32xbf16>
      %mul3A_1727 = arith.mulf %bitcast3A_1542, %bitcast3A_146 : vector<32xbf16>
      %mul3A_1728 = arith.mulf %bitcast3A_1549, %bitcast3A_154 : vector<32xbf16>
      %add3A_1729 = arith.addf %mul3A_1727, %mul3A_1728 : vector<32xbf16>
      %add3A_1730 = arith.addf %add3A_1726, %add3A_1729 : vector<32xbf16>
      %mul3A_1731 = arith.mulf %bitcast3A_1556, %bitcast3A_162 : vector<32xbf16>
      %mul3A_1732 = arith.mulf %bitcast3A_1563, %bitcast3A_170 : vector<32xbf16>
      %add3A_1733 = arith.addf %mul3A_1731, %mul3A_1732 : vector<32xbf16>
      %mul3A_1734 = arith.mulf %bitcast3A_1570, %bitcast3A_178 : vector<32xbf16>
      %mul3A_1735 = arith.mulf %bitcast3A_1577, %bitcast3A_186 : vector<32xbf16>
      %add3A_1736 = arith.addf %mul3A_1734, %mul3A_1735 : vector<32xbf16>
      %add3A_1737 = arith.addf %add3A_1733, %add3A_1736 : vector<32xbf16>
      %add3A_1738 = arith.addf %add3A_1730, %add3A_1737 : vector<32xbf16>
      %bitcast3A_1739 = vector.bitcast %add3A_1738 : vector<32xbf16> to vector<16xi32>
      %swap3A_1740 = arith.constant 160 : index
      %swap3A_1741 = tpu.vector_load %arg9[%swap3A_1740] {strides = array<i32>} : memref<256xi32, #tpu.memory_space<vmem>>, vector<16xi32>,
      tpu.vector_store %arg9[%swap3A_1740], %bitcast3A_1739 {strides = array<i32>} : memref<256xi32, #tpu.memory_space<vmem>>, vector<16xi32>,
      %mul3A_1742 = arith.mulf %bitcast3A_1528, %bitcast3A_194 : vector<32xbf16>
      %mul3A_1743 = arith.mulf %bitcast3A_1535, %bitcast3A_202 : vector<32xbf16>
      %add3A_1744 = arith.addf %mul3A_1742, %mul3A_1743 : vector<32xbf16>
      %mul3A_1745 = arith.mulf %bitcast3A_1542, %bitcast3A_210 : vector<32xbf16>
      %mul3A_1746 = arith.mulf %bitcast3A_1549, %bitcast3A_218 : vector<32xbf16>
      %add3A_1747 = arith.addf %mul3A_1745, %mul3A_1746 : vector<32xbf16>
      %add3A_1748 = arith.addf %add3A_1744, %add3A_1747 : vector<32xbf16>
      %mul3A_1749 = arith.mulf %bitcast3A_1556, %bitcast3A_226 : vector<32xbf16>
      %mul3A_1750 = arith.mulf %bitcast3A_1563, %bitcast3A_234 : vector<32xbf16>
      %add3A_1751 = arith.addf %mul3A_1749, %mul3A_1750 : vector<32xbf16>
      %mul3A_1752 = arith.mulf %bitcast3A_1570, %bitcast3A_242 : vector<32xbf16>
      %mul3A_1753 = arith.mulf %bitcast3A_1577, %bitcast3A_250 : vector<32xbf16>
      %add3A_1754 = arith.addf %mul3A_1752, %mul3A_1753 : vector<32xbf16>
      %add3A_1755 = arith.addf %add3A_1751, %add3A_1754 : vector<32xbf16>
      %add3A_1756 = arith.addf %add3A_1748, %add3A_1755 : vector<32xbf16>
      %bitcast3A_1757 = vector.bitcast %add3A_1756 : vector<32xbf16> to vector<16xi32>
      %swap3A_1758 = arith.constant 160 : index
      %swap3A_1759 = tpu.vector_load %arg10[%swap3A_1758] {strides = array<i32>} : memref<256xi32, #tpu.memory_space<vmem>>, vector<16xi32>,
      tpu.vector_store %arg10[%swap3A_1758], %bitcast3A_1757 {strides = array<i32>} : memref<256xi32, #tpu.memory_space<vmem>>, vector<16xi32>,
      %mul3A_1760 = arith.mulf %bitcast3A_1528, %bitcast3A_258 : vector<32xbf16>
      %mul3A_1761 = arith.mulf %bitcast3A_1535, %bitcast3A_266 : vector<32xbf16>
      %add3A_1762 = arith.addf %mul3A_1760, %mul3A_1761 : vector<32xbf16>
      %mul3A_1763 = arith.mulf %bitcast3A_1542, %bitcast3A_274 : vector<32xbf16>
      %mul3A_1764 = arith.mulf %bitcast3A_1549, %bitcast3A_282 : vector<32xbf16>
      %add3A_1765 = arith.addf %mul3A_1763, %mul3A_1764 : vector<32xbf16>
      %add3A_1766 = arith.addf %add3A_1762, %add3A_1765 : vector<32xbf16>
      %mul3A_1767 = arith.mulf %bitcast3A_1556, %bitcast3A_290 : vector<32xbf16>
      %mul3A_1768 = arith.mulf %bitcast3A_1563, %bitcast3A_298 : vector<32xbf16>
      %add3A_1769 = arith.addf %mul3A_1767, %mul3A_1768 : vector<32xbf16>
      %mul3A_1770 = arith.mulf %bitcast3A_1570, %bitcast3A_306 : vector<32xbf16>
      %mul3A_1771 = arith.mulf %bitcast3A_1577, %bitcast3A_314 : vector<32xbf16>
      %add3A_1772 = arith.addf %mul3A_1770, %mul3A_1771 : vector<32xbf16>
      %add3A_1773 = arith.addf %add3A_1769, %add3A_1772 : vector<32xbf16>
      %add3A_1774 = arith.addf %add3A_1766, %add3A_1773 : vector<32xbf16>
      %bitcast3A_1775 = vector.bitcast %add3A_1774 : vector<32xbf16> to vector<16xi32>
      %swap3A_1776 = arith.constant 160 : index
      %swap3A_1777 = tpu.vector_load %arg11[%swap3A_1776] {strides = array<i32>} : memref<256xi32, #tpu.memory_space<vmem>>, vector<16xi32>,
      tpu.vector_store %arg11[%swap3A_1776], %bitcast3A_1775 {strides = array<i32>} : memref<256xi32, #tpu.memory_space<vmem>>, vector<16xi32>,
      %add3A_1778 = arith.constant 0 : i32
      %add3A_1779 = arith.addi %select_n3A_60, %add3A_1778 : i32
      %get3A_1780 = arith.constant 12 : i32
      %get3A_1781 = arith.index_cast %get3A_1780 : i32 to index
      %get3A_1782 = arith.index_cast %add3A_1779 : i32 to index
      %get3A_1783 = tpu.vector_load %arg5[%get3A_1781, %get3A_1782] {strides = array<i32>} : memref<16x1024xi32, #tpu.memory_space<vmem>>, vector<16xi32>,
      %bitcast3A_1784 = vector.bitcast %get3A_1783 : vector<16xi32> to vector<32xbf16>
      %add3A_1785 = arith.constant 16 : i32
      %add3A_1786 = arith.addi %select_n3A_60, %add3A_1785 : i32
      %get3A_1787 = arith.constant 12 : i32
      %get3A_1788 = arith.index_cast %get3A_1787 : i32 to index
      %get3A_1789 = arith.index_cast %add3A_1786 : i32 to index
      %get3A_1790 = tpu.vector_load %arg5[%get3A_1788, %get3A_1789] {strides = array<i32>} : memref<16x1024xi32, #tpu.memory_space<vmem>>, vector<16xi32>,
      %bitcast3A_1791 = vector.bitcast %get3A_1790 : vector<16xi32> to vector<32xbf16>
      %add3A_1792 = arith.constant 32 : i32
      %add3A_1793 = arith.addi %select_n3A_60, %add3A_1792 : i32
      %get3A_1794 = arith.constant 12 : i32
      %get3A_1795 = arith.index_cast %get3A_1794 : i32 to index
      %get3A_1796 = arith.index_cast %add3A_1793 : i32 to index
      %get3A_1797 = tpu.vector_load %arg5[%get3A_1795, %get3A_1796] {strides = array<i32>} : memref<16x1024xi32, #tpu.memory_space<vmem>>, vector<16xi32>,
      %bitcast3A_1798 = vector.bitcast %get3A_1797 : vector<16xi32> to vector<32xbf16>
      %add3A_1799 = arith.constant 48 : i32
      %add3A_1800 = arith.addi %select_n3A_60, %add3A_1799 : i32
      %get3A_1801 = arith.constant 12 : i32
      %get3A_1802 = arith.index_cast %get3A_1801 : i32 to index
      %get3A_1803 = arith.index_cast %add3A_1800 : i32 to index
      %get3A_1804 = tpu.vector_load %arg5[%get3A_1802, %get3A_1803] {strides = array<i32>} : memref<16x1024xi32, #tpu.memory_space<vmem>>, vector<16xi32>,
      %bitcast3A_1805 = vector.bitcast %get3A_1804 : vector<16xi32> to vector<32xbf16>
      %add3A_1806 = arith.constant 64 : i32
      %add3A_1807 = arith.addi %select_n3A_60, %add3A_1806 : i32
      %get3A_1808 = arith.constant 12 : i32
      %get3A_1809 = arith.index_cast %get3A_1808 : i32 to index
      %get3A_1810 = arith.index_cast %add3A_1807 : i32 to index
      %get3A_1811 = tpu.vector_load %arg5[%get3A_1809, %get3A_1810] {strides = array<i32>} : memref<16x1024xi32, #tpu.memory_space<vmem>>, vector<16xi32>,
      %bitcast3A_1812 = vector.bitcast %get3A_1811 : vector<16xi32> to vector<32xbf16>
      %add3A_1813 = arith.constant 80 : i32
      %add3A_1814 = arith.addi %select_n3A_60, %add3A_1813 : i32
      %get3A_1815 = arith.constant 12 : i32
      %get3A_1816 = arith.index_cast %get3A_1815 : i32 to index
      %get3A_1817 = arith.index_cast %add3A_1814 : i32 to index
      %get3A_1818 = tpu.vector_load %arg5[%get3A_1816, %get3A_1817] {strides = array<i32>} : memref<16x1024xi32, #tpu.memory_space<vmem>>, vector<16xi32>,
      %bitcast3A_1819 = vector.bitcast %get3A_1818 : vector<16xi32> to vector<32xbf16>
      %add3A_1820 = arith.constant 96 : i32
      %add3A_1821 = arith.addi %select_n3A_60, %add3A_1820 : i32
      %get3A_1822 = arith.constant 12 : i32
      %get3A_1823 = arith.index_cast %get3A_1822 : i32 to index
      %get3A_1824 = arith.index_cast %add3A_1821 : i32 to index
      %get3A_1825 = tpu.vector_load %arg5[%get3A_1823, %get3A_1824] {strides = array<i32>} : memref<16x1024xi32, #tpu.memory_space<vmem>>, vector<16xi32>,
      %bitcast3A_1826 = vector.bitcast %get3A_1825 : vector<16xi32> to vector<32xbf16>
      %add3A_1827 = arith.constant 112 : i32
      %add3A_1828 = arith.addi %select_n3A_60, %add3A_1827 : i32
      %get3A_1829 = arith.constant 12 : i32
      %get3A_1830 = arith.index_cast %get3A_1829 : i32 to index
      %get3A_1831 = arith.index_cast %add3A_1828 : i32 to index
      %get3A_1832 = tpu.vector_load %arg5[%get3A_1830, %get3A_1831] {strides = array<i32>} : memref<16x1024xi32, #tpu.memory_space<vmem>>, vector<16xi32>,
      %bitcast3A_1833 = vector.bitcast %get3A_1832 : vector<16xi32> to vector<32xbf16>
      %mul3A_1834 = arith.mulf %bitcast3A_1656, %bitcast3A : vector<32xbf16>
      %mul3A_1835 = arith.mulf %bitcast3A_1663, %bitcast3A_74 : vector<32xbf16>
      %add3A_1836 = arith.addf %mul3A_1834, %mul3A_1835 : vector<32xbf16>
      %mul3A_1837 = arith.mulf %bitcast3A_1670, %bitcast3A_82 : vector<32xbf16>
      %mul3A_1838 = arith.mulf %bitcast3A_1677, %bitcast3A_90 : vector<32xbf16>
      %add3A_1839 = arith.addf %mul3A_1837, %mul3A_1838 : vector<32xbf16>
      %add3A_1840 = arith.addf %add3A_1836, %add3A_1839 : vector<32xbf16>
      %mul3A_1841 = arith.mulf %bitcast3A_1684, %bitcast3A_98 : vector<32xbf16>
      %mul3A_1842 = arith.mulf %bitcast3A_1691, %bitcast3A_106 : vector<32xbf16>
      %add3A_1843 = arith.addf %mul3A_1841, %mul3A_1842 : vector<32xbf16>
      %mul3A_1844 = arith.mulf %bitcast3A_1698, %bitcast3A_114 : vector<32xbf16>
      %mul3A_1845 = arith.mulf %bitcast3A_1705, %bitcast3A_122 : vector<32xbf16>
      %add3A_1846 = arith.addf %mul3A_1844, %mul3A_1845 : vector<32xbf16>
      %add3A_1847 = arith.addf %add3A_1843, %add3A_1846 : vector<32xbf16>
      %add3A_1848 = arith.addf %add3A_1840, %add3A_1847 : vector<32xbf16>
      %bitcast3A_1849 = vector.bitcast %add3A_1848 : vector<32xbf16> to vector<16xi32>
      %swap3A_1850 = arith.constant 176 : index
      %swap3A_1851 = tpu.vector_load %arg8[%swap3A_1850] {strides = array<i32>} : memref<256xi32, #tpu.memory_space<vmem>>, vector<16xi32>,
      tpu.vector_store %arg8[%swap3A_1850], %bitcast3A_1849 {strides = array<i32>} : memref<256xi32, #tpu.memory_space<vmem>>, vector<16xi32>,
      %mul3A_1852 = arith.mulf %bitcast3A_1656, %bitcast3A_130 : vector<32xbf16>
      %mul3A_1853 = arith.mulf %bitcast3A_1663, %bitcast3A_138 : vector<32xbf16>
      %add3A_1854 = arith.addf %mul3A_1852, %mul3A_1853 : vector<32xbf16>
      %mul3A_1855 = arith.mulf %bitcast3A_1670, %bitcast3A_146 : vector<32xbf16>
      %mul3A_1856 = arith.mulf %bitcast3A_1677, %bitcast3A_154 : vector<32xbf16>
      %add3A_1857 = arith.addf %mul3A_1855, %mul3A_1856 : vector<32xbf16>
      %add3A_1858 = arith.addf %add3A_1854, %add3A_1857 : vector<32xbf16>
      %mul3A_1859 = arith.mulf %bitcast3A_1684, %bitcast3A_162 : vector<32xbf16>
      %mul3A_1860 = arith.mulf %bitcast3A_1691, %bitcast3A_170 : vector<32xbf16>
      %add3A_1861 = arith.addf %mul3A_1859, %mul3A_1860 : vector<32xbf16>
      %mul3A_1862 = arith.mulf %bitcast3A_1698, %bitcast3A_178 : vector<32xbf16>
      %mul3A_1863 = arith.mulf %bitcast3A_1705, %bitcast3A_186 : vector<32xbf16>
      %add3A_1864 = arith.addf %mul3A_1862, %mul3A_1863 : vector<32xbf16>
      %add3A_1865 = arith.addf %add3A_1861, %add3A_1864 : vector<32xbf16>
      %add3A_1866 = arith.addf %add3A_1858, %add3A_1865 : vector<32xbf16>
      %bitcast3A_1867 = vector.bitcast %add3A_1866 : vector<32xbf16> to vector<16xi32>
      %swap3A_1868 = arith.constant 176 : index
      %swap3A_1869 = tpu.vector_load %arg9[%swap3A_1868] {strides = array<i32>} : memref<256xi32, #tpu.memory_space<vmem>>, vector<16xi32>,
      tpu.vector_store %arg9[%swap3A_1868], %bitcast3A_1867 {strides = array<i32>} : memref<256xi32, #tpu.memory_space<vmem>>, vector<16xi32>,
      %mul3A_1870 = arith.mulf %bitcast3A_1656, %bitcast3A_194 : vector<32xbf16>
      %mul3A_1871 = arith.mulf %bitcast3A_1663, %bitcast3A_202 : vector<32xbf16>
      %add3A_1872 = arith.addf %mul3A_1870, %mul3A_1871 : vector<32xbf16>
      %mul3A_1873 = arith.mulf %bitcast3A_1670, %bitcast3A_210 : vector<32xbf16>
      %mul3A_1874 = arith.mulf %bitcast3A_1677, %bitcast3A_218 : vector<32xbf16>
      %add3A_1875 = arith.addf %mul3A_1873, %mul3A_1874 : vector<32xbf16>
      %add3A_1876 = arith.addf %add3A_1872, %add3A_1875 : vector<32xbf16>
      %mul3A_1877 = arith.mulf %bitcast3A_1684, %bitcast3A_226 : vector<32xbf16>
      %mul3A_1878 = arith.mulf %bitcast3A_1691, %bitcast3A_234 : vector<32xbf16>
      %add3A_1879 = arith.addf %mul3A_1877, %mul3A_1878 : vector<32xbf16>
      %mul3A_1880 = arith.mulf %bitcast3A_1698, %bitcast3A_242 : vector<32xbf16>
      %mul3A_1881 = arith.mulf %bitcast3A_1705, %bitcast3A_250 : vector<32xbf16>
      %add3A_1882 = arith.addf %mul3A_1880, %mul3A_1881 : vector<32xbf16>
      %add3A_1883 = arith.addf %add3A_1879, %add3A_1882 : vector<32xbf16>
      %add3A_1884 = arith.addf %add3A_1876, %add3A_1883 : vector<32xbf16>
      %bitcast3A_1885 = vector.bitcast %add3A_1884 : vector<32xbf16> to vector<16xi32>
      %swap3A_1886 = arith.constant 176 : index
      %swap3A_1887 = tpu.vector_load %arg10[%swap3A_1886] {strides = array<i32>} : memref<256xi32, #tpu.memory_space<vmem>>, vector<16xi32>,
      tpu.vector_store %arg10[%swap3A_1886], %bitcast3A_1885 {strides = array<i32>} : memref<256xi32, #tpu.memory_space<vmem>>, vector<16xi32>,
      %mul3A_1888 = arith.mulf %bitcast3A_1656, %bitcast3A_258 : vector<32xbf16>
      %mul3A_1889 = arith.mulf %bitcast3A_1663, %bitcast3A_266 : vector<32xbf16>
      %add3A_1890 = arith.addf %mul3A_1888, %mul3A_1889 : vector<32xbf16>
      %mul3A_1891 = arith.mulf %bitcast3A_1670, %bitcast3A_274 : vector<32xbf16>
      %mul3A_1892 = arith.mulf %bitcast3A_1677, %bitcast3A_282 : vector<32xbf16>
      %add3A_1893 = arith.addf %mul3A_1891, %mul3A_1892 : vector<32xbf16>
      %add3A_1894 = arith.addf %add3A_1890, %add3A_1893 : vector<32xbf16>
      %mul3A_1895 = arith.mulf %bitcast3A_1684, %bitcast3A_290 : vector<32xbf16>
      %mul3A_1896 = arith.mulf %bitcast3A_1691, %bitcast3A_298 : vector<32xbf16>
      %add3A_1897 = arith.addf %mul3A_1895, %mul3A_1896 : vector<32xbf16>
      %mul3A_1898 = arith.mulf %bitcast3A_1698, %bitcast3A_306 : vector<32xbf16>
      %mul3A_1899 = arith.mulf %bitcast3A_1705, %bitcast3A_314 : vector<32xbf16>
      %add3A_1900 = arith.addf %mul3A_1898, %mul3A_1899 : vector<32xbf16>
      %add3A_1901 = arith.addf %add3A_1897, %add3A_1900 : vector<32xbf16>
      %add3A_1902 = arith.addf %add3A_1894, %add3A_1901 : vector<32xbf16>
      %bitcast3A_1903 = vector.bitcast %add3A_1902 : vector<32xbf16> to vector<16xi32>
      %swap3A_1904 = arith.constant 176 : index
      %swap3A_1905 = tpu.vector_load %arg11[%swap3A_1904] {strides = array<i32>} : memref<256xi32, #tpu.memory_space<vmem>>, vector<16xi32>,
      tpu.vector_store %arg11[%swap3A_1904], %bitcast3A_1903 {strides = array<i32>} : memref<256xi32, #tpu.memory_space<vmem>>, vector<16xi32>,
      %add3A_1906 = arith.constant 0 : i32
      %add3A_1907 = arith.addi %select_n3A_60, %add3A_1906 : i32
      %get3A_1908 = arith.constant 13 : i32
      %get3A_1909 = arith.index_cast %get3A_1908 : i32 to index
      %get3A_1910 = arith.index_cast %add3A_1907 : i32 to index
      %get3A_1911 = tpu.vector_load %arg5[%get3A_1909, %get3A_1910] {strides = array<i32>} : memref<16x1024xi32, #tpu.memory_space<vmem>>, vector<16xi32>,
      %bitcast3A_1912 = vector.bitcast %get3A_1911 : vector<16xi32> to vector<32xbf16>
      %add3A_1913 = arith.constant 16 : i32
      %add3A_1914 = arith.addi %select_n3A_60, %add3A_1913 : i32
      %get3A_1915 = arith.constant 13 : i32
      %get3A_1916 = arith.index_cast %get3A_1915 : i32 to index
      %get3A_1917 = arith.index_cast %add3A_1914 : i32 to index
      %get3A_1918 = tpu.vector_load %arg5[%get3A_1916, %get3A_1917] {strides = array<i32>} : memref<16x1024xi32, #tpu.memory_space<vmem>>, vector<16xi32>,
      %bitcast3A_1919 = vector.bitcast %get3A_1918 : vector<16xi32> to vector<32xbf16>
      %add3A_1920 = arith.constant 32 : i32
      %add3A_1921 = arith.addi %select_n3A_60, %add3A_1920 : i32
      %get3A_1922 = arith.constant 13 : i32
      %get3A_1923 = arith.index_cast %get3A_1922 : i32 to index
      %get3A_1924 = arith.index_cast %add3A_1921 : i32 to index
      %get3A_1925 = tpu.vector_load %arg5[%get3A_1923, %get3A_1924] {strides = array<i32>} : memref<16x1024xi32, #tpu.memory_space<vmem>>, vector<16xi32>,
      %bitcast3A_1926 = vector.bitcast %get3A_1925 : vector<16xi32> to vector<32xbf16>
      %add3A_1927 = arith.constant 48 : i32
      %add3A_1928 = arith.addi %select_n3A_60, %add3A_1927 : i32
      %get3A_1929 = arith.constant 13 : i32
      %get3A_1930 = arith.index_cast %get3A_1929 : i32 to index
      %get3A_1931 = arith.index_cast %add3A_1928 : i32 to index
      %get3A_1932 = tpu.vector_load %arg5[%get3A_1930, %get3A_1931] {strides = array<i32>} : memref<16x1024xi32, #tpu.memory_space<vmem>>, vector<16xi32>,
      %bitcast3A_1933 = vector.bitcast %get3A_1932 : vector<16xi32> to vector<32xbf16>
      %add3A_1934 = arith.constant 64 : i32
      %add3A_1935 = arith.addi %select_n3A_60, %add3A_1934 : i32
      %get3A_1936 = arith.constant 13 : i32
      %get3A_1937 = arith.index_cast %get3A_1936 : i32 to index
      %get3A_1938 = arith.index_cast %add3A_1935 : i32 to index
      %get3A_1939 = tpu.vector_load %arg5[%get3A_1937, %get3A_1938] {strides = array<i32>} : memref<16x1024xi32, #tpu.memory_space<vmem>>, vector<16xi32>,
      %bitcast3A_1940 = vector.bitcast %get3A_1939 : vector<16xi32> to vector<32xbf16>
      %add3A_1941 = arith.constant 80 : i32
      %add3A_1942 = arith.addi %select_n3A_60, %add3A_1941 : i32
      %get3A_1943 = arith.constant 13 : i32
      %get3A_1944 = arith.index_cast %get3A_1943 : i32 to index
      %get3A_1945 = arith.index_cast %add3A_1942 : i32 to index
      %get3A_1946 = tpu.vector_load %arg5[%get3A_1944, %get3A_1945] {strides = array<i32>} : memref<16x1024xi32, #tpu.memory_space<vmem>>, vector<16xi32>,
      %bitcast3A_1947 = vector.bitcast %get3A_1946 : vector<16xi32> to vector<32xbf16>
      %add3A_1948 = arith.constant 96 : i32
      %add3A_1949 = arith.addi %select_n3A_60, %add3A_1948 : i32
      %get3A_1950 = arith.constant 13 : i32
      %get3A_1951 = arith.index_cast %get3A_1950 : i32 to index
      %get3A_1952 = arith.index_cast %add3A_1949 : i32 to index
      %get3A_1953 = tpu.vector_load %arg5[%get3A_1951, %get3A_1952] {strides = array<i32>} : memref<16x1024xi32, #tpu.memory_space<vmem>>, vector<16xi32>,
      %bitcast3A_1954 = vector.bitcast %get3A_1953 : vector<16xi32> to vector<32xbf16>
      %add3A_1955 = arith.constant 112 : i32
      %add3A_1956 = arith.addi %select_n3A_60, %add3A_1955 : i32
      %get3A_1957 = arith.constant 13 : i32
      %get3A_1958 = arith.index_cast %get3A_1957 : i32 to index
      %get3A_1959 = arith.index_cast %add3A_1956 : i32 to index
      %get3A_1960 = tpu.vector_load %arg5[%get3A_1958, %get3A_1959] {strides = array<i32>} : memref<16x1024xi32, #tpu.memory_space<vmem>>, vector<16xi32>,
      %bitcast3A_1961 = vector.bitcast %get3A_1960 : vector<16xi32> to vector<32xbf16>
      %mul3A_1962 = arith.mulf %bitcast3A_1784, %bitcast3A : vector<32xbf16>
      %mul3A_1963 = arith.mulf %bitcast3A_1791, %bitcast3A_74 : vector<32xbf16>
      %add3A_1964 = arith.addf %mul3A_1962, %mul3A_1963 : vector<32xbf16>
      %mul3A_1965 = arith.mulf %bitcast3A_1798, %bitcast3A_82 : vector<32xbf16>
      %mul3A_1966 = arith.mulf %bitcast3A_1805, %bitcast3A_90 : vector<32xbf16>
      %add3A_1967 = arith.addf %mul3A_1965, %mul3A_1966 : vector<32xbf16>
      %add3A_1968 = arith.addf %add3A_1964, %add3A_1967 : vector<32xbf16>
      %mul3A_1969 = arith.mulf %bitcast3A_1812, %bitcast3A_98 : vector<32xbf16>
      %mul3A_1970 = arith.mulf %bitcast3A_1819, %bitcast3A_106 : vector<32xbf16>
      %add3A_1971 = arith.addf %mul3A_1969, %mul3A_1970 : vector<32xbf16>
      %mul3A_1972 = arith.mulf %bitcast3A_1826, %bitcast3A_114 : vector<32xbf16>
      %mul3A_1973 = arith.mulf %bitcast3A_1833, %bitcast3A_122 : vector<32xbf16>
      %add3A_1974 = arith.addf %mul3A_1972, %mul3A_1973 : vector<32xbf16>
      %add3A_1975 = arith.addf %add3A_1971, %add3A_1974 : vector<32xbf16>
      %add3A_1976 = arith.addf %add3A_1968, %add3A_1975 : vector<32xbf16>
      %bitcast3A_1977 = vector.bitcast %add3A_1976 : vector<32xbf16> to vector<16xi32>
      %swap3A_1978 = arith.constant 192 : index
      %swap3A_1979 = tpu.vector_load %arg8[%swap3A_1978] {strides = array<i32>} : memref<256xi32, #tpu.memory_space<vmem>>, vector<16xi32>,
      tpu.vector_store %arg8[%swap3A_1978], %bitcast3A_1977 {strides = array<i32>} : memref<256xi32, #tpu.memory_space<vmem>>, vector<16xi32>,
      %mul3A_1980 = arith.mulf %bitcast3A_1784, %bitcast3A_130 : vector<32xbf16>
      %mul3A_1981 = arith.mulf %bitcast3A_1791, %bitcast3A_138 : vector<32xbf16>
      %add3A_1982 = arith.addf %mul3A_1980, %mul3A_1981 : vector<32xbf16>
      %mul3A_1983 = arith.mulf %bitcast3A_1798, %bitcast3A_146 : vector<32xbf16>
      %mul3A_1984 = arith.mulf %bitcast3A_1805, %bitcast3A_154 : vector<32xbf16>
      %add3A_1985 = arith.addf %mul3A_1983, %mul3A_1984 : vector<32xbf16>
      %add3A_1986 = arith.addf %add3A_1982, %add3A_1985 : vector<32xbf16>
      %mul3A_1987 = arith.mulf %bitcast3A_1812, %bitcast3A_162 : vector<32xbf16>
      %mul3A_1988 = arith.mulf %bitcast3A_1819, %bitcast3A_170 : vector<32xbf16>
      %add3A_1989 = arith.addf %mul3A_1987, %mul3A_1988 : vector<32xbf16>
      %mul3A_1990 = arith.mulf %bitcast3A_1826, %bitcast3A_178 : vector<32xbf16>
      %mul3A_1991 = arith.mulf %bitcast3A_1833, %bitcast3A_186 : vector<32xbf16>
      %add3A_1992 = arith.addf %mul3A_1990, %mul3A_1991 : vector<32xbf16>
      %add3A_1993 = arith.addf %add3A_1989, %add3A_1992 : vector<32xbf16>
      %add3A_1994 = arith.addf %add3A_1986, %add3A_1993 : vector<32xbf16>
      %bitcast3A_1995 = vector.bitcast %add3A_1994 : vector<32xbf16> to vector<16xi32>
      %swap3A_1996 = arith.constant 192 : index
      %swap3A_1997 = tpu.vector_load %arg9[%swap3A_1996] {strides = array<i32>} : memref<256xi32, #tpu.memory_space<vmem>>, vector<16xi32>,
      tpu.vector_store %arg9[%swap3A_1996], %bitcast3A_1995 {strides = array<i32>} : memref<256xi32, #tpu.memory_space<vmem>>, vector<16xi32>,
      %mul3A_1998 = arith.mulf %bitcast3A_1784, %bitcast3A_194 : vector<32xbf16>
      %mul3A_1999 = arith.mulf %bitcast3A_1791, %bitcast3A_202 : vector<32xbf16>
      %add3A_2000 = arith.addf %mul3A_1998, %mul3A_1999 : vector<32xbf16>
      %mul3A_2001 = arith.mulf %bitcast3A_1798, %bitcast3A_210 : vector<32xbf16>
      %mul3A_2002 = arith.mulf %bitcast3A_1805, %bitcast3A_218 : vector<32xbf16>
      %add3A_2003 = arith.addf %mul3A_2001, %mul3A_2002 : vector<32xbf16>
      %add3A_2004 = arith.addf %add3A_2000, %add3A_2003 : vector<32xbf16>
      %mul3A_2005 = arith.mulf %bitcast3A_1812, %bitcast3A_226 : vector<32xbf16>
      %mul3A_2006 = arith.mulf %bitcast3A_1819, %bitcast3A_234 : vector<32xbf16>
      %add3A_2007 = arith.addf %mul3A_2005, %mul3A_2006 : vector<32xbf16>
      %mul3A_2008 = arith.mulf %bitcast3A_1826, %bitcast3A_242 : vector<32xbf16>
      %mul3A_2009 = arith.mulf %bitcast3A_1833, %bitcast3A_250 : vector<32xbf16>
      %add3A_2010 = arith.addf %mul3A_2008, %mul3A_2009 : vector<32xbf16>
      %add3A_2011 = arith.addf %add3A_2007, %add3A_2010 : vector<32xbf16>
      %add3A_2012 = arith.addf %add3A_2004, %add3A_2011 : vector<32xbf16>
      %bitcast3A_2013 = vector.bitcast %add3A_2012 : vector<32xbf16> to vector<16xi32>
      %swap3A_2014 = arith.constant 192 : index
      %swap3A_2015 = tpu.vector_load %arg10[%swap3A_2014] {strides = array<i32>} : memref<256xi32, #tpu.memory_space<vmem>>, vector<16xi32>,
      tpu.vector_store %arg10[%swap3A_2014], %bitcast3A_2013 {strides = array<i32>} : memref<256xi32, #tpu.memory_space<vmem>>, vector<16xi32>,
      %mul3A_2016 = arith.mulf %bitcast3A_1784, %bitcast3A_258 : vector<32xbf16>
      %mul3A_2017 = arith.mulf %bitcast3A_1791, %bitcast3A_266 : vector<32xbf16>
      %add3A_2018 = arith.addf %mul3A_2016, %mul3A_2017 : vector<32xbf16>
      %mul3A_2019 = arith.mulf %bitcast3A_1798, %bitcast3A_274 : vector<32xbf16>
      %mul3A_2020 = arith.mulf %bitcast3A_1805, %bitcast3A_282 : vector<32xbf16>
      %add3A_2021 = arith.addf %mul3A_2019, %mul3A_2020 : vector<32xbf16>
      %add3A_2022 = arith.addf %add3A_2018, %add3A_2021 : vector<32xbf16>
      %mul3A_2023 = arith.mulf %bitcast3A_1812, %bitcast3A_290 : vector<32xbf16>
      %mul3A_2024 = arith.mulf %bitcast3A_1819, %bitcast3A_298 : vector<32xbf16>
      %add3A_2025 = arith.addf %mul3A_2023, %mul3A_2024 : vector<32xbf16>
      %mul3A_2026 = arith.mulf %bitcast3A_1826, %bitcast3A_306 : vector<32xbf16>
      %mul3A_2027 = arith.mulf %bitcast3A_1833, %bitcast3A_314 : vector<32xbf16>
      %add3A_2028 = arith.addf %mul3A_2026, %mul3A_2027 : vector<32xbf16>
      %add3A_2029 = arith.addf %add3A_2025, %add3A_2028 : vector<32xbf16>
      %add3A_2030 = arith.addf %add3A_2022, %add3A_2029 : vector<32xbf16>
      %bitcast3A_2031 = vector.bitcast %add3A_2030 : vector<32xbf16> to vector<16xi32>
      %swap3A_2032 = arith.constant 192 : index
      %swap3A_2033 = tpu.vector_load %arg11[%swap3A_2032] {strides = array<i32>} : memref<256xi32, #tpu.memory_space<vmem>>, vector<16xi32>,
      tpu.vector_store %arg11[%swap3A_2032], %bitcast3A_2031 {strides = array<i32>} : memref<256xi32, #tpu.memory_space<vmem>>, vector<16xi32>,
      %add3A_2034 = arith.constant 0 : i32
      %add3A_2035 = arith.addi %select_n3A_60, %add3A_2034 : i32
      %get3A_2036 = arith.constant 14 : i32
      %get3A_2037 = arith.index_cast %get3A_2036 : i32 to index
      %get3A_2038 = arith.index_cast %add3A_2035 : i32 to index
      %get3A_2039 = tpu.vector_load %arg5[%get3A_2037, %get3A_2038] {strides = array<i32>} : memref<16x1024xi32, #tpu.memory_space<vmem>>, vector<16xi32>,
      %bitcast3A_2040 = vector.bitcast %get3A_2039 : vector<16xi32> to vector<32xbf16>
      %add3A_2041 = arith.constant 16 : i32
      %add3A_2042 = arith.addi %select_n3A_60, %add3A_2041 : i32
      %get3A_2043 = arith.constant 14 : i32
      %get3A_2044 = arith.index_cast %get3A_2043 : i32 to index
      %get3A_2045 = arith.index_cast %add3A_2042 : i32 to index
      %get3A_2046 = tpu.vector_load %arg5[%get3A_2044, %get3A_2045] {strides = array<i32>} : memref<16x1024xi32, #tpu.memory_space<vmem>>, vector<16xi32>,
      %bitcast3A_2047 = vector.bitcast %get3A_2046 : vector<16xi32> to vector<32xbf16>
      %add3A_2048 = arith.constant 32 : i32
      %add3A_2049 = arith.addi %select_n3A_60, %add3A_2048 : i32
      %get3A_2050 = arith.constant 14 : i32
      %get3A_2051 = arith.index_cast %get3A_2050 : i32 to index
      %get3A_2052 = arith.index_cast %add3A_2049 : i32 to index
      %get3A_2053 = tpu.vector_load %arg5[%get3A_2051, %get3A_2052] {strides = array<i32>} : memref<16x1024xi32, #tpu.memory_space<vmem>>, vector<16xi32>,
      %bitcast3A_2054 = vector.bitcast %get3A_2053 : vector<16xi32> to vector<32xbf16>
      %add3A_2055 = arith.constant 48 : i32
      %add3A_2056 = arith.addi %select_n3A_60, %add3A_2055 : i32
      %get3A_2057 = arith.constant 14 : i32
      %get3A_2058 = arith.index_cast %get3A_2057 : i32 to index
      %get3A_2059 = arith.index_cast %add3A_2056 : i32 to index
      %get3A_2060 = tpu.vector_load %arg5[%get3A_2058, %get3A_2059] {strides = array<i32>} : memref<16x1024xi32, #tpu.memory_space<vmem>>, vector<16xi32>,
      %bitcast3A_2061 = vector.bitcast %get3A_2060 : vector<16xi32> to vector<32xbf16>
      %add3A_2062 = arith.constant 64 : i32
      %add3A_2063 = arith.addi %select_n3A_60, %add3A_2062 : i32
      %get3A_2064 = arith.constant 14 : i32
      %get3A_2065 = arith.index_cast %get3A_2064 : i32 to index
      %get3A_2066 = arith.index_cast %add3A_2063 : i32 to index
      %get3A_2067 = tpu.vector_load %arg5[%get3A_2065, %get3A_2066] {strides = array<i32>} : memref<16x1024xi32, #tpu.memory_space<vmem>>, vector<16xi32>,
      %bitcast3A_2068 = vector.bitcast %get3A_2067 : vector<16xi32> to vector<32xbf16>
      %add3A_2069 = arith.constant 80 : i32
      %add3A_2070 = arith.addi %select_n3A_60, %add3A_2069 : i32
      %get3A_2071 = arith.constant 14 : i32
      %get3A_2072 = arith.index_cast %get3A_2071 : i32 to index
      %get3A_2073 = arith.index_cast %add3A_2070 : i32 to index
      %get3A_2074 = tpu.vector_load %arg5[%get3A_2072, %get3A_2073] {strides = array<i32>} : memref<16x1024xi32, #tpu.memory_space<vmem>>, vector<16xi32>,
      %bitcast3A_2075 = vector.bitcast %get3A_2074 : vector<16xi32> to vector<32xbf16>
      %add3A_2076 = arith.constant 96 : i32
      %add3A_2077 = arith.addi %select_n3A_60, %add3A_2076 : i32
      %get3A_2078 = arith.constant 14 : i32
      %get3A_2079 = arith.index_cast %get3A_2078 : i32 to index
      %get3A_2080 = arith.index_cast %add3A_2077 : i32 to index
      %get3A_2081 = tpu.vector_load %arg5[%get3A_2079, %get3A_2080] {strides = array<i32>} : memref<16x1024xi32, #tpu.memory_space<vmem>>, vector<16xi32>,
      %bitcast3A_2082 = vector.bitcast %get3A_2081 : vector<16xi32> to vector<32xbf16>
      %add3A_2083 = arith.constant 112 : i32
      %add3A_2084 = arith.addi %select_n3A_60, %add3A_2083 : i32
      %get3A_2085 = arith.constant 14 : i32
      %get3A_2086 = arith.index_cast %get3A_2085 : i32 to index
      %get3A_2087 = arith.index_cast %add3A_2084 : i32 to index
      %get3A_2088 = tpu.vector_load %arg5[%get3A_2086, %get3A_2087] {strides = array<i32>} : memref<16x1024xi32, #tpu.memory_space<vmem>>, vector<16xi32>,
      %bitcast3A_2089 = vector.bitcast %get3A_2088 : vector<16xi32> to vector<32xbf16>
      %mul3A_2090 = arith.mulf %bitcast3A_1912, %bitcast3A : vector<32xbf16>
      %mul3A_2091 = arith.mulf %bitcast3A_1919, %bitcast3A_74 : vector<32xbf16>
      %add3A_2092 = arith.addf %mul3A_2090, %mul3A_2091 : vector<32xbf16>
      %mul3A_2093 = arith.mulf %bitcast3A_1926, %bitcast3A_82 : vector<32xbf16>
      %mul3A_2094 = arith.mulf %bitcast3A_1933, %bitcast3A_90 : vector<32xbf16>
      %add3A_2095 = arith.addf %mul3A_2093, %mul3A_2094 : vector<32xbf16>
      %add3A_2096 = arith.addf %add3A_2092, %add3A_2095 : vector<32xbf16>
      %mul3A_2097 = arith.mulf %bitcast3A_1940, %bitcast3A_98 : vector<32xbf16>
      %mul3A_2098 = arith.mulf %bitcast3A_1947, %bitcast3A_106 : vector<32xbf16>
      %add3A_2099 = arith.addf %mul3A_2097, %mul3A_2098 : vector<32xbf16>
      %mul3A_2100 = arith.mulf %bitcast3A_1954, %bitcast3A_114 : vector<32xbf16>
      %mul3A_2101 = arith.mulf %bitcast3A_1961, %bitcast3A_122 : vector<32xbf16>
      %add3A_2102 = arith.addf %mul3A_2100, %mul3A_2101 : vector<32xbf16>
      %add3A_2103 = arith.addf %add3A_2099, %add3A_2102 : vector<32xbf16>
      %add3A_2104 = arith.addf %add3A_2096, %add3A_2103 : vector<32xbf16>
      %bitcast3A_2105 = vector.bitcast %add3A_2104 : vector<32xbf16> to vector<16xi32>
      %swap3A_2106 = arith.constant 208 : index
      %swap3A_2107 = tpu.vector_load %arg8[%swap3A_2106] {strides = array<i32>} : memref<256xi32, #tpu.memory_space<vmem>>, vector<16xi32>,
      tpu.vector_store %arg8[%swap3A_2106], %bitcast3A_2105 {strides = array<i32>} : memref<256xi32, #tpu.memory_space<vmem>>, vector<16xi32>,
      %mul3A_2108 = arith.mulf %bitcast3A_1912, %bitcast3A_130 : vector<32xbf16>
      %mul3A_2109 = arith.mulf %bitcast3A_1919, %bitcast3A_138 : vector<32xbf16>
      %add3A_2110 = arith.addf %mul3A_2108, %mul3A_2109 : vector<32xbf16>
      %mul3A_2111 = arith.mulf %bitcast3A_1926, %bitcast3A_146 : vector<32xbf16>
      %mul3A_2112 = arith.mulf %bitcast3A_1933, %bitcast3A_154 : vector<32xbf16>
      %add3A_2113 = arith.addf %mul3A_2111, %mul3A_2112 : vector<32xbf16>
      %add3A_2114 = arith.addf %add3A_2110, %add3A_2113 : vector<32xbf16>
      %mul3A_2115 = arith.mulf %bitcast3A_1940, %bitcast3A_162 : vector<32xbf16>
      %mul3A_2116 = arith.mulf %bitcast3A_1947, %bitcast3A_170 : vector<32xbf16>
      %add3A_2117 = arith.addf %mul3A_2115, %mul3A_2116 : vector<32xbf16>
      %mul3A_2118 = arith.mulf %bitcast3A_1954, %bitcast3A_178 : vector<32xbf16>
      %mul3A_2119 = arith.mulf %bitcast3A_1961, %bitcast3A_186 : vector<32xbf16>
      %add3A_2120 = arith.addf %mul3A_2118, %mul3A_2119 : vector<32xbf16>
      %add3A_2121 = arith.addf %add3A_2117, %add3A_2120 : vector<32xbf16>
      %add3A_2122 = arith.addf %add3A_2114, %add3A_2121 : vector<32xbf16>
      %bitcast3A_2123 = vector.bitcast %add3A_2122 : vector<32xbf16> to vector<16xi32>
      %swap3A_2124 = arith.constant 208 : index
      %swap3A_2125 = tpu.vector_load %arg9[%swap3A_2124] {strides = array<i32>} : memref<256xi32, #tpu.memory_space<vmem>>, vector<16xi32>,
      tpu.vector_store %arg9[%swap3A_2124], %bitcast3A_2123 {strides = array<i32>} : memref<256xi32, #tpu.memory_space<vmem>>, vector<16xi32>,
      %mul3A_2126 = arith.mulf %bitcast3A_1912, %bitcast3A_194 : vector<32xbf16>
      %mul3A_2127 = arith.mulf %bitcast3A_1919, %bitcast3A_202 : vector<32xbf16>
      %add3A_2128 = arith.addf %mul3A_2126, %mul3A_2127 : vector<32xbf16>
      %mul3A_2129 = arith.mulf %bitcast3A_1926, %bitcast3A_210 : vector<32xbf16>
      %mul3A_2130 = arith.mulf %bitcast3A_1933, %bitcast3A_218 : vector<32xbf16>
      %add3A_2131 = arith.addf %mul3A_2129, %mul3A_2130 : vector<32xbf16>
      %add3A_2132 = arith.addf %add3A_2128, %add3A_2131 : vector<32xbf16>
      %mul3A_2133 = arith.mulf %bitcast3A_1940, %bitcast3A_226 : vector<32xbf16>
      %mul3A_2134 = arith.mulf %bitcast3A_1947, %bitcast3A_234 : vector<32xbf16>
      %add3A_2135 = arith.addf %mul3A_2133, %mul3A_2134 : vector<32xbf16>
      %mul3A_2136 = arith.mulf %bitcast3A_1954, %bitcast3A_242 : vector<32xbf16>
      %mul3A_2137 = arith.mulf %bitcast3A_1961, %bitcast3A_250 : vector<32xbf16>
      %add3A_2138 = arith.addf %mul3A_2136, %mul3A_2137 : vector<32xbf16>
      %add3A_2139 = arith.addf %add3A_2135, %add3A_2138 : vector<32xbf16>
      %add3A_2140 = arith.addf %add3A_2132, %add3A_2139 : vector<32xbf16>
      %bitcast3A_2141 = vector.bitcast %add3A_2140 : vector<32xbf16> to vector<16xi32>
      %swap3A_2142 = arith.constant 208 : index
      %swap3A_2143 = tpu.vector_load %arg10[%swap3A_2142] {strides = array<i32>} : memref<256xi32, #tpu.memory_space<vmem>>, vector<16xi32>,
      tpu.vector_store %arg10[%swap3A_2142], %bitcast3A_2141 {strides = array<i32>} : memref<256xi32, #tpu.memory_space<vmem>>, vector<16xi32>,
      %mul3A_2144 = arith.mulf %bitcast3A_1912, %bitcast3A_258 : vector<32xbf16>
      %mul3A_2145 = arith.mulf %bitcast3A_1919, %bitcast3A_266 : vector<32xbf16>
      %add3A_2146 = arith.addf %mul3A_2144, %mul3A_2145 : vector<32xbf16>
      %mul3A_2147 = arith.mulf %bitcast3A_1926, %bitcast3A_274 : vector<32xbf16>
      %mul3A_2148 = arith.mulf %bitcast3A_1933, %bitcast3A_282 : vector<32xbf16>
      %add3A_2149 = arith.addf %mul3A_2147, %mul3A_2148 : vector<32xbf16>
      %add3A_2150 = arith.addf %add3A_2146, %add3A_2149 : vector<32xbf16>
      %mul3A_2151 = arith.mulf %bitcast3A_1940, %bitcast3A_290 : vector<32xbf16>
      %mul3A_2152 = arith.mulf %bitcast3A_1947, %bitcast3A_298 : vector<32xbf16>
      %add3A_2153 = arith.addf %mul3A_2151, %mul3A_2152 : vector<32xbf16>
      %mul3A_2154 = arith.mulf %bitcast3A_1954, %bitcast3A_306 : vector<32xbf16>
      %mul3A_2155 = arith.mulf %bitcast3A_1961, %bitcast3A_314 : vector<32xbf16>
      %add3A_2156 = arith.addf %mul3A_2154, %mul3A_2155 : vector<32xbf16>
      %add3A_2157 = arith.addf %add3A_2153, %add3A_2156 : vector<32xbf16>
      %add3A_2158 = arith.addf %add3A_2150, %add3A_2157 : vector<32xbf16>
      %bitcast3A_2159 = vector.bitcast %add3A_2158 : vector<32xbf16> to vector<16xi32>
      %swap3A_2160 = arith.constant 208 : index
      %swap3A_2161 = tpu.vector_load %arg11[%swap3A_2160] {strides = array<i32>} : memref<256xi32, #tpu.memory_space<vmem>>, vector<16xi32>,
      tpu.vector_store %arg11[%swap3A_2160], %bitcast3A_2159 {strides = array<i32>} : memref<256xi32, #tpu.memory_space<vmem>>, vector<16xi32>,
      %add3A_2162 = arith.constant 0 : i32
      %add3A_2163 = arith.addi %select_n3A_60, %add3A_2162 : i32
      %get3A_2164 = arith.constant 15 : i32
      %get3A_2165 = arith.index_cast %get3A_2164 : i32 to index
      %get3A_2166 = arith.index_cast %add3A_2163 : i32 to index
      %get3A_2167 = tpu.vector_load %arg5[%get3A_2165, %get3A_2166] {strides = array<i32>} : memref<16x1024xi32, #tpu.memory_space<vmem>>, vector<16xi32>,
      %bitcast3A_2168 = vector.bitcast %get3A_2167 : vector<16xi32> to vector<32xbf16>
      %add3A_2169 = arith.constant 16 : i32
      %add3A_2170 = arith.addi %select_n3A_60, %add3A_2169 : i32
      %get3A_2171 = arith.constant 15 : i32
      %get3A_2172 = arith.index_cast %get3A_2171 : i32 to index
      %get3A_2173 = arith.index_cast %add3A_2170 : i32 to index
      %get3A_2174 = tpu.vector_load %arg5[%get3A_2172, %get3A_2173] {strides = array<i32>} : memref<16x1024xi32, #tpu.memory_space<vmem>>, vector<16xi32>,
      %bitcast3A_2175 = vector.bitcast %get3A_2174 : vector<16xi32> to vector<32xbf16>
      %add3A_2176 = arith.constant 32 : i32
      %add3A_2177 = arith.addi %select_n3A_60, %add3A_2176 : i32
      %get3A_2178 = arith.constant 15 : i32
      %get3A_2179 = arith.index_cast %get3A_2178 : i32 to index
      %get3A_2180 = arith.index_cast %add3A_2177 : i32 to index
      %get3A_2181 = tpu.vector_load %arg5[%get3A_2179, %get3A_2180] {strides = array<i32>} : memref<16x1024xi32, #tpu.memory_space<vmem>>, vector<16xi32>,
      %bitcast3A_2182 = vector.bitcast %get3A_2181 : vector<16xi32> to vector<32xbf16>
      %add3A_2183 = arith.constant 48 : i32
      %add3A_2184 = arith.addi %select_n3A_60, %add3A_2183 : i32
      %get3A_2185 = arith.constant 15 : i32
      %get3A_2186 = arith.index_cast %get3A_2185 : i32 to index
      %get3A_2187 = arith.index_cast %add3A_2184 : i32 to index
      %get3A_2188 = tpu.vector_load %arg5[%get3A_2186, %get3A_2187] {strides = array<i32>} : memref<16x1024xi32, #tpu.memory_space<vmem>>, vector<16xi32>,
      %bitcast3A_2189 = vector.bitcast %get3A_2188 : vector<16xi32> to vector<32xbf16>
      %add3A_2190 = arith.constant 64 : i32
      %add3A_2191 = arith.addi %select_n3A_60, %add3A_2190 : i32
      %get3A_2192 = arith.constant 15 : i32
      %get3A_2193 = arith.index_cast %get3A_2192 : i32 to index
      %get3A_2194 = arith.index_cast %add3A_2191 : i32 to index
      %get3A_2195 = tpu.vector_load %arg5[%get3A_2193, %get3A_2194] {strides = array<i32>} : memref<16x1024xi32, #tpu.memory_space<vmem>>, vector<16xi32>,
      %bitcast3A_2196 = vector.bitcast %get3A_2195 : vector<16xi32> to vector<32xbf16>
      %add3A_2197 = arith.constant 80 : i32
      %add3A_2198 = arith.addi %select_n3A_60, %add3A_2197 : i32
      %get3A_2199 = arith.constant 15 : i32
      %get3A_2200 = arith.index_cast %get3A_2199 : i32 to index
      %get3A_2201 = arith.index_cast %add3A_2198 : i32 to index
      %get3A_2202 = tpu.vector_load %arg5[%get3A_2200, %get3A_2201] {strides = array<i32>} : memref<16x1024xi32, #tpu.memory_space<vmem>>, vector<16xi32>,
      %bitcast3A_2203 = vector.bitcast %get3A_2202 : vector<16xi32> to vector<32xbf16>
      %add3A_2204 = arith.constant 96 : i32
      %add3A_2205 = arith.addi %select_n3A_60, %add3A_2204 : i32
      %get3A_2206 = arith.constant 15 : i32
      %get3A_2207 = arith.index_cast %get3A_2206 : i32 to index
      %get3A_2208 = arith.index_cast %add3A_2205 : i32 to index
      %get3A_2209 = tpu.vector_load %arg5[%get3A_2207, %get3A_2208] {strides = array<i32>} : memref<16x1024xi32, #tpu.memory_space<vmem>>, vector<16xi32>,
      %bitcast3A_2210 = vector.bitcast %get3A_2209 : vector<16xi32> to vector<32xbf16>
      %add3A_2211 = arith.constant 112 : i32
      %add3A_2212 = arith.addi %select_n3A_60, %add3A_2211 : i32
      %get3A_2213 = arith.constant 15 : i32
      %get3A_2214 = arith.index_cast %get3A_2213 : i32 to index
      %get3A_2215 = arith.index_cast %add3A_2212 : i32 to index
      %get3A_2216 = tpu.vector_load %arg5[%get3A_2214, %get3A_2215] {strides = array<i32>} : memref<16x1024xi32, #tpu.memory_space<vmem>>, vector<16xi32>,
      %bitcast3A_2217 = vector.bitcast %get3A_2216 : vector<16xi32> to vector<32xbf16>
      %mul3A_2218 = arith.mulf %bitcast3A_2040, %bitcast3A : vector<32xbf16>
      %mul3A_2219 = arith.mulf %bitcast3A_2047, %bitcast3A_74 : vector<32xbf16>
      %add3A_2220 = arith.addf %mul3A_2218, %mul3A_2219 : vector<32xbf16>
      %mul3A_2221 = arith.mulf %bitcast3A_2054, %bitcast3A_82 : vector<32xbf16>
      %mul3A_2222 = arith.mulf %bitcast3A_2061, %bitcast3A_90 : vector<32xbf16>
      %add3A_2223 = arith.addf %mul3A_2221, %mul3A_2222 : vector<32xbf16>
      %add3A_2224 = arith.addf %add3A_2220, %add3A_2223 : vector<32xbf16>
      %mul3A_2225 = arith.mulf %bitcast3A_2068, %bitcast3A_98 : vector<32xbf16>
      %mul3A_2226 = arith.mulf %bitcast3A_2075, %bitcast3A_106 : vector<32xbf16>
      %add3A_2227 = arith.addf %mul3A_2225, %mul3A_2226 : vector<32xbf16>
      %mul3A_2228 = arith.mulf %bitcast3A_2082, %bitcast3A_114 : vector<32xbf16>
      %mul3A_2229 = arith.mulf %bitcast3A_2089, %bitcast3A_122 : vector<32xbf16>
      %add3A_2230 = arith.addf %mul3A_2228, %mul3A_2229 : vector<32xbf16>
      %add3A_2231 = arith.addf %add3A_2227, %add3A_2230 : vector<32xbf16>
      %add3A_2232 = arith.addf %add3A_2224, %add3A_2231 : vector<32xbf16>
      %bitcast3A_2233 = vector.bitcast %add3A_2232 : vector<32xbf16> to vector<16xi32>
      %swap3A_2234 = arith.constant 224 : index
      %swap3A_2235 = tpu.vector_load %arg8[%swap3A_2234] {strides = array<i32>} : memref<256xi32, #tpu.memory_space<vmem>>, vector<16xi32>,
      tpu.vector_store %arg8[%swap3A_2234], %bitcast3A_2233 {strides = array<i32>} : memref<256xi32, #tpu.memory_space<vmem>>, vector<16xi32>,
      %mul3A_2236 = arith.mulf %bitcast3A_2040, %bitcast3A_130 : vector<32xbf16>
      %mul3A_2237 = arith.mulf %bitcast3A_2047, %bitcast3A_138 : vector<32xbf16>
      %add3A_2238 = arith.addf %mul3A_2236, %mul3A_2237 : vector<32xbf16>
      %mul3A_2239 = arith.mulf %bitcast3A_2054, %bitcast3A_146 : vector<32xbf16>
      %mul3A_2240 = arith.mulf %bitcast3A_2061, %bitcast3A_154 : vector<32xbf16>
      %add3A_2241 = arith.addf %mul3A_2239, %mul3A_2240 : vector<32xbf16>
      %add3A_2242 = arith.addf %add3A_2238, %add3A_2241 : vector<32xbf16>
      %mul3A_2243 = arith.mulf %bitcast3A_2068, %bitcast3A_162 : vector<32xbf16>
      %mul3A_2244 = arith.mulf %bitcast3A_2075, %bitcast3A_170 : vector<32xbf16>
      %add3A_2245 = arith.addf %mul3A_2243, %mul3A_2244 : vector<32xbf16>
      %mul3A_2246 = arith.mulf %bitcast3A_2082, %bitcast3A_178 : vector<32xbf16>
      %mul3A_2247 = arith.mulf %bitcast3A_2089, %bitcast3A_186 : vector<32xbf16>
      %add3A_2248 = arith.addf %mul3A_2246, %mul3A_2247 : vector<32xbf16>
      %add3A_2249 = arith.addf %add3A_2245, %add3A_2248 : vector<32xbf16>
      %add3A_2250 = arith.addf %add3A_2242, %add3A_2249 : vector<32xbf16>
      %bitcast3A_2251 = vector.bitcast %add3A_2250 : vector<32xbf16> to vector<16xi32>
      %swap3A_2252 = arith.constant 224 : index
      %swap3A_2253 = tpu.vector_load %arg9[%swap3A_2252] {strides = array<i32>} : memref<256xi32, #tpu.memory_space<vmem>>, vector<16xi32>,
      tpu.vector_store %arg9[%swap3A_2252], %bitcast3A_2251 {strides = array<i32>} : memref<256xi32, #tpu.memory_space<vmem>>, vector<16xi32>,
      %mul3A_2254 = arith.mulf %bitcast3A_2040, %bitcast3A_194 : vector<32xbf16>
      %mul3A_2255 = arith.mulf %bitcast3A_2047, %bitcast3A_202 : vector<32xbf16>
      %add3A_2256 = arith.addf %mul3A_2254, %mul3A_2255 : vector<32xbf16>
      %mul3A_2257 = arith.mulf %bitcast3A_2054, %bitcast3A_210 : vector<32xbf16>
      %mul3A_2258 = arith.mulf %bitcast3A_2061, %bitcast3A_218 : vector<32xbf16>
      %add3A_2259 = arith.addf %mul3A_2257, %mul3A_2258 : vector<32xbf16>
      %add3A_2260 = arith.addf %add3A_2256, %add3A_2259 : vector<32xbf16>
      %mul3A_2261 = arith.mulf %bitcast3A_2068, %bitcast3A_226 : vector<32xbf16>
      %mul3A_2262 = arith.mulf %bitcast3A_2075, %bitcast3A_234 : vector<32xbf16>
      %add3A_2263 = arith.addf %mul3A_2261, %mul3A_2262 : vector<32xbf16>
      %mul3A_2264 = arith.mulf %bitcast3A_2082, %bitcast3A_242 : vector<32xbf16>
      %mul3A_2265 = arith.mulf %bitcast3A_2089, %bitcast3A_250 : vector<32xbf16>
      %add3A_2266 = arith.addf %mul3A_2264, %mul3A_2265 : vector<32xbf16>
      %add3A_2267 = arith.addf %add3A_2263, %add3A_2266 : vector<32xbf16>
      %add3A_2268 = arith.addf %add3A_2260, %add3A_2267 : vector<32xbf16>
      %bitcast3A_2269 = vector.bitcast %add3A_2268 : vector<32xbf16> to vector<16xi32>
      %swap3A_2270 = arith.constant 224 : index
      %swap3A_2271 = tpu.vector_load %arg10[%swap3A_2270] {strides = array<i32>} : memref<256xi32, #tpu.memory_space<vmem>>, vector<16xi32>,
      tpu.vector_store %arg10[%swap3A_2270], %bitcast3A_2269 {strides = array<i32>} : memref<256xi32, #tpu.memory_space<vmem>>, vector<16xi32>,
      %mul3A_2272 = arith.mulf %bitcast3A_2040, %bitcast3A_258 : vector<32xbf16>
      %mul3A_2273 = arith.mulf %bitcast3A_2047, %bitcast3A_266 : vector<32xbf16>
      %add3A_2274 = arith.addf %mul3A_2272, %mul3A_2273 : vector<32xbf16>
      %mul3A_2275 = arith.mulf %bitcast3A_2054, %bitcast3A_274 : vector<32xbf16>
      %mul3A_2276 = arith.mulf %bitcast3A_2061, %bitcast3A_282 : vector<32xbf16>
      %add3A_2277 = arith.addf %mul3A_2275, %mul3A_2276 : vector<32xbf16>
      %add3A_2278 = arith.addf %add3A_2274, %add3A_2277 : vector<32xbf16>
      %mul3A_2279 = arith.mulf %bitcast3A_2068, %bitcast3A_290 : vector<32xbf16>
      %mul3A_2280 = arith.mulf %bitcast3A_2075, %bitcast3A_298 : vector<32xbf16>
      %add3A_2281 = arith.addf %mul3A_2279, %mul3A_2280 : vector<32xbf16>
      %mul3A_2282 = arith.mulf %bitcast3A_2082, %bitcast3A_306 : vector<32xbf16>
      %mul3A_2283 = arith.mulf %bitcast3A_2089, %bitcast3A_314 : vector<32xbf16>
      %add3A_2284 = arith.addf %mul3A_2282, %mul3A_2283 : vector<32xbf16>
      %add3A_2285 = arith.addf %add3A_2281, %add3A_2284 : vector<32xbf16>
      %add3A_2286 = arith.addf %add3A_2278, %add3A_2285 : vector<32xbf16>
      %bitcast3A_2287 = vector.bitcast %add3A_2286 : vector<32xbf16> to vector<16xi32>
      %swap3A_2288 = arith.constant 224 : index
      %swap3A_2289 = tpu.vector_load %arg11[%swap3A_2288] {strides = array<i32>} : memref<256xi32, #tpu.memory_space<vmem>>, vector<16xi32>,
      tpu.vector_store %arg11[%swap3A_2288], %bitcast3A_2287 {strides = array<i32>} : memref<256xi32, #tpu.memory_space<vmem>>, vector<16xi32>,
      %mul3A_2290 = arith.mulf %bitcast3A_2168, %bitcast3A : vector<32xbf16>
      %mul3A_2291 = arith.mulf %bitcast3A_2175, %bitcast3A_74 : vector<32xbf16>
      %add3A_2292 = arith.addf %mul3A_2290, %mul3A_2291 : vector<32xbf16>
      %mul3A_2293 = arith.mulf %bitcast3A_2182, %bitcast3A_82 : vector<32xbf16>
      %mul3A_2294 = arith.mulf %bitcast3A_2189, %bitcast3A_90 : vector<32xbf16>
      %add3A_2295 = arith.addf %mul3A_2293, %mul3A_2294 : vector<32xbf16>
      %add3A_2296 = arith.addf %add3A_2292, %add3A_2295 : vector<32xbf16>
      %mul3A_2297 = arith.mulf %bitcast3A_2196, %bitcast3A_98 : vector<32xbf16>
      %mul3A_2298 = arith.mulf %bitcast3A_2203, %bitcast3A_106 : vector<32xbf16>
      %add3A_2299 = arith.addf %mul3A_2297, %mul3A_2298 : vector<32xbf16>
      %mul3A_2300 = arith.mulf %bitcast3A_2210, %bitcast3A_114 : vector<32xbf16>
      %mul3A_2301 = arith.mulf %bitcast3A_2217, %bitcast3A_122 : vector<32xbf16>
      %add3A_2302 = arith.addf %mul3A_2300, %mul3A_2301 : vector<32xbf16>
      %add3A_2303 = arith.addf %add3A_2299, %add3A_2302 : vector<32xbf16>
      %add3A_2304 = arith.addf %add3A_2296, %add3A_2303 : vector<32xbf16>
      %bitcast3A_2305 = vector.bitcast %add3A_2304 : vector<32xbf16> to vector<16xi32>
      %swap3A_2306 = arith.constant 240 : index
      %swap3A_2307 = tpu.vector_load %arg8[%swap3A_2306] {strides = array<i32>} : memref<256xi32, #tpu.memory_space<vmem>>, vector<16xi32>,
      tpu.vector_store %arg8[%swap3A_2306], %bitcast3A_2305 {strides = array<i32>} : memref<256xi32, #tpu.memory_space<vmem>>, vector<16xi32>,
      %mul3A_2308 = arith.mulf %bitcast3A_2168, %bitcast3A_130 : vector<32xbf16>
      %mul3A_2309 = arith.mulf %bitcast3A_2175, %bitcast3A_138 : vector<32xbf16>
      %add3A_2310 = arith.addf %mul3A_2308, %mul3A_2309 : vector<32xbf16>
      %mul3A_2311 = arith.mulf %bitcast3A_2182, %bitcast3A_146 : vector<32xbf16>
      %mul3A_2312 = arith.mulf %bitcast3A_2189, %bitcast3A_154 : vector<32xbf16>
      %add3A_2313 = arith.addf %mul3A_2311, %mul3A_2312 : vector<32xbf16>
      %add3A_2314 = arith.addf %add3A_2310, %add3A_2313 : vector<32xbf16>
      %mul3A_2315 = arith.mulf %bitcast3A_2196, %bitcast3A_162 : vector<32xbf16>
      %mul3A_2316 = arith.mulf %bitcast3A_2203, %bitcast3A_170 : vector<32xbf16>
      %add3A_2317 = arith.addf %mul3A_2315, %mul3A_2316 : vector<32xbf16>
      %mul3A_2318 = arith.mulf %bitcast3A_2210, %bitcast3A_178 : vector<32xbf16>
      %mul3A_2319 = arith.mulf %bitcast3A_2217, %bitcast3A_186 : vector<32xbf16>
      %add3A_2320 = arith.addf %mul3A_2318, %mul3A_2319 : vector<32xbf16>
      %add3A_2321 = arith.addf %add3A_2317, %add3A_2320 : vector<32xbf16>
      %add3A_2322 = arith.addf %add3A_2314, %add3A_2321 : vector<32xbf16>
      %bitcast3A_2323 = vector.bitcast %add3A_2322 : vector<32xbf16> to vector<16xi32>
      %swap3A_2324 = arith.constant 240 : index
      %swap3A_2325 = tpu.vector_load %arg9[%swap3A_2324] {strides = array<i32>} : memref<256xi32, #tpu.memory_space<vmem>>, vector<16xi32>,
      tpu.vector_store %arg9[%swap3A_2324], %bitcast3A_2323 {strides = array<i32>} : memref<256xi32, #tpu.memory_space<vmem>>, vector<16xi32>,
      %mul3A_2326 = arith.mulf %bitcast3A_2168, %bitcast3A_194 : vector<32xbf16>
      %mul3A_2327 = arith.mulf %bitcast3A_2175, %bitcast3A_202 : vector<32xbf16>
      %add3A_2328 = arith.addf %mul3A_2326, %mul3A_2327 : vector<32xbf16>
      %mul3A_2329 = arith.mulf %bitcast3A_2182, %bitcast3A_210 : vector<32xbf16>
      %mul3A_2330 = arith.mulf %bitcast3A_2189, %bitcast3A_218 : vector<32xbf16>
      %add3A_2331 = arith.addf %mul3A_2329, %mul3A_2330 : vector<32xbf16>
      %add3A_2332 = arith.addf %add3A_2328, %add3A_2331 : vector<32xbf16>
      %mul3A_2333 = arith.mulf %bitcast3A_2196, %bitcast3A_226 : vector<32xbf16>
      %mul3A_2334 = arith.mulf %bitcast3A_2203, %bitcast3A_234 : vector<32xbf16>
      %add3A_2335 = arith.addf %mul3A_2333, %mul3A_2334 : vector<32xbf16>
      %mul3A_2336 = arith.mulf %bitcast3A_2210, %bitcast3A_242 : vector<32xbf16>
      %mul3A_2337 = arith.mulf %bitcast3A_2217, %bitcast3A_250 : vector<32xbf16>
      %add3A_2338 = arith.addf %mul3A_2336, %mul3A_2337 : vector<32xbf16>
      %add3A_2339 = arith.addf %add3A_2335, %add3A_2338 : vector<32xbf16>
      %add3A_2340 = arith.addf %add3A_2332, %add3A_2339 : vector<32xbf16>
      %bitcast3A_2341 = vector.bitcast %add3A_2340 : vector<32xbf16> to vector<16xi32>
      %swap3A_2342 = arith.constant 240 : index
      %swap3A_2343 = tpu.vector_load %arg10[%swap3A_2342] {strides = array<i32>} : memref<256xi32, #tpu.memory_space<vmem>>, vector<16xi32>,
      tpu.vector_store %arg10[%swap3A_2342], %bitcast3A_2341 {strides = array<i32>} : memref<256xi32, #tpu.memory_space<vmem>>, vector<16xi32>,
      %mul3A_2344 = arith.mulf %bitcast3A_2168, %bitcast3A_258 : vector<32xbf16>
      %mul3A_2345 = arith.mulf %bitcast3A_2175, %bitcast3A_266 : vector<32xbf16>
      %add3A_2346 = arith.addf %mul3A_2344, %mul3A_2345 : vector<32xbf16>
      %mul3A_2347 = arith.mulf %bitcast3A_2182, %bitcast3A_274 : vector<32xbf16>
      %mul3A_2348 = arith.mulf %bitcast3A_2189, %bitcast3A_282 : vector<32xbf16>
      %add3A_2349 = arith.addf %mul3A_2347, %mul3A_2348 : vector<32xbf16>
      %add3A_2350 = arith.addf %add3A_2346, %add3A_2349 : vector<32xbf16>
      %mul3A_2351 = arith.mulf %bitcast3A_2196, %bitcast3A_290 : vector<32xbf16>
      %mul3A_2352 = arith.mulf %bitcast3A_2203, %bitcast3A_298 : vector<32xbf16>
      %add3A_2353 = arith.addf %mul3A_2351, %mul3A_2352 : vector<32xbf16>
      %mul3A_2354 = arith.mulf %bitcast3A_2210, %bitcast3A_306 : vector<32xbf16>
      %mul3A_2355 = arith.mulf %bitcast3A_2217, %bitcast3A_314 : vector<32xbf16>
      %add3A_2356 = arith.addf %mul3A_2354, %mul3A_2355 : vector<32xbf16>
      %add3A_2357 = arith.addf %add3A_2353, %add3A_2356 : vector<32xbf16>
      %add3A_2358 = arith.addf %add3A_2350, %add3A_2357 : vector<32xbf16>
      %bitcast3A_2359 = vector.bitcast %add3A_2358 : vector<32xbf16> to vector<16xi32>
      %swap3A_2360 = arith.constant 240 : index
      %swap3A_2361 = tpu.vector_load %arg11[%swap3A_2360] {strides = array<i32>} : memref<256xi32, #tpu.memory_space<vmem>>, vector<16xi32>,
      tpu.vector_store %arg11[%swap3A_2360], %bitcast3A_2359 {strides = array<i32>} : memref<256xi32, #tpu.memory_space<vmem>>, vector<16xi32>,
      %add3A_2362 = arith.constant 0 : i32
      %add3A_2363 = vector.broadcast %add3A_2362 : i32 to vector<16xi32>
      %add3A_2364 = arith.addi %mul3A_5, %add3A_2363 : vector<16xi32>
      %gather3A = tpu.vector_load_idx %arg8[%add3A_2364] : memref<256xi32, #tpu.memory_space<vmem>>[vector<16xi32>], vector<16xi32>,
      %bitcast3A_2365 = vector.bitcast %gather3A : vector<16xi32> to vector<32xbf16>
      %add3A_2366 = arith.constant 1 : i32
      %add3A_2367 = vector.broadcast %add3A_2366 : i32 to vector<16xi32>
      %add3A_2368 = arith.addi %mul3A_5, %add3A_2367 : vector<16xi32>
      %gather3A_2369 = tpu.vector_load_idx %arg8[%add3A_2368] : memref<256xi32, #tpu.memory_space<vmem>>[vector<16xi32>], vector<16xi32>,
      %bitcast3A_2370 = vector.bitcast %gather3A_2369 : vector<16xi32> to vector<32xbf16>
      %add3A_2371 = arith.constant 2 : i32
      %add3A_2372 = vector.broadcast %add3A_2371 : i32 to vector<16xi32>
      %add3A_2373 = arith.addi %mul3A_5, %add3A_2372 : vector<16xi32>
      %gather3A_2374 = tpu.vector_load_idx %arg8[%add3A_2373] : memref<256xi32, #tpu.memory_space<vmem>>[vector<16xi32>], vector<16xi32>,
      %bitcast3A_2375 = vector.bitcast %gather3A_2374 : vector<16xi32> to vector<32xbf16>
      %add3A_2376 = arith.constant 3 : i32
      %add3A_2377 = vector.broadcast %add3A_2376 : i32 to vector<16xi32>
      %add3A_2378 = arith.addi %mul3A_5, %add3A_2377 : vector<16xi32>
      %gather3A_2379 = tpu.vector_load_idx %arg8[%add3A_2378] : memref<256xi32, #tpu.memory_space<vmem>>[vector<16xi32>], vector<16xi32>,
      %bitcast3A_2380 = vector.bitcast %gather3A_2379 : vector<16xi32> to vector<32xbf16>
      %add3A_2381 = arith.constant 4 : i32
      %add3A_2382 = vector.broadcast %add3A_2381 : i32 to vector<16xi32>
      %add3A_2383 = arith.addi %mul3A_5, %add3A_2382 : vector<16xi32>
      %gather3A_2384 = tpu.vector_load_idx %arg8[%add3A_2383] : memref<256xi32, #tpu.memory_space<vmem>>[vector<16xi32>], vector<16xi32>,
      %bitcast3A_2385 = vector.bitcast %gather3A_2384 : vector<16xi32> to vector<32xbf16>
      %add3A_2386 = arith.constant 5 : i32
      %add3A_2387 = vector.broadcast %add3A_2386 : i32 to vector<16xi32>
      %add3A_2388 = arith.addi %mul3A_5, %add3A_2387 : vector<16xi32>
      %gather3A_2389 = tpu.vector_load_idx %arg8[%add3A_2388] : memref<256xi32, #tpu.memory_space<vmem>>[vector<16xi32>], vector<16xi32>,
      %bitcast3A_2390 = vector.bitcast %gather3A_2389 : vector<16xi32> to vector<32xbf16>
      %add3A_2391 = arith.constant 6 : i32
      %add3A_2392 = vector.broadcast %add3A_2391 : i32 to vector<16xi32>
      %add3A_2393 = arith.addi %mul3A_5, %add3A_2392 : vector<16xi32>
      %gather3A_2394 = tpu.vector_load_idx %arg8[%add3A_2393] : memref<256xi32, #tpu.memory_space<vmem>>[vector<16xi32>], vector<16xi32>,
      %bitcast3A_2395 = vector.bitcast %gather3A_2394 : vector<16xi32> to vector<32xbf16>
      %add3A_2396 = arith.constant 7 : i32
      %add3A_2397 = vector.broadcast %add3A_2396 : i32 to vector<16xi32>
      %add3A_2398 = arith.addi %mul3A_5, %add3A_2397 : vector<16xi32>
      %gather3A_2399 = tpu.vector_load_idx %arg8[%add3A_2398] : memref<256xi32, #tpu.memory_space<vmem>>[vector<16xi32>], vector<16xi32>,
      %bitcast3A_2400 = vector.bitcast %gather3A_2399 : vector<16xi32> to vector<32xbf16>
      %add3A_2401 = arith.constant 8 : i32
      %add3A_2402 = vector.broadcast %add3A_2401 : i32 to vector<16xi32>
      %add3A_2403 = arith.addi %mul3A_5, %add3A_2402 : vector<16xi32>
      %gather3A_2404 = tpu.vector_load_idx %arg8[%add3A_2403] : memref<256xi32, #tpu.memory_space<vmem>>[vector<16xi32>], vector<16xi32>,
      %bitcast3A_2405 = vector.bitcast %gather3A_2404 : vector<16xi32> to vector<32xbf16>
      %add3A_2406 = arith.constant 9 : i32
      %add3A_2407 = vector.broadcast %add3A_2406 : i32 to vector<16xi32>
      %add3A_2408 = arith.addi %mul3A_5, %add3A_2407 : vector<16xi32>
      %gather3A_2409 = tpu.vector_load_idx %arg8[%add3A_2408] : memref<256xi32, #tpu.memory_space<vmem>>[vector<16xi32>], vector<16xi32>,
      %bitcast3A_2410 = vector.bitcast %gather3A_2409 : vector<16xi32> to vector<32xbf16>
      %add3A_2411 = arith.constant 10 : i32
      %add3A_2412 = vector.broadcast %add3A_2411 : i32 to vector<16xi32>
      %add3A_2413 = arith.addi %mul3A_5, %add3A_2412 : vector<16xi32>
      %gather3A_2414 = tpu.vector_load_idx %arg8[%add3A_2413] : memref<256xi32, #tpu.memory_space<vmem>>[vector<16xi32>], vector<16xi32>,
      %bitcast3A_2415 = vector.bitcast %gather3A_2414 : vector<16xi32> to vector<32xbf16>
      %add3A_2416 = arith.constant 11 : i32
      %add3A_2417 = vector.broadcast %add3A_2416 : i32 to vector<16xi32>
      %add3A_2418 = arith.addi %mul3A_5, %add3A_2417 : vector<16xi32>
      %gather3A_2419 = tpu.vector_load_idx %arg8[%add3A_2418] : memref<256xi32, #tpu.memory_space<vmem>>[vector<16xi32>], vector<16xi32>,
      %bitcast3A_2420 = vector.bitcast %gather3A_2419 : vector<16xi32> to vector<32xbf16>
      %add3A_2421 = arith.constant 12 : i32
      %add3A_2422 = vector.broadcast %add3A_2421 : i32 to vector<16xi32>
      %add3A_2423 = arith.addi %mul3A_5, %add3A_2422 : vector<16xi32>
      %gather3A_2424 = tpu.vector_load_idx %arg8[%add3A_2423] : memref<256xi32, #tpu.memory_space<vmem>>[vector<16xi32>], vector<16xi32>,
      %bitcast3A_2425 = vector.bitcast %gather3A_2424 : vector<16xi32> to vector<32xbf16>
      %add3A_2426 = arith.constant 13 : i32
      %add3A_2427 = vector.broadcast %add3A_2426 : i32 to vector<16xi32>
      %add3A_2428 = arith.addi %mul3A_5, %add3A_2427 : vector<16xi32>
      %gather3A_2429 = tpu.vector_load_idx %arg8[%add3A_2428] : memref<256xi32, #tpu.memory_space<vmem>>[vector<16xi32>], vector<16xi32>,
      %bitcast3A_2430 = vector.bitcast %gather3A_2429 : vector<16xi32> to vector<32xbf16>
      %add3A_2431 = arith.constant 14 : i32
      %add3A_2432 = vector.broadcast %add3A_2431 : i32 to vector<16xi32>
      %add3A_2433 = arith.addi %mul3A_5, %add3A_2432 : vector<16xi32>
      %gather3A_2434 = tpu.vector_load_idx %arg8[%add3A_2433] : memref<256xi32, #tpu.memory_space<vmem>>[vector<16xi32>], vector<16xi32>,
      %bitcast3A_2435 = vector.bitcast %gather3A_2434 : vector<16xi32> to vector<32xbf16>
      %add3A_2436 = arith.constant 15 : i32
      %add3A_2437 = vector.broadcast %add3A_2436 : i32 to vector<16xi32>
      %add3A_2438 = arith.addi %mul3A_5, %add3A_2437 : vector<16xi32>
      %gather3A_2439 = tpu.vector_load_idx %arg8[%add3A_2438] : memref<256xi32, #tpu.memory_space<vmem>>[vector<16xi32>], vector<16xi32>,
      %bitcast3A_2440 = vector.bitcast %gather3A_2439 : vector<16xi32> to vector<32xbf16>
      %add3A_2441 = arith.addf %bitcast3A_2365, %bitcast3A_2370 : vector<32xbf16>
      %add3A_2442 = arith.addf %bitcast3A_2375, %bitcast3A_2380 : vector<32xbf16>
      %add3A_2443 = arith.addf %bitcast3A_2385, %bitcast3A_2390 : vector<32xbf16>
      %add3A_2444 = arith.addf %bitcast3A_2395, %bitcast3A_2400 : vector<32xbf16>
      %add3A_2445 = arith.addf %bitcast3A_2405, %bitcast3A_2410 : vector<32xbf16>
      %add3A_2446 = arith.addf %bitcast3A_2415, %bitcast3A_2420 : vector<32xbf16>
      %add3A_2447 = arith.addf %bitcast3A_2425, %bitcast3A_2430 : vector<32xbf16>
      %add3A_2448 = arith.addf %bitcast3A_2435, %bitcast3A_2440 : vector<32xbf16>
      %add3A_2449 = arith.addf %add3A_2441, %add3A_2442 : vector<32xbf16>
      %add3A_2450 = arith.addf %add3A_2443, %add3A_2444 : vector<32xbf16>
      %add3A_2451 = arith.addf %add3A_2445, %add3A_2446 : vector<32xbf16>
      %add3A_2452 = arith.addf %add3A_2447, %add3A_2448 : vector<32xbf16>
      %add3A_2453 = arith.addf %add3A_2449, %add3A_2450 : vector<32xbf16>
      %add3A_2454 = arith.addf %add3A_2451, %add3A_2452 : vector<32xbf16>
      %add3A_2455 = arith.addf %add3A_2453, %add3A_2454 : vector<32xbf16>
      %unpack3A = tpu.unpack_subelements %add3A_2455, 0 {pack_format = #tpu.pack_format<interleaved>} : vector<32xbf16> -> vector<16xf32>
      %unpack3A_2456 = tpu.unpack_subelements %add3A_2455, 1 {pack_format = #tpu.pack_format<interleaved>} : vector<32xbf16> -> vector<16xf32>
      %mul3A_2457 = arith.constant 4 : i32
      %mul3A_2458 = arith.muli %mul3A_2457, %scan3A_54 : i32
      %add3A_2459 = arith.constant 0 : i32
      %add3A_2460 = arith.addi %mul3A_2458, %add3A_2459 : i32
      %add3A_2461 = vector.broadcast %add3A_2460 : i32 to vector<16xi32>
      %add3A_2462 = arith.addi %mul3A_8, %add3A_2461 : vector<16xi32>
      tpu.vector_store_idx %arg7[%add3A_2462], %unpack3A : memref<1792xf32, #tpu.memory_space<vmem>>[vector<16xi32>], vector<16xf32>,
      %add3A_2463 = arith.constant 896 : i32
      %add3A_2464 = arith.addi %add3A_2463, %add3A_2460 : i32
      %add3A_2465 = vector.broadcast %add3A_2464 : i32 to vector<16xi32>
      %add3A_2466 = arith.addi %mul3A_8, %add3A_2465 : vector<16xi32>
      tpu.vector_store_idx %arg7[%add3A_2466], %unpack3A_2456 : memref<1792xf32, #tpu.memory_space<vmem>>[vector<16xi32>], vector<16xf32>,
      %add3A_2467 = arith.constant 0 : i32
      %add3A_2468 = vector.broadcast %add3A_2467 : i32 to vector<16xi32>
      %add3A_2469 = arith.addi %mul3A_5, %add3A_2468 : vector<16xi32>
      %gather3A_2470 = tpu.vector_load_idx %arg9[%add3A_2469] : memref<256xi32, #tpu.memory_space<vmem>>[vector<16xi32>], vector<16xi32>,
      %bitcast3A_2471 = vector.bitcast %gather3A_2470 : vector<16xi32> to vector<32xbf16>
      %add3A_2472 = arith.constant 1 : i32
      %add3A_2473 = vector.broadcast %add3A_2472 : i32 to vector<16xi32>
      %add3A_2474 = arith.addi %mul3A_5, %add3A_2473 : vector<16xi32>
      %gather3A_2475 = tpu.vector_load_idx %arg9[%add3A_2474] : memref<256xi32, #tpu.memory_space<vmem>>[vector<16xi32>], vector<16xi32>,
      %bitcast3A_2476 = vector.bitcast %gather3A_2475 : vector<16xi32> to vector<32xbf16>
      %add3A_2477 = arith.constant 2 : i32
      %add3A_2478 = vector.broadcast %add3A_2477 : i32 to vector<16xi32>
      %add3A_2479 = arith.addi %mul3A_5, %add3A_2478 : vector<16xi32>
      %gather3A_2480 = tpu.vector_load_idx %arg9[%add3A_2479] : memref<256xi32, #tpu.memory_space<vmem>>[vector<16xi32>], vector<16xi32>,
      %bitcast3A_2481 = vector.bitcast %gather3A_2480 : vector<16xi32> to vector<32xbf16>
      %add3A_2482 = arith.constant 3 : i32
      %add3A_2483 = vector.broadcast %add3A_2482 : i32 to vector<16xi32>
      %add3A_2484 = arith.addi %mul3A_5, %add3A_2483 : vector<16xi32>
      %gather3A_2485 = tpu.vector_load_idx %arg9[%add3A_2484] : memref<256xi32, #tpu.memory_space<vmem>>[vector<16xi32>], vector<16xi32>,
      %bitcast3A_2486 = vector.bitcast %gather3A_2485 : vector<16xi32> to vector<32xbf16>
      %add3A_2487 = arith.constant 4 : i32
      %add3A_2488 = vector.broadcast %add3A_2487 : i32 to vector<16xi32>
      %add3A_2489 = arith.addi %mul3A_5, %add3A_2488 : vector<16xi32>
      %gather3A_2490 = tpu.vector_load_idx %arg9[%add3A_2489] : memref<256xi32, #tpu.memory_space<vmem>>[vector<16xi32>], vector<16xi32>,
      %bitcast3A_2491 = vector.bitcast %gather3A_2490 : vector<16xi32> to vector<32xbf16>
      %add3A_2492 = arith.constant 5 : i32
      %add3A_2493 = vector.broadcast %add3A_2492 : i32 to vector<16xi32>
      %add3A_2494 = arith.addi %mul3A_5, %add3A_2493 : vector<16xi32>
      %gather3A_2495 = tpu.vector_load_idx %arg9[%add3A_2494] : memref<256xi32, #tpu.memory_space<vmem>>[vector<16xi32>], vector<16xi32>,
      %bitcast3A_2496 = vector.bitcast %gather3A_2495 : vector<16xi32> to vector<32xbf16>
      %add3A_2497 = arith.constant 6 : i32
      %add3A_2498 = vector.broadcast %add3A_2497 : i32 to vector<16xi32>
      %add3A_2499 = arith.addi %mul3A_5, %add3A_2498 : vector<16xi32>
      %gather3A_2500 = tpu.vector_load_idx %arg9[%add3A_2499] : memref<256xi32, #tpu.memory_space<vmem>>[vector<16xi32>], vector<16xi32>,
      %bitcast3A_2501 = vector.bitcast %gather3A_2500 : vector<16xi32> to vector<32xbf16>
      %add3A_2502 = arith.constant 7 : i32
      %add3A_2503 = vector.broadcast %add3A_2502 : i32 to vector<16xi32>
      %add3A_2504 = arith.addi %mul3A_5, %add3A_2503 : vector<16xi32>
      %gather3A_2505 = tpu.vector_load_idx %arg9[%add3A_2504] : memref<256xi32, #tpu.memory_space<vmem>>[vector<16xi32>], vector<16xi32>,
      %bitcast3A_2506 = vector.bitcast %gather3A_2505 : vector<16xi32> to vector<32xbf16>
      %add3A_2507 = arith.constant 8 : i32
      %add3A_2508 = vector.broadcast %add3A_2507 : i32 to vector<16xi32>
      %add3A_2509 = arith.addi %mul3A_5, %add3A_2508 : vector<16xi32>
      %gather3A_2510 = tpu.vector_load_idx %arg9[%add3A_2509] : memref<256xi32, #tpu.memory_space<vmem>>[vector<16xi32>], vector<16xi32>,
      %bitcast3A_2511 = vector.bitcast %gather3A_2510 : vector<16xi32> to vector<32xbf16>
      %add3A_2512 = arith.constant 9 : i32
      %add3A_2513 = vector.broadcast %add3A_2512 : i32 to vector<16xi32>
      %add3A_2514 = arith.addi %mul3A_5, %add3A_2513 : vector<16xi32>
      %gather3A_2515 = tpu.vector_load_idx %arg9[%add3A_2514] : memref<256xi32, #tpu.memory_space<vmem>>[vector<16xi32>], vector<16xi32>,
      %bitcast3A_2516 = vector.bitcast %gather3A_2515 : vector<16xi32> to vector<32xbf16>
      %add3A_2517 = arith.constant 10 : i32
      %add3A_2518 = vector.broadcast %add3A_2517 : i32 to vector<16xi32>
      %add3A_2519 = arith.addi %mul3A_5, %add3A_2518 : vector<16xi32>
      %gather3A_2520 = tpu.vector_load_idx %arg9[%add3A_2519] : memref<256xi32, #tpu.memory_space<vmem>>[vector<16xi32>], vector<16xi32>,
      %bitcast3A_2521 = vector.bitcast %gather3A_2520 : vector<16xi32> to vector<32xbf16>
      %add3A_2522 = arith.constant 11 : i32
      %add3A_2523 = vector.broadcast %add3A_2522 : i32 to vector<16xi32>
      %add3A_2524 = arith.addi %mul3A_5, %add3A_2523 : vector<16xi32>
      %gather3A_2525 = tpu.vector_load_idx %arg9[%add3A_2524] : memref<256xi32, #tpu.memory_space<vmem>>[vector<16xi32>], vector<16xi32>,
      %bitcast3A_2526 = vector.bitcast %gather3A_2525 : vector<16xi32> to vector<32xbf16>
      %add3A_2527 = arith.constant 12 : i32
      %add3A_2528 = vector.broadcast %add3A_2527 : i32 to vector<16xi32>
      %add3A_2529 = arith.addi %mul3A_5, %add3A_2528 : vector<16xi32>
      %gather3A_2530 = tpu.vector_load_idx %arg9[%add3A_2529] : memref<256xi32, #tpu.memory_space<vmem>>[vector<16xi32>], vector<16xi32>,
      %bitcast3A_2531 = vector.bitcast %gather3A_2530 : vector<16xi32> to vector<32xbf16>
      %add3A_2532 = arith.constant 13 : i32
      %add3A_2533 = vector.broadcast %add3A_2532 : i32 to vector<16xi32>
      %add3A_2534 = arith.addi %mul3A_5, %add3A_2533 : vector<16xi32>
      %gather3A_2535 = tpu.vector_load_idx %arg9[%add3A_2534] : memref<256xi32, #tpu.memory_space<vmem>>[vector<16xi32>], vector<16xi32>,
      %bitcast3A_2536 = vector.bitcast %gather3A_2535 : vector<16xi32> to vector<32xbf16>
      %add3A_2537 = arith.constant 14 : i32
      %add3A_2538 = vector.broadcast %add3A_2537 : i32 to vector<16xi32>
      %add3A_2539 = arith.addi %mul3A_5, %add3A_2538 : vector<16xi32>
      %gather3A_2540 = tpu.vector_load_idx %arg9[%add3A_2539] : memref<256xi32, #tpu.memory_space<vmem>>[vector<16xi32>], vector<16xi32>,
      %bitcast3A_2541 = vector.bitcast %gather3A_2540 : vector<16xi32> to vector<32xbf16>
      %add3A_2542 = arith.constant 15 : i32
      %add3A_2543 = vector.broadcast %add3A_2542 : i32 to vector<16xi32>
      %add3A_2544 = arith.addi %mul3A_5, %add3A_2543 : vector<16xi32>
      %gather3A_2545 = tpu.vector_load_idx %arg9[%add3A_2544] : memref<256xi32, #tpu.memory_space<vmem>>[vector<16xi32>], vector<16xi32>,
      %bitcast3A_2546 = vector.bitcast %gather3A_2545 : vector<16xi32> to vector<32xbf16>
      %add3A_2547 = arith.addf %bitcast3A_2471, %bitcast3A_2476 : vector<32xbf16>
      %add3A_2548 = arith.addf %bitcast3A_2481, %bitcast3A_2486 : vector<32xbf16>
      %add3A_2549 = arith.addf %bitcast3A_2491, %bitcast3A_2496 : vector<32xbf16>
      %add3A_2550 = arith.addf %bitcast3A_2501, %bitcast3A_2506 : vector<32xbf16>
      %add3A_2551 = arith.addf %bitcast3A_2511, %bitcast3A_2516 : vector<32xbf16>
      %add3A_2552 = arith.addf %bitcast3A_2521, %bitcast3A_2526 : vector<32xbf16>
      %add3A_2553 = arith.addf %bitcast3A_2531, %bitcast3A_2536 : vector<32xbf16>
      %add3A_2554 = arith.addf %bitcast3A_2541, %bitcast3A_2546 : vector<32xbf16>
      %add3A_2555 = arith.addf %add3A_2547, %add3A_2548 : vector<32xbf16>
      %add3A_2556 = arith.addf %add3A_2549, %add3A_2550 : vector<32xbf16>
      %add3A_2557 = arith.addf %add3A_2551, %add3A_2552 : vector<32xbf16>
      %add3A_2558 = arith.addf %add3A_2553, %add3A_2554 : vector<32xbf16>
      %add3A_2559 = arith.addf %add3A_2555, %add3A_2556 : vector<32xbf16>
      %add3A_2560 = arith.addf %add3A_2557, %add3A_2558 : vector<32xbf16>
      %add3A_2561 = arith.addf %add3A_2559, %add3A_2560 : vector<32xbf16>
      %unpack3A_2562 = tpu.unpack_subelements %add3A_2561, 0 {pack_format = #tpu.pack_format<interleaved>} : vector<32xbf16> -> vector<16xf32>
      %unpack3A_2563 = tpu.unpack_subelements %add3A_2561, 1 {pack_format = #tpu.pack_format<interleaved>} : vector<32xbf16> -> vector<16xf32>
      %mul3A_2564 = arith.constant 4 : i32
      %mul3A_2565 = arith.muli %mul3A_2564, %scan3A_54 : i32
      %add3A_2566 = arith.constant 1 : i32
      %add3A_2567 = arith.addi %mul3A_2565, %add3A_2566 : i32
      %add3A_2568 = vector.broadcast %add3A_2567 : i32 to vector<16xi32>
      %add3A_2569 = arith.addi %mul3A_8, %add3A_2568 : vector<16xi32>
      tpu.vector_store_idx %arg7[%add3A_2569], %unpack3A_2562 : memref<1792xf32, #tpu.memory_space<vmem>>[vector<16xi32>], vector<16xf32>,
      %add3A_2570 = arith.constant 896 : i32
      %add3A_2571 = arith.addi %add3A_2570, %add3A_2567 : i32
      %add3A_2572 = vector.broadcast %add3A_2571 : i32 to vector<16xi32>
      %add3A_2573 = arith.addi %mul3A_8, %add3A_2572 : vector<16xi32>
      tpu.vector_store_idx %arg7[%add3A_2573], %unpack3A_2563 : memref<1792xf32, #tpu.memory_space<vmem>>[vector<16xi32>], vector<16xf32>,
      %add3A_2574 = arith.constant 0 : i32
      %add3A_2575 = vector.broadcast %add3A_2574 : i32 to vector<16xi32>
      %add3A_2576 = arith.addi %mul3A_5, %add3A_2575 : vector<16xi32>
      %gather3A_2577 = tpu.vector_load_idx %arg10[%add3A_2576] : memref<256xi32, #tpu.memory_space<vmem>>[vector<16xi32>], vector<16xi32>,
      %bitcast3A_2578 = vector.bitcast %gather3A_2577 : vector<16xi32> to vector<32xbf16>
      %add3A_2579 = arith.constant 1 : i32
      %add3A_2580 = vector.broadcast %add3A_2579 : i32 to vector<16xi32>
      %add3A_2581 = arith.addi %mul3A_5, %add3A_2580 : vector<16xi32>
      %gather3A_2582 = tpu.vector_load_idx %arg10[%add3A_2581] : memref<256xi32, #tpu.memory_space<vmem>>[vector<16xi32>], vector<16xi32>,
      %bitcast3A_2583 = vector.bitcast %gather3A_2582 : vector<16xi32> to vector<32xbf16>
      %add3A_2584 = arith.constant 2 : i32
      %add3A_2585 = vector.broadcast %add3A_2584 : i32 to vector<16xi32>
      %add3A_2586 = arith.addi %mul3A_5, %add3A_2585 : vector<16xi32>
      %gather3A_2587 = tpu.vector_load_idx %arg10[%add3A_2586] : memref<256xi32, #tpu.memory_space<vmem>>[vector<16xi32>], vector<16xi32>,
      %bitcast3A_2588 = vector.bitcast %gather3A_2587 : vector<16xi32> to vector<32xbf16>
      %add3A_2589 = arith.constant 3 : i32
      %add3A_2590 = vector.broadcast %add3A_2589 : i32 to vector<16xi32>
      %add3A_2591 = arith.addi %mul3A_5, %add3A_2590 : vector<16xi32>
      %gather3A_2592 = tpu.vector_load_idx %arg10[%add3A_2591] : memref<256xi32, #tpu.memory_space<vmem>>[vector<16xi32>], vector<16xi32>,
      %bitcast3A_2593 = vector.bitcast %gather3A_2592 : vector<16xi32> to vector<32xbf16>
      %add3A_2594 = arith.constant 4 : i32
      %add3A_2595 = vector.broadcast %add3A_2594 : i32 to vector<16xi32>
      %add3A_2596 = arith.addi %mul3A_5, %add3A_2595 : vector<16xi32>
      %gather3A_2597 = tpu.vector_load_idx %arg10[%add3A_2596] : memref<256xi32, #tpu.memory_space<vmem>>[vector<16xi32>], vector<16xi32>,
      %bitcast3A_2598 = vector.bitcast %gather3A_2597 : vector<16xi32> to vector<32xbf16>
      %add3A_2599 = arith.constant 5 : i32
      %add3A_2600 = vector.broadcast %add3A_2599 : i32 to vector<16xi32>
      %add3A_2601 = arith.addi %mul3A_5, %add3A_2600 : vector<16xi32>
      %gather3A_2602 = tpu.vector_load_idx %arg10[%add3A_2601] : memref<256xi32, #tpu.memory_space<vmem>>[vector<16xi32>], vector<16xi32>,
      %bitcast3A_2603 = vector.bitcast %gather3A_2602 : vector<16xi32> to vector<32xbf16>
      %add3A_2604 = arith.constant 6 : i32
      %add3A_2605 = vector.broadcast %add3A_2604 : i32 to vector<16xi32>
      %add3A_2606 = arith.addi %mul3A_5, %add3A_2605 : vector<16xi32>
      %gather3A_2607 = tpu.vector_load_idx %arg10[%add3A_2606] : memref<256xi32, #tpu.memory_space<vmem>>[vector<16xi32>], vector<16xi32>,
      %bitcast3A_2608 = vector.bitcast %gather3A_2607 : vector<16xi32> to vector<32xbf16>
      %add3A_2609 = arith.constant 7 : i32
      %add3A_2610 = vector.broadcast %add3A_2609 : i32 to vector<16xi32>
      %add3A_2611 = arith.addi %mul3A_5, %add3A_2610 : vector<16xi32>
      %gather3A_2612 = tpu.vector_load_idx %arg10[%add3A_2611] : memref<256xi32, #tpu.memory_space<vmem>>[vector<16xi32>], vector<16xi32>,
      %bitcast3A_2613 = vector.bitcast %gather3A_2612 : vector<16xi32> to vector<32xbf16>
      %add3A_2614 = arith.constant 8 : i32
      %add3A_2615 = vector.broadcast %add3A_2614 : i32 to vector<16xi32>
      %add3A_2616 = arith.addi %mul3A_5, %add3A_2615 : vector<16xi32>
      %gather3A_2617 = tpu.vector_load_idx %arg10[%add3A_2616] : memref<256xi32, #tpu.memory_space<vmem>>[vector<16xi32>], vector<16xi32>,
      %bitcast3A_2618 = vector.bitcast %gather3A_2617 : vector<16xi32> to vector<32xbf16>
      %add3A_2619 = arith.constant 9 : i32
      %add3A_2620 = vector.broadcast %add3A_2619 : i32 to vector<16xi32>
      %add3A_2621 = arith.addi %mul3A_5, %add3A_2620 : vector<16xi32>
      %gather3A_2622 = tpu.vector_load_idx %arg10[%add3A_2621] : memref<256xi32, #tpu.memory_space<vmem>>[vector<16xi32>], vector<16xi32>,
      %bitcast3A_2623 = vector.bitcast %gather3A_2622 : vector<16xi32> to vector<32xbf16>
      %add3A_2624 = arith.constant 10 : i32
      %add3A_2625 = vector.broadcast %add3A_2624 : i32 to vector<16xi32>
      %add3A_2626 = arith.addi %mul3A_5, %add3A_2625 : vector<16xi32>
      %gather3A_2627 = tpu.vector_load_idx %arg10[%add3A_2626] : memref<256xi32, #tpu.memory_space<vmem>>[vector<16xi32>], vector<16xi32>,
      %bitcast3A_2628 = vector.bitcast %gather3A_2627 : vector<16xi32> to vector<32xbf16>
      %add3A_2629 = arith.constant 11 : i32
      %add3A_2630 = vector.broadcast %add3A_2629 : i32 to vector<16xi32>
      %add3A_2631 = arith.addi %mul3A_5, %add3A_2630 : vector<16xi32>
      %gather3A_2632 = tpu.vector_load_idx %arg10[%add3A_2631] : memref<256xi32, #tpu.memory_space<vmem>>[vector<16xi32>], vector<16xi32>,
      %bitcast3A_2633 = vector.bitcast %gather3A_2632 : vector<16xi32> to vector<32xbf16>
      %add3A_2634 = arith.constant 12 : i32
      %add3A_2635 = vector.broadcast %add3A_2634 : i32 to vector<16xi32>
      %add3A_2636 = arith.addi %mul3A_5, %add3A_2635 : vector<16xi32>
      %gather3A_2637 = tpu.vector_load_idx %arg10[%add3A_2636] : memref<256xi32, #tpu.memory_space<vmem>>[vector<16xi32>], vector<16xi32>,
      %bitcast3A_2638 = vector.bitcast %gather3A_2637 : vector<16xi32> to vector<32xbf16>
      %add3A_2639 = arith.constant 13 : i32
      %add3A_2640 = vector.broadcast %add3A_2639 : i32 to vector<16xi32>
      %add3A_2641 = arith.addi %mul3A_5, %add3A_2640 : vector<16xi32>
      %gather3A_2642 = tpu.vector_load_idx %arg10[%add3A_2641] : memref<256xi32, #tpu.memory_space<vmem>>[vector<16xi32>], vector<16xi32>,
      %bitcast3A_2643 = vector.bitcast %gather3A_2642 : vector<16xi32> to vector<32xbf16>
      %add3A_2644 = arith.constant 14 : i32
      %add3A_2645 = vector.broadcast %add3A_2644 : i32 to vector<16xi32>
      %add3A_2646 = arith.addi %mul3A_5, %add3A_2645 : vector<16xi32>
      %gather3A_2647 = tpu.vector_load_idx %arg10[%add3A_2646] : memref<256xi32, #tpu.memory_space<vmem>>[vector<16xi32>], vector<16xi32>,
      %bitcast3A_2648 = vector.bitcast %gather3A_2647 : vector<16xi32> to vector<32xbf16>
      %add3A_2649 = arith.constant 15 : i32
      %add3A_2650 = vector.broadcast %add3A_2649 : i32 to vector<16xi32>
      %add3A_2651 = arith.addi %mul3A_5, %add3A_2650 : vector<16xi32>
      %gather3A_2652 = tpu.vector_load_idx %arg10[%add3A_2651] : memref<256xi32, #tpu.memory_space<vmem>>[vector<16xi32>], vector<16xi32>,
      %bitcast3A_2653 = vector.bitcast %gather3A_2652 : vector<16xi32> to vector<32xbf16>
      %add3A_2654 = arith.addf %bitcast3A_2578, %bitcast3A_2583 : vector<32xbf16>
      %add3A_2655 = arith.addf %bitcast3A_2588, %bitcast3A_2593 : vector<32xbf16>
      %add3A_2656 = arith.addf %bitcast3A_2598, %bitcast3A_2603 : vector<32xbf16>
      %add3A_2657 = arith.addf %bitcast3A_2608, %bitcast3A_2613 : vector<32xbf16>
      %add3A_2658 = arith.addf %bitcast3A_2618, %bitcast3A_2623 : vector<32xbf16>
      %add3A_2659 = arith.addf %bitcast3A_2628, %bitcast3A_2633 : vector<32xbf16>
      %add3A_2660 = arith.addf %bitcast3A_2638, %bitcast3A_2643 : vector<32xbf16>
      %add3A_2661 = arith.addf %bitcast3A_2648, %bitcast3A_2653 : vector<32xbf16>
      %add3A_2662 = arith.addf %add3A_2654, %add3A_2655 : vector<32xbf16>
      %add3A_2663 = arith.addf %add3A_2656, %add3A_2657 : vector<32xbf16>
      %add3A_2664 = arith.addf %add3A_2658, %add3A_2659 : vector<32xbf16>
      %add3A_2665 = arith.addf %add3A_2660, %add3A_2661 : vector<32xbf16>
      %add3A_2666 = arith.addf %add3A_2662, %add3A_2663 : vector<32xbf16>
      %add3A_2667 = arith.addf %add3A_2664, %add3A_2665 : vector<32xbf16>
      %add3A_2668 = arith.addf %add3A_2666, %add3A_2667 : vector<32xbf16>
      %unpack3A_2669 = tpu.unpack_subelements %add3A_2668, 0 {pack_format = #tpu.pack_format<interleaved>} : vector<32xbf16> -> vector<16xf32>
      %unpack3A_2670 = tpu.unpack_subelements %add3A_2668, 1 {pack_format = #tpu.pack_format<interleaved>} : vector<32xbf16> -> vector<16xf32>
      %mul3A_2671 = arith.constant 4 : i32
      %mul3A_2672 = arith.muli %mul3A_2671, %scan3A_54 : i32
      %add3A_2673 = arith.constant 2 : i32
      %add3A_2674 = arith.addi %mul3A_2672, %add3A_2673 : i32
      %add3A_2675 = vector.broadcast %add3A_2674 : i32 to vector<16xi32>
      %add3A_2676 = arith.addi %mul3A_8, %add3A_2675 : vector<16xi32>
      tpu.vector_store_idx %arg7[%add3A_2676], %unpack3A_2669 : memref<1792xf32, #tpu.memory_space<vmem>>[vector<16xi32>], vector<16xf32>,
      %add3A_2677 = arith.constant 896 : i32
      %add3A_2678 = arith.addi %add3A_2677, %add3A_2674 : i32
      %add3A_2679 = vector.broadcast %add3A_2678 : i32 to vector<16xi32>
      %add3A_2680 = arith.addi %mul3A_8, %add3A_2679 : vector<16xi32>
      tpu.vector_store_idx %arg7[%add3A_2680], %unpack3A_2670 : memref<1792xf32, #tpu.memory_space<vmem>>[vector<16xi32>], vector<16xf32>,
      %add3A_2681 = arith.constant 0 : i32
      %add3A_2682 = vector.broadcast %add3A_2681 : i32 to vector<16xi32>
      %add3A_2683 = arith.addi %mul3A_5, %add3A_2682 : vector<16xi32>
      %gather3A_2684 = tpu.vector_load_idx %arg11[%add3A_2683] : memref<256xi32, #tpu.memory_space<vmem>>[vector<16xi32>], vector<16xi32>,
      %bitcast3A_2685 = vector.bitcast %gather3A_2684 : vector<16xi32> to vector<32xbf16>
      %add3A_2686 = arith.constant 1 : i32
      %add3A_2687 = vector.broadcast %add3A_2686 : i32 to vector<16xi32>
      %add3A_2688 = arith.addi %mul3A_5, %add3A_2687 : vector<16xi32>
      %gather3A_2689 = tpu.vector_load_idx %arg11[%add3A_2688] : memref<256xi32, #tpu.memory_space<vmem>>[vector<16xi32>], vector<16xi32>,
      %bitcast3A_2690 = vector.bitcast %gather3A_2689 : vector<16xi32> to vector<32xbf16>
      %add3A_2691 = arith.constant 2 : i32
      %add3A_2692 = vector.broadcast %add3A_2691 : i32 to vector<16xi32>
      %add3A_2693 = arith.addi %mul3A_5, %add3A_2692 : vector<16xi32>
      %gather3A_2694 = tpu.vector_load_idx %arg11[%add3A_2693] : memref<256xi32, #tpu.memory_space<vmem>>[vector<16xi32>], vector<16xi32>,
      %bitcast3A_2695 = vector.bitcast %gather3A_2694 : vector<16xi32> to vector<32xbf16>
      %add3A_2696 = arith.constant 3 : i32
      %add3A_2697 = vector.broadcast %add3A_2696 : i32 to vector<16xi32>
      %add3A_2698 = arith.addi %mul3A_5, %add3A_2697 : vector<16xi32>
      %gather3A_2699 = tpu.vector_load_idx %arg11[%add3A_2698] : memref<256xi32, #tpu.memory_space<vmem>>[vector<16xi32>], vector<16xi32>,
      %bitcast3A_2700 = vector.bitcast %gather3A_2699 : vector<16xi32> to vector<32xbf16>
      %add3A_2701 = arith.constant 4 : i32
      %add3A_2702 = vector.broadcast %add3A_2701 : i32 to vector<16xi32>
      %add3A_2703 = arith.addi %mul3A_5, %add3A_2702 : vector<16xi32>
      %gather3A_2704 = tpu.vector_load_idx %arg11[%add3A_2703] : memref<256xi32, #tpu.memory_space<vmem>>[vector<16xi32>], vector<16xi32>,
      %bitcast3A_2705 = vector.bitcast %gather3A_2704 : vector<16xi32> to vector<32xbf16>
      %add3A_2706 = arith.constant 5 : i32
      %add3A_2707 = vector.broadcast %add3A_2706 : i32 to vector<16xi32>
      %add3A_2708 = arith.addi %mul3A_5, %add3A_2707 : vector<16xi32>
      %gather3A_2709 = tpu.vector_load_idx %arg11[%add3A_2708] : memref<256xi32, #tpu.memory_space<vmem>>[vector<16xi32>], vector<16xi32>,
      %bitcast3A_2710 = vector.bitcast %gather3A_2709 : vector<16xi32> to vector<32xbf16>
      %add3A_2711 = arith.constant 6 : i32
      %add3A_2712 = vector.broadcast %add3A_2711 : i32 to vector<16xi32>
      %add3A_2713 = arith.addi %mul3A_5, %add3A_2712 : vector<16xi32>
      %gather3A_2714 = tpu.vector_load_idx %arg11[%add3A_2713] : memref<256xi32, #tpu.memory_space<vmem>>[vector<16xi32>], vector<16xi32>,
      %bitcast3A_2715 = vector.bitcast %gather3A_2714 : vector<16xi32> to vector<32xbf16>
      %add3A_2716 = arith.constant 7 : i32
      %add3A_2717 = vector.broadcast %add3A_2716 : i32 to vector<16xi32>
      %add3A_2718 = arith.addi %mul3A_5, %add3A_2717 : vector<16xi32>
      %gather3A_2719 = tpu.vector_load_idx %arg11[%add3A_2718] : memref<256xi32, #tpu.memory_space<vmem>>[vector<16xi32>], vector<16xi32>,
      %bitcast3A_2720 = vector.bitcast %gather3A_2719 : vector<16xi32> to vector<32xbf16>
      %add3A_2721 = arith.constant 8 : i32
      %add3A_2722 = vector.broadcast %add3A_2721 : i32 to vector<16xi32>
      %add3A_2723 = arith.addi %mul3A_5, %add3A_2722 : vector<16xi32>
      %gather3A_2724 = tpu.vector_load_idx %arg11[%add3A_2723] : memref<256xi32, #tpu.memory_space<vmem>>[vector<16xi32>], vector<16xi32>,
      %bitcast3A_2725 = vector.bitcast %gather3A_2724 : vector<16xi32> to vector<32xbf16>
      %add3A_2726 = arith.constant 9 : i32
      %add3A_2727 = vector.broadcast %add3A_2726 : i32 to vector<16xi32>
      %add3A_2728 = arith.addi %mul3A_5, %add3A_2727 : vector<16xi32>
      %gather3A_2729 = tpu.vector_load_idx %arg11[%add3A_2728] : memref<256xi32, #tpu.memory_space<vmem>>[vector<16xi32>], vector<16xi32>,
      %bitcast3A_2730 = vector.bitcast %gather3A_2729 : vector<16xi32> to vector<32xbf16>
      %add3A_2731 = arith.constant 10 : i32
      %add3A_2732 = vector.broadcast %add3A_2731 : i32 to vector<16xi32>
      %add3A_2733 = arith.addi %mul3A_5, %add3A_2732 : vector<16xi32>
      %gather3A_2734 = tpu.vector_load_idx %arg11[%add3A_2733] : memref<256xi32, #tpu.memory_space<vmem>>[vector<16xi32>], vector<16xi32>,
      %bitcast3A_2735 = vector.bitcast %gather3A_2734 : vector<16xi32> to vector<32xbf16>
      %add3A_2736 = arith.constant 11 : i32
      %add3A_2737 = vector.broadcast %add3A_2736 : i32 to vector<16xi32>
      %add3A_2738 = arith.addi %mul3A_5, %add3A_2737 : vector<16xi32>
      %gather3A_2739 = tpu.vector_load_idx %arg11[%add3A_2738] : memref<256xi32, #tpu.memory_space<vmem>>[vector<16xi32>], vector<16xi32>,
      %bitcast3A_2740 = vector.bitcast %gather3A_2739 : vector<16xi32> to vector<32xbf16>
      %add3A_2741 = arith.constant 12 : i32
      %add3A_2742 = vector.broadcast %add3A_2741 : i32 to vector<16xi32>
      %add3A_2743 = arith.addi %mul3A_5, %add3A_2742 : vector<16xi32>
      %gather3A_2744 = tpu.vector_load_idx %arg11[%add3A_2743] : memref<256xi32, #tpu.memory_space<vmem>>[vector<16xi32>], vector<16xi32>,
      %bitcast3A_2745 = vector.bitcast %gather3A_2744 : vector<16xi32> to vector<32xbf16>
      %add3A_2746 = arith.constant 13 : i32
      %add3A_2747 = vector.broadcast %add3A_2746 : i32 to vector<16xi32>
      %add3A_2748 = arith.addi %mul3A_5, %add3A_2747 : vector<16xi32>
      %gather3A_2749 = tpu.vector_load_idx %arg11[%add3A_2748] : memref<256xi32, #tpu.memory_space<vmem>>[vector<16xi32>], vector<16xi32>,
      %bitcast3A_2750 = vector.bitcast %gather3A_2749 : vector<16xi32> to vector<32xbf16>
      %add3A_2751 = arith.constant 14 : i32
      %add3A_2752 = vector.broadcast %add3A_2751 : i32 to vector<16xi32>
      %add3A_2753 = arith.addi %mul3A_5, %add3A_2752 : vector<16xi32>
      %gather3A_2754 = tpu.vector_load_idx %arg11[%add3A_2753] : memref<256xi32, #tpu.memory_space<vmem>>[vector<16xi32>], vector<16xi32>,
      %bitcast3A_2755 = vector.bitcast %gather3A_2754 : vector<16xi32> to vector<32xbf16>
      %add3A_2756 = arith.constant 15 : i32
      %add3A_2757 = vector.broadcast %add3A_2756 : i32 to vector<16xi32>
      %add3A_2758 = arith.addi %mul3A_5, %add3A_2757 : vector<16xi32>
      %gather3A_2759 = tpu.vector_load_idx %arg11[%add3A_2758] : memref<256xi32, #tpu.memory_space<vmem>>[vector<16xi32>], vector<16xi32>,
      %bitcast3A_2760 = vector.bitcast %gather3A_2759 : vector<16xi32> to vector<32xbf16>
      %add3A_2761 = arith.addf %bitcast3A_2685, %bitcast3A_2690 : vector<32xbf16>
      %add3A_2762 = arith.addf %bitcast3A_2695, %bitcast3A_2700 : vector<32xbf16>
      %add3A_2763 = arith.addf %bitcast3A_2705, %bitcast3A_2710 : vector<32xbf16>
      %add3A_2764 = arith.addf %bitcast3A_2715, %bitcast3A_2720 : vector<32xbf16>
      %add3A_2765 = arith.addf %bitcast3A_2725, %bitcast3A_2730 : vector<32xbf16>
      %add3A_2766 = arith.addf %bitcast3A_2735, %bitcast3A_2740 : vector<32xbf16>
      %add3A_2767 = arith.addf %bitcast3A_2745, %bitcast3A_2750 : vector<32xbf16>
      %add3A_2768 = arith.addf %bitcast3A_2755, %bitcast3A_2760 : vector<32xbf16>
      %add3A_2769 = arith.addf %add3A_2761, %add3A_2762 : vector<32xbf16>
      %add3A_2770 = arith.addf %add3A_2763, %add3A_2764 : vector<32xbf16>
      %add3A_2771 = arith.addf %add3A_2765, %add3A_2766 : vector<32xbf16>
      %add3A_2772 = arith.addf %add3A_2767, %add3A_2768 : vector<32xbf16>
      %add3A_2773 = arith.addf %add3A_2769, %add3A_2770 : vector<32xbf16>
      %add3A_2774 = arith.addf %add3A_2771, %add3A_2772 : vector<32xbf16>
      %add3A_2775 = arith.addf %add3A_2773, %add3A_2774 : vector<32xbf16>
      %unpack3A_2776 = tpu.unpack_subelements %add3A_2775, 0 {pack_format = #tpu.pack_format<interleaved>} : vector<32xbf16> -> vector<16xf32>
      %unpack3A_2777 = tpu.unpack_subelements %add3A_2775, 1 {pack_format = #tpu.pack_format<interleaved>} : vector<32xbf16> -> vector<16xf32>
      %mul3A_2778 = arith.constant 4 : i32
      %mul3A_2779 = arith.muli %mul3A_2778, %scan3A_54 : i32
      %add3A_2780 = arith.constant 3 : i32
      %add3A_2781 = arith.addi %mul3A_2779, %add3A_2780 : i32
      %add3A_2782 = vector.broadcast %add3A_2781 : i32 to vector<16xi32>
      %add3A_2783 = arith.addi %mul3A_8, %add3A_2782 : vector<16xi32>
      tpu.vector_store_idx %arg7[%add3A_2783], %unpack3A_2776 : memref<1792xf32, #tpu.memory_space<vmem>>[vector<16xi32>], vector<16xf32>,
      %add3A_2784 = arith.constant 896 : i32
      %add3A_2785 = arith.addi %add3A_2784, %add3A_2781 : i32
      %add3A_2786 = vector.broadcast %add3A_2785 : i32 to vector<16xi32>
      %add3A_2787 = arith.addi %mul3A_8, %add3A_2786 : vector<16xi32>
      tpu.vector_store_idx %arg7[%add3A_2787], %unpack3A_2777 : memref<1792xf32, #tpu.memory_space<vmem>>[vector<16xi32>], vector<16xf32>,
    }
    %scan3A_12 = arith.constant 14 : i32
    %jit3A = arith.constant 8 : i32
    %div3A = arith.divsi %add3A, %jit3A : i32
    %sign3A = arith.constant 0 : i32
    %sign3A_13 = arith.cmpi sgt, %add3A, %sign3A : i32
    %sign3A_14 = arith.extui %sign3A_13 : i1 to i32
    %sign3A_15 = arith.constant 0 : i32
    %sign3A_16 = arith.cmpi slt, %add3A, %sign3A_15 : i32
    %sign3A_17 = arith.extui %sign3A_16 : i1 to i32
    %sign3A_18 = arith.subi %sign3A_14, %sign3A_17 : i32
    %sign3A_19 = arith.constant 0 : i32
    %sign3A_20 = arith.cmpi sgt, %jit3A, %sign3A_19 : i32
    %sign3A_21 = arith.extui %sign3A_20 : i1 to i32
    %sign3A_22 = arith.constant 0 : i32
    %sign3A_23 = arith.cmpi slt, %jit3A, %sign3A_22 : i32
    %sign3A_24 = arith.extui %sign3A_23 : i1 to i32
    %sign3A_25 = arith.subi %sign3A_21, %sign3A_24 : i32
    %ne3A = arith.cmpi ne, %sign3A_18, %sign3A_25 : i32
    %rem3A = arith.remsi %add3A, %jit3A : i32
    %ne3A_26 = arith.constant 0 : i32
    %ne3A_27 = arith.cmpi ne, %rem3A, %ne3A_26 : i32
    %and3A = arith.andi %ne3A, %ne3A_27 : i1
    %sub3A = arith.constant 1 : i32
    %sub3A_28 = arith.subi %div3A, %sub3A : i32
    %select_n3A = arith.select %and3A, %sub3A_28, %div3A : i32
    %mul3A_29 = arith.constant 256 : i32
    %mul3A_30 = arith.muli %select_n3A, %mul3A_29 : i32
    %jit3A_31 = arith.constant 8 : i32
    %eq3A = arith.constant 0 : i32
    %eq3A_32 = arith.cmpi eq, %jit3A_31, %eq3A : i32
    %jit3A_33 = arith.constant 1 : i32
    %select_n3A_34 = arith.select %eq3A_32, %jit3A_33, %jit3A_31 : i32
    %rem3A_35 = arith.remsi %add3A, %select_n3A_34 : i32
    %ne3A_36 = arith.constant 0 : i32
    %ne3A_37 = arith.cmpi ne, %rem3A_35, %ne3A_36 : i32
    %lt3A = arith.constant 0 : i32
    %lt3A_38 = arith.cmpi slt, %rem3A_35, %lt3A : i32
    %lt3A_39 = arith.constant 0 : i32
    %lt3A_40 = arith.cmpi slt, %select_n3A_34, %lt3A_39 : i32
    %ne3A_41 = arith.xori %lt3A_38, %lt3A_40 : i1
    %and3A_42 = arith.andi %ne3A_41, %ne3A_37 : i1
    %add3A_43 = arith.addi %rem3A_35, %select_n3A_34 : i32
    %select_n3A_44 = arith.select %and3A_42, %add3A_43, %rem3A_35 : i32
    %mul3A_45 = arith.constant 16 : i32
    %mul3A_46 = arith.muli %select_n3A_44, %mul3A_45 : i32
    %add3A_47 = arith.addi %mul3A_30, %mul3A_46 : i32
    %mul3A_48 = arith.constant 56 : i32
    %mul3A_49 = arith.muli %add3A_47, %mul3A_48 : i32
    "tpu.region"() ({
      %run_scoped3A = tpu.sem_alloc : memref<!tpu.dma_semaphore, #tpu.memory_space<semaphore_mem>>
      %dma_start3A = arith.constant 0 : i32
      %dma_start3A_54 = tpu.memref_slice %arg7[%dma_start3A] : memref<1792xf32, #tpu.memory_space<vmem>> -> memref<896xf32, #tpu.memory_space<vmem>>
      %dma_start3A_55 = tpu.memref_slice %arg4[%mul3A_49] : memref<57344xf32, #tpu.memory_space<hbm>> -> memref<896xf32, #tpu.memory_space<hbm>>
      %dma_start3A_56 = tpu.memref_slice %arg4[%mul3A_49] : memref<57344xf32, #tpu.memory_space<hbm>> -> memref<896xf32, #tpu.memory_space<hbm>>
      %dma_start3A_57 = arith.constant 0 : i32
      %dma_start3A_58 = tpu.memref_slice %arg7[%dma_start3A_57] : memref<1792xf32, #tpu.memory_space<vmem>> -> memref<896xf32, #tpu.memory_space<vmem>>
      tpu.enqueue_dma source(%dma_start3A_58 : memref<896xf32, #tpu.memory_space<vmem>>) target(%dma_start3A_56 : memref<896xf32, #tpu.memory_space<hbm>>) target_semaphore(%run_scoped3A : memref<!tpu.dma_semaphore, #tpu.memory_space<semaphore_mem>>)
      %dma_wait3A = arith.constant 0 : i32
      %dma_wait3A_59 = tpu.memref_slice %arg7[%dma_wait3A] : memref<1792xf32, #tpu.memory_space<vmem>> -> memref<896xf32, #tpu.memory_space<vmem>>
      %dma_wait3A_60 = tpu.memref_slice %arg4[%mul3A_49] : memref<57344xf32, #tpu.memory_space<hbm>> -> memref<896xf32, #tpu.memory_space<hbm>>
      %dma_wait3A_61 = tpu.memref_slice %arg4[%mul3A_49] : memref<57344xf32, #tpu.memory_space<hbm>> -> memref<896xf32, #tpu.memory_space<hbm>>
      %dma_wait3A_62 = arith.constant 0 : i32
      %dma_wait3A_63 = tpu.memref_slice %arg7[%dma_wait3A_62] : memref<1792xf32, #tpu.memory_space<vmem>> -> memref<896xf32, #tpu.memory_space<vmem>>
      tpu.wait_dma2 semaphore(%run_scoped3A : memref<!tpu.dma_semaphore, #tpu.memory_space<semaphore_mem>>) src(%dma_wait3A_63 : memref<896xf32, #tpu.memory_space<vmem>>) dst(%dma_wait3A_61 : memref<896xf32, #tpu.memory_space<hbm>>)
      tpu.yield
    }) : () -> ()
    %add3A_50 = arith.constant 128 : i32
    %add3A_51 = arith.addi %add3A_47, %add3A_50 : i32
    %mul3A_52 = arith.constant 56 : i32
    %mul3A_53 = arith.muli %add3A_51, %mul3A_52 : i32
    "tpu.region"() ({
      %run_scoped3A = tpu.sem_alloc : memref<!tpu.dma_semaphore, #tpu.memory_space<semaphore_mem>>
      %dma_start3A = arith.constant 896 : i32
      %dma_start3A_54 = tpu.memref_slice %arg7[%dma_start3A] : memref<1792xf32, #tpu.memory_space<vmem>> -> memref<896xf32, #tpu.memory_space<vmem>>
      %dma_start3A_55 = tpu.memref_slice %arg4[%mul3A_53] : memref<57344xf32, #tpu.memory_space<hbm>> -> memref<896xf32, #tpu.memory_space<hbm>>
      %dma_start3A_56 = tpu.memref_slice %arg4[%mul3A_53] : memref<57344xf32, #tpu.memory_space<hbm>> -> memref<896xf32, #tpu.memory_space<hbm>>
      %dma_start3A_57 = arith.constant 896 : i32
      %dma_start3A_58 = tpu.memref_slice %arg7[%dma_start3A_57] : memref<1792xf32, #tpu.memory_space<vmem>> -> memref<896xf32, #tpu.memory_space<vmem>>
      tpu.enqueue_dma source(%dma_start3A_58 : memref<896xf32, #tpu.memory_space<vmem>>) target(%dma_start3A_56 : memref<896xf32, #tpu.memory_space<hbm>>) target_semaphore(%run_scoped3A : memref<!tpu.dma_semaphore, #tpu.memory_space<semaphore_mem>>)
      %dma_wait3A = arith.constant 896 : i32
      %dma_wait3A_59 = tpu.memref_slice %arg7[%dma_wait3A] : memref<1792xf32, #tpu.memory_space<vmem>> -> memref<896xf32, #tpu.memory_space<vmem>>
      %dma_wait3A_60 = tpu.memref_slice %arg4[%mul3A_53] : memref<57344xf32, #tpu.memory_space<hbm>> -> memref<896xf32, #tpu.memory_space<hbm>>
      %dma_wait3A_61 = tpu.memref_slice %arg4[%mul3A_53] : memref<57344xf32, #tpu.memory_space<hbm>> -> memref<896xf32, #tpu.memory_space<hbm>>
      %dma_wait3A_62 = arith.constant 896 : i32
      %dma_wait3A_63 = tpu.memref_slice %arg7[%dma_wait3A_62] : memref<1792xf32, #tpu.memory_space<vmem>> -> memref<896xf32, #tpu.memory_space<vmem>>
      tpu.wait_dma2 semaphore(%run_scoped3A : memref<!tpu.dma_semaphore, #tpu.memory_space<semaphore_mem>>) src(%dma_wait3A_63 : memref<896xf32, #tpu.memory_space<vmem>>) dst(%dma_wait3A_61 : memref<896xf32, #tpu.memory_space<hbm>>)
      tpu.yield
    }) : () -> ()
    return
  }
}

module attributes {stable_mosaic.version = 14 : i64} {
  func.func @_pack_body(%arg0: i32, %arg1: memref<256x1024xf32, #tpu.memory_space<vmem>>, %arg2: memref<56x128xf32, #tpu.memory_space<vmem>>, %arg3: memref<128x1024xi32, #tpu.memory_space<vmem>>, %arg4: memref<56x128xi32, #tpu.memory_space<vmem>>) attributes {dimension_semantics = [#tpu.dimension_semantics<arbitrary>], iteration_bounds = array<i64: 4>, scalar_prefetch = 0 : i64, scratch_operands = 0 : i64, tpu.core_type = #tpu.core_type<tc>, window_params = [{transform_indices = @transform_0, window_bounds = array<i64: 256, 1024>}, {pipeline_mode = #tpu.pipeline_mode<synchronous>, transform_indices = @transform_1, window_bounds = array<i64: 56, 128>}, {transform_indices = @transform_2, window_bounds = array<i64: 128, 1024>}, {pipeline_mode = #tpu.pipeline_mode<synchronous>, transform_indices = @transform_3, window_bounds = array<i64: 56, 128>}]} {
    %get3A = arith.constant 0 : index
    %get3A_0 = arith.constant 0 : index
    %get3A_1 = vector.load %arg1[%get3A, %get3A_0] : memref<256x1024xf32, #tpu.memory_space<vmem>>, vector<256x1024xf32>
    %bitcast_convert_type3A = tpu.bitcast %get3A_1 : vector<256x1024xf32> -> vector<256x1024xi32>
    %slice3A = vector.extract_strided_slice %bitcast_convert_type3A {offsets = [0, 0], sizes = [128, 1024], strides = [1, 1]} : vector<256x1024xi32> to vector<128x1024xi32>
    %shift_right_logical3A = arith.constant 16 : i32
    %shift_right_logical3A_2 = vector.broadcast %shift_right_logical3A : i32 to vector<128x1024xi32>
    %shift_right_logical3A_3 = arith.shrui %slice3A, %shift_right_logical3A_2 : vector<128x1024xi32>
    %and3A = arith.constant 1 : i32
    %and3A_4 = vector.broadcast %and3A : i32 to vector<128x1024xi32>
    %and3A_5 = arith.andi %shift_right_logical3A_3, %and3A_4 : vector<128x1024xi32>
    %add3A = arith.constant 32767 : i32
    %add3A_6 = vector.broadcast %add3A : i32 to vector<128x1024xi32>
    %add3A_7 = arith.addi %slice3A, %add3A_6 : vector<128x1024xi32>
    %add3A_8 = arith.addi %add3A_7, %and3A_5 : vector<128x1024xi32>
    %and3A_9 = arith.constant -65536 : i32
    %and3A_10 = vector.broadcast %and3A_9 : i32 to vector<128x1024xi32>
    %and3A_11 = arith.andi %add3A_8, %and3A_10 : vector<128x1024xi32>
    %slice3A_12 = vector.extract_strided_slice %bitcast_convert_type3A {offsets = [128, 0], sizes = [128, 1024], strides = [1, 1]} : vector<256x1024xi32> to vector<128x1024xi32>
    %shift_right_logical3A_13 = arith.constant 16 : i32
    %shift_right_logical3A_14 = vector.broadcast %shift_right_logical3A_13 : i32 to vector<128x1024xi32>
    %shift_right_logical3A_15 = arith.shrui %slice3A_12, %shift_right_logical3A_14 : vector<128x1024xi32>
    %and3A_16 = arith.constant 1 : i32
    %and3A_17 = vector.broadcast %and3A_16 : i32 to vector<128x1024xi32>
    %and3A_18 = arith.andi %shift_right_logical3A_15, %and3A_17 : vector<128x1024xi32>
    %add3A_19 = arith.constant 32767 : i32
    %add3A_20 = vector.broadcast %add3A_19 : i32 to vector<128x1024xi32>
    %add3A_21 = arith.addi %slice3A_12, %add3A_20 : vector<128x1024xi32>
    %add3A_22 = arith.addi %add3A_21, %and3A_18 : vector<128x1024xi32>
    %and3A_23 = arith.constant -65536 : i32
    %and3A_24 = vector.broadcast %and3A_23 : i32 to vector<128x1024xi32>
    %and3A_25 = arith.andi %add3A_22, %and3A_24 : vector<128x1024xi32>
    %shift_right_logical3A_26 = arith.constant 16 : i32
    %shift_right_logical3A_27 = vector.broadcast %shift_right_logical3A_26 : i32 to vector<128x1024xi32>
    %shift_right_logical3A_28 = arith.shrui %and3A_11, %shift_right_logical3A_27 : vector<128x1024xi32>
    %or3A = arith.ori %shift_right_logical3A_28, %and3A_25 : vector<128x1024xi32>
    %bitcast_convert_type3A_29 = tpu.bitcast %or3A : vector<128x1024xi32> -> vector<128x1024xi32>
    %swap3A = arith.constant 0 : index
    %swap3A_30 = arith.constant 0 : index
    %swap3A_31 = vector.load %arg3[%swap3A, %swap3A_30] : memref<128x1024xi32, #tpu.memory_space<vmem>>, vector<128x1024xi32>
    tpu.vector_store %arg3[%swap3A, %swap3A_30], %bitcast_convert_type3A_29 {strides = array<i32>} : memref<128x1024xi32, #tpu.memory_space<vmem>>, vector<128x1024xi32>,
    %get3A_32 = arith.constant 0 : index
    %get3A_33 = arith.constant 0 : index
    %get3A_34 = vector.load %arg2[%get3A_32, %get3A_33] : memref<56x128xf32, #tpu.memory_space<vmem>>, vector<56x128xf32>
    %bitcast_convert_type3A_35 = tpu.bitcast %get3A_34 : vector<56x128xf32> -> vector<56x128xi32>
    %shift_right_logical3A_36 = arith.constant 16 : i32
    %shift_right_logical3A_37 = vector.broadcast %shift_right_logical3A_36 : i32 to vector<56x128xi32>
    %shift_right_logical3A_38 = arith.shrui %bitcast_convert_type3A_35, %shift_right_logical3A_37 : vector<56x128xi32>
    %and3A_39 = arith.constant 1 : i32
    %and3A_40 = vector.broadcast %and3A_39 : i32 to vector<56x128xi32>
    %and3A_41 = arith.andi %shift_right_logical3A_38, %and3A_40 : vector<56x128xi32>
    %add3A_42 = arith.constant 32767 : i32
    %add3A_43 = vector.broadcast %add3A_42 : i32 to vector<56x128xi32>
    %add3A_44 = arith.addi %bitcast_convert_type3A_35, %add3A_43 : vector<56x128xi32>
    %add3A_45 = arith.addi %add3A_44, %and3A_41 : vector<56x128xi32>
    %and3A_46 = arith.constant -65536 : i32
    %and3A_47 = vector.broadcast %and3A_46 : i32 to vector<56x128xi32>
    %and3A_48 = arith.andi %add3A_45, %and3A_47 : vector<56x128xi32>
    %shift_right_logical3A_49 = arith.constant 16 : i32
    %shift_right_logical3A_50 = vector.broadcast %shift_right_logical3A_49 : i32 to vector<56x128xi32>
    %shift_right_logical3A_51 = arith.shrui %and3A_48, %shift_right_logical3A_50 : vector<56x128xi32>
    %or3A_52 = arith.ori %shift_right_logical3A_51, %and3A_48 : vector<56x128xi32>
    %bitcast_convert_type3A_53 = tpu.bitcast %or3A_52 : vector<56x128xi32> -> vector<56x128xi32>
    %swap3A_54 = arith.constant 0 : index
    %swap3A_55 = arith.constant 0 : index
    %swap3A_56 = vector.load %arg4[%swap3A_54, %swap3A_55] : memref<56x128xi32, #tpu.memory_space<vmem>>, vector<56x128xi32>
    tpu.vector_store %arg4[%swap3A_54, %swap3A_55], %bitcast_convert_type3A_53 {strides = array<i32>} : memref<56x128xi32, #tpu.memory_space<vmem>>, vector<56x128xi32>,
    return
  }
  func.func @transform_0(%arg0: i32) -> (i32, i32) {
    %c0_i32 = arith.constant 0 : i32
    %c0_i32_0 = arith.constant 0 : i32
    return %arg0, %c0_i32 : i32, i32
  }
  func.func @transform_1(%arg0: i32) -> (i32, i32) {
    %c0_i32 = arith.constant 0 : i32
    %c0_i32_0 = arith.constant 0 : i32
    %c0_i32_1 = arith.constant 0 : i32
    return %c0_i32, %c0_i32_0 : i32, i32
  }
  func.func @transform_2(%arg0: i32) -> (i32, i32) {
    %c0_i32 = arith.constant 0 : i32
    %c0_i32_0 = arith.constant 0 : i32
    return %arg0, %c0_i32 : i32, i32
  }
  func.func @transform_3(%arg0: i32) -> (i32, i32) {
    %c0_i32 = arith.constant 0 : i32
    %c0_i32_0 = arith.constant 0 : i32
    %c0_i32_1 = arith.constant 0 : i32
    return %c0_i32, %c0_i32_0 : i32, i32
  }
}

module attributes {stable_mosaic.version = 14 : i64} {
  func.func @_mm_body(%arg0: i32, %arg1: memref<256x1024xf32, #tpu.memory_space<vmem>>, %arg2: memref<56x128xf32, #tpu.memory_space<vmem>>, %arg3: memref<256x56xf32, #tpu.memory_space<vmem>>) attributes {dimension_semantics = [#tpu.dimension_semantics<arbitrary>], iteration_bounds = array<i64: 4>, scalar_prefetch = 0 : i64, scratch_operands = 0 : i64, tpu.core_type = #tpu.core_type<tc>, window_params = [{transform_indices = @transform_0, window_bounds = array<i64: 256, 1024>}, {pipeline_mode = #tpu.pipeline_mode<synchronous>, transform_indices = @transform_1, window_bounds = array<i64: 56, 128>}, {transform_indices = @transform_2, window_bounds = array<i64: 256, 56>}]} {
    %get3A = arith.constant 0 : index
    %get3A_0 = arith.constant 0 : index
    %get3A_1 = vector.load %arg1[%get3A, %get3A_0] : memref<256x1024xf32, #tpu.memory_space<vmem>>, vector<256x1024xf32>
    %get3A_2 = arith.constant 0 : index
    %get3A_3 = arith.constant 0 : index
    %get3A_4 = vector.load %arg2[%get3A_2, %get3A_3] : memref<56x128xf32, #tpu.memory_space<vmem>>, vector<56x128xf32>
    %slice3A = vector.extract_strided_slice %get3A_1 {offsets = [0, 0], sizes = [256, 128], strides = [1, 1]} : vector<256x1024xf32> to vector<256x128xf32>
    %slice3A_5 = vector.extract_strided_slice %get3A_4 {offsets = [0, 0], sizes = [4, 128], strides = [1, 1]} : vector<56x128xf32> to vector<4x128xf32>
    %dot_general3A = arith.constant dense<0.000000e+00> : vector<256x4xf32>
    %dot_general3A_6 = tpu.matmul %slice3A, %slice3A_5, %dot_general3A {dimension_numbers = #tpu.dot_dimension_numbers<[1], [1], [0], [0], [0, 0, 1, 0], [], []>, transpose_lhs_hint = false} : vector<256x128xf32>, vector<4x128xf32>, vector<256x4xf32> -> vector<256x4xf32>
    %slice3A_7 = vector.extract_strided_slice %get3A_1 {offsets = [0, 64], sizes = [256, 128], strides = [1, 1]} : vector<256x1024xf32> to vector<256x128xf32>
    %slice3A_8 = vector.extract_strided_slice %get3A_4 {offsets = [4, 0], sizes = [4, 128], strides = [1, 1]} : vector<56x128xf32> to vector<4x128xf32>
    %dot_general3A_9 = arith.constant dense<0.000000e+00> : vector<256x4xf32>
    %dot_general3A_10 = tpu.matmul %slice3A_7, %slice3A_8, %dot_general3A_9 {dimension_numbers = #tpu.dot_dimension_numbers<[1], [1], [0], [0], [0, 0, 1, 0], [], []>, transpose_lhs_hint = false} : vector<256x128xf32>, vector<4x128xf32>, vector<256x4xf32> -> vector<256x4xf32>
    %slice3A_11 = vector.extract_strided_slice %get3A_1 {offsets = [0, 128], sizes = [256, 128], strides = [1, 1]} : vector<256x1024xf32> to vector<256x128xf32>
    %slice3A_12 = vector.extract_strided_slice %get3A_4 {offsets = [8, 0], sizes = [4, 128], strides = [1, 1]} : vector<56x128xf32> to vector<4x128xf32>
    %dot_general3A_13 = arith.constant dense<0.000000e+00> : vector<256x4xf32>
    %dot_general3A_14 = tpu.matmul %slice3A_11, %slice3A_12, %dot_general3A_13 {dimension_numbers = #tpu.dot_dimension_numbers<[1], [1], [0], [0], [0, 0, 1, 0], [], []>, transpose_lhs_hint = false} : vector<256x128xf32>, vector<4x128xf32>, vector<256x4xf32> -> vector<256x4xf32>
    %slice3A_15 = vector.extract_strided_slice %get3A_1 {offsets = [0, 192], sizes = [256, 128], strides = [1, 1]} : vector<256x1024xf32> to vector<256x128xf32>
    %slice3A_16 = vector.extract_strided_slice %get3A_4 {offsets = [12, 0], sizes = [4, 128], strides = [1, 1]} : vector<56x128xf32> to vector<4x128xf32>
    %dot_general3A_17 = arith.constant dense<0.000000e+00> : vector<256x4xf32>
    %dot_general3A_18 = tpu.matmul %slice3A_15, %slice3A_16, %dot_general3A_17 {dimension_numbers = #tpu.dot_dimension_numbers<[1], [1], [0], [0], [0, 0, 1, 0], [], []>, transpose_lhs_hint = false} : vector<256x128xf32>, vector<4x128xf32>, vector<256x4xf32> -> vector<256x4xf32>
    %slice3A_19 = vector.extract_strided_slice %get3A_1 {offsets = [0, 256], sizes = [256, 128], strides = [1, 1]} : vector<256x1024xf32> to vector<256x128xf32>
    %slice3A_20 = vector.extract_strided_slice %get3A_4 {offsets = [16, 0], sizes = [4, 128], strides = [1, 1]} : vector<56x128xf32> to vector<4x128xf32>
    %dot_general3A_21 = arith.constant dense<0.000000e+00> : vector<256x4xf32>
    %dot_general3A_22 = tpu.matmul %slice3A_19, %slice3A_20, %dot_general3A_21 {dimension_numbers = #tpu.dot_dimension_numbers<[1], [1], [0], [0], [0, 0, 1, 0], [], []>, transpose_lhs_hint = false} : vector<256x128xf32>, vector<4x128xf32>, vector<256x4xf32> -> vector<256x4xf32>
    %slice3A_23 = vector.extract_strided_slice %get3A_1 {offsets = [0, 320], sizes = [256, 128], strides = [1, 1]} : vector<256x1024xf32> to vector<256x128xf32>
    %slice3A_24 = vector.extract_strided_slice %get3A_4 {offsets = [20, 0], sizes = [4, 128], strides = [1, 1]} : vector<56x128xf32> to vector<4x128xf32>
    %dot_general3A_25 = arith.constant dense<0.000000e+00> : vector<256x4xf32>
    %dot_general3A_26 = tpu.matmul %slice3A_23, %slice3A_24, %dot_general3A_25 {dimension_numbers = #tpu.dot_dimension_numbers<[1], [1], [0], [0], [0, 0, 1, 0], [], []>, transpose_lhs_hint = false} : vector<256x128xf32>, vector<4x128xf32>, vector<256x4xf32> -> vector<256x4xf32>
    %slice3A_27 = vector.extract_strided_slice %get3A_1 {offsets = [0, 384], sizes = [256, 128], strides = [1, 1]} : vector<256x1024xf32> to vector<256x128xf32>
    %slice3A_28 = vector.extract_strided_slice %get3A_4 {offsets = [24, 0], sizes = [4, 128], strides = [1, 1]} : vector<56x128xf32> to vector<4x128xf32>
    %dot_general3A_29 = arith.constant dense<0.000000e+00> : vector<256x4xf32>
    %dot_general3A_30 = tpu.matmul %slice3A_27, %slice3A_28, %dot_general3A_29 {dimension_numbers = #tpu.dot_dimension_numbers<[1], [1], [0], [0], [0, 0, 1, 0], [], []>, transpose_lhs_hint = false} : vector<256x128xf32>, vector<4x128xf32>, vector<256x4xf32> -> vector<256x4xf32>
    %slice3A_31 = vector.extract_strided_slice %get3A_1 {offsets = [0, 448], sizes = [256, 128], strides = [1, 1]} : vector<256x1024xf32> to vector<256x128xf32>
    %slice3A_32 = vector.extract_strided_slice %get3A_4 {offsets = [28, 0], sizes = [4, 128], strides = [1, 1]} : vector<56x128xf32> to vector<4x128xf32>
    %dot_general3A_33 = arith.constant dense<0.000000e+00> : vector<256x4xf32>
    %dot_general3A_34 = tpu.matmul %slice3A_31, %slice3A_32, %dot_general3A_33 {dimension_numbers = #tpu.dot_dimension_numbers<[1], [1], [0], [0], [0, 0, 1, 0], [], []>, transpose_lhs_hint = false} : vector<256x128xf32>, vector<4x128xf32>, vector<256x4xf32> -> vector<256x4xf32>
    %slice3A_35 = vector.extract_strided_slice %get3A_1 {offsets = [0, 512], sizes = [256, 128], strides = [1, 1]} : vector<256x1024xf32> to vector<256x128xf32>
    %slice3A_36 = vector.extract_strided_slice %get3A_4 {offsets = [32, 0], sizes = [4, 128], strides = [1, 1]} : vector<56x128xf32> to vector<4x128xf32>
    %dot_general3A_37 = arith.constant dense<0.000000e+00> : vector<256x4xf32>
    %dot_general3A_38 = tpu.matmul %slice3A_35, %slice3A_36, %dot_general3A_37 {dimension_numbers = #tpu.dot_dimension_numbers<[1], [1], [0], [0], [0, 0, 1, 0], [], []>, transpose_lhs_hint = false} : vector<256x128xf32>, vector<4x128xf32>, vector<256x4xf32> -> vector<256x4xf32>
    %slice3A_39 = vector.extract_strided_slice %get3A_1 {offsets = [0, 576], sizes = [256, 128], strides = [1, 1]} : vector<256x1024xf32> to vector<256x128xf32>
    %slice3A_40 = vector.extract_strided_slice %get3A_4 {offsets = [36, 0], sizes = [4, 128], strides = [1, 1]} : vector<56x128xf32> to vector<4x128xf32>
    %dot_general3A_41 = arith.constant dense<0.000000e+00> : vector<256x4xf32>
    %dot_general3A_42 = tpu.matmul %slice3A_39, %slice3A_40, %dot_general3A_41 {dimension_numbers = #tpu.dot_dimension_numbers<[1], [1], [0], [0], [0, 0, 1, 0], [], []>, transpose_lhs_hint = false} : vector<256x128xf32>, vector<4x128xf32>, vector<256x4xf32> -> vector<256x4xf32>
    %slice3A_43 = vector.extract_strided_slice %get3A_1 {offsets = [0, 640], sizes = [256, 128], strides = [1, 1]} : vector<256x1024xf32> to vector<256x128xf32>
    %slice3A_44 = vector.extract_strided_slice %get3A_4 {offsets = [40, 0], sizes = [4, 128], strides = [1, 1]} : vector<56x128xf32> to vector<4x128xf32>
    %dot_general3A_45 = arith.constant dense<0.000000e+00> : vector<256x4xf32>
    %dot_general3A_46 = tpu.matmul %slice3A_43, %slice3A_44, %dot_general3A_45 {dimension_numbers = #tpu.dot_dimension_numbers<[1], [1], [0], [0], [0, 0, 1, 0], [], []>, transpose_lhs_hint = false} : vector<256x128xf32>, vector<4x128xf32>, vector<256x4xf32> -> vector<256x4xf32>
    %slice3A_47 = vector.extract_strided_slice %get3A_1 {offsets = [0, 704], sizes = [256, 128], strides = [1, 1]} : vector<256x1024xf32> to vector<256x128xf32>
    %slice3A_48 = vector.extract_strided_slice %get3A_4 {offsets = [44, 0], sizes = [4, 128], strides = [1, 1]} : vector<56x128xf32> to vector<4x128xf32>
    %dot_general3A_49 = arith.constant dense<0.000000e+00> : vector<256x4xf32>
    %dot_general3A_50 = tpu.matmul %slice3A_47, %slice3A_48, %dot_general3A_49 {dimension_numbers = #tpu.dot_dimension_numbers<[1], [1], [0], [0], [0, 0, 1, 0], [], []>, transpose_lhs_hint = false} : vector<256x128xf32>, vector<4x128xf32>, vector<256x4xf32> -> vector<256x4xf32>
    %slice3A_51 = vector.extract_strided_slice %get3A_1 {offsets = [0, 768], sizes = [256, 128], strides = [1, 1]} : vector<256x1024xf32> to vector<256x128xf32>
    %slice3A_52 = vector.extract_strided_slice %get3A_4 {offsets = [48, 0], sizes = [4, 128], strides = [1, 1]} : vector<56x128xf32> to vector<4x128xf32>
    %dot_general3A_53 = arith.constant dense<0.000000e+00> : vector<256x4xf32>
    %dot_general3A_54 = tpu.matmul %slice3A_51, %slice3A_52, %dot_general3A_53 {dimension_numbers = #tpu.dot_dimension_numbers<[1], [1], [0], [0], [0, 0, 1, 0], [], []>, transpose_lhs_hint = false} : vector<256x128xf32>, vector<4x128xf32>, vector<256x4xf32> -> vector<256x4xf32>
    %slice3A_55 = vector.extract_strided_slice %get3A_1 {offsets = [0, 896], sizes = [256, 128], strides = [1, 1]} : vector<256x1024xf32> to vector<256x128xf32>
    %slice3A_56 = vector.extract_strided_slice %get3A_4 {offsets = [52, 0], sizes = [4, 128], strides = [1, 1]} : vector<56x128xf32> to vector<4x128xf32>
    %dot_general3A_57 = arith.constant dense<0.000000e+00> : vector<256x4xf32>
    %dot_general3A_58 = tpu.matmul %slice3A_55, %slice3A_56, %dot_general3A_57 {dimension_numbers = #tpu.dot_dimension_numbers<[1], [1], [0], [0], [0, 0, 1, 0], [], []>, transpose_lhs_hint = false} : vector<256x128xf32>, vector<4x128xf32>, vector<256x4xf32> -> vector<256x4xf32>
    %concatenate3A = tpu.concatenate %dot_general3A_6, %dot_general3A_10, %dot_general3A_14, %dot_general3A_18, %dot_general3A_22, %dot_general3A_26, %dot_general3A_30, %dot_general3A_34, %dot_general3A_38, %dot_general3A_42, %dot_general3A_46, %dot_general3A_50, %dot_general3A_54, %dot_general3A_58 in 1 : vector<256x4xf32>, vector<256x4xf32>, vector<256x4xf32>, vector<256x4xf32>, vector<256x4xf32>, vector<256x4xf32>, vector<256x4xf32>, vector<256x4xf32>, vector<256x4xf32>, vector<256x4xf32>, vector<256x4xf32>, vector<256x4xf32>, vector<256x4xf32>, vector<256x4xf32> -> vector<256x56xf32>
    %swap3A = arith.constant 0 : index
    %swap3A_59 = arith.constant 0 : index
    %swap3A_60 = vector.load %arg3[%swap3A, %swap3A_59] : memref<256x56xf32, #tpu.memory_space<vmem>>, vector<256x56xf32>
    tpu.vector_store %arg3[%swap3A, %swap3A_59], %concatenate3A {strides = array<i32>} : memref<256x56xf32, #tpu.memory_space<vmem>>, vector<256x56xf32>,
    return
  }
  func.func @transform_0(%arg0: i32) -> (i32, i32) {
    %add3A = arith.constant 4 : i32
    %add3A_0 = arith.addi %arg0, %add3A : i32
    %c0_i32 = arith.constant 0 : i32
    %c0_i32_1 = arith.constant 0 : i32
    return %add3A_0, %c0_i32 : i32, i32
  }
  func.func @transform_1(%arg0: i32) -> (i32, i32) {
    %c0_i32 = arith.constant 0 : i32
    %c0_i32_0 = arith.constant 0 : i32
    %c0_i32_1 = arith.constant 0 : i32
    return %c0_i32, %c0_i32_0 : i32, i32
  }
  func.func @transform_2(%arg0: i32) -> (i32, i32) {
    %c0_i32 = arith.constant 0 : i32
    %c0_i32_0 = arith.constant 0 : i32
    return %arg0, %c0_i32 : i32, i32
  }
}

</mosaic_0001>

<sc_bundles>
// kernel: _fbl.5.cloned.1.call-start
scs
__scs_entry_jumppad:
0x0: {  	(pc) =	sbr.rel $0x88, $3  }
0x1: {  	(tag) =	ssettag $0x0;
	lr =	simm.s32 $0x1  }
0x2: {  	[smem:$0x3F9F] =	sst lr;
	_ =	strace $0xD0000000  }
0x3: {  	_ = 	snop  }
0x4: {  	_ = 	snop  }
0x5: {  	_ = 	snop  }
0x6: {  	_ = 	snop  }
0x7: {  	_ = 	snop  }
__scs_overlays_trampoline_lowered:
0x8: {  	[smem:$0x3FAE] =	sst s0  }
0x9: {  	[smem:$0x3FAF] =	sst s1  }
0xa: {  	[smem:$0x3FB0] =	sst s2  }
0xb: {  	[smem:$0x3FB1] =	sst s3  }
0xc: {  	[smem:$0x3FB2] =	sst s4  }
0xd: {  	[smem:$0x3FB3] =	sst s5  }
0xe: {  	[smem:$0x3FB4] =	sst s6  }
0xf: {  	[smem:$0x3FB5] =	sst s7  }
0x10: {  	[smem:$0x3FB6] =	sst s8  }
0x11: {  	[smem:$0x3FB7] =	sst s9;
	s0 =	simm.s32 @!p0 $0x0  }
0x12: {  	s1 =	sld [smem:$0x3F9D];
	s0 =	simm.s32 @p0 $0x1  }
0x13: {  	[smem:$0x3FB8] =	sst s0;
	s0 =	simm.s32 @!p1 $0x0  }
0x14: {  	s2 =	sld [smem:$0x3F9C];
	s0 =	simm.s32 @p1 $0x1  }
0x15: {  	[smem:$0x3FB9] =	sst s0;
	s0 =	simm.s32 @!p2 $0x0  }
0x16: {  	s3 =	sld [smem:$0x3FDB];
	s0 =	simm.s32 @p2 $0x1  }
0x17: {  	s4 =	simm.s32 $0x1BF5;
	[smem:$0x3FBB] =	sst s0  }
0x18: {  	s0 =	sld [smem:$0x3F9E];
	_ =	swait.ge [sflag:s4], $0x0  }
0x19: {  	s7 =	sld [smem:$0x3F9F]  }
0x1a: {  	s8 =	sadd.s32 $0xFFFFE003, lr  }
0x1b: {  	s9 =	sadd.s32 $0xFFFFFEF7, lr;
	s5 =	simm.s32 $0xFFFFFFFF;
	p2 =	slt.u32 s8, $0xFFFFF086  }
0x1c: {  	p1 =	slt.u32 s9, $0xF7A;
	s5 =	simm.s32 @!p2 $0x0  }
0x1d: {  	s5 =	simm.s32 @p1 $0x1;
	p0 =	seq.s32 s7, s2  }
0x1e: {  	s7 =	smul.u32 @!p0 $0xF7A, s2;
	p2 =	seq.s32 @!p0 s5, $0x0  }
0x1f: {  	s9 =	smul.u32 $0xF7A, s1;
	s8 =	simm.s32 @!p0 $0x1BF5;
	p2 =	por !p2, p0  }
0x20: {  	[sflag:s8] =	ssyncset.s32 @!p0 $0xFFFFF086;
	s6 =	sadd.s32 @!p0 s3, s7;
	s7 =	simm.s32 @!p0 $0x108  }
0x21: {  	s3 =	sadd.s32 s3, s9;
	s6 =	sadd.s32 @!p0 $0x88, s6;
	s7 =	simm.s32 @p2 $0x1082  }
0x22: {  	[simem:s7], [sflag:s8] =	dma.local @!p0 [hbm:s6], $0xF7A  }
0x23: {  	s9 =	sor.u32 $0xD0000000, s2;
	s6 =	simm.s32 $0x108;
	_ =	swait.ge @!p0 [sflag:s8], $0x0  }
0x24: {  	s3 =	sadd.s32 $0x88, s3;
	s6 =	simm.s32 @!p1 $0x1082;
	[sflag:s4] =	ssyncset.s32 $0xFFFFF086  }
0x25: {  	[simem:s6], [sflag:s4] =	dma.local [hbm:s3], $0xF7A  }
0x26: {  	[smem:$0x3F9F] =	sst s1;
	(tag) =	ssettag s2;
	_ =	strace s9  }
0x27: {  	s1 =	sld [smem:$0x3FAF]  }
0x28: {  	s2 =	sld [smem:$0x3FB0]  }
0x29: {  	s4 =	sld [smem:$0x3FB2]  }
0x2a: {  	p0 =	seq.s32 s5, $0x0;
	s5 =	sld [smem:$0x3FB3]  }
0x2b: {  	s6 =	sld [smem:$0x3FB4]  }
0x2c: {  	s7 =	sld [smem:$0x3FB5]  }
0x2d: {  	s3 =	simm.s32 $0x108;
	s8 =	sld [smem:$0x3FB6]  }
0x2e: {  	s3 =	simm.s32 @!p0 $0x1082;
	s9 =	sld [smem:$0x3FB7]  }
0x2f: {  	lr =	sadd.s32 s0, s3;
	s0 =	sld [smem:$0x3FAE]  }
0x30: {  	s3 =	sld [smem:$0x3FB1]  }
0x31: {  	[smem:$0x3FBA] =	sst s10  }
0x32: {  	s10 =	sld [smem:$0x3FB8];
	_ =	sdelay $0x3  }
0x33: {  	p0 =	seq.s32 s10, $0x1;
	s10 =	sld [smem:$0x3FBA];
	_ =	sdelay $0x3  }
0x34: {  	[smem:$0x3FBA] =	sst s10  }
0x35: {  	s10 =	sld [smem:$0x3FB9];
	_ =	sdelay $0x3  }
0x36: {  	p1 =	seq.s32 s10, $0x1;
	s10 =	sld [smem:$0x3FBA];
	_ =	sdelay $0x3  }
0x37: {  	[smem:$0x3FBA] =	sst s10  }
0x38: {  	s10 =	sld [smem:$0x3FBB]  }
0x39: {  	_ = 	snop;
	(pc) =	sbr.ind lr, $3  }
0x3a: {  	_ = 	snop  }
0x3b: {  	_ = 	snop  }
0x3c: {  	p2 =	seq.s32 s10, $0x1;
	s10 =	sld [smem:$0x3FBA]  }
0x3d: {  	_ =	shalt  }
0x3e: {  	_ =	shalt  }
0x3f: {  	_ =	shalt  }
0x40: {  	_ =	shalt  }
0x41: {  	_ =	shalt  }
0x42: {  	_ =	shalt  }
0x43: {  	_ =	shalt  }
0x44: {  	_ =	shalt  }
0x45: {  	_ =	shalt  }
0x46: {  	_ =	shalt  }
0x47: {  	_ =	shalt  }
0x48: {  	_ =	shalt  }
0x49: {  	_ =	shalt  }
0x4a: {  	_ =	shalt  }
0x4b: {  	_ =	shalt  }
0x4c: {  	_ =	shalt  }
0x4d: {  	_ =	shalt  }
0x4e: {  	_ =	shalt  }
0x4f: {  	_ =	shalt  }
0x50: {  	_ =	shalt  }
0x51: {  	_ =	shalt  }
0x52: {  	_ =	shalt  }
0x53: {  	_ =	shalt  }
0x54: {  	_ =	shalt  }
0x55: {  	_ =	shalt  }
0x56: {  	_ =	shalt  }
0x57: {  	_ =	shalt  }
0x58: {  	_ =	shalt  }
0x59: {  	_ =	shalt  }
0x5a: {  	_ =	shalt  }
0x5b: {  	_ =	shalt  }
0x5c: {  	_ =	shalt  }
0x5d: {  	_ =	shalt  }
0x5e: {  	_ =	shalt  }
0x5f: {  	_ =	shalt  }
0x60: {  	_ =	shalt  }
0x61: {  	_ =	shalt  }
0x62: {  	_ =	shalt  }
0x63: {  	_ =	shalt  }
0x64: {  	_ =	shalt  }
0x65: {  	_ =	shalt  }
0x66: {  	_ =	shalt  }
0x67: {  	_ =	shalt  }
0x68: {  	_ =	shalt  }
0x69: {  	_ =	shalt  }
0x6a: {  	_ =	shalt  }
0x6b: {  	_ =	shalt  }
0x6c: {  	_ =	shalt  }
0x6d: {  	_ =	shalt  }
0x6e: {  	_ =	shalt  }
0x6f: {  	_ =	shalt  }
0x70: {  	_ =	shalt  }
0x71: {  	_ =	shalt  }
0x72: {  	_ =	shalt  }
0x73: {  	_ =	shalt  }
0x74: {  	_ =	shalt  }
0x75: {  	_ =	shalt  }
0x76: {  	_ =	shalt  }
0x77: {  	_ =	shalt  }
0x78: {  	_ =	shalt  }
0x79: {  	_ =	shalt  }
0x7a: {  	_ =	shalt  }
0x7b: {  	_ =	shalt  }
0x7c: {  	_ =	shalt  }
0x7d: {  	_ =	shalt  }
0x7e: {  	_ =	shalt  }
0x7f: {  	_ =	shalt  }
0x80: {  	_ =	shalt  }
0x81: {  	_ =	shalt  }
0x82: {  	_ =	shalt  }
0x83: {  	_ =	shalt  }
0x84: {  	_ =	shalt  }
0x85: {  	_ =	shalt  }
0x86: {  	_ =	shalt  }
0x87: {  	_ =	shalt  }
.Lfunc_end0:
.L_simem_size_0:
called_computation_lowered:
.L_overlay_start_0:
0x88: {  	s2 =	sld [smem:$0x3FD9]  }
0x89: {  	s3 =	sld [smem:$0x3FFE];
	_ =	sdelay $0x1  }
0x8a: {  	s1 =	srdreg.scid  }
0x8b: {  	s0 =	sand.u32 $0x1, s1  }
0x8c: {  	s17 =	sshll.u32 s0, $0xA;
	s2 =	sadd.s32 s3, s2  }
0x8d: {  	s2 =	sadd.s32 s2, s17  }
0x8e: {  	[smem:$0x3FC6] =	sst s2  }
0x8f: {  	_ = 	snop  }
0x90: {  	s2 =	sld [smem:$0x3FD0];
	(tm) =	ssettm $0x1  }
0x91: {  	s18 =	sld [smem:$0x3FFB];
	_ =	sdelay $0x3  }
0x92: {  	_ =	strace s18  }
0x93: {  	s3 =	sld [smem:$0x3FFC];
	_ =	sdelay $0x3  }
0x94: {  	_ =	strace s3  }
0x95: {  	s3 =	sld [smem:$0x3FFD];
	_ =	sdelay $0x3  }
0x96: {  	_ =	strace s3  }
0x97: {  	_ =	strace $0x8FFFFFFF  }
0x98: {  	s19 =	sld [smem:$0x3FDB];
	_ =	sdelay $0x1  }
0x99: {  	s4 =	simm.s32 $_scs_section_size  }
0x9a: {  	s5 =	simm.s32 $_size__tile_overlayer_lowered;
	s6 =	simm.s32 $_tile_overlayer_lowered  }
0x9b: {  	s22 =	simm.s32 $0x1BFF;
	s21 =	sshll.u32 s6, $0x1;
	s3 =	sadd.s32 s4, s19  }
0x9c: {  	s7 =	simm.s32 $0x0;
	s20 =	sshll.u32 s5, $0x1;
	s5 =	sadd.s32 s21, s3  }
0x9d: {  	[timem:s7], [sflag:s22] =	dma.local [hbm:s5], s20  }
0x9e: {  	_ =	swait.ge [sflag:s22], s20  }
0x9f: {  	s4 =	ssub.s32 $0x0, s20;
	[sflag:s22] =	ssyncset.done $0x0  }
0xa0: {  	[sflag:s22] =	ssyncadd.s32 s4;
	_ =	sdelay $0x1  }
0xa1: {  	s23 =	simm.s32 $0x1B8B  }
0xa2: {  	_ =	swait.ge [sflag:s23], $0x1  }
0xa3: {  	[sflag:s23] =	ssyncset.done $0x0  }
0xa4: {  	s25 =	simm.s32 $0x1B8E;
	s24 =	sld [smem:$0x3FFE];
	[sflag:s23] =	ssyncadd.s32 $0xFFFFFFFF  }
0xa5: {  	s26 =	simm.s32 $execute0_lowered;
	[smem:$0x3FD2] =	sst s25  }
0xa6: {  	s5 =	sshll.u32 s26, $0x1;
	_ =	strace $0x80000046;
	[dreg:$0x1] =	wrdreg $0xFFFFFFFF  }
0xa7: {  	s28 =	simm.s32 $_size_execute0_lowered;
	s3 =	sadd.s32 s3, s5;
	[dreg:$0x0] =	wrdreg $0x0  }
0xa8: {  	s5 =	sshll.u32 s28, $0x1;
	[dreg:$0x2] =	wrdreg s3  }
0xa9: {  	[dreg:$0x3] =	wrdreg s5  }
0xaa: {  	[dreg:$0x4] =	wrdreg $0xC0  }
0xab: {  	_ =	task [dreg:s7], $0x5FFFF  }
0xac: {  	[dreg:$0x1] =	wrdreg $0xFFFFFFFF  }
0xad: {  	[dreg:$0x0] =	wrdreg $0x60  }
0xae: {  	[dreg:$0x2] =	wrdreg s24  }
0xaf: {  	[dreg:$0x3] =	wrdreg s2  }
0xb0: {  	[dreg:$0x4] =	wrdreg $0x9  }
0xb1: {  	_ =	task.clear_ibuf [dreg:s7], $0x5FFFF;
	_ =	strace $0x90000046  }
0xb2: {  	s29 =	simm.s32 $0x9;
	_ =	strace $0x80000048  }
0xb3: {  	_ =	swait.ge [sflag:s29], $0x1  }
0xb4: {  	[sflag:s29] =	ssyncadd.s32 $0xFFFFFFFF  }
0xb5: {  	_ =	strace $0x90000048  }
0xb6: {  	_ =	sfence  }
0xb7: {  	s30 =	sld [smem:$0x0];
	_ =	sdelay $0x2  }
0xb8: {  	s31 =	sshll.u32 s1, $0xD;
	s1 =	sshrl.u32 s1, $0x2  }
0xb9: {  	s3 =	sand.u32 $0x4000, s31;
	s1 =	sadd.s32 s1, s30  }
0xba: {  	s0 =	sor.u32 s3, s0;
	s1 =	sshll.u32 s1, $0x11  }
0xbb: {  	s0 =	sor.u32 s1, s0  }
0xbc: {  	s0 =	sadd.s32 $0x8F2B, s0  }
0xbd: {  	[sflag:s0] =	ssyncadd.remote.s32 $0x1  }
0xbe: {  	_ =	sfence.sel $0xFFFF  }
0xbf: {  	[dreg:$0x0] =	wrdreg $0xFFFFFFFF;
	(pc) =	sbr.abs _section_cstart, $3  }
0xc0: {  	[dreg:$0x1] =	wrdreg $0xFFFFFFFF  }
0xc1: {  	_ =	task.clear_ibuf [dreg:s7], $0x2FFFF;
	_ =	strace $0x9FFFFFFF  }
0xc2: {  	(tm) =	ssettm $0x7FFFFFFF  }
0xc3: {  	_ =	shalt  }
tec
execute0_lowered:
.L_overlay_start_1:
0x0: {  	(tag) =	ssettag $0x1  }
0x1: {  	s0 =	srdreg.scid;
	s1 =	rddreg [dreg:$0x0]  }
0x2: {  	s4 =	stileid.u32;
	s3 =	rddreg [dreg:$0x1]  }
0x3: {  	s6 =	simm.s32 $0x0;
	s10 =	simm.s32 $0x6300;
	s12 =	simm.s32 $0x6400  }
0x4: {  	s13 =	simm.s32 $0x6500;
	s0 =	sand.u32 $0x1, s0;
	s2 =	sshll.u32 s4, $0x1  }
0x5: {  	v16 =	vlaneseq.u32;
	s4 =	sshll.u32 s4, $0x6;
	[smem:$0x7FF] =	sst s6;
	s2 =	sor.u32 s0, s2  }
0x6: {  	v26 =	vmul.u32 $0x10, v16;
	s4 =	sand.u32 $0x300, s4;
	_ =	strace $0x80000047;
	s5 =	sshll.u32 s2, $0x4  }
0x7: {  	s0 =	ssub.s32 $0x2, s0;
	s2 =	sshll.u32 s2, $0xB;
	s5 =	sand.u32 $0x70, s5  }
0x8: {  	s28 =	sshrl.u32 s0, $0x1;
	v27 =	vor.u32 $0x1, v26;
	[tilespmem:$0x1FF90] =	vst v26;
	s2 =	sadd.s32 s2, s1;
	s4 =	sor.u32 s4, s5  }
0x9: {  	v28 =	vor.u32 $0x2, v26;
	s1 =	sadd.s32 $0x11000, s1;
	s0 =	ssub.s32 s0, s28;
	[tilespmem:$0x1FFA0] =	vst v27;
	s5 =	smul.u32 $0x38, s4  }
0xa: {  	v16 =	vmul.u32 $0x38, v16;
	v29 =	vor.u32 $0x3, v26;
	[tilespmem:$0x1FFB0] =	vst v28;
	[dreg:$0x3] =	wrdreg s1;
	s29 =	sadd.s32 $0x1000, s2;
	s4 =	smul.u32 $0x7, s4  }
0xb: {  	v30 =	vor.u32 $0x4, v26;
	v31 =	vor.u32 $0x5, v26;
	v32 =	vor.u32 $0x6, v26;
	[tilespmem:$0x1FFC0] =	vst v29;
	s0 =	smax.u32 s0, $0x1;
	[dreg:$0x4] =	wrdreg s29;
	s5 =	sshrl.u32 s5, $0x3  }
0xc: {  	v7 =	vor.u32 $0x7, v26;
	v8 =	vor.u32 $0x8, v26;
	v9 =	vor.u32 $0x9, v26;
	[tilespmem:$0x1FFD0] =	vst v30;
	[dreg:$0x7] =	wrdreg s0;
	s31 =	sadd.s32 s3, s4;
	s30 =	sadd.s32 s3, s5  }
0xd: {  	s14 =	simm.s32 $0x6600;
	v10 =	vor.u32 $0xA, v26;
	v11 =	vor.u32 $0xB, v26;
	v12 =	vor.u32 $0xC, v26;
	[tilespmem:$0x1FFE0] =	vst v31;
	[dreg:$0x5] =	wrdreg s31;
	s1 =	sadd.s32 $0x380, s30  }
0xe: {  	v13 =	vor.u32 $0xD, v26;
	v14 =	vor.u32 $0xE, v26;
	v15 =	vor.u32 $0xF, v26;
	[tilespmem:$0x1FFF0] =	vst v32;
	s2 =	simm.s32 $0x0;
	[dreg:$0x6] =	wrdreg s1;
	s1 =	simm.s32 $0x1  }
.LBB2_1:
0xf: {  	[dreg:$0x8] =	wrdreg s2  }
0x10: {  	s0 =	rddreg [dreg:$0x4]  }
0x11: {  	[tilespmem:s6], [sflag:$0x1] =	stream.linear.gather [hbm4b:s0+s6], $0x4000, $0x38;
	[tilespmem:$0x6700] =	vst v63  }
0x12: {  	_ =	swait.ge [sflag:s1], $0x4000  }
0x13: {  	[sflag:s1] =	ssyncset.done $0x0  }
0x14: {  	s31 =	simm.s32 $0x4000;
	s30 =	rddreg [dreg:$0x3];
	[sflag:s1] =	ssyncadd.s32 $0xFFFFC000  }
0x15: {  	[tilespmem:s31], [sflag:$0x1] =	stream.linear.gather [hbm4b:s30+s6], $0x1C00, $0x38;
	[tilespmem:$0x6700] =	vst v63  }
0x16: {  	_ =	swait.ge [sflag:s1], $0x1C00  }
0x17: {  	s17 =	simm.s32 $0x383;
	[sflag:s1] =	ssyncset.done $0x0  }
0x18: {  	s18 =	simm.s32 $0x4100;
	s19 =	simm.s32 $0x0;
	[sflag:s1] =	ssyncadd.s32 $0xFFFFE400  }
.LBB2_2:
0x19: {  	v33 =	vld [tilespmem:s18+$0xFFFFFF00]  }
0x1a: {  	v34 =	vld [tilespmem:s18+$0xFFFFFF10]  }
0x1b: {  	v30 =	vld [tilespmem:s18+$0xFFFFFF20]  }
0x1c: {  	v31 =	vld [tilespmem:s18+$0xFFFFFF30]  }
0x1d: {  	v28 =	vld [tilespmem:s18+$0xFFFFFF40]  }
0x1e: {  	v29 =	vld [tilespmem:s18+$0xFFFFFF50]  }
0x1f: {  	v21 =	vld [tilespmem:s18+$0xFFFFFF60]  }
0x20: {  	v22 =	vld [tilespmem:s18+$0xFFFFFF70]  }
0x21: {  	v18 =	vld [tilespmem:s18+$0xFFFFFF80]  }
0x22: {  	v19 =	vld [tilespmem:s18+$0xFFFFFF90]  }
0x23: {  	v17 =	vld [tilespmem:s18+$0xFFFFFFA0]  }
0x24: {  	v23 =	vld [tilespmem:s18+$0xFFFFFFB0]  }
0x25: {  	v24 =	vld [tilespmem:s18+$0xFFFFFFC0]  }
0x26: {  	v25 =	vld [tilespmem:s18+$0xFFFFFFD0]  }
0x27: {  	v26 =	vld [tilespmem:s18+$0xFFFFFFE0]  }
0x28: {  	v32 =	vld [tilespmem:s18+$0xFFFFFFF0]  }
0x29: {  	p0 =	seq.s32 s17, $0x3B7;
	s30 =	smov.u32 s19;
	v20 =	vld [tilespmem:s18+$0x0]  }
0x2a: {  	v27 =	vld [tilespmem:s18+$0x10];
	s30 =	simm.s32 @p0 $0x380  }
0x2b: {  	v37 =	vld [tilespmem:s18+$0x20];
	s1 =	sshll.u32 s30, $0x3;
	s25 =	sand.u32 $0x40, s30  }
0x2c: {  	v35 =	vld [tilespmem:s18+$0x30];
	s0 =	sadd.s32 $0x40, s30;
	s4 =	sadd.s32 $0x50, s30;
	s29 =	sand.u32 $0x1C00, s1  }
0x2d: {  	v36 =	vld [tilespmem:s18+$0x40];
	s23 =	sor.u32 $0x10, s25;
	s22 =	sor.u32 $0x20, s25;
	s8 =	sor.u32 s25, s29  }
0x2e: {  	s20 =	sor.u32 $0x30, s25;
	s5 =	sshll.u32 s0, $0x3;
	s2 =	sor.u32 s23, s29;
	v49 =	vld [tilespmem:s8+$0x0]  }
0x2f: {  	s6 =	sand.u32 $0x40, s0;
	s7 =	sor.u32 s22, s29;
	s3 =	sand.u32 $0x3C00, s5;
	v50 =	vld [tilespmem:s2+$0x0]  }
0x30: {  	s16 =	sor.u32 s20, s29;
	s21 =	sor.u32 s6, s3;
	s3 =	sshll.u32 s4, $0x3;
	v51 =	vld [tilespmem:s7+$0x0]  }
0x31: {  	s15 =	sadd.s32 $0x60, s30;
	s4 =	sand.u32 $0x50, s4;
	v52 =	vld [tilespmem:s16+$0x0];
	s9 =	sand.u32 $0x3C00, s3  }
0x32: {  	v38 =	vld [tilespmem:s18+$0x50];
	s11 =	sadd.s32 $0x70, s30;
	s24 =	sor.u32 s4, s9;
	s9 =	sshll.u32 s15, $0x3  }
0x33: {  	s31 =	sshll.u32 s11, $0x3;
	v53 =	vld [tilespmem:s21+$0x0];
	s15 =	sand.u32 $0x60, s15;
	s26 =	sand.u32 $0x3C00, s9  }
0x34: {  	s0 =	sand.u32 $0x70, s11;
	s11 =	sand.u32 $0x3C00, s31;
	v54 =	vld [tilespmem:s24+$0x0];
	s28 =	sor.u32 s15, s26  }
0x35: {  	s26 =	sor.u32 s0, s11;
	v55 =	vld [tilespmem:s28+$0x0];
	v39 =	vmul.bf16 v49, v33;
	v40 =	vmul.bf16 v50, v34  }
0x36: {  	v56 =	vld [tilespmem:s26+$0x0];
	v41 =	vmul.bf16 v51, v30;
	v42 =	vmul.bf16 v52, v31  }
0x37: {  	v4 =	vld [tilespmem:s2+$0x80];
	v57 =	vmul.bf16 v49, v18;
	v58 =	vmul.bf16 v50, v19  }
0x38: {  	v59 =	vmul.bf16 v51, v17;
	v60 =	vmul.bf16 v52, v23;
	v43 =	vadd.bf16 v40, v39;
	v39 =	vld [tilespmem:s18+$0x60]  }
0x39: {  	v44 =	vmul.bf16 v53, v28;
	v3 =	vmul.bf16 v53, v24;
	v41 =	vadd.bf16 v42, v41;
	v40 =	vld [tilespmem:s18+$0x70]  }
0x3a: {  	v42 =	vld [tilespmem:s18+$0x80];
	v57 =	vadd.bf16 v58, v57;
	v2 =	vadd.bf16 v60, v59;
	v45 =	vmul.bf16 v54, v29  }
0x3b: {  	v61 =	vadd.bf16 v41, v43;
	v43 =	vld [tilespmem:s18+$0xD0];
	v46 =	vmul.bf16 v55, v21;
	v47 =	vmul.bf16 v56, v22  }
0x3c: {  	v58 =	vmul.bf16 v49, v20;
	v62 =	vmul.bf16 v54, v25;
	v48 =	vadd.bf16 v45, v44;
	v44 =	vld [tilespmem:s18+$0x90]  }
0x3d: {  	v60 =	vmul.bf16 v50, v27;
	v57 =	vadd.bf16 v2, v57;
	v45 =	vld [tilespmem:s18+$0xA0];
	v46 =	vadd.bf16 v47, v46  }
0x3e: {  	v41 =	vld [tilespmem:s18+$0xC0];
	v0 =	vmul.bf16 v55, v26;
	v1 =	vmul.bf16 v56, v32;
	v3 =	vadd.bf16 v62, v3  }
0x3f: {  	v62 =	vmul.bf16 v51, v37;
	v47 =	vld [tilespmem:s18+$0xB0];
	v49 =	vmul.bf16 v49, v42;
	v63 =	vadd.bf16 v46, v48  }
0x40: {  	v2 =	vld [tilespmem:s8+$0x80];
	v48 =	vadd.bf16 v1, v0;
	v0 =	vmul.bf16 v52, v35;
	v1 =	vmul.bf16 v54, v38  }
0x41: {  	v58 =	vadd.bf16 v60, v58;
	v46 =	vld [tilespmem:s18+$0xE0];
	v54 =	vmul.bf16 v54, v43;
	v50 =	vmul.bf16 v50, v44  }
0x42: {  	v51 =	vmul.bf16 v51, v45;
	v59 =	vadd.bf16 v48, v3;
	v48 =	vld [tilespmem:s18+$0xF0];
	v61 =	vadd.bf16 v63, v61  }
0x43: {  	v60 =	vld [tilespmem:s7+$0x80];
	v63 =	vmul.bf16 v53, v36;
	v3 =	vmul.bf16 v56, v40;
	v0 =	vadd.bf16 v0, v62  }
0x44: {  	v62 =	vld [tilespmem:s16+$0x80];
	v52 =	vmul.bf16 v52, v47;
	v57 =	vadd.bf16 v59, v57;
	v59 =	vmul.bf16 v55, v39  }
0x45: {  	v53 =	vmul.bf16 v53, v41;
	v49 =	vadd.bf16 v50, v49;
	v1 =	vadd.bf16 v1, v63;
	v63 =	vld [tilespmem:s21+$0x80]  }
0x46: {  	v50 =	vadd.bf16 v52, v51;
	v51 =	vld [tilespmem:s28+$0x80];
	v3 =	vadd.bf16 v3, v59  }
0x47: {  	v55 =	vmul.bf16 v55, v46;
	v52 =	vadd.bf16 v54, v53;
	v54 =	vld [tilespmem:s26+$0x80];
	v56 =	vmul.bf16 v56, v48  }
0x48: {  	v0 =	vadd.bf16 v0, v58;
	v59 =	vld [tilespmem:s24+$0x80];
	v1 =	vadd.bf16 v3, v1  }
0x49: {  	v58 =	vmul.bf16 v4, v34;
	v53 =	vadd.bf16 v56, v55  }
0x4a: {  	v55 =	vadd.bf16 v50, v49;
	v0 =	vadd.bf16 v1, v0;
	v1 =	vmul.bf16 v2, v33  }
0x4b: {  	v49 =	vmul.bf16 v60, v30;
	v50 =	vmul.bf16 v63, v28;
	v56 =	vadd.bf16 v53, v52  }
0x4c: {  	v6 =	vmul.bf16 v54, v32;
	v52 =	vmul.bf16 v51, v21;
	v1 =	vadd.bf16 v58, v1  }
0x4d: {  	v58 =	vmul.bf16 v59, v29;
	v3 =	vadd.bf16 v56, v55;
	v56 =	vmul.bf16 v62, v31  }
0x4e: {  	v53 =	vmul.bf16 v2, v18;
	v55 =	vmul.bf16 v54, v22  }
0x4f: {  	v5 =	vmul.bf16 v59, v25;
	v50 =	vadd.bf16 v58, v50;
	v49 =	vadd.bf16 v56, v49  }
0x50: {  	v58 =	vmul.bf16 v62, v23;
	v56 =	vmul.bf16 v4, v19;
	v52 =	vadd.bf16 v55, v52  }
0x51: {  	v55 =	vmul.bf16 v60, v17;
	[tilespmem:$0x6600] =	vst v3;
	v3 =	vmul.bf16 v63, v36;
	v1 =	vadd.bf16 v49, v1  }
0x52: {  	v49 =	vmul.bf16 v63, v24;
	v50 =	vadd.bf16 v52, v50;
	v52 =	vmul.bf16 v51, v26  }
0x53: {  	v53 =	vadd.bf16 v56, v53;
	v55 =	vadd.bf16 v58, v55;
	v56 =	vmul.bf16 v54, v40  }
0x54: {  	v54 =	vmul.bf16 v54, v48;
	v5 =	vadd.bf16 v5, v49;
	v6 =	vadd.bf16 v6, v52  }
0x55: {  	[tilespmem:$0x6300] =	vst v61;
	v58 =	vadd.bf16 v55, v53;
	v52 =	vmul.bf16 v2, v20;
	v53 =	vmul.bf16 v4, v27  }
0x56: {  	[tilespmem:$0x6400] =	vst v57;
	v1 =	vadd.bf16 v50, v1;
	v50 =	vmul.bf16 v59, v38;
	v49 =	vmul.bf16 v51, v39  }
0x57: {  	[tilespmem:$0x6500] =	vst v0;
	v2 =	vmul.bf16 v2, v42;
	v4 =	vmul.bf16 v4, v44  }
0x58: {  	v57 =	vld [tilespmem:s2+$0x100];
	v59 =	vmul.bf16 v59, v43;
	v51 =	vmul.bf16 v51, v46  }
0x59: {  	v55 =	vld [tilespmem:s8+$0x100];
	v61 =	vadd.bf16 v6, v5;
	v5 =	vmul.bf16 v60, v37;
	v52 =	vadd.bf16 v53, v52  }
0x5a: {  	v6 =	vmul.bf16 v62, v35;
	v3 =	vadd.bf16 v50, v3;
	v49 =	vadd.bf16 v56, v49;
	v56 =	vld [tilespmem:s24+$0x100]  }
0x5b: {  	v53 =	vld [tilespmem:s7+$0x100];
	v50 =	vmul.bf16 v63, v41;
	v2 =	vadd.bf16 v4, v2;
	v0 =	vadd.bf16 v61, v58  }
0x5c: {  	v5 =	vadd.bf16 v6, v5;
	v6 =	vmul.bf16 v60, v45;
	v58 =	vmul.bf16 v62, v47;
	v60 =	vld [tilespmem:s16+$0x100]  }
0x5d: {  	v51 =	vadd.bf16 v54, v51;
	v61 =	vld [tilespmem:s21+$0x100];
	v50 =	vadd.bf16 v59, v50  }
0x5e: {  	v3 =	vadd.bf16 v49, v3;
	v4 =	vadd.bf16 v58, v6  }
0x5f: {  	v62 =	vmul.bf16 v57, v34;
	v6 =	vld [tilespmem:s28+$0x100];
	v5 =	vadd.bf16 v5, v52;
	v59 =	vmul.bf16 v56, v29  }
0x60: {  	v54 =	vld [tilespmem:s26+$0x100];
	v52 =	vmul.bf16 v53, v17;
	v2 =	vadd.bf16 v4, v2;
	v4 =	vadd.bf16 v51, v50  }
0x61: {  	v3 =	vadd.bf16 v3, v5;
	v5 =	vmul.bf16 v55, v33;
	v51 =	vmul.bf16 v55, v18  }
0x62: {  	v63 =	vmul.bf16 v60, v31;
	v58 =	vmul.bf16 v61, v28  }
0x63: {  	v2 =	vadd.bf16 v4, v2;
	v4 =	vmul.bf16 v53, v30;
	v5 =	vadd.bf16 v62, v5  }
0x64: {  	v62 =	vmul.bf16 v6, v21;
	v49 =	vadd.bf16 v59, v58;
	v58 =	vmul.bf16 v57, v19  }
0x65: {  	v59 =	vmul.bf16 v60, v23;
	v4 =	vadd.bf16 v63, v4;
	v63 =	vmul.bf16 v54, v22  }
0x66: {  	v51 =	vadd.bf16 v58, v51  }
0x67: {  	v52 =	vadd.bf16 v59, v52;
	v50 =	vadd.bf16 v63, v62  }
0x68: {  	v4 =	vadd.bf16 v4, v5;
	v5 =	vmul.bf16 v61, v24;
	v62 =	vmul.bf16 v56, v25  }
0x69: {  	v63 =	vmul.bf16 v54, v32;
	v49 =	vadd.bf16 v50, v49;
	v50 =	vmul.bf16 v6, v26  }
0x6a: {  	v59 =	vadd.bf16 v52, v51;
	v51 =	vmul.bf16 v55, v42;
	v58 =	vadd.bf16 v62, v5  }
0x6b: {  	[tilespmem:$0x6310] =	vst v1;
	v62 =	vmul.bf16 v53, v37;
	v5 =	vadd.bf16 v63, v50;
	v50 =	vmul.bf16 v55, v20  }
0x6c: {  	[tilespmem:$0x6610] =	vst v2;
	v63 =	vmul.bf16 v57, v27;
	v2 =	vadd.bf16 v49, v4;
	v4 =	vmul.bf16 v61, v36  }
0x6d: {  	[tilespmem:$0x6410] =	vst v0;
	v49 =	vmul.bf16 v56, v38;
	v55 =	vmul.bf16 v57, v44  }
0x6e: {  	[tilespmem:$0x6510] =	vst v3;
	v56 =	vmul.bf16 v56, v43;
	v1 =	vadd.bf16 v5, v58;
	v5 =	vmul.bf16 v60, v35  }
0x6f: {  	v52 =	vld [tilespmem:s8+$0x180];
	v58 =	vmul.bf16 v54, v40;
	v50 =	vadd.bf16 v63, v50;
	v4 =	vadd.bf16 v49, v4  }
0x70: {  	v57 =	vld [tilespmem:s7+$0x180];
	v49 =	vmul.bf16 v61, v41;
	v54 =	vmul.bf16 v54, v48;
	v0 =	vadd.bf16 v1, v59  }
0x71: {  	v61 =	vld [tilespmem:s21+$0x180];
	v1 =	vmul.bf16 v6, v39;
	v3 =	vadd.bf16 v5, v62;
	v5 =	vmul.bf16 v53, v45  }
0x72: {  	v51 =	vadd.bf16 v55, v51;
	v59 =	vld [tilespmem:s2+$0x180];
	v53 =	vmul.bf16 v60, v47;
	v6 =	vmul.bf16 v6, v46  }
0x73: {  	v60 =	vld [tilespmem:s16+$0x180];
	v49 =	vadd.bf16 v56, v49;
	v1 =	vadd.bf16 v58, v1  }
0x74: {  	v58 =	vld [tilespmem:s24+$0x180];
	v5 =	vadd.bf16 v53, v5;
	v6 =	vadd.bf16 v54, v6  }
0x75: {  	v63 =	vmul.bf16 v52, v33;
	v53 =	vld [tilespmem:s28+$0x180];
	v3 =	vadd.bf16 v3, v50;
	v1 =	vadd.bf16 v1, v4  }
0x76: {  	v54 =	vld [tilespmem:s26+$0x180];
	v50 =	vmul.bf16 v52, v18;
	v4 =	vadd.bf16 v5, v51;
	v5 =	vadd.bf16 v6, v49  }
0x77: {  	v51 =	vmul.bf16 v57, v17;
	v6 =	vmul.bf16 v59, v34  }
0x78: {  	v55 =	vmul.bf16 v60, v31;
	v1 =	vadd.bf16 v1, v3;
	v4 =	vadd.bf16 v5, v4  }
0x79: {  	v5 =	vmul.bf16 v57, v30;
	v3 =	vadd.bf16 v6, v63;
	v6 =	vmul.bf16 v61, v28  }
0x7a: {  	v56 =	vmul.bf16 v58, v29;
	v62 =	vmul.bf16 v53, v21  }
0x7b: {  	v63 =	vmul.bf16 v54, v22;
	v5 =	vadd.bf16 v55, v5;
	v55 =	vmul.bf16 v59, v19  }
0x7c: {  	[tilespmem:$0x6620] =	vst v4;
	v4 =	vmul.bf16 v61, v36;
	v6 =	vadd.bf16 v56, v6;
	v56 =	vmul.bf16 v60, v23  }
0x7d: {  	v49 =	vadd.bf16 v63, v62;
	v62 =	vmul.bf16 v58, v25;
	v63 =	vmul.bf16 v54, v32  }
0x7e: {  	v3 =	vadd.bf16 v5, v3;
	v5 =	vmul.bf16 v61, v24;
	v50 =	vadd.bf16 v55, v50  }
0x7f: {  	v6 =	vadd.bf16 v49, v6;
	v49 =	vmul.bf16 v53, v26;
	v51 =	vadd.bf16 v56, v51  }
0x80: {  	[tilespmem:$0x6520] =	vst v1;
	v1 =	vmul.bf16 v53, v39;
	v53 =	vmul.bf16 v53, v46;
	v55 =	vadd.bf16 v62, v5  }
0x81: {  	v5 =	vadd.bf16 v63, v49;
	v56 =	vadd.bf16 v51, v50;
	v49 =	vmul.bf16 v52, v20  }
0x82: {  	s16 =	sor.u32 s25, s1;
	[tilespmem:$0x6320] =	vst v2;
	v50 =	vmul.bf16 v59, v27;
	v63 =	vmul.bf16 v57, v37;
	v3 =	vadd.bf16 v6, v3  }
0x83: {  	s7 =	sor.u32 s1, s23;
	s8 =	sor.u32 $0x200, s16;
	[tilespmem:$0x6420] =	vst v0;
	v6 =	vmul.bf16 v58, v38;
	v58 =	vmul.bf16 v58, v43;
	v62 =	vadd.bf16 v5, v55  }
0x84: {  	s11 =	sor.u32 $0x200, s7;
	v51 =	vld [tilespmem:s8+$0x0];
	v5 =	vmul.bf16 v60, v35;
	v55 =	vmul.bf16 v54, v40;
	v49 =	vadd.bf16 v50, v49  }
0x85: {  	v50 =	vmul.bf16 v52, v42;
	v52 =	vmul.bf16 v59, v44;
	v0 =	vadd.bf16 v62, v56;
	v56 =	vld [tilespmem:s11+$0x0]  }
0x86: {  	v54 =	vmul.bf16 v54, v48;
	v2 =	vadd.bf16 v5, v63;
	v1 =	vadd.bf16 v55, v1;
	v55 =	vld [tilespmem:s24+$0x200]  }
0x87: {  	s2 =	sor.u32 s1, s22;
	v5 =	vmul.bf16 v57, v45;
	v57 =	vmul.bf16 v60, v47;
	v50 =	vadd.bf16 v52, v50;
	v52 =	vld [tilespmem:s28+$0x200]  }
0x88: {  	s8 =	sor.u32 s1, s20;
	v4 =	vadd.bf16 v6, v4;
	v6 =	vmul.bf16 v61, v41;
	s11 =	sor.u32 $0x200, s2;
	v53 =	vadd.bf16 v54, v53;
	v54 =	vld [tilespmem:s26+$0x200]  }
0x89: {  	s5 =	sor.u32 s6, s5;
	v59 =	vld [tilespmem:s11+$0x0];
	s11 =	sor.u32 $0x200, s8;
	v5 =	vadd.bf16 v57, v5  }
0x8a: {  	v6 =	vadd.bf16 v58, v6;
	v60 =	vld [tilespmem:s11+$0x0];
	s11 =	sor.u32 $0x200, s5;
	v2 =	vadd.bf16 v2, v49  }
0x8b: {  	v1 =	vadd.bf16 v1, v4;
	v61 =	vld [tilespmem:s11+$0x0];
	v4 =	vadd.bf16 v5, v50  }
0x8c: {  	v5 =	vadd.bf16 v53, v6;
	v53 =	vmul.bf16 v51, v33;
	v50 =	vmul.bf16 v51, v18  }
0x8d: {  	v6 =	vmul.bf16 v56, v34;
	v58 =	vmul.bf16 v55, v29  }
0x8e: {  	v1 =	vadd.bf16 v1, v2;
	v62 =	vmul.bf16 v52, v21;
	v63 =	vmul.bf16 v54, v22  }
0x8f: {  	v4 =	vadd.bf16 v5, v4;
	v5 =	vmul.bf16 v59, v30;
	v57 =	vmul.bf16 v60, v31  }
0x90: {  	[tilespmem:$0x6530] =	vst v1;
	v1 =	vmul.bf16 v52, v39;
	v2 =	vadd.bf16 v6, v53;
	v6 =	vmul.bf16 v61, v28  }
0x91: {  	v49 =	vadd.bf16 v63, v62;
	v53 =	vmul.bf16 v59, v17;
	v5 =	vadd.bf16 v57, v5  }
0x92: {  	v62 =	vmul.bf16 v55, v25;
	v63 =	vmul.bf16 v54, v32;
	v6 =	vadd.bf16 v58, v6  }
0x93: {  	v57 =	vmul.bf16 v56, v19;
	v58 =	vmul.bf16 v60, v23;
	v2 =	vadd.bf16 v5, v2  }
0x94: {  	v5 =	vmul.bf16 v61, v24;
	v6 =	vadd.bf16 v49, v6;
	v49 =	vmul.bf16 v52, v26  }
0x95: {  	[tilespmem:$0x6630] =	vst v4;
	v4 =	vmul.bf16 v61, v36;
	v50 =	vadd.bf16 v57, v50;
	v53 =	vadd.bf16 v58, v53  }
0x96: {  	v52 =	vmul.bf16 v52, v46;
	v57 =	vadd.bf16 v62, v5;
	v5 =	vadd.bf16 v63, v49  }
0x97: {  	v58 =	vadd.bf16 v53, v50;
	v49 =	vmul.bf16 v51, v20;
	v50 =	vmul.bf16 v56, v27  }
0x98: {  	v63 =	vmul.bf16 v59, v37;
	v2 =	vadd.bf16 v6, v2;
	v6 =	vmul.bf16 v55, v38  }
0x99: {  	[tilespmem:$0x6330] =	vst v3;
	v55 =	vmul.bf16 v55, v43;
	v62 =	vadd.bf16 v5, v57;
	v5 =	vmul.bf16 v60, v35  }
0x9a: {  	[tilespmem:$0x6430] =	vst v0;
	s11 =	sor.u32 $0x280, s16;
	v57 =	vmul.bf16 v54, v40;
	v49 =	vadd.bf16 v50, v49;
	v50 =	vmul.bf16 v51, v42  }
0x9b: {  	v53 =	vld [tilespmem:s11+$0x0];
	s11 =	sor.u32 $0x280, s7;
	v51 =	vmul.bf16 v56, v44;
	v4 =	vadd.bf16 v6, v4;
	v6 =	vmul.bf16 v61, v41  }
0x9c: {  	v54 =	vmul.bf16 v54, v48;
	v0 =	vadd.bf16 v62, v58;
	v58 =	vld [tilespmem:s11+$0x0];
	v3 =	vadd.bf16 v5, v63  }
0x9d: {  	s11 =	sor.u32 $0x280, s2;
	v5 =	vmul.bf16 v59, v45;
	v59 =	vmul.bf16 v60, v47;
	v50 =	vadd.bf16 v51, v50;
	v51 =	vld [tilespmem:s28+$0x280]  }
0x9e: {  	s6 =	sor.u32 $0x280, s5;
	v1 =	vadd.bf16 v57, v1;
	v6 =	vadd.bf16 v55, v6;
	v56 =	vld [tilespmem:s11+$0x0]  }
0x9f: {  	s3 =	sor.u32 s4, s3;
	v61 =	vld [tilespmem:s6+$0x0];
	v52 =	vadd.bf16 v54, v52;
	s11 =	sor.u32 $0x280, s8;
	v5 =	vadd.bf16 v59, v5  }
0xa0: {  	v60 =	vld [tilespmem:s11+$0x0];
	s11 =	sor.u32 $0x280, s3;
	v3 =	vadd.bf16 v3, v49;
	v1 =	vadd.bf16 v1, v4  }
0xa1: {  	v55 =	vmul.bf16 v53, v33;
	v57 =	vld [tilespmem:s11+$0x0];
	v4 =	vadd.bf16 v5, v50;
	v5 =	vadd.bf16 v52, v6  }
0xa2: {  	v54 =	vld [tilespmem:s26+$0x280];
	v1 =	vadd.bf16 v1, v3;
	v50 =	vmul.bf16 v53, v18;
	v6 =	vmul.bf16 v58, v34  }
0xa3: {  	v63 =	vmul.bf16 v51, v21;
	v4 =	vadd.bf16 v5, v4;
	v5 =	vmul.bf16 v56, v30  }
0xa4: {  	v52 =	vmul.bf16 v56, v17;
	[tilespmem:$0x6540] =	vst v1;
	v1 =	vmul.bf16 v51, v39  }
0xa5: {  	v59 =	vmul.bf16 v60, v31;
	v3 =	vadd.bf16 v6, v55;
	v6 =	vmul.bf16 v61, v28  }
0xa6: {  	v55 =	vmul.bf16 v58, v19;
	v62 =	vmul.bf16 v57, v29  }
0xa7: {  	[tilespmem:$0x6640] =	vst v4;
	v4 =	vmul.bf16 v61, v36;
	v5 =	vadd.bf16 v59, v5;
	v59 =	vmul.bf16 v54, v22  }
0xa8: {  	v50 =	vadd.bf16 v55, v50;
	v55 =	vmul.bf16 v54, v40;
	v6 =	vadd.bf16 v62, v6  }
0xa9: {  	v62 =	vmul.bf16 v57, v25;
	v49 =	vadd.bf16 v59, v63;
	v59 =	vmul.bf16 v60, v23  }
0xaa: {  	v3 =	vadd.bf16 v5, v3;
	v5 =	vmul.bf16 v61, v24;
	v63 =	vmul.bf16 v54, v32  }
0xab: {  	v6 =	vadd.bf16 v49, v6;
	v49 =	vmul.bf16 v51, v26;
	v52 =	vadd.bf16 v59, v52  }
0xac: {  	[tilespmem:$0x6340] =	vst v2;
	v1 =	vadd.bf16 v55, v1;
	v54 =	vmul.bf16 v54, v48;
	v62 =	vadd.bf16 v62, v5  }
0xad: {  	s6 =	sor.u32 $0x300, s16;
	[tilespmem:$0x6440] =	vst v0;
	v51 =	vmul.bf16 v51, v46;
	v5 =	vadd.bf16 v63, v49;
	v0 =	vadd.bf16 v52, v50  }
0xae: {  	s16 =	sor.u32 $0x300, s2;
	v49 =	vmul.bf16 v53, v20;
	v63 =	vmul.bf16 v58, v27;
	v3 =	vadd.bf16 v6, v3;
	v52 =	vld [tilespmem:s6+$0x0]  }
0xaf: {  	v50 =	vmul.bf16 v53, v42;
	v53 =	vmul.bf16 v58, v44;
	v58 =	vld [tilespmem:s16+$0x0];
	v59 =	vadd.bf16 v5, v62  }
0xb0: {  	v51 =	vadd.bf16 v54, v51;
	v54 =	vld [tilespmem:s26+$0x300];
	v62 =	vmul.bf16 v56, v37;
	v5 =	vmul.bf16 v60, v35  }
0xb1: {  	s11 =	sor.u32 $0x300, s7;
	v6 =	vmul.bf16 v57, v38;
	v50 =	vadd.bf16 v53, v50;
	v53 =	vld [tilespmem:s24+$0x300];
	v0 =	vadd.bf16 v59, v0  }
0xb2: {  	s4 =	sor.u32 s15, s9;
	s6 =	sor.u32 $0x300, s8;
	v59 =	vld [tilespmem:s11+$0x0];
	v2 =	vadd.bf16 v5, v62;
	v5 =	vmul.bf16 v56, v45;
	v56 =	vmul.bf16 v60, v47  }
0xb3: {  	v57 =	vmul.bf16 v57, v43;
	v4 =	vadd.bf16 v6, v4;
	v6 =	vmul.bf16 v61, v41;
	v60 =	vld [tilespmem:s6+$0x0];
	s11 =	sor.u32 $0x300, s4  }
0xb4: {  	s9 =	sor.u32 $0x300, s5;
	v49 =	vadd.bf16 v63, v49;
	v55 =	vld [tilespmem:s11+$0x0];
	v5 =	vadd.bf16 v56, v5  }
0xb5: {  	v61 =	vld [tilespmem:s9+$0x0];
	v6 =	vadd.bf16 v57, v6;
	v1 =	vadd.bf16 v1, v4;
	v63 =	vmul.bf16 v52, v33  }
0xb6: {  	v2 =	vadd.bf16 v2, v49;
	v57 =	vmul.bf16 v53, v29;
	v4 =	vadd.bf16 v5, v50  }
0xb7: {  	v5 =	vadd.bf16 v51, v6;
	v50 =	vmul.bf16 v52, v18;
	v51 =	vmul.bf16 v58, v17  }
0xb8: {  	v1 =	vadd.bf16 v1, v2;
	v6 =	vmul.bf16 v59, v34;
	v56 =	vmul.bf16 v60, v31  }
0xb9: {  	v4 =	vadd.bf16 v5, v4;
	v5 =	vmul.bf16 v58, v30;
	v62 =	vmul.bf16 v55, v21  }
0xba: {  	v2 =	vadd.bf16 v6, v63;
	v6 =	vmul.bf16 v61, v28;
	v63 =	vmul.bf16 v54, v22  }
0xbb: {  	[tilespmem:$0x6550] =	vst v1;
	v1 =	vmul.bf16 v55, v39;
	v5 =	vadd.bf16 v56, v5;
	v56 =	vmul.bf16 v59, v19  }
0xbc: {  	v6 =	vadd.bf16 v57, v6;
	v49 =	vadd.bf16 v63, v62;
	v57 =	vmul.bf16 v60, v23  }
0xbd: {  	v62 =	vmul.bf16 v53, v25;
	v63 =	vmul.bf16 v54, v32;
	v2 =	vadd.bf16 v5, v2  }
0xbe: {  	v5 =	vmul.bf16 v61, v24;
	v6 =	vadd.bf16 v49, v6;
	v49 =	vmul.bf16 v55, v26  }
0xbf: {  	[tilespmem:$0x6650] =	vst v4;
	v4 =	vmul.bf16 v61, v36;
	v50 =	vadd.bf16 v56, v50;
	v51 =	vadd.bf16 v57, v51  }
0xc0: {  	v55 =	vmul.bf16 v55, v46;
	v62 =	vadd.bf16 v62, v5;
	v5 =	vadd.bf16 v63, v49  }
0xc1: {  	s1 =	sor.u32 s1, s30;
	[tilespmem:$0x6350] =	vst v3;
	v56 =	vadd.bf16 v51, v50;
	v49 =	vmul.bf16 v52, v20;
	v63 =	vmul.bf16 v59, v27  }
0xc2: {  	s1 =	sor.u32 $0x380, s1;
	[tilespmem:$0x6450] =	vst v0;
	v2 =	vadd.bf16 v6, v2;
	v6 =	vmul.bf16 v53, v38;
	v50 =	vmul.bf16 v52, v42  }
0xc3: {  	s16 =	sor.u32 $0x380, s2;
	v51 =	vld [tilespmem:s1+$0x0];
	v52 =	vmul.bf16 v59, v44;
	v53 =	vmul.bf16 v53, v43;
	v57 =	vadd.bf16 v5, v62  }
0xc4: {  	s2 =	sor.u32 $0x380, s5;
	v59 =	vld [tilespmem:s16+$0x0];
	v62 =	vmul.bf16 v58, v37;
	v5 =	vmul.bf16 v60, v35;
	v4 =	vadd.bf16 v6, v4  }
0xc5: {  	s5 =	sor.u32 $0x380, s4;
	v6 =	vmul.bf16 v61, v41;
	v61 =	vld [tilespmem:s2+$0x0];
	v50 =	vadd.bf16 v52, v50;
	v0 =	vadd.bf16 v57, v56  }
0xc6: {  	s15 =	sor.u32 $0x380, s7;
	v52 =	vld [tilespmem:s5+$0x0];
	v56 =	vmul.bf16 v54, v40;
	v3 =	vadd.bf16 v5, v62;
	v5 =	vmul.bf16 v58, v45  }
0xc7: {  	s30 =	sor.u32 $0x380, s8;
	v49 =	vadd.bf16 v63, v49;
	v57 =	vld [tilespmem:s15+$0x0];
	v58 =	vmul.bf16 v60, v47;
	v54 =	vmul.bf16 v54, v48  }
0xc8: {  	s0 =	sor.u32 s31, s0;
	s3 =	sor.u32 $0x380, s3;
	v60 =	vld [tilespmem:s30+$0x0];
	v6 =	vadd.bf16 v53, v6;
	v1 =	vadd.bf16 v56, v1  }
0xc9: {  	s0 =	sor.u32 $0x200, s0;
	v56 =	vld [tilespmem:s3+$0x0];
	v5 =	vadd.bf16 v58, v5;
	v63 =	vadd.bf16 v54, v55  }
0xca: {  	v53 =	vmul.bf16 v51, v33;
	v54 =	vld [tilespmem:s0+$0x0];
	v3 =	vadd.bf16 v3, v49;
	v1 =	vadd.bf16 v1, v4  }
0xcb: {  	v62 =	vmul.bf16 v52, v21;
	v4 =	vadd.bf16 v5, v50;
	v5 =	vadd.bf16 v63, v6  }
0xcc: {  	v50 =	vmul.bf16 v51, v18;
	v6 =	vmul.bf16 v57, v34  }
0xcd: {  	v55 =	vmul.bf16 v60, v31;
	v1 =	vadd.bf16 v1, v3;
	v4 =	vadd.bf16 v5, v4  }
0xce: {  	v5 =	vmul.bf16 v59, v30;
	v3 =	vadd.bf16 v6, v53;
	v6 =	vmul.bf16 v61, v28  }
0xcf: {  	v58 =	vmul.bf16 v56, v29;
	v63 =	vmul.bf16 v54, v22  }
0xd0: {  	v53 =	vmul.bf16 v59, v17;
	v5 =	vadd.bf16 v55, v5;
	v55 =	vmul.bf16 v57, v19;
	[tilespmem:$0x6560] =	vst v1  }
0xd1: {  	[tilespmem:$0x6660] =	vst v4;
	v4 =	vmul.bf16 v61, v36;
	v1 =	vmul.bf16 v52, v39  }
0xd2: {  	v6 =	vadd.bf16 v58, v6;
	v49 =	vadd.bf16 v63, v62;
	v58 =	vmul.bf16 v60, v23  }
0xd3: {  	v62 =	vmul.bf16 v56, v25;
	v63 =	vmul.bf16 v54, v32;
	v3 =	vadd.bf16 v5, v3  }
0xd4: {  	v5 =	vmul.bf16 v61, v24;
	v6 =	vadd.bf16 v49, v6;
	v49 =	vmul.bf16 v52, v26  }
0xd5: {  	v50 =	vadd.bf16 v55, v50;
	v53 =	vadd.bf16 v58, v53;
	v52 =	vmul.bf16 v52, v46  }
0xd6: {  	v55 =	vadd.bf16 v62, v5;
	v5 =	vadd.bf16 v63, v49;
	v49 =	vmul.bf16 v51, v20  }
0xd7: {  	s6 =	sor.u32 $0x2000, s29;
	[tilespmem:$0x6360] =	vst v2;
	v58 =	vadd.bf16 v53, v50;
	v50 =	vmul.bf16 v57, v27;
	v63 =	vmul.bf16 v59, v37  }
0xd8: {  	s7 =	sor.u32 s25, s6;
	[tilespmem:$0x6460] =	vst v0;
	v3 =	vadd.bf16 v6, v3;
	v6 =	vmul.bf16 v56, v38;
	v56 =	vmul.bf16 v56, v43  }
0xd9: {  	s9 =	sor.u32 s22, s6;
	v53 =	vld [tilespmem:s7+$0x0];
	v62 =	vadd.bf16 v5, v55;
	v5 =	vmul.bf16 v60, v35;
	v55 =	vmul.bf16 v54, v40  }
0xda: {  	s8 =	sor.u32 s23, s6;
	v49 =	vadd.bf16 v50, v49;
	v50 =	vmul.bf16 v51, v42;
	v51 =	vmul.bf16 v57, v44;
	v57 =	vld [tilespmem:s9+$0x0]  }
0xdb: {  	s0 =	sor.u32 s20, s6;
	v4 =	vadd.bf16 v6, v4;
	v6 =	vmul.bf16 v61, v41;
	v0 =	vadd.bf16 v62, v58;
	v58 =	vld [tilespmem:s8+$0x0]  }
0xdc: {  	v2 =	vadd.bf16 v5, v63;
	v5 =	vmul.bf16 v59, v45;
	v59 =	vmul.bf16 v60, v47;
	v60 =	vld [tilespmem:s0+$0x0]  }
0xdd: {  	v54 =	vmul.bf16 v54, v48;
	v1 =	vadd.bf16 v55, v1;
	v55 =	vld [tilespmem:s24+$0x2000];
	v50 =	vadd.bf16 v51, v50  }
0xde: {  	v51 =	vld [tilespmem:s28+$0x2000];
	v6 =	vadd.bf16 v56, v6;
	v5 =	vadd.bf16 v59, v5  }
0xdf: {  	v52 =	vadd.bf16 v54, v52;
	v54 =	vld [tilespmem:s26+$0x2000];
	v2 =	vadd.bf16 v2, v49  }
0xe0: {  	v61 =	vld [tilespmem:s21+$0x2000];
	v1 =	vadd.bf16 v1, v4;
	v4 =	vadd.bf16 v5, v50  }
0xe1: {  	v5 =	vadd.bf16 v52, v6;
	v52 =	vmul.bf16 v53, v33;
	v50 =	vmul.bf16 v53, v18  }
0xe2: {  	v6 =	vmul.bf16 v58, v34;
	v56 =	vmul.bf16 v60, v31  }
0xe3: {  	v1 =	vadd.bf16 v1, v2;
	v59 =	vmul.bf16 v55, v29;
	v62 =	vmul.bf16 v51, v21  }
0xe4: {  	v63 =	vmul.bf16 v54, v22;
	v4 =	vadd.bf16 v5, v4;
	v5 =	vmul.bf16 v57, v30  }
0xe5: {  	[tilespmem:$0x6570] =	vst v1;
	v1 =	vmul.bf16 v51, v39;
	v2 =	vadd.bf16 v6, v52;
	v6 =	vmul.bf16 v61, v28  }
0xe6: {  	v49 =	vadd.bf16 v63, v62;
	v52 =	vmul.bf16 v57, v17;
	v5 =	vadd.bf16 v56, v5  }
0xe7: {  	v62 =	vmul.bf16 v55, v25;
	v63 =	vmul.bf16 v54, v32;
	v6 =	vadd.bf16 v59, v6  }
0xe8: {  	v56 =	vmul.bf16 v58, v19;
	v59 =	vmul.bf16 v60, v23;
	v2 =	vadd.bf16 v5, v2  }
0xe9: {  	v5 =	vmul.bf16 v61, v24;
	v6 =	vadd.bf16 v49, v6;
	v49 =	vmul.bf16 v51, v26  }
0xea: {  	[tilespmem:$0x6670] =	vst v4;
	v4 =	vmul.bf16 v61, v36;
	v50 =	vadd.bf16 v56, v50;
	v52 =	vadd.bf16 v59, v52  }
0xeb: {  	v51 =	vmul.bf16 v51, v46;
	v62 =	vadd.bf16 v62, v5;
	v5 =	vadd.bf16 v63, v49  }
0xec: {  	s11 =	sor.u32 $0x2080, s29;
	[tilespmem:$0x6370] =	vst v3;
	v56 =	vadd.bf16 v52, v50;
	v49 =	vmul.bf16 v53, v20;
	v63 =	vmul.bf16 v58, v27  }
0xed: {  	s15 =	sor.u32 s25, s11;
	[tilespmem:$0x6470] =	vst v0;
	v2 =	vadd.bf16 v6, v2;
	v6 =	vmul.bf16 v55, v38;
	v50 =	vmul.bf16 v53, v42  }
0xee: {  	s30 =	sor.u32 s22, s11;
	v52 =	vld [tilespmem:s15+$0x0];
	v53 =	vmul.bf16 v58, v44;
	v55 =	vmul.bf16 v55, v43;
	v59 =	vadd.bf16 v5, v62  }
0xef: {  	v58 =	vld [tilespmem:s30+$0x0];
	v62 =	vmul.bf16 v57, v37;
	v5 =	vmul.bf16 v60, v35;
	v4 =	vadd.bf16 v6, v4  }
0xf0: {  	v6 =	vmul.bf16 v61, v41;
	v50 =	vadd.bf16 v53, v50;
	v53 =	vld [tilespmem:s28+$0x2080];
	v0 =	vadd.bf16 v59, v56  }
0xf1: {  	s16 =	sor.u32 s23, s11;
	v61 =	vld [tilespmem:s21+$0x2080];
	v56 =	vmul.bf16 v54, v40;
	v3 =	vadd.bf16 v5, v62;
	v5 =	vmul.bf16 v57, v45  }
0xf2: {  	s0 =	sor.u32 s20, s11;
	v49 =	vadd.bf16 v63, v49;
	v59 =	vld [tilespmem:s16+$0x0];
	v57 =	vmul.bf16 v60, v47;
	v54 =	vmul.bf16 v54, v48  }
0xf3: {  	v60 =	vld [tilespmem:s0+$0x0];
	v6 =	vadd.bf16 v55, v6;
	v1 =	vadd.bf16 v56, v1  }
0xf4: {  	v63 =	vmul.bf16 v52, v33;
	v56 =	vld [tilespmem:s24+$0x2080];
	v5 =	vadd.bf16 v57, v5;
	v51 =	vadd.bf16 v54, v51  }
0xf5: {  	v54 =	vld [tilespmem:s26+$0x2080];
	v3 =	vadd.bf16 v3, v49;
	v62 =	vmul.bf16 v53, v21;
	v1 =	vadd.bf16 v1, v4  }
0xf6: {  	v4 =	vadd.bf16 v5, v50;
	v5 =	vadd.bf16 v51, v6;
	v50 =	vmul.bf16 v52, v18  }
0xf7: {  	v51 =	vmul.bf16 v58, v17;
	v6 =	vmul.bf16 v59, v34  }
0xf8: {  	v55 =	vmul.bf16 v60, v31;
	v1 =	vadd.bf16 v1, v3;
	v4 =	vadd.bf16 v5, v4  }
0xf9: {  	v5 =	vmul.bf16 v58, v30;
	v3 =	vadd.bf16 v6, v63;
	v6 =	vmul.bf16 v61, v28  }
0xfa: {  	v57 =	vmul.bf16 v56, v29;
	v63 =	vmul.bf16 v54, v22  }
0xfb: {  	v5 =	vadd.bf16 v55, v5;
	v55 =	vmul.bf16 v59, v19;
	[tilespmem:$0x6680] =	vst v4;
	v4 =	vmul.bf16 v61, v36  }
0xfc: {  	v6 =	vadd.bf16 v57, v6;
	v49 =	vadd.bf16 v63, v62;
	v57 =	vmul.bf16 v60, v23  }
0xfd: {  	v62 =	vmul.bf16 v56, v25;
	v63 =	vmul.bf16 v54, v32;
	v3 =	vadd.bf16 v5, v3  }
0xfe: {  	v5 =	vmul.bf16 v61, v24;
	v6 =	vadd.bf16 v49, v6;
	v49 =	vmul.bf16 v53, v26  }
0xff: {  	[tilespmem:$0x6580] =	vst v1;
	v1 =	vmul.bf16 v53, v39;
	v50 =	vadd.bf16 v55, v50;
	v51 =	vadd.bf16 v57, v51  }
0x100: {  	v55 =	vadd.bf16 v62, v5;
	v5 =	vadd.bf16 v63, v49;
	v49 =	vmul.bf16 v52, v20  }
0x101: {  	v57 =	vadd.bf16 v51, v50;
	v50 =	vmul.bf16 v59, v27;
	v63 =	vmul.bf16 v58, v37  }
0x102: {  	s31 =	sor.u32 $0x2100, s29;
	[tilespmem:$0x6380] =	vst v2;
	v3 =	vadd.bf16 v6, v3;
	v6 =	vmul.bf16 v56, v38;
	v56 =	vmul.bf16 v56, v43  }
0x103: {  	s3 =	sor.u32 s25, s31;
	[tilespmem:$0x6480] =	vst v0;
	v62 =	vadd.bf16 v5, v55;
	v5 =	vmul.bf16 v60, v35;
	v55 =	vmul.bf16 v54, v40  }
0x104: {  	s4 =	sor.u32 s23, s31;
	v51 =	vld [tilespmem:s3+$0x0];
	v49 =	vadd.bf16 v50, v49;
	v50 =	vmul.bf16 v52, v42;
	v52 =	vmul.bf16 v59, v44  }
0x105: {  	s0 =	sor.u32 s20, s31;
	v4 =	vadd.bf16 v6, v4;
	v6 =	vmul.bf16 v61, v41;
	v0 =	vadd.bf16 v62, v57;
	v57 =	vld [tilespmem:s4+$0x0]  }
0x106: {  	v2 =	vadd.bf16 v5, v63;
	v5 =	vmul.bf16 v58, v45;
	v58 =	vmul.bf16 v60, v47;
	v60 =	vld [tilespmem:s0+$0x0]  }
0x107: {  	v53 =	vmul.bf16 v53, v46;
	v54 =	vmul.bf16 v54, v48;
	v1 =	vadd.bf16 v55, v1;
	v55 =	vld [tilespmem:s24+$0x2100]  }
0x108: {  	v50 =	vadd.bf16 v52, v50;
	v52 =	vld [tilespmem:s28+$0x2100];
	v6 =	vadd.bf16 v56, v6  }
0x109: {  	s5 =	sor.u32 s22, s31;
	v53 =	vadd.bf16 v54, v53;
	v54 =	vld [tilespmem:s26+$0x2100];
	v5 =	vadd.bf16 v58, v5  }
0x10a: {  	v59 =	vld [tilespmem:s5+$0x0];
	v2 =	vadd.bf16 v2, v49;
	v1 =	vadd.bf16 v1, v4  }
0x10b: {  	v61 =	vld [tilespmem:s21+$0x2100];
	v4 =	vadd.bf16 v5, v50;
	v5 =	vadd.bf16 v53, v6;
	v53 =	vmul.bf16 v51, v33  }
0x10c: {  	v50 =	vmul.bf16 v51, v18;
	v6 =	vmul.bf16 v57, v34  }
0x10d: {  	v1 =	vadd.bf16 v1, v2;
	v56 =	vmul.bf16 v60, v31;
	v58 =	vmul.bf16 v55, v29  }
0x10e: {  	v62 =	vmul.bf16 v52, v21;
	v63 =	vmul.bf16 v54, v22  }
0x10f: {  	v4 =	vadd.bf16 v5, v4;
	v5 =	vmul.bf16 v59, v30;
	[tilespmem:$0x6590] =	vst v1;
	v1 =	vmul.bf16 v52, v39  }
0x110: {  	v2 =	vadd.bf16 v6, v53;
	v6 =	vmul.bf16 v61, v28;
	v49 =	vadd.bf16 v63, v62  }
0x111: {  	v53 =	vmul.bf16 v59, v17;
	v62 =	vmul.bf16 v55, v25;
	v5 =	vadd.bf16 v56, v5  }
0x112: {  	v63 =	vmul.bf16 v54, v32;
	v56 =	vmul.bf16 v57, v19;
	v6 =	vadd.bf16 v58, v6  }
0x113: {  	[tilespmem:$0x6690] =	vst v4;
	v4 =	vmul.bf16 v61, v36;
	v58 =	vmul.bf16 v60, v23;
	v2 =	vadd.bf16 v5, v2  }
0x114: {  	v5 =	vmul.bf16 v61, v24;
	v6 =	vadd.bf16 v49, v6;
	v49 =	vmul.bf16 v52, v26  }
0x115: {  	v50 =	vadd.bf16 v56, v50;
	v53 =	vadd.bf16 v58, v53;
	v52 =	vmul.bf16 v52, v46  }
0x116: {  	v56 =	vadd.bf16 v62, v5;
	v5 =	vadd.bf16 v63, v49;
	v49 =	vmul.bf16 v51, v20  }
0x117: {  	s6 =	sor.u32 $0x2180, s29;
	[tilespmem:$0x6390] =	vst v3;
	v58 =	vadd.bf16 v53, v50;
	v50 =	vmul.bf16 v57, v27;
	v63 =	vmul.bf16 v59, v37  }
0x118: {  	s7 =	sor.u32 s25, s6;
	[tilespmem:$0x6490] =	vst v0;
	v2 =	vadd.bf16 v6, v2;
	v6 =	vmul.bf16 v55, v38;
	v55 =	vmul.bf16 v55, v43  }
0x119: {  	s9 =	sor.u32 s22, s6;
	v53 =	vld [tilespmem:s7+$0x0];
	v62 =	vadd.bf16 v5, v56;
	v5 =	vmul.bf16 v60, v35;
	v56 =	vmul.bf16 v54, v40  }
0x11a: {  	s8 =	sor.u32 s23, s6;
	v49 =	vadd.bf16 v50, v49;
	v50 =	vmul.bf16 v51, v42;
	v51 =	vmul.bf16 v57, v44;
	v57 =	vld [tilespmem:s9+$0x0]  }
0x11b: {  	s0 =	sor.u32 s20, s6;
	v4 =	vadd.bf16 v6, v4;
	v6 =	vmul.bf16 v61, v41;
	v0 =	vadd.bf16 v62, v58;
	v58 =	vld [tilespmem:s8+$0x0]  }
0x11c: {  	v3 =	vadd.bf16 v5, v63;
	v5 =	vmul.bf16 v59, v45;
	v59 =	vmul.bf16 v60, v47;
	v60 =	vld [tilespmem:s0+$0x0]  }
0x11d: {  	v54 =	vmul.bf16 v54, v48;
	v1 =	vadd.bf16 v56, v1;
	v56 =	vld [tilespmem:s24+$0x2180];
	v50 =	vadd.bf16 v51, v50  }
0x11e: {  	v51 =	vld [tilespmem:s28+$0x2180];
	v6 =	vadd.bf16 v55, v6;
	v5 =	vadd.bf16 v59, v5  }
0x11f: {  	v52 =	vadd.bf16 v54, v52;
	v3 =	vadd.bf16 v3, v49  }
0x120: {  	v61 =	vld [tilespmem:s21+$0x2180];
	v55 =	vmul.bf16 v53, v33;
	v1 =	vadd.bf16 v1, v4;
	v4 =	vadd.bf16 v5, v50  }
0x121: {  	v54 =	vld [tilespmem:s26+$0x2180];
	v5 =	vadd.bf16 v52, v6;
	v50 =	vmul.bf16 v53, v18;
	v52 =	vmul.bf16 v57, v17  }
0x122: {  	v1 =	vadd.bf16 v1, v3;
	v6 =	vmul.bf16 v58, v34;
	v59 =	vmul.bf16 v60, v31  }
0x123: {  	v62 =	vmul.bf16 v56, v29;
	v63 =	vmul.bf16 v51, v21  }
0x124: {  	v4 =	vadd.bf16 v5, v4;
	v5 =	vmul.bf16 v57, v30;
	[tilespmem:$0x65A0] =	vst v1;
	v1 =	vmul.bf16 v51, v39  }
0x125: {  	v3 =	vadd.bf16 v6, v55;
	v6 =	vmul.bf16 v61, v28;
	v55 =	vmul.bf16 v58, v19  }
0x126: {  	v5 =	vadd.bf16 v59, v5;
	v59 =	vmul.bf16 v54, v22;
	[tilespmem:$0x66A0] =	vst v4;
	v4 =	vmul.bf16 v61, v36  }
0x127: {  	v6 =	vadd.bf16 v62, v6;
	v62 =	vmul.bf16 v56, v25;
	v50 =	vadd.bf16 v55, v50  }
0x128: {  	v55 =	vmul.bf16 v54, v40;
	v49 =	vadd.bf16 v59, v63;
	v59 =	vmul.bf16 v60, v23  }
0x129: {  	v3 =	vadd.bf16 v5, v3;
	v5 =	vmul.bf16 v61, v24;
	v63 =	vmul.bf16 v54, v32  }
0x12a: {  	v1 =	vadd.bf16 v55, v1;
	v6 =	vadd.bf16 v49, v6;
	v49 =	vmul.bf16 v51, v26  }
0x12b: {  	v54 =	vmul.bf16 v54, v48;
	v52 =	vadd.bf16 v59, v52;
	v62 =	vadd.bf16 v62, v5  }
0x12c: {  	[tilespmem:$0x63A0] =	vst v2;
	v51 =	vmul.bf16 v51, v46;
	v5 =	vadd.bf16 v63, v49;
	v49 =	vmul.bf16 v53, v20  }
0x12d: {  	s11 =	sor.u32 $0x2200, s29;
	[tilespmem:$0x64A0] =	vst v0;
	v63 =	vmul.bf16 v58, v27;
	v3 =	vadd.bf16 v6, v3;
	v6 =	vmul.bf16 v56, v38  }
0x12e: {  	s15 =	sor.u32 s25, s11;
	v55 =	vld [tilespmem:s24+$0x2200];
	v0 =	vadd.bf16 v52, v50;
	v50 =	vmul.bf16 v53, v42;
	v53 =	vmul.bf16 v58, v44  }
0x12f: {  	s30 =	sor.u32 s22, s11;
	v52 =	vld [tilespmem:s15+$0x0];
	v56 =	vmul.bf16 v56, v43;
	v51 =	vadd.bf16 v54, v51;
	v59 =	vadd.bf16 v5, v62  }
0x130: {  	v58 =	vld [tilespmem:s30+$0x0];
	v62 =	vmul.bf16 v57, v37;
	v5 =	vmul.bf16 v60, v35;
	v4 =	vadd.bf16 v6, v4  }
0x131: {  	s16 =	sor.u32 s23, s11;
	v6 =	vmul.bf16 v61, v41;
	v50 =	vadd.bf16 v53, v50;
	v53 =	vld [tilespmem:s28+$0x2200];
	v0 =	vadd.bf16 v59, v0  }
0x132: {  	s0 =	sor.u32 s20, s11;
	v59 =	vld [tilespmem:s16+$0x0];
	v2 =	vadd.bf16 v5, v62;
	v5 =	vmul.bf16 v57, v45;
	v57 =	vmul.bf16 v60, v47  }
0x133: {  	v49 =	vadd.bf16 v63, v49;
	v60 =	vld [tilespmem:s0+$0x0];
	v6 =	vadd.bf16 v56, v6  }
0x134: {  	v54 =	vld [tilespmem:s26+$0x2200];
	v1 =	vadd.bf16 v1, v4;
	v5 =	vadd.bf16 v57, v5  }
0x135: {  	v61 =	vld [tilespmem:s21+$0x2200];
	v63 =	vmul.bf16 v52, v33;
	v2 =	vadd.bf16 v2, v49;
	v57 =	vmul.bf16 v55, v29  }
0x136: {  	v62 =	vmul.bf16 v53, v21;
	v4 =	vadd.bf16 v5, v50;
	v5 =	vadd.bf16 v51, v6  }
0x137: {  	v1 =	vadd.bf16 v1, v2;
	v50 =	vmul.bf16 v52, v18;
	v51 =	vmul.bf16 v58, v17  }
0x138: {  	v6 =	vmul.bf16 v59, v34;
	v56 =	vmul.bf16 v60, v31  }
0x139: {  	v4 =	vadd.bf16 v5, v4;
	v5 =	vmul.bf16 v58, v30;
	[tilespmem:$0x65B0] =	vst v1;
	v1 =	vmul.bf16 v53, v39  }
0x13a: {  	v2 =	vadd.bf16 v6, v63;
	v6 =	vmul.bf16 v61, v28;
	v63 =	vmul.bf16 v54, v22  }
0x13b: {  	v5 =	vadd.bf16 v56, v5;
	v56 =	vmul.bf16 v59, v19;
	[tilespmem:$0x66B0] =	vst v4;
	v4 =	vmul.bf16 v61, v36  }
0x13c: {  	v6 =	vadd.bf16 v57, v6;
	v49 =	vadd.bf16 v63, v62;
	v57 =	vmul.bf16 v60, v23  }
0x13d: {  	v62 =	vmul.bf16 v55, v25;
	v63 =	vmul.bf16 v54, v32;
	v2 =	vadd.bf16 v5, v2  }
0x13e: {  	v5 =	vmul.bf16 v61, v24;
	v6 =	vadd.bf16 v49, v6;
	v49 =	vmul.bf16 v53, v26  }
0x13f: {  	v50 =	vadd.bf16 v56, v50;
	v51 =	vadd.bf16 v57, v51;
	v53 =	vmul.bf16 v53, v46  }
0x140: {  	v56 =	vadd.bf16 v62, v5;
	v5 =	vadd.bf16 v63, v49;
	v49 =	vmul.bf16 v52, v20  }
0x141: {  	s31 =	sor.u32 $0x2280, s29;
	[tilespmem:$0x63B0] =	vst v3;
	v57 =	vadd.bf16 v51, v50;
	v50 =	vmul.bf16 v59, v27;
	v63 =	vmul.bf16 v58, v37  }
0x142: {  	s3 =	sor.u32 s25, s31;
	[tilespmem:$0x64B0] =	vst v0;
	v2 =	vadd.bf16 v6, v2;
	v6 =	vmul.bf16 v55, v38;
	v55 =	vmul.bf16 v55, v43  }
0x143: {  	s5 =	sor.u32 s22, s31;
	v51 =	vld [tilespmem:s3+$0x0];
	v62 =	vadd.bf16 v5, v56;
	v5 =	vmul.bf16 v60, v35;
	v56 =	vmul.bf16 v54, v40  }
0x144: {  	s4 =	sor.u32 s23, s31;
	v49 =	vadd.bf16 v50, v49;
	v50 =	vmul.bf16 v52, v42;
	v52 =	vmul.bf16 v59, v44;
	v59 =	vld [tilespmem:s5+$0x0]  }
0x145: {  	s0 =	sor.u32 s20, s31;
	v4 =	vadd.bf16 v6, v4;
	v6 =	vmul.bf16 v61, v41;
	v0 =	vadd.bf16 v62, v57;
	v57 =	vld [tilespmem:s4+$0x0]  }
0x146: {  	v3 =	vadd.bf16 v5, v63;
	v5 =	vmul.bf16 v58, v45;
	v58 =	vmul.bf16 v60, v47;
	v60 =	vld [tilespmem:s0+$0x0]  }
0x147: {  	v54 =	vmul.bf16 v54, v48;
	v1 =	vadd.bf16 v56, v1;
	v56 =	vld [tilespmem:s24+$0x2280];
	v50 =	vadd.bf16 v52, v50  }
0x148: {  	v52 =	vld [tilespmem:s28+$0x2280];
	v6 =	vadd.bf16 v55, v6;
	v5 =	vadd.bf16 v58, v5  }
0x149: {  	v53 =	vadd.bf16 v54, v53;
	v54 =	vld [tilespmem:s26+$0x2280];
	v3 =	vadd.bf16 v3, v49  }
0x14a: {  	v61 =	vld [tilespmem:s21+$0x2280];
	v1 =	vadd.bf16 v1, v4;
	v4 =	vadd.bf16 v5, v50  }
0x14b: {  	v5 =	vadd.bf16 v53, v6;
	v53 =	vmul.bf16 v51, v33;
	v50 =	vmul.bf16 v51, v18  }
0x14c: {  	v6 =	vmul.bf16 v57, v34;
	v55 =	vmul.bf16 v60, v31  }
0x14d: {  	v1 =	vadd.bf16 v1, v3;
	v58 =	vmul.bf16 v56, v29;
	v62 =	vmul.bf16 v52, v21  }
0x14e: {  	v63 =	vmul.bf16 v54, v22;
	v4 =	vadd.bf16 v5, v4;
	v5 =	vmul.bf16 v59, v30  }
0x14f: {  	[tilespmem:$0x65C0] =	vst v1;
	v1 =	vmul.bf16 v52, v39;
	v3 =	vadd.bf16 v6, v53;
	v6 =	vmul.bf16 v61, v28  }
0x150: {  	v49 =	vadd.bf16 v63, v62;
	v53 =	vmul.bf16 v59, v17;
	v5 =	vadd.bf16 v55, v5  }
0x151: {  	v62 =	vmul.bf16 v56, v25;
	v63 =	vmul.bf16 v54, v32;
	v6 =	vadd.bf16 v58, v6  }
0x152: {  	v55 =	vmul.bf16 v57, v19;
	v58 =	vmul.bf16 v60, v23;
	v3 =	vadd.bf16 v5, v3  }
0x153: {  	v5 =	vmul.bf16 v61, v24;
	v6 =	vadd.bf16 v49, v6;
	v49 =	vmul.bf16 v52, v26  }
0x154: {  	[tilespmem:$0x66C0] =	vst v4;
	v4 =	vmul.bf16 v61, v36;
	v50 =	vadd.bf16 v55, v50;
	v53 =	vadd.bf16 v58, v53  }
0x155: {  	v52 =	vmul.bf16 v52, v46;
	v55 =	vadd.bf16 v62, v5;
	v5 =	vadd.bf16 v63, v49  }
0x156: {  	s6 =	sor.u32 $0x2300, s29;
	[tilespmem:$0x63C0] =	vst v2;
	v58 =	vadd.bf16 v53, v50;
	v49 =	vmul.bf16 v51, v20;
	v50 =	vmul.bf16 v57, v27  }
0x157: {  	s7 =	sor.u32 s25, s6;
	[tilespmem:$0x64C0] =	vst v0;
	v63 =	vmul.bf16 v59, v37;
	v3 =	vadd.bf16 v6, v3;
	v6 =	vmul.bf16 v56, v38  }
0x158: {  	s9 =	sor.u32 s22, s6;
	v53 =	vld [tilespmem:s7+$0x0];
	v56 =	vmul.bf16 v56, v43;
	v62 =	vadd.bf16 v5, v55;
	v5 =	vmul.bf16 v60, v35  }
0x159: {  	v49 =	vadd.bf16 v50, v49;
	v50 =	vmul.bf16 v51, v42;
	v51 =	vmul.bf16 v57, v44;
	v57 =	vld [tilespmem:s9+$0x0]  }
0x15a: {  	s8 =	sor.u32 s23, s6;
	v55 =	vmul.bf16 v54, v40;
	v4 =	vadd.bf16 v6, v4;
	v6 =	vmul.bf16 v61, v41;
	v61 =	vld [tilespmem:s21+$0x2300]  }
0x15b: {  	s0 =	sor.u32 s20, s6;
	v54 =	vmul.bf16 v54, v48;
	v0 =	vadd.bf16 v62, v58;
	v58 =	vld [tilespmem:s8+$0x0];
	v2 =	vadd.bf16 v5, v63  }
0x15c: {  	v5 =	vmul.bf16 v59, v45;
	v59 =	vmul.bf16 v60, v47;
	v60 =	vld [tilespmem:s0+$0x0];
	v1 =	vadd.bf16 v55, v1  }
0x15d: {  	v50 =	vadd.bf16 v51, v50;
	v51 =	vld [tilespmem:s28+$0x2300];
	v6 =	vadd.bf16 v56, v6  }
0x15e: {  	v52 =	vadd.bf16 v54, v52;
	v54 =	vld [tilespmem:s26+$0x2300];
	v5 =	vadd.bf16 v59, v5  }
0x15f: {  	v55 =	vld [tilespmem:s24+$0x2300];
	v2 =	vadd.bf16 v2, v49;
	v1 =	vadd.bf16 v1, v4  }
0x160: {  	v4 =	vadd.bf16 v5, v50;
	v5 =	vadd.bf16 v52, v6;
	v52 =	vmul.bf16 v53, v33  }
0x161: {  	v50 =	vmul.bf16 v53, v18;
	v6 =	vmul.bf16 v58, v34  }
0x162: {  	v1 =	vadd.bf16 v1, v2;
	v56 =	vmul.bf16 v60, v31;
	v62 =	vmul.bf16 v51, v21  }
0x163: {  	v63 =	vmul.bf16 v54, v22;
	v4 =	vadd.bf16 v5, v4;
	v5 =	vmul.bf16 v57, v30  }
0x164: {  	v59 =	vmul.bf16 v55, v29;
	v2 =	vadd.bf16 v6, v52;
	v6 =	vmul.bf16 v61, v28  }
0x165: {  	v49 =	vadd.bf16 v63, v62;
	v52 =	vmul.bf16 v57, v17;
	v5 =	vadd.bf16 v56, v5  }
0x166: {  	v62 =	vmul.bf16 v55, v25;
	v63 =	vmul.bf16 v54, v32;
	v6 =	vadd.bf16 v59, v6  }
0x167: {  	v56 =	vmul.bf16 v58, v19;
	v59 =	vmul.bf16 v60, v23;
	v2 =	vadd.bf16 v5, v2  }
0x168: {  	[tilespmem:$0x63D0] =	vst v3;
	v5 =	vmul.bf16 v61, v24;
	v6 =	vadd.bf16 v49, v6;
	v49 =	vmul.bf16 v51, v26  }
0x169: {  	[tilespmem:$0x66D0] =	vst v4;
	v4 =	vmul.bf16 v61, v36;
	v50 =	vadd.bf16 v56, v50;
	v52 =	vadd.bf16 v59, v52  }
0x16a: {  	s11 =	sor.u32 $0x2380, s29;
	[tilespmem:$0x64D0] =	vst v0;
	v56 =	vadd.bf16 v62, v5;
	v5 =	vadd.bf16 v63, v49;
	v49 =	vmul.bf16 v53, v20  }
0x16b: {  	s15 =	sor.u32 s25, s11;
	[tilespmem:$0x65D0] =	vst v1;
	v59 =	vadd.bf16 v52, v50;
	v50 =	vmul.bf16 v58, v27;
	v63 =	vmul.bf16 v57, v37  }
0x16c: {  	s16 =	sor.u32 s23, s11;
	s23 =	sor.u32 s22, s11;
	v2 =	vadd.bf16 v6, v2;
	v6 =	vmul.bf16 v55, v38;
	v52 =	vld [tilespmem:s15+$0x0];
	v62 =	vadd.bf16 v5, v56  }
0x16d: {  	v49 =	vadd.bf16 v50, v49;
	v50 =	vmul.bf16 v53, v42;
	v53 =	vmul.bf16 v58, v44;
	v58 =	vld [tilespmem:s23+$0x0]  }
0x16e: {  	v5 =	vmul.bf16 v60, v35;
	v4 =	vadd.bf16 v6, v4;
	v6 =	vmul.bf16 v61, v41;
	v61 =	vld [tilespmem:s21+$0x2380]  }
0x16f: {  	s0 =	sor.u32 s20, s11;
	v1 =	vmul.bf16 v51, v39;
	v56 =	vmul.bf16 v54, v40;
	v0 =	vadd.bf16 v62, v59;
	v59 =	vld [tilespmem:s16+$0x0]  }
0x170: {  	v3 =	vadd.bf16 v5, v63;
	v5 =	vmul.bf16 v57, v45;
	v57 =	vmul.bf16 v60, v47;
	v60 =	vld [tilespmem:s0+$0x0]  }
0x171: {  	v55 =	vmul.bf16 v55, v43;
	v1 =	vadd.bf16 v56, v1;
	v56 =	vld [tilespmem:s24+$0x2380]  }
0x172: {  	v51 =	vmul.bf16 v51, v46;
	v54 =	vmul.bf16 v54, v48;
	v50 =	vadd.bf16 v53, v50;
	v53 =	vld [tilespmem:s28+$0x2380]  }
0x173: {  	v6 =	vadd.bf16 v55, v6;
	v55 =	vmul.bf16 v52, v33  }
0x174: {  	v51 =	vadd.bf16 v54, v51;
	v18 =	vmul.bf16 v52, v18;
	v28 =	vmul.bf16 v61, v28  }
0x175: {  	v5 =	vadd.bf16 v57, v5;
	v17 =	vmul.bf16 v58, v17;
	v57 =	vmul.bf16 v59, v34  }
0x176: {  	v3 =	vadd.bf16 v3, v49;
	v62 =	vmul.bf16 v60, v31;
	v29 =	vmul.bf16 v56, v29  }
0x177: {  	v1 =	vadd.bf16 v1, v4;
	v4 =	vld [tilespmem:s26+$0x2380];
	v21 =	vmul.bf16 v53, v21;
	v19 =	vmul.bf16 v59, v19  }
0x178: {  	v6 =	vadd.bf16 v51, v6;
	v63 =	vmul.bf16 v60, v23;
	v49 =	vmul.bf16 v56, v25  }
0x179: {  	v5 =	vadd.bf16 v5, v50;
	v50 =	vmul.bf16 v53, v26;
	v54 =	vmul.bf16 v59, v44  }
0x17a: {  	v1 =	vadd.bf16 v1, v3;
	v33 =	vmul.bf16 v56, v43;
	v34 =	vmul.bf16 v53, v46  }
0x17b: {  	v5 =	vadd.bf16 v6, v5;
	v6 =	vmul.bf16 v58, v30;
	v3 =	vadd.bf16 v57, v55  }
0x17c: {  	v22 =	vmul.bf16 v4, v22;
	v28 =	vadd.bf16 v29, v28;
	v51 =	vmul.bf16 v4, v32  }
0x17d: {  	v18 =	vadd.bf16 v19, v18;
	v55 =	vmul.bf16 v58, v37;
	v6 =	vadd.bf16 v62, v6  }
0x17e: {  	v17 =	vadd.bf16 v63, v17;
	v57 =	vmul.bf16 v58, v45;
	v58 =	vmul.bf16 v60, v47  }
0x17f: {  	v63 =	vmul.bf16 v61, v41;
	v3 =	vadd.bf16 v6, v3;
	v6 =	vmul.bf16 v61, v24  }
0x180: {  	v62 =	vmul.bf16 v4, v40;
	v21 =	vadd.bf16 v22, v21;
	v19 =	vadd.bf16 v51, v50  }
0x181: {  	v4 =	vmul.bf16 v4, v48;
	v17 =	vadd.bf16 v17, v18;
	v6 =	vadd.bf16 v49, v6  }
0x182: {  	v18 =	vmul.bf16 v52, v20;
	v52 =	vmul.bf16 v52, v42;
	v21 =	vadd.bf16 v21, v28  }
0x183: {  	v37 =	vadd.bf16 v33, v63;
	v6 =	vadd.bf16 v19, v6;
	v19 =	vmul.bf16 v59, v27  }
0x184: {  	v4 =	vadd.bf16 v4, v34;
	v3 =	vadd.bf16 v21, v3;
	v59 =	vmul.bf16 v56, v38  }
0x185: {  	v6 =	vadd.bf16 v6, v17;
	v17 =	vmul.bf16 v60, v35;
	v18 =	vadd.bf16 v19, v18  }
0x186: {  	v19 =	vmul.bf16 v61, v36;
	v60 =	vmul.bf16 v53, v39;
	v35 =	vadd.bf16 v54, v52  }
0x187: {  	[tilespmem:$0x63E0] =	vst v2;
	v26 =	vld [tilespmem:$0x1FF90];
	v36 =	vadd.bf16 v58, v57;
	v17 =	vadd.bf16 v17, v55  }
0x188: {  	[tilespmem:$0x64E0] =	vst v0;
	v27 =	vld [tilespmem:$0x1FFA0];
	v19 =	vadd.bf16 v59, v19;
	v21 =	vadd.bf16 v62, v60  }
0x189: {  	[tilespmem:$0x65E0] =	vst v1;
	v28 =	vld [tilespmem:$0x1FFB0];
	v0 =	vadd.bf16 v4, v37;
	v2 =	vadd.bf16 v36, v35  }
0x18a: {  	v29 =	vld [tilespmem:$0x1FFC0];
	[tilespmem:$0x66E0] =	vst v5;
	v38 =	vadd.bf16 v17, v18;
	v17 =	vadd.bf16 v21, v19  }
0x18b: {  	v30 =	vld [tilespmem:$0x1FFD0];
	[tilespmem:$0x63F0] =	vst v3;
	v0 =	vadd.bf16 v0, v2  }
0x18c: {  	v31 =	vld [tilespmem:$0x1FFE0];
	[tilespmem:$0x64F0] =	vst v6;
	v1 =	vadd.bf16 v17, v38  }
0x18d: {  	v32 =	vld [tilespmem:$0x1FFF0];
	[tilespmem:$0x66F0] =	vst v0  }
0x18e: {  	[tilespmem:$0x65F0] =	vst v1  }
0x18f: {  	v0 =	vld.idx.msk [tilespmem:v26+s10+$0x0], $0xffff  }
0x190: {  	v1 =	vld.idx.msk [tilespmem:v27+s10+$0x0], $0xffff  }
0x191: {  	v39 =	vld.idx.msk [tilespmem:v28+s10+$0x0], $0xffff  }
0x192: {  	v3 =	vld.idx.msk [tilespmem:v29+s10+$0x0], $0xffff  }
0x193: {  	v4 =	vld.idx.msk [tilespmem:v30+s10+$0x0], $0xffff  }
0x194: {  	v5 =	vld.idx.msk [tilespmem:v31+s10+$0x0], $0xffff  }
0x195: {  	v6 =	vld.idx.msk [tilespmem:v32+s10+$0x0], $0xffff  }
0x196: {  	v17 =	vld.idx.msk [tilespmem:v7+s10+$0x0], $0xffff  }
0x197: {  	v18 =	vld.idx.msk [tilespmem:v8+s10+$0x0], $0xffff  }
0x198: {  	v19 =	vld.idx.msk [tilespmem:v9+s10+$0x0], $0xffff  }
0x199: {  	v40 =	vld.idx.msk [tilespmem:v10+s10+$0x0], $0xffff  }
0x19a: {  	v41 =	vld.idx.msk [tilespmem:v11+s10+$0x0], $0xffff  }
0x19b: {  	v42 =	vld.idx.msk [tilespmem:v12+s10+$0x0], $0xffff  }
0x19c: {  	v43 =	vld.idx.msk [tilespmem:v13+s10+$0x0], $0xffff  }
0x19d: {  	v44 =	vld.idx.msk [tilespmem:v14+s10+$0x0], $0xffff  }
0x19e: {  	v45 =	vld.idx.msk [tilespmem:v15+s10+$0x0], $0xffff;
	_ =	sdelay $0x1  }
0x19f: {  	v0 =	vadd.bf16 v1, v0;
	v46 =	vadd.bf16 v3, v39  }
0x1a0: {  	v47 =	vadd.bf16 v5, v4;
	v48 =	vadd.bf16 v17, v6  }
0x1a1: {  	v4 =	vadd.bf16 v19, v18;
	v5 =	vadd.bf16 v41, v40  }
0x1a2: {  	v6 =	vadd.bf16 v43, v42;
	v17 =	vadd.bf16 v45, v44  }
0x1a3: {  	v0 =	vadd.bf16 v46, v0;
	v49 =	vadd.bf16 v48, v47  }
0x1a4: {  	v50 =	vadd.bf16 v5, v4;
	v51 =	vadd.bf16 v17, v6  }
0x1a5: {  	s24 =	sadd.s32 $0xFFFFFC7D, s17  }
0x1a6: {  	s25 =	sadd.s32 $0xFFFFFFFD, s17;
	v53 =	vadd.s32 s24, v16;
	v0 =	vadd.bf16 v49, v0;
	v52 =	vadd.bf16 v51, v50  }
0x1a7: {  	v54 =	vadd.s32 s25, v16  }
0x1a8: {  	v0 =	vadd.bf16 v52, v0;
	_ =	sdelay $0x1  }
0x1a9: {  	s2 =	simm.s32 $0x5C00;
	v1 =	vunpack.i.l.bf16.f32 v0  }
0x1aa: {  	v0 =	vunpack.i.u.bf16.f32 v0;
	[tilespmem:v53+s2+$0x0] =	vst.idx.msk $0xffff, v1  }
0x1ab: {  	[tilespmem:v54+s2+$0x0] =	vst.idx.msk $0xffff, v0  }
0x1ac: {  	v0 =	vld.idx.msk [tilespmem:v26+s12+$0x0], $0xffff  }
0x1ad: {  	v1 =	vld.idx.msk [tilespmem:v27+s12+$0x0], $0xffff  }
0x1ae: {  	v2 =	vld.idx.msk [tilespmem:v28+s12+$0x0], $0xffff  }
0x1af: {  	v3 =	vld.idx.msk [tilespmem:v29+s12+$0x0], $0xffff  }
0x1b0: {  	v4 =	vld.idx.msk [tilespmem:v30+s12+$0x0], $0xffff  }
0x1b1: {  	v5 =	vld.idx.msk [tilespmem:v31+s12+$0x0], $0xffff  }
0x1b2: {  	v6 =	vld.idx.msk [tilespmem:v32+s12+$0x0], $0xffff  }
0x1b3: {  	v17 =	vld.idx.msk [tilespmem:v7+s12+$0x0], $0xffff  }
0x1b4: {  	v18 =	vld.idx.msk [tilespmem:v8+s12+$0x0], $0xffff  }
0x1b5: {  	v19 =	vld.idx.msk [tilespmem:v9+s12+$0x0], $0xffff  }
0x1b6: {  	v55 =	vld.idx.msk [tilespmem:v10+s12+$0x0], $0xffff  }
0x1b7: {  	v56 =	vld.idx.msk [tilespmem:v11+s12+$0x0], $0xffff  }
0x1b8: {  	v57 =	vld.idx.msk [tilespmem:v12+s12+$0x0], $0xffff  }
0x1b9: {  	v58 =	vld.idx.msk [tilespmem:v13+s12+$0x0], $0xffff  }
0x1ba: {  	v59 =	vld.idx.msk [tilespmem:v14+s12+$0x0], $0xffff  }
0x1bb: {  	v60 =	vld.idx.msk [tilespmem:v15+s12+$0x0], $0xffff;
	_ =	sdelay $0x1  }
0x1bc: {  	v0 =	vadd.bf16 v1, v0;
	v61 =	vadd.bf16 v3, v2  }
0x1bd: {  	v62 =	vadd.bf16 v5, v4;
	v63 =	vadd.bf16 v17, v6  }
0x1be: {  	v4 =	vadd.bf16 v19, v18;
	v5 =	vadd.bf16 v56, v55  }
0x1bf: {  	v6 =	vadd.bf16 v58, v57;
	v17 =	vadd.bf16 v60, v59  }
0x1c0: {  	v0 =	vadd.bf16 v61, v0;
	v22 =	vadd.bf16 v63, v62  }
0x1c1: {  	v23 =	vadd.bf16 v5, v4;
	v24 =	vadd.bf16 v17, v6  }
0x1c2: {  	s26 =	sadd.s32 $0xFFFFFC7E, s17  }
0x1c3: {  	s28 =	sadd.s32 $0xFFFFFFFE, s17;
	v33 =	vadd.s32 s26, v16;
	v0 =	vadd.bf16 v22, v0;
	v25 =	vadd.bf16 v24, v23  }
0x1c4: {  	v34 =	vadd.s32 s28, v16  }
0x1c5: {  	v0 =	vadd.bf16 v25, v0;
	_ =	sdelay $0x1  }
0x1c6: {  	v1 =	vunpack.i.l.bf16.f32 v0  }
0x1c7: {  	v0 =	vunpack.i.u.bf16.f32 v0;
	[tilespmem:v33+s2+$0x0] =	vst.idx.msk $0xffff, v1  }
0x1c8: {  	[tilespmem:v34+s2+$0x0] =	vst.idx.msk $0xffff, v0  }
0x1c9: {  	v0 =	vld.idx.msk [tilespmem:v26+s13+$0x0], $0xffff  }
0x1ca: {  	v1 =	vld.idx.msk [tilespmem:v27+s13+$0x0], $0xffff  }
0x1cb: {  	v2 =	vld.idx.msk [tilespmem:v28+s13+$0x0], $0xffff  }
0x1cc: {  	v3 =	vld.idx.msk [tilespmem:v29+s13+$0x0], $0xffff  }
0x1cd: {  	v4 =	vld.idx.msk [tilespmem:v30+s13+$0x0], $0xffff  }
0x1ce: {  	v5 =	vld.idx.msk [tilespmem:v31+s13+$0x0], $0xffff  }
0x1cf: {  	v6 =	vld.idx.msk [tilespmem:v32+s13+$0x0], $0xffff  }
0x1d0: {  	v17 =	vld.idx.msk [tilespmem:v7+s13+$0x0], $0xffff  }
0x1d1: {  	v18 =	vld.idx.msk [tilespmem:v8+s13+$0x0], $0xffff  }
0x1d2: {  	v19 =	vld.idx.msk [tilespmem:v9+s13+$0x0], $0xffff  }
0x1d3: {  	v35 =	vld.idx.msk [tilespmem:v10+s13+$0x0], $0xffff  }
0x1d4: {  	v36 =	vld.idx.msk [tilespmem:v11+s13+$0x0], $0xffff  }
0x1d5: {  	v37 =	vld.idx.msk [tilespmem:v12+s13+$0x0], $0xffff  }
0x1d6: {  	v38 =	vld.idx.msk [tilespmem:v13+s13+$0x0], $0xffff  }
0x1d7: {  	v39 =	vld.idx.msk [tilespmem:v14+s13+$0x0], $0xffff  }
0x1d8: {  	v40 =	vld.idx.msk [tilespmem:v15+s13+$0x0], $0xffff;
	_ =	sdelay $0x1  }
0x1d9: {  	v0 =	vadd.bf16 v1, v0;
	v41 =	vadd.bf16 v3, v2  }
0x1da: {  	v42 =	vadd.bf16 v5, v4;
	v43 =	vadd.bf16 v17, v6  }
0x1db: {  	v4 =	vadd.bf16 v19, v18;
	v5 =	vadd.bf16 v36, v35  }
0x1dc: {  	v6 =	vadd.bf16 v38, v37;
	v17 =	vadd.bf16 v40, v39  }
0x1dd: {  	v0 =	vadd.bf16 v41, v0;
	v44 =	vadd.bf16 v43, v42  }
0x1de: {  	v45 =	vadd.bf16 v5, v4;
	v46 =	vadd.bf16 v17, v6  }
0x1df: {  	s29 =	sadd.s32 $0xFFFFFC7F, s17  }
0x1e0: {  	s30 =	sadd.s32 $0xFFFFFFFF, s17;
	v48 =	vadd.s32 s29, v16;
	v0 =	vadd.bf16 v44, v0;
	v47 =	vadd.bf16 v46, v45  }
0x1e1: {  	v49 =	vadd.s32 s30, v16  }
0x1e2: {  	v0 =	vadd.bf16 v47, v0;
	_ =	sdelay $0x1  }
0x1e3: {  	v1 =	vunpack.i.l.bf16.f32 v0  }
0x1e4: {  	v0 =	vunpack.i.u.bf16.f32 v0;
	[tilespmem:v48+s2+$0x0] =	vst.idx.msk $0xffff, v1  }
0x1e5: {  	[tilespmem:v49+s2+$0x0] =	vst.idx.msk $0xffff, v0  }
0x1e6: {  	v0 =	vld.idx.msk [tilespmem:v26+s14+$0x0], $0xffff  }
0x1e7: {  	v1 =	vld.idx.msk [tilespmem:v27+s14+$0x0], $0xffff  }
0x1e8: {  	v2 =	vld.idx.msk [tilespmem:v28+s14+$0x0], $0xffff  }
0x1e9: {  	v3 =	vld.idx.msk [tilespmem:v29+s14+$0x0], $0xffff  }
0x1ea: {  	v4 =	vld.idx.msk [tilespmem:v30+s14+$0x0], $0xffff  }
0x1eb: {  	v5 =	vld.idx.msk [tilespmem:v31+s14+$0x0], $0xffff  }
0x1ec: {  	v6 =	vld.idx.msk [tilespmem:v32+s14+$0x0], $0xffff  }
0x1ed: {  	v17 =	vld.idx.msk [tilespmem:v7+s14+$0x0], $0xffff  }
0x1ee: {  	v18 =	vld.idx.msk [tilespmem:v8+s14+$0x0], $0xffff  }
0x1ef: {  	v19 =	vld.idx.msk [tilespmem:v9+s14+$0x0], $0xffff  }
0x1f0: {  	v50 =	vld.idx.msk [tilespmem:v10+s14+$0x0], $0xffff  }
0x1f1: {  	v51 =	vld.idx.msk [tilespmem:v11+s14+$0x0], $0xffff  }
0x1f2: {  	v52 =	vld.idx.msk [tilespmem:v12+s14+$0x0], $0xffff  }
0x1f3: {  	v53 =	vld.idx.msk [tilespmem:v13+s14+$0x0], $0xffff  }
0x1f4: {  	v54 =	vld.idx.msk [tilespmem:v14+s14+$0x0], $0xffff  }
0x1f5: {  	v55 =	vld.idx.msk [tilespmem:v15+s14+$0x0], $0xffff;
	_ =	sdelay $0x1  }
0x1f6: {  	v0 =	vadd.bf16 v1, v0;
	v56 =	vadd.bf16 v3, v2  }
0x1f7: {  	v57 =	vadd.bf16 v5, v4;
	v58 =	vadd.bf16 v17, v6  }
0x1f8: {  	v4 =	vadd.bf16 v19, v18;
	v5 =	vadd.bf16 v51, v50  }
0x1f9: {  	v6 =	vadd.bf16 v53, v52;
	v17 =	vadd.bf16 v55, v54  }
0x1fa: {  	v0 =	vadd.bf16 v56, v0;
	v59 =	vadd.bf16 v58, v57  }
0x1fb: {  	v60 =	vadd.bf16 v5, v4;
	v61 =	vadd.bf16 v17, v6  }
0x1fc: {  	s31 =	sadd.s32 $0xFFFFFC80, s17  }
0x1fd: {  	v4 =	vadd.s32 s31, v16;
	v0 =	vadd.bf16 v59, v0;
	v62 =	vadd.bf16 v61, v60  }
0x1fe: {  	p0 =	sne.s32 s17, $0x3B7;
	v63 =	vadd.s32 s17, v16  }
.Ltmp0:
0x1ff: {  	v0 =	vadd.bf16 v62, v0;
	(pc) =	sbr.rel @p0 .LBB2_2-.Ltmp0, $4  }
0x200: {  	_ = 	snop  }
0x201: {  	v1 =	vunpack.i.l.bf16.f32 v0  }
0x202: {  	v0 =	vunpack.i.u.bf16.f32 v0;
	[tilespmem:v4+s2+$0x0] =	vst.idx.msk $0xffff, v1  }
0x203: {  	s19 =	sadd.s32 $0x40, s19;
	s18 =	sadd.s32 $0x200, s18;
	s17 =	sadd.s32 $0x4, s17;
	[tilespmem:v63+s2+$0x0] =	vst.idx.msk $0xffff, v0  }
0x204: {  	s6 =	simm.s32 $0x0;
	s0 =	rddreg [dreg:$0x5];
	s1 =	simm.s32 $0x1  }
0x205: {  	[hbm4b:s0+s6] =	stream.linear.scatter [tilespmem:s2], [sflag:$0x1], $0x380, $0x38;
	[tilespmem:$0x6700] =	vst v63  }
0x206: {  	_ =	swait.ge [sflag:s1], $0x380  }
0x207: {  	[sflag:s1] =	ssyncset.done $0x0  }
0x208: {  	s29 =	simm.s32 $0x5F80;
	s28 =	rddreg [dreg:$0x6];
	[sflag:s1] =	ssyncadd.s32 $0xFFFFFC80  }
0x209: {  	[hbm4b:s28+s6] =	stream.linear.scatter [tilespmem:s29], [sflag:$0x1], $0x380, $0x38;
	[tilespmem:$0x6700] =	vst v63  }
0x20a: {  	_ =	swait.ge [sflag:s1], $0x380  }
0x20b: {  	s30 =	rddreg [dreg:$0x8]  }
0x20c: {  	s31 =	rddreg [dreg:$0x7];
	s2 =	sadd.s32 $0x1, s30  }
0x20d: {  	p0 =	sne.s32 s2, s31  }
.Ltmp1:
0x20e: {  	_ = 	snop;
	(pc) =	sbr.rel @p0 .LBB2_1-.Ltmp1, $3  }
0x20f: {  	_ =	sdelay $0x1  }
0x210: {  	[sflag:s1] =	ssyncset.done $0x0  }
0x211: {  	[sflag:s1] =	ssyncadd.s32 $0xFFFFFC80  }
0x212: {  	_ =	sfence.sel $0x180000  }
0x213: {  	[bflag:$0x0] =	sbarrier.arrive $0xFFFF  }
0x214: {  	_ =	strace $0x90000047  }
0x215: {  	s0 =	stileid.u32;
	[bflag:$0x2] =	sbarrier.arrive $0xFFFF  }
0x216: {  	p0 =	sne.s32 s0, $0x0;
	s0 =	rddreg [dreg:$0x2]  }
0x217: {  	s0 =	sadd.s32 @!p0 $0x100000, s0  }
0x218: {  	[sflag:s0] =	ssyncadd.tile.s32 @!p0 $0x1;
	_ =	shalt  }
.Lfunc_end2:
_tile_overlayer_lowered:
.L_overlay_start_2:
0x219: {  	(tag) =	ssettag $0x2  }
0x21a: {  	s0 =	rddreg [dreg:$0x0];
	s2 =	stileid.u32  }
0x21b: {  	s1 =	rddreg [dreg:$0x1];
	p0 =	sne.s32 s2, $0x0  }
0x21c: {  	s3 =	rddreg [dreg:$0x2];
	[bflag:$0x3] =	sbarrier.arrive $0xFFFF;
	s2 =	simm.s32 @!p0 $0x1C01  }
0x21d: {  	[timem:s3], [sflag:s2] =	dma.local @!p0 [hbm:s0], s1  }
0x21e: {  	s0 =	simm.s32 @!p0 $0x1  }
0x21f: {  	_ =	swait.ge @!p0 [sflag:s0], s1  }
0x220: {  	s1 =	ssub.s32 @!p0 $0x0, s1;
	[sflag:s0] =	ssyncset.done @!p0 $0x0  }
0x221: {  	[sflag:s0] =	ssyncadd.s32 @!p0 s1  }
0x222: {  	[bflag:$0x3] =	sbarrier.arrive $0xFFFF  }
0x223: {  	_ =	shalt  }

</sc_bundles>
